<compile_context>
chip_gen: v7x
topology: tpu7x:2x2x1
jax: 0.10.2.dev20260603
libtpu: 0.0.44.dev20260713+nightly
codegen_flags: <defaults>
</compile_context>

<pallas_src>
import functools

import jax
import jax.numpy as jnp
from jax import lax
from jax.experimental import pallas as pl
from jax.experimental.pallas import tpu as pltpu, tpu_sc as plsc

BR = 2000


def _mm(a, b):
    return jnp.dot(a, b, preferred_element_type=jnp.float32)


def _bn_act(v, s, n, g, be):
    mean = s[0:1, :] / n
    var = s[1:2, :] / n - mean * mean
    h = (v - mean) / jnp.sqrt(var + 1e-5) * g + be
    return h * jax.nn.sigmoid(h)


def _acc_stats(s_ref, v):
    @pl.when(pl.program_id(0) == 0)
    def _():
        s_ref[...] = jnp.zeros_like(s_ref)

    s_ref[...] += jnp.concatenate(
        [jnp.sum(v, axis=0)[None, :], jnp.sum(v * v, axis=0)[None, :]], axis=0)


def _linstats(X, W, b):
    n, di = X.shape
    do = W.shape[1]
    b = b.reshape(1, do)

    def kern(x_ref, w_ref, b_ref, y_ref, s_ref):
        v = _mm(x_ref[...], w_ref[...]) + b_ref[...]
        y_ref[...] = v
        _acc_stats(s_ref, v)

    return pl.pallas_call(
        kern, grid=(n // BR,),
        in_specs=[pl.BlockSpec((BR, di), lambda i: (i, 0)),
                  pl.BlockSpec((di, do), lambda i: (0, 0)),
                  pl.BlockSpec((1, do), lambda i: (0, 0))],
        out_specs=[pl.BlockSpec((BR, do), lambda i: (i, 0)),
                   pl.BlockSpec((2, do), lambda i: (0, 0))],
        out_shape=[jax.ShapeDtypeStruct((n, do), jnp.float32),
                   jax.ShapeDtypeStruct((2, do), jnp.float32)],
    )(X, W, b)


def _bnact_linstats(X, s, g, be, W, b):
    n, di = X.shape
    do = W.shape[1]
    g, be, b = g.reshape(1, di), be.reshape(1, di), b.reshape(1, do)

    def kern(x_ref, s_ref, g_ref, be_ref, w_ref, b_ref, y_ref, so_ref):
        h = _bn_act(x_ref[...], s_ref[...], n, g_ref[...], be_ref[...])
        v = _mm(h, w_ref[...]) + b_ref[...]
        y_ref[...] = v
        _acc_stats(so_ref, v)

    return pl.pallas_call(
        kern, grid=(n // BR,),
        in_specs=[pl.BlockSpec((BR, di), lambda i: (i, 0)),
                  pl.BlockSpec((2, di), lambda i: (0, 0)),
                  pl.BlockSpec((1, di), lambda i: (0, 0)),
                  pl.BlockSpec((1, di), lambda i: (0, 0)),
                  pl.BlockSpec((di, do), lambda i: (0, 0)),
                  pl.BlockSpec((1, do), lambda i: (0, 0))],
        out_specs=[pl.BlockSpec((BR, do), lambda i: (i, 0)),
                   pl.BlockSpec((2, do), lambda i: (0, 0))],
        out_shape=[jax.ShapeDtypeStruct((n, do), jnp.float32),
                   jax.ShapeDtypeStruct((2, do), jnp.float32)],
    )(X, s, g, be, W, b)


def _bnact_linmulti(X, s, g, be, Ws):
    n, di = X.shape
    dos = [W.shape[1] for W in Ws]
    g, be = g.reshape(1, di), be.reshape(1, di)

    def kern(*refs):
        x_ref, s_ref, g_ref, be_ref = refs[:4]
        w_refs = refs[4:4 + len(Ws)]
        y_refs = refs[4 + len(Ws):]
        h = _bn_act(x_ref[...], s_ref[...], n, g_ref[...], be_ref[...])
        for w_ref, y_ref in zip(w_refs, y_refs):
            y_ref[...] = _mm(h, w_ref[...])

    return pl.pallas_call(
        kern, grid=(n // BR,),
        in_specs=[pl.BlockSpec((BR, di), lambda i: (i, 0)),
                  pl.BlockSpec((2, di), lambda i: (0, 0)),
                  pl.BlockSpec((1, di), lambda i: (0, 0)),
                  pl.BlockSpec((1, di), lambda i: (0, 0))] +
                 [pl.BlockSpec((di, do), lambda i: (0, 0)) for do in dos],
        out_specs=[pl.BlockSpec((BR, do), lambda i: (i, 0)) for do in dos],
        out_shape=[jax.ShapeDtypeStruct((n, do), jnp.float32) for do in dos],
    )(X, s, g, be, *Ws)


def _bnact_res(X, s, g, be, Xin):
    n, di = X.shape
    g, be = g.reshape(1, di), be.reshape(1, di)

    def kern(x_ref, s_ref, g_ref, be_ref, r_ref, o_ref):
        o_ref[...] = _bn_act(x_ref[...], s_ref[...], n, g_ref[...],
                             be_ref[...]) + r_ref[...]

    return pl.pallas_call(
        kern, grid=(n // BR,),
        in_specs=[pl.BlockSpec((BR, di), lambda i: (i, 0)),
                  pl.BlockSpec((2, di), lambda i: (0, 0)),
                  pl.BlockSpec((1, di), lambda i: (0, 0)),
                  pl.BlockSpec((1, di), lambda i: (0, 0)),
                  pl.BlockSpec((BR, di), lambda i: (i, 0))],
        out_specs=pl.BlockSpec((BR, di), lambda i: (i, 0)),
        out_shape=jax.ShapeDtypeStruct((n, di), jnp.float32),
    )(X, s, g, be, Xin)


def _gate(gA, gB, eg):
    n = gA.shape[0]

    def kern(a_ref, b_ref, e_ref, m_ref, sd_ref, sm_ref):
        a = a_ref[...]
        m = a[:, :32] + b_ref[...] + e_ref[...]
        sig = jax.nn.sigmoid(m)
        m_ref[...] = m
        sd_ref[...] = jnp.concatenate([sig, a[:, 32:] * sig], axis=1)
        _acc_stats(sm_ref, m)

    return pl.pallas_call(
        kern, grid=(n // BR,),
        in_specs=[pl.BlockSpec((BR, 64), lambda i: (i, 0)),
                  pl.BlockSpec((BR, 32), lambda i: (i, 0)),
                  pl.BlockSpec((BR, 32), lambda i: (i, 0))],
        out_specs=[pl.BlockSpec((BR, 32), lambda i: (i, 0)),
                   pl.BlockSpec((BR, 64), lambda i: (i, 0)),
                   pl.BlockSpec((2, 32), lambda i: (0, 0))],
        out_shape=[jax.ShapeDtypeStruct((n, 32), jnp.float32),
                   jax.ShapeDtypeStruct((n, 64), jnp.float32),
                   jax.ShapeDtypeStruct((2, 32), jnp.float32)],
    )(gA, gB, eg)


def _hadd(part, Su):
    n = Su.shape[0]

    def kern(p_ref, su_ref, o_ref, s_ref):
        tot = p_ref[0] + p_ref[1]
        pre = su_ref[...] + tot[:, 32:] / (tot[:, :32] + 1e-6)
        o_ref[...] = pre
        _acc_stats(s_ref, pre)

    return pl.pallas_call(
        kern, grid=(n // BR,),
        in_specs=[pl.BlockSpec((2, BR, 64), lambda i: (0, i, 0)),
                  pl.BlockSpec((BR, 32), lambda i: (i, 0))],
        out_specs=[pl.BlockSpec((BR, 32), lambda i: (i, 0)),
                   pl.BlockSpec((2, 32), lambda i: (0, 0))],
        out_shape=[jax.ShapeDtypeStruct((n, 32), jnp.float32),
                   jax.ShapeDtypeStruct((2, 32), jnp.float32)],
    )(part, Su)


CH = 80


def _sc_gather(table, idx):
    T, Wd = table.shape
    n = idx.shape[0]
    info = plsc.get_sparse_core_info()
    NC, NS = info.num_cores, info.num_subcores
    per = n // (NC * NS)
    nch = per // CH
    mesh = plsc.VectorSubcoreMesh(core_axis_name="c", subcore_axis_name="s")

    @functools.partial(
        pl.kernel, mesh=mesh,
        compiler_params=pltpu.CompilerParams(use_tc_tiling_on_sc=False),
        out_type=jax.ShapeDtypeStruct((n, Wd), jnp.float32),
        scratch_types=[pltpu.VMEM((CH,), jnp.int32),
                       pltpu.VMEM((CH, Wd), jnp.float32),
                       pltpu.SemaphoreType.DMA])
    def k(table_hbm, idx_hbm, out_hbm, idx_v, rows_v, sem):
        wid = lax.axis_index("s") * NC + lax.axis_index("c")
        base0 = wid * per

        def body(c, carry):
            b = base0 + c * CH
            pltpu.sync_copy(idx_hbm.at[pl.ds(b, CH)], idx_v)
            pltpu.async_copy(table_hbm.at[idx_v], rows_v, sem).wait()
            pltpu.sync_copy(rows_v, out_hbm.at[pl.ds(b, CH)])
            return carry

        lax.fori_loop(0, nch, body, 0)

    return k(table, idx)


def _sc_segsum(data, idx, S, P):
    n = data.shape[0]
    info = plsc.get_sparse_core_info()
    NC, NS = info.num_cores, info.num_subcores
    per = n // (NC * NS)
    nch = per // CH
    ACC = S + 16
    zr = ACC // NS
    outS = S // NS
    zeros = jnp.zeros((zr, 64), jnp.float32)
    mesh = plsc.VectorSubcoreMesh(core_axis_name="c", subcore_axis_name="s")

    @functools.partial(
        pl.kernel, mesh=mesh,
        compiler_params=pltpu.CompilerParams(use_tc_tiling_on_sc=False),
        out_type=jax.ShapeDtypeStruct((NC * S * P, 64), jnp.float32),
        scratch_types=[pltpu.VMEM((CH,), jnp.int32),
                       pltpu.VMEM((CH, 64), jnp.float32),
                       pltpu.VMEM_SHARED((ACC, 64), jnp.float32)])
    def k(data_hbm, idx_hbm, z_hbm, out_hbm, idx_v, dat_v, acc):
        cid = lax.axis_index("c")
        sid = lax.axis_index("s")
        wid = sid * NC + cid
        eb0 = wid * per

        def pass_body(p, carry):
            pltpu.sync_copy(z_hbm, acc.at[pl.ds(sid * zr, zr)])
            plsc.subcore_barrier()
            base = p * S

            def chunk(c, cc):
                b = eb0 + c * CH
                pltpu.sync_copy(idx_hbm.at[pl.ds(b, CH)], idx_v)
                for kk in range(CH // 16):
                    v = idx_v[pl.ds(kk * 16, 16)]
                    loc = v - base
                    oob = loc.astype(jnp.uint32) >= jnp.uint32(S)
                    idx_v[pl.ds(kk * 16, 16)] = jnp.where(
                        oob, jnp.int32(S), loc)
                pltpu.sync_copy(data_hbm.at[pl.ds(b, CH)], dat_v)
                pltpu.sync_copy(dat_v, acc.at[idx_v], add=True)
                return cc

            lax.fori_loop(0, nch, chunk, 0)
            plsc.subcore_barrier()
            pltpu.sync_copy(
                acc.at[pl.ds(sid * outS, outS)],
                out_hbm.at[pl.ds(cid * (S * P) + base + sid * outS, outS)])
            plsc.subcore_barrier()
            return carry

        lax.fori_loop(0, P, pass_body, 0)

    return k(data, idx, zeros)


def kernel(x, y, z, edge_index, lg_edge_index, params):
    pn, pp, pt = params["node_bn"], params["pair_bn"], params["trip_bn"]
    eu, nu = params["edge_upd"], params["node_upd"]
    exn, exp_, ext = params["node_ex"], params["pair_ex"], params["trip_ex"]

    def chain(v, q):
        y1, s1 = _linstats(v, q["W1"], q["b1"])
        return _bnact_linstats(y1, s1, q["g1"], q["be1"], q["W2"], q["b2"])

    y2x, s2x = chain(x, pn)
    y2y, s2y = chain(y, pp)
    y2z, s2z = chain(z, pt)

    A_y, B_y, Su_y = _bnact_linmulti(
        y2y, s2y, pp["g2"], pp["be2"],
        [jnp.concatenate([eu["Wsg"], eu["Wdu"]], axis=1), eu["Wdg"], eu["Wsu"]])
    (ezg,) = _bnact_linmulti(y2z, s2z, pt["g2"], pt["be2"], [eu["Weg"]])
    A_x, B_x, Su_x = _bnact_linmulti(
        y2x, s2x, pn["g2"], pn["be2"],
        [jnp.concatenate([nu["Wsg"], nu["Wdu"]], axis=1), nu["Wdg"], nu["Wsu"]])

    src_l, dst_l = lg_edge_index[0], lg_edge_index[1]
    gA = _sc_gather(A_y, src_l)
    gB = _sc_gather(B_y, dst_l)
    m_l, sd_l, sm_l = _gate(gA, gB, ezg)
    part_l = _sc_segsum(sd_l, dst_l, 31248, 11).reshape(2, 31248 * 11, 64)
    pre_y, spre_y = _hadd(part_l, Su_y)
    (eg2,) = _bnact_linmulti(pre_y, spre_y, eu["gn"], eu["bn"], [nu["Weg"]])

    src, dst = edge_index[0], edge_index[1]
    gA2 = _sc_gather(A_x, src)
    gB2 = _sc_gather(B_x, dst)
    m2, sd2, sm2 = _gate(gA2, gB2, eg2)
    part_g = _sc_segsum(sd2, dst, 10000, 1).reshape(2, 10000, 64)
    pre_x, spre_x = _hadd(part_g, Su_x)

    y3x, s3x = _bnact_linstats(pre_x, spre_x, nu["gn"], nu["bn"],
                               exn["W"], exn["b"])
    y3y, s3y = _bnact_linstats(m2, sm2, nu["ge"], nu["be"],
                               exp_["W"], exp_["b"])
    y3z, s3z = _bnact_linstats(m_l, sm_l, eu["ge"], eu["be"],
                               ext["W"], ext["b"])
    xo = _bnact_res(y3x, s3x, exn["g"], exn["be"], x)
    yo = _bnact_res(y3y, s3y, exp_["g"], exp_["be"], y)
    zo = _bnact_res(y3z, s3z, ext["g"], ext["be"], z)
    return xo, yo, zo

# --- scband reference (transcript-rebuilt; emitter-appended) ---
"""Pipeline reference for scband-alignnconv-18519898980955 (READ-ONLY COPY).

The authoritative reference and input builder live on the scoring server;
editing this copy changes nothing except your own understanding.
"""

import jax, jax.numpy as jnp
import numpy as np

D = 128
H = 64
B = 32


def _p(key, idx, shape, scale=0.1):
    return scale * jax.random.normal(jax.random.fold_in(key, idx), shape, dtype=jnp.float32)


def make_params(key):
    p = {}
    c = [0]
    def nxt(shape, scale=0.1):
        c[0] += 1
        return _p(key, c[0], shape, scale)
    for name in ("node_bn", "pair_bn", "trip_bn"):
        p[name] = {
            "W1": nxt((D, H)), "b1": nxt((H,)), "g1": 1.0 + nxt((H,)), "be1": nxt((H,)),
            "W2": nxt((H, B)), "b2": nxt((B,)), "g2": 1.0 + nxt((B,)), "be2": nxt((B,)),
        }
    for name in ("node_ex", "pair_ex", "trip_ex"):
        p[name] = {"W": nxt((B, D)), "b": nxt((D,)), "g": 1.0 + nxt((D,)), "be": nxt((D,))}
    for name in ("edge_upd", "node_upd"):
        p[name] = {
            "Wsg": nxt((B, B)), "Wdg": nxt((B, B)), "Weg": nxt((B, B)),
            "Wsu": nxt((B, B)), "Wdu": nxt((B, B)),
            "gn": 1.0 + nxt((B,)), "bn": nxt((B,)),
            "ge": 1.0 + nxt((B,)), "be": nxt((B,)),
        }
    return p


def batchnorm(x, g, b, eps=1e-5):
    mean = jnp.mean(x, axis=0, keepdims=True)
    var = jnp.var(x, axis=0, keepdims=True)
    return (x - mean) / jnp.sqrt(var + eps) * g + b


def silu(x):
    return x * jax.nn.sigmoid(x)


def mlp_layer(x, W, b, g, be):
    return silu(batchnorm(x @ W + b, g, be))


def bottleneck(x, q):
    h = mlp_layer(x, q["W1"], q["b1"], q["g1"], q["be1"])
    return mlp_layer(h, q["W2"], q["b2"], q["g2"], q["be2"])


def expand(x, q):
    return mlp_layer(x, q["W"], q["b"], q["g"], q["be"])


def egconv(node_feats, edge_feats, src, dst, n_nodes, q):
    # edge gated graph conv (residual=False): m = src_gate(x)[src] + dst_gate(x)[dst] + edge_gate(e)
    e_src = node_feats @ q["Wsg"]
    e_dst = node_feats @ q["Wdg"]
    m = e_src[src] + e_dst[dst] + edge_feats @ q["Weg"]
    sigma = jax.nn.sigmoid(m)
    Bh = node_feats @ q["Wdu"]
    sum_sigma_h = jax.ops.segment_sum(Bh[src] * sigma, dst, num_segments=n_nodes)
    sum_sigma = jax.ops.segment_sum(sigma, dst, num_segments=n_nodes)
    h = sum_sigma_h / (sum_sigma + 1e-6)
    x_out = node_feats @ q["Wsu"] + h
    x_out = silu(batchnorm(x_out, q["gn"], q["bn"]))
    y_out = silu(batchnorm(m, q["ge"], q["be"]))
    return x_out, y_out


def alignn_forward(x, y, z, edge_index, lg_edge_index, params):
    x_in, y_in, z_in = x, y, z
    xb = bottleneck(x, params["node_bn"])
    yb = bottleneck(y, params["pair_bn"])
    zb = bottleneck(z, params["trip_bn"])
    # order == 'triplet-pair': first update on line graph lg, then on g
    src_l, dst_l = lg_edge_index[0], lg_edge_index[1]
    m, z2 = egconv(yb, zb, src_l, dst_l, yb.shape[0], params["edge_upd"])
    src, dst = edge_index[0], edge_index[1]
    x2, y2 = egconv(xb, m, src, dst, xb.shape[0], params["node_upd"])
    xo = expand(x2, params["node_ex"]) + x_in
    yo = expand(y2, params["pair_ex"]) + y_in
    zo = expand(z2, params["trip_ex"]) + z_in
    return xo, yo, zo


def setup_inputs(seed: int = 0) -> dict:
    key = jax.random.key(seed)
    N, E, EL = 10000, 320000, 640000
    ks = jax.random.split(key, 8)
    x = jax.random.normal(ks[0], (N, D), dtype=jnp.float32)
    y = jax.random.normal(ks[1], (E, D), dtype=jnp.float32)
    z = jax.random.normal(ks[2], (EL, D), dtype=jnp.float32)
    edge_index = jax.random.randint(ks[3], (2, E), 0, N, dtype=jnp.int32)
    lg_edge_index = jax.random.randint(ks[4], (2, EL), 0, E, dtype=jnp.int32)
    params = make_params(ks[5])
    return {"x": x, "y": y, "z": z, "edge_index": edge_index,
            "lg_edge_index": lg_edge_index, "params": params}


def reference(x, y, z, edge_index, lg_edge_index, params):
    return alignn_forward(x, y, z, edge_index, lg_edge_index, params)

if __name__ == "__main__":
    import jax
    _d = setup_inputs()
    print(jax.jit(kernel)(*tuple(_d.values())))

</pallas_src>

<mosaic_0001>
#map = affine_map<(d0, d1) -> (0, 0)>
#map1 = affine_map<(d0, d1) -> (0)>
module attributes {stable_mosaic.version = 14 : i64} {
  func.func @k(%arg0: i32, %arg1: i32, %arg2: memref<320000x32xf32, #tpu.memory_space<hbm>>, %arg3: memref<640000xi32, #tpu.memory_space<hbm>>, %arg4: memref<640000x32xf32, #tpu.memory_space<hbm>>, %arg5: memref<80xi32, #tpu.memory_space<vmem>>, %arg6: memref<80x32xf32, #tpu.memory_space<vmem>>, %arg7: memref<!tpu.dma_semaphore, #tpu.memory_space<semaphore_mem>>) attributes {dimension_semantics = [#tpu.dimension_semantics<core_parallel>, #tpu.dimension_semantics<subcore_parallel>], iteration_bounds = array<i64: 2, 16>, scalar_prefetch = 0 : i64, scratch_operands = 3 : i64, tpu.core_type = #tpu.core_type<sc_vector_subcore>, window_params = [{transform_indices = #map}, {transform_indices = #map1}, {transform_indices = #map}]} {
    %mul3A = arith.constant 2 : i32
    %mul3A_0 = arith.muli %arg1, %mul3A : i32
    %add3A = arith.addi %mul3A_0, %arg0 : i32
    %mul3A_1 = arith.constant 20000 : i32
    %mul3A_2 = arith.muli %add3A, %mul3A_1 : i32
    %scan3A = arith.constant 0 : i32
    %scan3A_3 = arith.constant 0 : i32
    %scan3A_4 = arith.constant 250 : i32
    %scan3A_5 = arith.addi %scan3A_3, %scan3A_4 : i32
    %scan3A_6 = arith.constant 1 : i32
    scf.for %scan3A_8 = %scan3A_3 to %scan3A_5 step %scan3A_6  : i32 {
      %mul3A_9 = arith.constant 80 : i32
      %mul3A_10 = arith.muli %scan3A_8, %mul3A_9 : i32
      %add3A_11 = arith.addi %mul3A_2, %mul3A_10 : i32
      "tpu.region"() ({
        %run_scoped3A = tpu.sem_alloc : memref<!tpu.dma_semaphore, #tpu.memory_space<semaphore_mem>>
        %dma_start3A_16 = tpu.memref_slice %arg3[%add3A_11] : memref<640000xi32, #tpu.memory_space<hbm>> -> memref<80xi32, #tpu.memory_space<hbm>>
        %dma_start3A_17 = tpu.memref_slice %arg3[%add3A_11] : memref<640000xi32, #tpu.memory_space<hbm>> -> memref<80xi32, #tpu.memory_space<hbm>>
        tpu.enqueue_dma source(%dma_start3A_17 : memref<80xi32, #tpu.memory_space<hbm>>) target(%arg5 : memref<80xi32, #tpu.memory_space<vmem>>) target_semaphore(%run_scoped3A : memref<!tpu.dma_semaphore, #tpu.memory_space<semaphore_mem>>)
        %dma_wait3A_18 = tpu.memref_slice %arg3[%add3A_11] : memref<640000xi32, #tpu.memory_space<hbm>> -> memref<80xi32, #tpu.memory_space<hbm>>
        %dma_wait3A_19 = tpu.memref_slice %arg3[%add3A_11] : memref<640000xi32, #tpu.memory_space<hbm>> -> memref<80xi32, #tpu.memory_space<hbm>>
        tpu.wait_dma2 semaphore(%run_scoped3A : memref<!tpu.dma_semaphore, #tpu.memory_space<semaphore_mem>>) src(%dma_wait3A_19 : memref<80xi32, #tpu.memory_space<hbm>>) dst(%arg5 : memref<80xi32, #tpu.memory_space<vmem>>)
        tpu.yield
      }) : () -> ()
      %dma_start3A = arith.constant 0 : i32
      %dma_start3A_12 = arith.constant 0 : i32
      %dma_start3A_13 = tpu.memref_slice %arg2[%dma_start3A, %dma_start3A_12] : memref<320000x32xf32, #tpu.memory_space<hbm>> -> memref<320000x32xf32, #tpu.memory_space<hbm>>
      tpu.enqueue_indirect_dma source(%dma_start3A_13 : memref<320000x32xf32, #tpu.memory_space<hbm>>) target(%arg6 : memref<80x32xf32, #tpu.memory_space<vmem>>) offsets(%arg5 : memref<80xi32, #tpu.memory_space<vmem>>) semaphore(%arg7 : memref<!tpu.dma_semaphore, #tpu.memory_space<semaphore_mem>>)
      %dma_wait3A = arith.constant 0 : i32
      %dma_wait3A_14 = arith.constant 0 : i32
      %dma_wait3A_15 = tpu.memref_slice %arg2[%dma_wait3A, %dma_wait3A_14] : memref<320000x32xf32, #tpu.memory_space<hbm>> -> memref<320000x32xf32, #tpu.memory_space<hbm>>
      tpu.wait_indirect_dma semaphore(%arg7 : memref<!tpu.dma_semaphore, #tpu.memory_space<semaphore_mem>>) src(%dma_wait3A_15 : memref<320000x32xf32, #tpu.memory_space<hbm>>) dst(%arg6 : memref<80x32xf32, #tpu.memory_space<vmem>>)
      "tpu.region"() ({
        %run_scoped3A = tpu.sem_alloc : memref<!tpu.dma_semaphore, #tpu.memory_space<semaphore_mem>>
        %dma_start3A_16 = arith.constant 0 : i32
        %dma_start3A_17 = tpu.memref_slice %arg4[%add3A_11, %dma_start3A_16] : memref<640000x32xf32, #tpu.memory_space<hbm>> -> memref<80x32xf32, #tpu.memory_space<hbm>>
        %dma_start3A_18 = arith.constant 0 : i32
        %dma_start3A_19 = tpu.memref_slice %arg4[%add3A_11, %dma_start3A_18] : memref<640000x32xf32, #tpu.memory_space<hbm>> -> memref<80x32xf32, #tpu.memory_space<hbm>>
        tpu.enqueue_dma source(%arg6 : memref<80x32xf32, #tpu.memory_space<vmem>>) target(%dma_start3A_19 : memref<80x32xf32, #tpu.memory_space<hbm>>) target_semaphore(%run_scoped3A : memref<!tpu.dma_semaphore, #tpu.memory_space<semaphore_mem>>)
        %dma_wait3A_20 = arith.constant 0 : i32
        %dma_wait3A_21 = tpu.memref_slice %arg4[%add3A_11, %dma_wait3A_20] : memref<640000x32xf32, #tpu.memory_space<hbm>> -> memref<80x32xf32, #tpu.memory_space<hbm>>
        %dma_wait3A_22 = arith.constant 0 : i32
        %dma_wait3A_23 = tpu.memref_slice %arg4[%add3A_11, %dma_wait3A_22] : memref<640000x32xf32, #tpu.memory_space<hbm>> -> memref<80x32xf32, #tpu.memory_space<hbm>>
        tpu.wait_dma2 semaphore(%run_scoped3A : memref<!tpu.dma_semaphore, #tpu.memory_space<semaphore_mem>>) src(%arg6 : memref<80x32xf32, #tpu.memory_space<vmem>>) dst(%dma_wait3A_23 : memref<80x32xf32, #tpu.memory_space<hbm>>)
        tpu.yield
      }) : () -> ()
    }
    %scan3A_7 = arith.constant 250 : i32
    return
  }
}

#map = affine_map<(d0, d1) -> (0, 0)>
#map1 = affine_map<(d0, d1) -> (0)>
module attributes {stable_mosaic.version = 14 : i64} {
  func.func @k(%arg0: i32, %arg1: i32, %arg2: memref<10000x64xf32, #tpu.memory_space<hbm>>, %arg3: memref<320000xi32, #tpu.memory_space<hbm>>, %arg4: memref<320000x64xf32, #tpu.memory_space<hbm>>, %arg5: memref<80xi32, #tpu.memory_space<vmem>>, %arg6: memref<80x64xf32, #tpu.memory_space<vmem>>, %arg7: memref<!tpu.dma_semaphore, #tpu.memory_space<semaphore_mem>>) attributes {dimension_semantics = [#tpu.dimension_semantics<core_parallel>, #tpu.dimension_semantics<subcore_parallel>], iteration_bounds = array<i64: 2, 16>, scalar_prefetch = 0 : i64, scratch_operands = 3 : i64, tpu.core_type = #tpu.core_type<sc_vector_subcore>, window_params = [{transform_indices = #map}, {transform_indices = #map1}, {transform_indices = #map}]} {
    %mul3A = arith.constant 2 : i32
    %mul3A_0 = arith.muli %arg1, %mul3A : i32
    %add3A = arith.addi %mul3A_0, %arg0 : i32
    %mul3A_1 = arith.constant 10000 : i32
    %mul3A_2 = arith.muli %add3A, %mul3A_1 : i32
    %scan3A = arith.constant 0 : i32
    %scan3A_3 = arith.constant 0 : i32
    %scan3A_4 = arith.constant 125 : i32
    %scan3A_5 = arith.addi %scan3A_3, %scan3A_4 : i32
    %scan3A_6 = arith.constant 1 : i32
    scf.for %scan3A_8 = %scan3A_3 to %scan3A_5 step %scan3A_6  : i32 {
      %mul3A_9 = arith.constant 80 : i32
      %mul3A_10 = arith.muli %scan3A_8, %mul3A_9 : i32
      %add3A_11 = arith.addi %mul3A_2, %mul3A_10 : i32
      "tpu.region"() ({
        %run_scoped3A = tpu.sem_alloc : memref<!tpu.dma_semaphore, #tpu.memory_space<semaphore_mem>>
        %dma_start3A_16 = tpu.memref_slice %arg3[%add3A_11] : memref<320000xi32, #tpu.memory_space<hbm>> -> memref<80xi32, #tpu.memory_space<hbm>>
        %dma_start3A_17 = tpu.memref_slice %arg3[%add3A_11] : memref<320000xi32, #tpu.memory_space<hbm>> -> memref<80xi32, #tpu.memory_space<hbm>>
        tpu.enqueue_dma source(%dma_start3A_17 : memref<80xi32, #tpu.memory_space<hbm>>) target(%arg5 : memref<80xi32, #tpu.memory_space<vmem>>) target_semaphore(%run_scoped3A : memref<!tpu.dma_semaphore, #tpu.memory_space<semaphore_mem>>)
        %dma_wait3A_18 = tpu.memref_slice %arg3[%add3A_11] : memref<320000xi32, #tpu.memory_space<hbm>> -> memref<80xi32, #tpu.memory_space<hbm>>
        %dma_wait3A_19 = tpu.memref_slice %arg3[%add3A_11] : memref<320000xi32, #tpu.memory_space<hbm>> -> memref<80xi32, #tpu.memory_space<hbm>>
        tpu.wait_dma2 semaphore(%run_scoped3A : memref<!tpu.dma_semaphore, #tpu.memory_space<semaphore_mem>>) src(%dma_wait3A_19 : memref<80xi32, #tpu.memory_space<hbm>>) dst(%arg5 : memref<80xi32, #tpu.memory_space<vmem>>)
        tpu.yield
      }) : () -> ()
      %dma_start3A = arith.constant 0 : i32
      %dma_start3A_12 = arith.constant 0 : i32
      %dma_start3A_13 = tpu.memref_slice %arg2[%dma_start3A, %dma_start3A_12] : memref<10000x64xf32, #tpu.memory_space<hbm>> -> memref<10000x64xf32, #tpu.memory_space<hbm>>
      tpu.enqueue_indirect_dma source(%dma_start3A_13 : memref<10000x64xf32, #tpu.memory_space<hbm>>) target(%arg6 : memref<80x64xf32, #tpu.memory_space<vmem>>) offsets(%arg5 : memref<80xi32, #tpu.memory_space<vmem>>) semaphore(%arg7 : memref<!tpu.dma_semaphore, #tpu.memory_space<semaphore_mem>>)
      %dma_wait3A = arith.constant 0 : i32
      %dma_wait3A_14 = arith.constant 0 : i32
      %dma_wait3A_15 = tpu.memref_slice %arg2[%dma_wait3A, %dma_wait3A_14] : memref<10000x64xf32, #tpu.memory_space<hbm>> -> memref<10000x64xf32, #tpu.memory_space<hbm>>
      tpu.wait_indirect_dma semaphore(%arg7 : memref<!tpu.dma_semaphore, #tpu.memory_space<semaphore_mem>>) src(%dma_wait3A_15 : memref<10000x64xf32, #tpu.memory_space<hbm>>) dst(%arg6 : memref<80x64xf32, #tpu.memory_space<vmem>>)
      "tpu.region"() ({
        %run_scoped3A = tpu.sem_alloc : memref<!tpu.dma_semaphore, #tpu.memory_space<semaphore_mem>>
        %dma_start3A_16 = arith.constant 0 : i32
        %dma_start3A_17 = tpu.memref_slice %arg4[%add3A_11, %dma_start3A_16] : memref<320000x64xf32, #tpu.memory_space<hbm>> -> memref<80x64xf32, #tpu.memory_space<hbm>>
        %dma_start3A_18 = arith.constant 0 : i32
        %dma_start3A_19 = tpu.memref_slice %arg4[%add3A_11, %dma_start3A_18] : memref<320000x64xf32, #tpu.memory_space<hbm>> -> memref<80x64xf32, #tpu.memory_space<hbm>>
        tpu.enqueue_dma source(%arg6 : memref<80x64xf32, #tpu.memory_space<vmem>>) target(%dma_start3A_19 : memref<80x64xf32, #tpu.memory_space<hbm>>) target_semaphore(%run_scoped3A : memref<!tpu.dma_semaphore, #tpu.memory_space<semaphore_mem>>)
        %dma_wait3A_20 = arith.constant 0 : i32
        %dma_wait3A_21 = tpu.memref_slice %arg4[%add3A_11, %dma_wait3A_20] : memref<320000x64xf32, #tpu.memory_space<hbm>> -> memref<80x64xf32, #tpu.memory_space<hbm>>
        %dma_wait3A_22 = arith.constant 0 : i32
        %dma_wait3A_23 = tpu.memref_slice %arg4[%add3A_11, %dma_wait3A_22] : memref<320000x64xf32, #tpu.memory_space<hbm>> -> memref<80x64xf32, #tpu.memory_space<hbm>>
        tpu.wait_dma2 semaphore(%run_scoped3A : memref<!tpu.dma_semaphore, #tpu.memory_space<semaphore_mem>>) src(%arg6 : memref<80x64xf32, #tpu.memory_space<vmem>>) dst(%dma_wait3A_23 : memref<80x64xf32, #tpu.memory_space<hbm>>)
        tpu.yield
      }) : () -> ()
    }
    %scan3A_7 = arith.constant 125 : i32
    return
  }
}

#map = affine_map<(d0, d1) -> (0, 0)>
#map1 = affine_map<(d0, d1) -> (0)>
module attributes {stable_mosaic.version = 14 : i64} {
  func.func @k(%arg0: i32, %arg1: i32, %arg2: memref<320000x64xf32, #tpu.memory_space<hbm>>, %arg3: memref<640000xi32, #tpu.memory_space<hbm>>, %arg4: memref<640000x64xf32, #tpu.memory_space<hbm>>, %arg5: memref<80xi32, #tpu.memory_space<vmem>>, %arg6: memref<80x64xf32, #tpu.memory_space<vmem>>, %arg7: memref<!tpu.dma_semaphore, #tpu.memory_space<semaphore_mem>>) attributes {dimension_semantics = [#tpu.dimension_semantics<core_parallel>, #tpu.dimension_semantics<subcore_parallel>], iteration_bounds = array<i64: 2, 16>, scalar_prefetch = 0 : i64, scratch_operands = 3 : i64, tpu.core_type = #tpu.core_type<sc_vector_subcore>, window_params = [{transform_indices = #map}, {transform_indices = #map1}, {transform_indices = #map}]} {
    %mul3A = arith.constant 2 : i32
    %mul3A_0 = arith.muli %arg1, %mul3A : i32
    %add3A = arith.addi %mul3A_0, %arg0 : i32
    %mul3A_1 = arith.constant 20000 : i32
    %mul3A_2 = arith.muli %add3A, %mul3A_1 : i32
    %scan3A = arith.constant 0 : i32
    %scan3A_3 = arith.constant 0 : i32
    %scan3A_4 = arith.constant 250 : i32
    %scan3A_5 = arith.addi %scan3A_3, %scan3A_4 : i32
    %scan3A_6 = arith.constant 1 : i32
    scf.for %scan3A_8 = %scan3A_3 to %scan3A_5 step %scan3A_6  : i32 {
      %mul3A_9 = arith.constant 80 : i32
      %mul3A_10 = arith.muli %scan3A_8, %mul3A_9 : i32
      %add3A_11 = arith.addi %mul3A_2, %mul3A_10 : i32
      "tpu.region"() ({
        %run_scoped3A = tpu.sem_alloc : memref<!tpu.dma_semaphore, #tpu.memory_space<semaphore_mem>>
        %dma_start3A_16 = tpu.memref_slice %arg3[%add3A_11] : memref<640000xi32, #tpu.memory_space<hbm>> -> memref<80xi32, #tpu.memory_space<hbm>>
        %dma_start3A_17 = tpu.memref_slice %arg3[%add3A_11] : memref<640000xi32, #tpu.memory_space<hbm>> -> memref<80xi32, #tpu.memory_space<hbm>>
        tpu.enqueue_dma source(%dma_start3A_17 : memref<80xi32, #tpu.memory_space<hbm>>) target(%arg5 : memref<80xi32, #tpu.memory_space<vmem>>) target_semaphore(%run_scoped3A : memref<!tpu.dma_semaphore, #tpu.memory_space<semaphore_mem>>)
        %dma_wait3A_18 = tpu.memref_slice %arg3[%add3A_11] : memref<640000xi32, #tpu.memory_space<hbm>> -> memref<80xi32, #tpu.memory_space<hbm>>
        %dma_wait3A_19 = tpu.memref_slice %arg3[%add3A_11] : memref<640000xi32, #tpu.memory_space<hbm>> -> memref<80xi32, #tpu.memory_space<hbm>>
        tpu.wait_dma2 semaphore(%run_scoped3A : memref<!tpu.dma_semaphore, #tpu.memory_space<semaphore_mem>>) src(%dma_wait3A_19 : memref<80xi32, #tpu.memory_space<hbm>>) dst(%arg5 : memref<80xi32, #tpu.memory_space<vmem>>)
        tpu.yield
      }) : () -> ()
      %dma_start3A = arith.constant 0 : i32
      %dma_start3A_12 = arith.constant 0 : i32
      %dma_start3A_13 = tpu.memref_slice %arg2[%dma_start3A, %dma_start3A_12] : memref<320000x64xf32, #tpu.memory_space<hbm>> -> memref<320000x64xf32, #tpu.memory_space<hbm>>
      tpu.enqueue_indirect_dma source(%dma_start3A_13 : memref<320000x64xf32, #tpu.memory_space<hbm>>) target(%arg6 : memref<80x64xf32, #tpu.memory_space<vmem>>) offsets(%arg5 : memref<80xi32, #tpu.memory_space<vmem>>) semaphore(%arg7 : memref<!tpu.dma_semaphore, #tpu.memory_space<semaphore_mem>>)
      %dma_wait3A = arith.constant 0 : i32
      %dma_wait3A_14 = arith.constant 0 : i32
      %dma_wait3A_15 = tpu.memref_slice %arg2[%dma_wait3A, %dma_wait3A_14] : memref<320000x64xf32, #tpu.memory_space<hbm>> -> memref<320000x64xf32, #tpu.memory_space<hbm>>
      tpu.wait_indirect_dma semaphore(%arg7 : memref<!tpu.dma_semaphore, #tpu.memory_space<semaphore_mem>>) src(%dma_wait3A_15 : memref<320000x64xf32, #tpu.memory_space<hbm>>) dst(%arg6 : memref<80x64xf32, #tpu.memory_space<vmem>>)
      "tpu.region"() ({
        %run_scoped3A = tpu.sem_alloc : memref<!tpu.dma_semaphore, #tpu.memory_space<semaphore_mem>>
        %dma_start3A_16 = arith.constant 0 : i32
        %dma_start3A_17 = tpu.memref_slice %arg4[%add3A_11, %dma_start3A_16] : memref<640000x64xf32, #tpu.memory_space<hbm>> -> memref<80x64xf32, #tpu.memory_space<hbm>>
        %dma_start3A_18 = arith.constant 0 : i32
        %dma_start3A_19 = tpu.memref_slice %arg4[%add3A_11, %dma_start3A_18] : memref<640000x64xf32, #tpu.memory_space<hbm>> -> memref<80x64xf32, #tpu.memory_space<hbm>>
        tpu.enqueue_dma source(%arg6 : memref<80x64xf32, #tpu.memory_space<vmem>>) target(%dma_start3A_19 : memref<80x64xf32, #tpu.memory_space<hbm>>) target_semaphore(%run_scoped3A : memref<!tpu.dma_semaphore, #tpu.memory_space<semaphore_mem>>)
        %dma_wait3A_20 = arith.constant 0 : i32
        %dma_wait3A_21 = tpu.memref_slice %arg4[%add3A_11, %dma_wait3A_20] : memref<640000x64xf32, #tpu.memory_space<hbm>> -> memref<80x64xf32, #tpu.memory_space<hbm>>
        %dma_wait3A_22 = arith.constant 0 : i32
        %dma_wait3A_23 = tpu.memref_slice %arg4[%add3A_11, %dma_wait3A_22] : memref<640000x64xf32, #tpu.memory_space<hbm>> -> memref<80x64xf32, #tpu.memory_space<hbm>>
        tpu.wait_dma2 semaphore(%run_scoped3A : memref<!tpu.dma_semaphore, #tpu.memory_space<semaphore_mem>>) src(%arg6 : memref<80x64xf32, #tpu.memory_space<vmem>>) dst(%dma_wait3A_23 : memref<80x64xf32, #tpu.memory_space<hbm>>)
        tpu.yield
      }) : () -> ()
    }
    %scan3A_7 = arith.constant 250 : i32
    return
  }
}

#map = affine_map<(d0, d1) -> (0, 0)>
#map1 = affine_map<(d0, d1) -> (0)>
module attributes {stable_mosaic.version = 14 : i64} {
  func.func @k(%arg0: i32, %arg1: i32, %arg2: memref<10000x32xf32, #tpu.memory_space<hbm>>, %arg3: memref<320000xi32, #tpu.memory_space<hbm>>, %arg4: memref<320000x32xf32, #tpu.memory_space<hbm>>, %arg5: memref<80xi32, #tpu.memory_space<vmem>>, %arg6: memref<80x32xf32, #tpu.memory_space<vmem>>, %arg7: memref<!tpu.dma_semaphore, #tpu.memory_space<semaphore_mem>>) attributes {dimension_semantics = [#tpu.dimension_semantics<core_parallel>, #tpu.dimension_semantics<subcore_parallel>], iteration_bounds = array<i64: 2, 16>, scalar_prefetch = 0 : i64, scratch_operands = 3 : i64, tpu.core_type = #tpu.core_type<sc_vector_subcore>, window_params = [{transform_indices = #map}, {transform_indices = #map1}, {transform_indices = #map}]} {
    %mul3A = arith.constant 2 : i32
    %mul3A_0 = arith.muli %arg1, %mul3A : i32
    %add3A = arith.addi %mul3A_0, %arg0 : i32
    %mul3A_1 = arith.constant 10000 : i32
    %mul3A_2 = arith.muli %add3A, %mul3A_1 : i32
    %scan3A = arith.constant 0 : i32
    %scan3A_3 = arith.constant 0 : i32
    %scan3A_4 = arith.constant 125 : i32
    %scan3A_5 = arith.addi %scan3A_3, %scan3A_4 : i32
    %scan3A_6 = arith.constant 1 : i32
    scf.for %scan3A_8 = %scan3A_3 to %scan3A_5 step %scan3A_6  : i32 {
      %mul3A_9 = arith.constant 80 : i32
      %mul3A_10 = arith.muli %scan3A_8, %mul3A_9 : i32
      %add3A_11 = arith.addi %mul3A_2, %mul3A_10 : i32
      "tpu.region"() ({
        %run_scoped3A = tpu.sem_alloc : memref<!tpu.dma_semaphore, #tpu.memory_space<semaphore_mem>>
        %dma_start3A_16 = tpu.memref_slice %arg3[%add3A_11] : memref<320000xi32, #tpu.memory_space<hbm>> -> memref<80xi32, #tpu.memory_space<hbm>>
        %dma_start3A_17 = tpu.memref_slice %arg3[%add3A_11] : memref<320000xi32, #tpu.memory_space<hbm>> -> memref<80xi32, #tpu.memory_space<hbm>>
        tpu.enqueue_dma source(%dma_start3A_17 : memref<80xi32, #tpu.memory_space<hbm>>) target(%arg5 : memref<80xi32, #tpu.memory_space<vmem>>) target_semaphore(%run_scoped3A : memref<!tpu.dma_semaphore, #tpu.memory_space<semaphore_mem>>)
        %dma_wait3A_18 = tpu.memref_slice %arg3[%add3A_11] : memref<320000xi32, #tpu.memory_space<hbm>> -> memref<80xi32, #tpu.memory_space<hbm>>
        %dma_wait3A_19 = tpu.memref_slice %arg3[%add3A_11] : memref<320000xi32, #tpu.memory_space<hbm>> -> memref<80xi32, #tpu.memory_space<hbm>>
        tpu.wait_dma2 semaphore(%run_scoped3A : memref<!tpu.dma_semaphore, #tpu.memory_space<semaphore_mem>>) src(%dma_wait3A_19 : memref<80xi32, #tpu.memory_space<hbm>>) dst(%arg5 : memref<80xi32, #tpu.memory_space<vmem>>)
        tpu.yield
      }) : () -> ()
      %dma_start3A = arith.constant 0 : i32
      %dma_start3A_12 = arith.constant 0 : i32
      %dma_start3A_13 = tpu.memref_slice %arg2[%dma_start3A, %dma_start3A_12] : memref<10000x32xf32, #tpu.memory_space<hbm>> -> memref<10000x32xf32, #tpu.memory_space<hbm>>
      tpu.enqueue_indirect_dma source(%dma_start3A_13 : memref<10000x32xf32, #tpu.memory_space<hbm>>) target(%arg6 : memref<80x32xf32, #tpu.memory_space<vmem>>) offsets(%arg5 : memref<80xi32, #tpu.memory_space<vmem>>) semaphore(%arg7 : memref<!tpu.dma_semaphore, #tpu.memory_space<semaphore_mem>>)
      %dma_wait3A = arith.constant 0 : i32
      %dma_wait3A_14 = arith.constant 0 : i32
      %dma_wait3A_15 = tpu.memref_slice %arg2[%dma_wait3A, %dma_wait3A_14] : memref<10000x32xf32, #tpu.memory_space<hbm>> -> memref<10000x32xf32, #tpu.memory_space<hbm>>
      tpu.wait_indirect_dma semaphore(%arg7 : memref<!tpu.dma_semaphore, #tpu.memory_space<semaphore_mem>>) src(%dma_wait3A_15 : memref<10000x32xf32, #tpu.memory_space<hbm>>) dst(%arg6 : memref<80x32xf32, #tpu.memory_space<vmem>>)
      "tpu.region"() ({
        %run_scoped3A = tpu.sem_alloc : memref<!tpu.dma_semaphore, #tpu.memory_space<semaphore_mem>>
        %dma_start3A_16 = arith.constant 0 : i32
        %dma_start3A_17 = tpu.memref_slice %arg4[%add3A_11, %dma_start3A_16] : memref<320000x32xf32, #tpu.memory_space<hbm>> -> memref<80x32xf32, #tpu.memory_space<hbm>>
        %dma_start3A_18 = arith.constant 0 : i32
        %dma_start3A_19 = tpu.memref_slice %arg4[%add3A_11, %dma_start3A_18] : memref<320000x32xf32, #tpu.memory_space<hbm>> -> memref<80x32xf32, #tpu.memory_space<hbm>>
        tpu.enqueue_dma source(%arg6 : memref<80x32xf32, #tpu.memory_space<vmem>>) target(%dma_start3A_19 : memref<80x32xf32, #tpu.memory_space<hbm>>) target_semaphore(%run_scoped3A : memref<!tpu.dma_semaphore, #tpu.memory_space<semaphore_mem>>)
        %dma_wait3A_20 = arith.constant 0 : i32
        %dma_wait3A_21 = tpu.memref_slice %arg4[%add3A_11, %dma_wait3A_20] : memref<320000x32xf32, #tpu.memory_space<hbm>> -> memref<80x32xf32, #tpu.memory_space<hbm>>
        %dma_wait3A_22 = arith.constant 0 : i32
        %dma_wait3A_23 = tpu.memref_slice %arg4[%add3A_11, %dma_wait3A_22] : memref<320000x32xf32, #tpu.memory_space<hbm>> -> memref<80x32xf32, #tpu.memory_space<hbm>>
        tpu.wait_dma2 semaphore(%run_scoped3A : memref<!tpu.dma_semaphore, #tpu.memory_space<semaphore_mem>>) src(%arg6 : memref<80x32xf32, #tpu.memory_space<vmem>>) dst(%dma_wait3A_23 : memref<80x32xf32, #tpu.memory_space<hbm>>)
        tpu.yield
      }) : () -> ()
    }
    %scan3A_7 = arith.constant 125 : i32
    return
  }
}

#map = affine_map<(d0, d1) -> (0, 0)>
#map1 = affine_map<(d0, d1) -> (0)>
module attributes {stable_mosaic.version = 14 : i64} {
  func.func @k(%arg0: i32, %arg1: i32, %arg2: memref<640000x64xf32, #tpu.memory_space<hbm>>, %arg3: memref<640000xi32, #tpu.memory_space<hbm>>, %arg4: memref<1954x64xf32, #tpu.memory_space<hbm>>, %arg5: memref<687456x64xf32, #tpu.memory_space<hbm>>, %arg6: memref<80xi32, #tpu.memory_space<vmem>>, %arg7: memref<80x64xf32, #tpu.memory_space<vmem>>, %arg8: memref<31264x64xf32, #tpu.memory_space<vmem_shared>>) attributes {dimension_semantics = [#tpu.dimension_semantics<core_parallel>, #tpu.dimension_semantics<subcore_parallel>], iteration_bounds = array<i64: 2, 16>, scalar_prefetch = 0 : i64, scratch_operands = 3 : i64, tpu.core_type = #tpu.core_type<sc_vector_subcore>, window_params = [{transform_indices = #map}, {transform_indices = #map1}, {transform_indices = #map}, {transform_indices = #map}]} {
    %mul3A = arith.constant 2 : i32
    %mul3A_0 = arith.muli %arg1, %mul3A : i32
    %add3A = arith.addi %mul3A_0, %arg0 : i32
    %mul3A_1 = arith.constant 20000 : i32
    %mul3A_2 = arith.muli %add3A, %mul3A_1 : i32
    %scan3A = arith.constant 0 : i32
    %scan3A_3 = arith.constant 0 : i32
    %scan3A_4 = arith.constant 11 : i32
    %scan3A_5 = arith.addi %scan3A_3, %scan3A_4 : i32
    %scan3A_6 = arith.constant 1 : i32
    scf.for %scan3A_8 = %scan3A_3 to %scan3A_5 step %scan3A_6  : i32 {
      %mul3A_9 = arith.constant 1954 : i32
      %mul3A_10 = arith.muli %arg1, %mul3A_9 : i32
      "tpu.region"() ({
        %run_scoped3A = tpu.sem_alloc : memref<!tpu.dma_semaphore, #tpu.memory_space<semaphore_mem>>
        %dma_start3A = arith.constant 0 : i32
        %dma_start3A_29 = tpu.memref_slice %arg8[%mul3A_10, %dma_start3A] : memref<31264x64xf32, #tpu.memory_space<vmem_shared>> -> memref<1954x64xf32, #tpu.memory_space<vmem_shared>>
        tpu.enqueue_dma source(%arg4 : memref<1954x64xf32, #tpu.memory_space<hbm>>) target(%dma_start3A_29 : memref<1954x64xf32, #tpu.memory_space<vmem_shared>>) target_semaphore(%run_scoped3A : memref<!tpu.dma_semaphore, #tpu.memory_space<semaphore_mem>>)
        %dma_wait3A = arith.constant 0 : i32
        %dma_wait3A_30 = tpu.memref_slice %arg8[%mul3A_10, %dma_wait3A] : memref<31264x64xf32, #tpu.memory_space<vmem_shared>> -> memref<1954x64xf32, #tpu.memory_space<vmem_shared>>
        tpu.wait_dma2 semaphore(%run_scoped3A : memref<!tpu.dma_semaphore, #tpu.memory_space<semaphore_mem>>) src(%arg4 : memref<1954x64xf32, #tpu.memory_space<hbm>>) dst(%dma_wait3A_30 : memref<1954x64xf32, #tpu.memory_space<vmem_shared>>)
        tpu.yield
      }) : () -> ()
      %barrier3A = arith.constant 0 : index
      tpu.barrier barrier_id(%barrier3A)
      %mul3A_11 = arith.constant 31248 : i32
      %mul3A_12 = arith.muli %scan3A_8, %mul3A_11 : i32
      %scan3A_13 = arith.constant 0 : i32
      %scan3A_14 = arith.constant 0 : i32
      %scan3A_15 = arith.constant 250 : i32
      %scan3A_16 = arith.addi %scan3A_14, %scan3A_15 : i32
      %scan3A_17 = arith.constant 1 : i32
      scf.for %scan3A_29 = %scan3A_14 to %scan3A_16 step %scan3A_17  : i32 {
        %mul3A_30 = arith.constant 80 : i32
        %mul3A_31 = arith.muli %scan3A_29, %mul3A_30 : i32
        %add3A_32 = arith.addi %mul3A_2, %mul3A_31 : i32
        "tpu.region"() ({
          %run_scoped3A = tpu.sem_alloc : memref<!tpu.dma_semaphore, #tpu.memory_space<semaphore_mem>>
          %dma_start3A = tpu.memref_slice %arg3[%add3A_32] : memref<640000xi32, #tpu.memory_space<hbm>> -> memref<80xi32, #tpu.memory_space<hbm>>
          %dma_start3A_101 = tpu.memref_slice %arg3[%add3A_32] : memref<640000xi32, #tpu.memory_space<hbm>> -> memref<80xi32, #tpu.memory_space<hbm>>
          tpu.enqueue_dma source(%dma_start3A_101 : memref<80xi32, #tpu.memory_space<hbm>>) target(%arg6 : memref<80xi32, #tpu.memory_space<vmem>>) target_semaphore(%run_scoped3A : memref<!tpu.dma_semaphore, #tpu.memory_space<semaphore_mem>>)
          %dma_wait3A = tpu.memref_slice %arg3[%add3A_32] : memref<640000xi32, #tpu.memory_space<hbm>> -> memref<80xi32, #tpu.memory_space<hbm>>
          %dma_wait3A_102 = tpu.memref_slice %arg3[%add3A_32] : memref<640000xi32, #tpu.memory_space<hbm>> -> memref<80xi32, #tpu.memory_space<hbm>>
          tpu.wait_dma2 semaphore(%run_scoped3A : memref<!tpu.dma_semaphore, #tpu.memory_space<semaphore_mem>>) src(%dma_wait3A_102 : memref<80xi32, #tpu.memory_space<hbm>>) dst(%arg6 : memref<80xi32, #tpu.memory_space<vmem>>)
          tpu.yield
        }) : () -> ()
        %get3A = arith.constant 0 : index
        %get3A_33 = tpu.vector_load %arg6[%get3A] {strides = array<i32>} : memref<80xi32, #tpu.memory_space<vmem>>, vector<16xi32>,
        %get3A_34 = vector.shape_cast %get3A_33 : vector<16xi32> to vector<16xi32>
        %sub3A = vector.broadcast %mul3A_12 : i32 to vector<16xi32>
        %sub3A_35 = arith.subi %get3A_34, %sub3A : vector<16xi32>
        %ge3A = arith.constant 31248 : i32
        %ge3A_36 = vector.broadcast %ge3A : i32 to vector<16xi32>
        %ge3A_37 = arith.cmpi uge, %sub3A_35, %ge3A_36 : vector<16xi32>
        %jit3A = arith.constant 31248 : i32
        %broadcast_in_dim3A = vector.broadcast %jit3A : i32 to vector<16xi32>
        %select_n3A = arith.select %ge3A_37, %broadcast_in_dim3A, %sub3A_35 : vector<16xi1>, vector<16xi32>
        %swap3A = arith.constant 0 : index
        %swap3A_38 = tpu.vector_load %arg6[%swap3A] {strides = array<i32>} : memref<80xi32, #tpu.memory_space<vmem>>, vector<16xi32>,
        %swap3A_39 = vector.shape_cast %swap3A_38 : vector<16xi32> to vector<16xi32>
        %swap3A_40 = vector.shape_cast %select_n3A : vector<16xi32> to vector<16xi32>
        tpu.vector_store %arg6[%swap3A], %swap3A_40 {strides = array<i32>} : memref<80xi32, #tpu.memory_space<vmem>>, vector<16xi32>,
        %get3A_41 = arith.constant 16 : index
        %get3A_42 = tpu.vector_load %arg6[%get3A_41] {strides = array<i32>} : memref<80xi32, #tpu.memory_space<vmem>>, vector<16xi32>,
        %get3A_43 = vector.shape_cast %get3A_42 : vector<16xi32> to vector<16xi32>
        %sub3A_44 = vector.broadcast %mul3A_12 : i32 to vector<16xi32>
        %sub3A_45 = arith.subi %get3A_43, %sub3A_44 : vector<16xi32>
        %ge3A_46 = arith.constant 31248 : i32
        %ge3A_47 = vector.broadcast %ge3A_46 : i32 to vector<16xi32>
        %ge3A_48 = arith.cmpi uge, %sub3A_45, %ge3A_47 : vector<16xi32>
        %jit3A_49 = arith.constant 31248 : i32
        %broadcast_in_dim3A_50 = vector.broadcast %jit3A_49 : i32 to vector<16xi32>
        %select_n3A_51 = arith.select %ge3A_48, %broadcast_in_dim3A_50, %sub3A_45 : vector<16xi1>, vector<16xi32>
        %swap3A_52 = arith.constant 16 : index
        %swap3A_53 = tpu.vector_load %arg6[%swap3A_52] {strides = array<i32>} : memref<80xi32, #tpu.memory_space<vmem>>, vector<16xi32>,
        %swap3A_54 = vector.shape_cast %swap3A_53 : vector<16xi32> to vector<16xi32>
        %swap3A_55 = vector.shape_cast %select_n3A_51 : vector<16xi32> to vector<16xi32>
        tpu.vector_store %arg6[%swap3A_52], %swap3A_55 {strides = array<i32>} : memref<80xi32, #tpu.memory_space<vmem>>, vector<16xi32>,
        %get3A_56 = arith.constant 32 : index
        %get3A_57 = tpu.vector_load %arg6[%get3A_56] {strides = array<i32>} : memref<80xi32, #tpu.memory_space<vmem>>, vector<16xi32>,
        %get3A_58 = vector.shape_cast %get3A_57 : vector<16xi32> to vector<16xi32>
        %sub3A_59 = vector.broadcast %mul3A_12 : i32 to vector<16xi32>
        %sub3A_60 = arith.subi %get3A_58, %sub3A_59 : vector<16xi32>
        %ge3A_61 = arith.constant 31248 : i32
        %ge3A_62 = vector.broadcast %ge3A_61 : i32 to vector<16xi32>
        %ge3A_63 = arith.cmpi uge, %sub3A_60, %ge3A_62 : vector<16xi32>
        %jit3A_64 = arith.constant 31248 : i32
        %broadcast_in_dim3A_65 = vector.broadcast %jit3A_64 : i32 to vector<16xi32>
        %select_n3A_66 = arith.select %ge3A_63, %broadcast_in_dim3A_65, %sub3A_60 : vector<16xi1>, vector<16xi32>
        %swap3A_67 = arith.constant 32 : index
        %swap3A_68 = tpu.vector_load %arg6[%swap3A_67] {strides = array<i32>} : memref<80xi32, #tpu.memory_space<vmem>>, vector<16xi32>,
        %swap3A_69 = vector.shape_cast %swap3A_68 : vector<16xi32> to vector<16xi32>
        %swap3A_70 = vector.shape_cast %select_n3A_66 : vector<16xi32> to vector<16xi32>
        tpu.vector_store %arg6[%swap3A_67], %swap3A_70 {strides = array<i32>} : memref<80xi32, #tpu.memory_space<vmem>>, vector<16xi32>,
        %get3A_71 = arith.constant 48 : index
        %get3A_72 = tpu.vector_load %arg6[%get3A_71] {strides = array<i32>} : memref<80xi32, #tpu.memory_space<vmem>>, vector<16xi32>,
        %get3A_73 = vector.shape_cast %get3A_72 : vector<16xi32> to vector<16xi32>
        %sub3A_74 = vector.broadcast %mul3A_12 : i32 to vector<16xi32>
        %sub3A_75 = arith.subi %get3A_73, %sub3A_74 : vector<16xi32>
        %ge3A_76 = arith.constant 31248 : i32
        %ge3A_77 = vector.broadcast %ge3A_76 : i32 to vector<16xi32>
        %ge3A_78 = arith.cmpi uge, %sub3A_75, %ge3A_77 : vector<16xi32>
        %jit3A_79 = arith.constant 31248 : i32
        %broadcast_in_dim3A_80 = vector.broadcast %jit3A_79 : i32 to vector<16xi32>
        %select_n3A_81 = arith.select %ge3A_78, %broadcast_in_dim3A_80, %sub3A_75 : vector<16xi1>, vector<16xi32>
        %swap3A_82 = arith.constant 48 : index
        %swap3A_83 = tpu.vector_load %arg6[%swap3A_82] {strides = array<i32>} : memref<80xi32, #tpu.memory_space<vmem>>, vector<16xi32>,
        %swap3A_84 = vector.shape_cast %swap3A_83 : vector<16xi32> to vector<16xi32>
        %swap3A_85 = vector.shape_cast %select_n3A_81 : vector<16xi32> to vector<16xi32>
        tpu.vector_store %arg6[%swap3A_82], %swap3A_85 {strides = array<i32>} : memref<80xi32, #tpu.memory_space<vmem>>, vector<16xi32>,
        %get3A_86 = arith.constant 64 : index
        %get3A_87 = tpu.vector_load %arg6[%get3A_86] {strides = array<i32>} : memref<80xi32, #tpu.memory_space<vmem>>, vector<16xi32>,
        %get3A_88 = vector.shape_cast %get3A_87 : vector<16xi32> to vector<16xi32>
        %sub3A_89 = vector.broadcast %mul3A_12 : i32 to vector<16xi32>
        %sub3A_90 = arith.subi %get3A_88, %sub3A_89 : vector<16xi32>
        %ge3A_91 = arith.constant 31248 : i32
        %ge3A_92 = vector.broadcast %ge3A_91 : i32 to vector<16xi32>
        %ge3A_93 = arith.cmpi uge, %sub3A_90, %ge3A_92 : vector<16xi32>
        %jit3A_94 = arith.constant 31248 : i32
        %broadcast_in_dim3A_95 = vector.broadcast %jit3A_94 : i32 to vector<16xi32>
        %select_n3A_96 = arith.select %ge3A_93, %broadcast_in_dim3A_95, %sub3A_90 : vector<16xi1>, vector<16xi32>
        %swap3A_97 = arith.constant 64 : index
        %swap3A_98 = tpu.vector_load %arg6[%swap3A_97] {strides = array<i32>} : memref<80xi32, #tpu.memory_space<vmem>>, vector<16xi32>,
        %swap3A_99 = vector.shape_cast %swap3A_98 : vector<16xi32> to vector<16xi32>
        %swap3A_100 = vector.shape_cast %select_n3A_96 : vector<16xi32> to vector<16xi32>
        tpu.vector_store %arg6[%swap3A_97], %swap3A_100 {strides = array<i32>} : memref<80xi32, #tpu.memory_space<vmem>>, vector<16xi32>,
        "tpu.region"() ({
          %run_scoped3A = tpu.sem_alloc : memref<!tpu.dma_semaphore, #tpu.memory_space<semaphore_mem>>
          %dma_start3A = arith.constant 0 : i32
          %dma_start3A_101 = tpu.memref_slice %arg2[%add3A_32, %dma_start3A] : memref<640000x64xf32, #tpu.memory_space<hbm>> -> memref<80x64xf32, #tpu.memory_space<hbm>>
          %dma_start3A_102 = arith.constant 0 : i32
          %dma_start3A_103 = tpu.memref_slice %arg2[%add3A_32, %dma_start3A_102] : memref<640000x64xf32, #tpu.memory_space<hbm>> -> memref<80x64xf32, #tpu.memory_space<hbm>>
          tpu.enqueue_dma source(%dma_start3A_103 : memref<80x64xf32, #tpu.memory_space<hbm>>) target(%arg7 : memref<80x64xf32, #tpu.memory_space<vmem>>) target_semaphore(%run_scoped3A : memref<!tpu.dma_semaphore, #tpu.memory_space<semaphore_mem>>)
          %dma_wait3A = arith.constant 0 : i32
          %dma_wait3A_104 = tpu.memref_slice %arg2[%add3A_32, %dma_wait3A] : memref<640000x64xf32, #tpu.memory_space<hbm>> -> memref<80x64xf32, #tpu.memory_space<hbm>>
          %dma_wait3A_105 = arith.constant 0 : i32
          %dma_wait3A_106 = tpu.memref_slice %arg2[%add3A_32, %dma_wait3A_105] : memref<640000x64xf32, #tpu.memory_space<hbm>> -> memref<80x64xf32, #tpu.memory_space<hbm>>
          tpu.wait_dma2 semaphore(%run_scoped3A : memref<!tpu.dma_semaphore, #tpu.memory_space<semaphore_mem>>) src(%dma_wait3A_106 : memref<80x64xf32, #tpu.memory_space<hbm>>) dst(%arg7 : memref<80x64xf32, #tpu.memory_space<vmem>>)
          tpu.yield
        }) : () -> ()
        "tpu.region"() ({
          %run_scoped3A = tpu.sem_alloc : memref<!tpu.dma_semaphore, #tpu.memory_space<semaphore_mem>>
          %dma_start3A = arith.constant 0 : i32
          %dma_start3A_101 = arith.constant 0 : i32
          %dma_start3A_102 = tpu.memref_slice %arg8[%dma_start3A, %dma_start3A_101] : memref<31264x64xf32, #tpu.memory_space<vmem_shared>> -> memref<31264x64xf32, #tpu.memory_space<vmem_shared>>
          tpu.enqueue_indirect_dma source(%arg7 : memref<80x64xf32, #tpu.memory_space<vmem>>) target(%dma_start3A_102 : memref<31264x64xf32, #tpu.memory_space<vmem_shared>>) offsets(%arg6 : memref<80xi32, #tpu.memory_space<vmem>>) semaphore(%run_scoped3A : memref<!tpu.dma_semaphore, #tpu.memory_space<semaphore_mem>>) {add = true}
          %dma_wait3A = arith.constant 0 : i32
          %dma_wait3A_103 = arith.constant 0 : i32
          %dma_wait3A_104 = tpu.memref_slice %arg8[%dma_wait3A, %dma_wait3A_103] : memref<31264x64xf32, #tpu.memory_space<vmem_shared>> -> memref<31264x64xf32, #tpu.memory_space<vmem_shared>>
          tpu.wait_indirect_dma semaphore(%run_scoped3A : memref<!tpu.dma_semaphore, #tpu.memory_space<semaphore_mem>>) src(%arg7 : memref<80x64xf32, #tpu.memory_space<vmem>>) dst(%dma_wait3A_104 : memref<31264x64xf32, #tpu.memory_space<vmem_shared>>)
          tpu.yield
        }) : () -> ()
      }
      %scan3A_18 = arith.constant 250 : i32
      %barrier3A_19 = arith.constant 0 : index
      tpu.barrier barrier_id(%barrier3A_19)
      %mul3A_20 = arith.constant 1953 : i32
      %mul3A_21 = arith.muli %arg1, %mul3A_20 : i32
      %mul3A_22 = arith.constant 343728 : i32
      %mul3A_23 = arith.muli %arg0, %mul3A_22 : i32
      %add3A_24 = arith.addi %mul3A_23, %mul3A_12 : i32
      %mul3A_25 = arith.constant 1953 : i32
      %mul3A_26 = arith.muli %arg1, %mul3A_25 : i32
      %add3A_27 = arith.addi %add3A_24, %mul3A_26 : i32
      "tpu.region"() ({
        %run_scoped3A = tpu.sem_alloc : memref<!tpu.dma_semaphore, #tpu.memory_space<semaphore_mem>>
        %dma_start3A = arith.constant 0 : i32
        %dma_start3A_29 = tpu.memref_slice %arg5[%add3A_27, %dma_start3A] : memref<687456x64xf32, #tpu.memory_space<hbm>> -> memref<1953x64xf32, #tpu.memory_space<hbm>>
        %dma_start3A_30 = arith.constant 0 : i32
        %dma_start3A_31 = tpu.memref_slice %arg8[%mul3A_21, %dma_start3A_30] : memref<31264x64xf32, #tpu.memory_space<vmem_shared>> -> memref<1953x64xf32, #tpu.memory_space<vmem_shared>>
        tpu.enqueue_dma source(%dma_start3A_31 : memref<1953x64xf32, #tpu.memory_space<vmem_shared>>) target(%dma_start3A_29 : memref<1953x64xf32, #tpu.memory_space<hbm>>) target_semaphore(%run_scoped3A : memref<!tpu.dma_semaphore, #tpu.memory_space<semaphore_mem>>)
        %dma_wait3A = arith.constant 0 : i32
        %dma_wait3A_32 = tpu.memref_slice %arg5[%add3A_27, %dma_wait3A] : memref<687456x64xf32, #tpu.memory_space<hbm>> -> memref<1953x64xf32, #tpu.memory_space<hbm>>
        %dma_wait3A_33 = arith.constant 0 : i32
        %dma_wait3A_34 = tpu.memref_slice %arg8[%mul3A_21, %dma_wait3A_33] : memref<31264x64xf32, #tpu.memory_space<vmem_shared>> -> memref<1953x64xf32, #tpu.memory_space<vmem_shared>>
        tpu.wait_dma2 semaphore(%run_scoped3A : memref<!tpu.dma_semaphore, #tpu.memory_space<semaphore_mem>>) src(%dma_wait3A_34 : memref<1953x64xf32, #tpu.memory_space<vmem_shared>>) dst(%dma_wait3A_32 : memref<1953x64xf32, #tpu.memory_space<hbm>>)
        tpu.yield
      }) : () -> ()
      %barrier3A_28 = arith.constant 0 : index
      tpu.barrier barrier_id(%barrier3A_28)
    }
    %scan3A_7 = arith.constant 11 : i32
    return
  }
}

#map = affine_map<(d0, d1) -> (0, 0)>
#map1 = affine_map<(d0, d1) -> (0)>
module attributes {stable_mosaic.version = 14 : i64} {
  func.func @k(%arg0: i32, %arg1: i32, %arg2: memref<320000x64xf32, #tpu.memory_space<hbm>>, %arg3: memref<320000xi32, #tpu.memory_space<hbm>>, %arg4: memref<626x64xf32, #tpu.memory_space<hbm>>, %arg5: memref<20000x64xf32, #tpu.memory_space<hbm>>, %arg6: memref<80xi32, #tpu.memory_space<vmem>>, %arg7: memref<80x64xf32, #tpu.memory_space<vmem>>, %arg8: memref<10016x64xf32, #tpu.memory_space<vmem_shared>>) attributes {dimension_semantics = [#tpu.dimension_semantics<core_parallel>, #tpu.dimension_semantics<subcore_parallel>], iteration_bounds = array<i64: 2, 16>, scalar_prefetch = 0 : i64, scratch_operands = 3 : i64, tpu.core_type = #tpu.core_type<sc_vector_subcore>, window_params = [{transform_indices = #map}, {transform_indices = #map1}, {transform_indices = #map}, {transform_indices = #map}]} {
    %mul3A = arith.constant 2 : i32
    %mul3A_0 = arith.muli %arg1, %mul3A : i32
    %add3A = arith.addi %mul3A_0, %arg0 : i32
    %mul3A_1 = arith.constant 10000 : i32
    %mul3A_2 = arith.muli %add3A, %mul3A_1 : i32
    %scan3A = arith.constant 0 : i32
    %scan3A_3 = arith.constant 0 : i32
    %mul3A_4 = arith.constant 626 : i32
    %mul3A_5 = arith.muli %arg1, %mul3A_4 : i32
    "tpu.region"() ({
      %run_scoped3A = tpu.sem_alloc : memref<!tpu.dma_semaphore, #tpu.memory_space<semaphore_mem>>
      %dma_start3A = arith.constant 0 : i32
      %dma_start3A_25 = tpu.memref_slice %arg8[%mul3A_5, %dma_start3A] : memref<10016x64xf32, #tpu.memory_space<vmem_shared>> -> memref<626x64xf32, #tpu.memory_space<vmem_shared>>
      tpu.enqueue_dma source(%arg4 : memref<626x64xf32, #tpu.memory_space<hbm>>) target(%dma_start3A_25 : memref<626x64xf32, #tpu.memory_space<vmem_shared>>) target_semaphore(%run_scoped3A : memref<!tpu.dma_semaphore, #tpu.memory_space<semaphore_mem>>)
      %dma_wait3A = arith.constant 0 : i32
      %dma_wait3A_26 = tpu.memref_slice %arg8[%mul3A_5, %dma_wait3A] : memref<10016x64xf32, #tpu.memory_space<vmem_shared>> -> memref<626x64xf32, #tpu.memory_space<vmem_shared>>
      tpu.wait_dma2 semaphore(%run_scoped3A : memref<!tpu.dma_semaphore, #tpu.memory_space<semaphore_mem>>) src(%arg4 : memref<626x64xf32, #tpu.memory_space<hbm>>) dst(%dma_wait3A_26 : memref<626x64xf32, #tpu.memory_space<vmem_shared>>)
      tpu.yield
    }) : () -> ()
    %barrier3A = arith.constant 0 : index
    tpu.barrier barrier_id(%barrier3A)
    %mul3A_6 = arith.constant 10000 : i32
    %mul3A_7 = arith.muli %scan3A_3, %mul3A_6 : i32
    %scan3A_8 = arith.constant 0 : i32
    %scan3A_9 = arith.constant 0 : i32
    %scan3A_10 = arith.constant 125 : i32
    %scan3A_11 = arith.addi %scan3A_9, %scan3A_10 : i32
    %scan3A_12 = arith.constant 1 : i32
    scf.for %scan3A_25 = %scan3A_9 to %scan3A_11 step %scan3A_12  : i32 {
      %mul3A_26 = arith.constant 80 : i32
      %mul3A_27 = arith.muli %scan3A_25, %mul3A_26 : i32
      %add3A_28 = arith.addi %mul3A_2, %mul3A_27 : i32
      "tpu.region"() ({
        %run_scoped3A = tpu.sem_alloc : memref<!tpu.dma_semaphore, #tpu.memory_space<semaphore_mem>>
        %dma_start3A = tpu.memref_slice %arg3[%add3A_28] : memref<320000xi32, #tpu.memory_space<hbm>> -> memref<80xi32, #tpu.memory_space<hbm>>
        %dma_start3A_97 = tpu.memref_slice %arg3[%add3A_28] : memref<320000xi32, #tpu.memory_space<hbm>> -> memref<80xi32, #tpu.memory_space<hbm>>
        tpu.enqueue_dma source(%dma_start3A_97 : memref<80xi32, #tpu.memory_space<hbm>>) target(%arg6 : memref<80xi32, #tpu.memory_space<vmem>>) target_semaphore(%run_scoped3A : memref<!tpu.dma_semaphore, #tpu.memory_space<semaphore_mem>>)
        %dma_wait3A = tpu.memref_slice %arg3[%add3A_28] : memref<320000xi32, #tpu.memory_space<hbm>> -> memref<80xi32, #tpu.memory_space<hbm>>
        %dma_wait3A_98 = tpu.memref_slice %arg3[%add3A_28] : memref<320000xi32, #tpu.memory_space<hbm>> -> memref<80xi32, #tpu.memory_space<hbm>>
        tpu.wait_dma2 semaphore(%run_scoped3A : memref<!tpu.dma_semaphore, #tpu.memory_space<semaphore_mem>>) src(%dma_wait3A_98 : memref<80xi32, #tpu.memory_space<hbm>>) dst(%arg6 : memref<80xi32, #tpu.memory_space<vmem>>)
        tpu.yield
      }) : () -> ()
      %get3A = arith.constant 0 : index
      %get3A_29 = tpu.vector_load %arg6[%get3A] {strides = array<i32>} : memref<80xi32, #tpu.memory_space<vmem>>, vector<16xi32>,
      %get3A_30 = vector.shape_cast %get3A_29 : vector<16xi32> to vector<16xi32>
      %sub3A = vector.broadcast %mul3A_7 : i32 to vector<16xi32>
      %sub3A_31 = arith.subi %get3A_30, %sub3A : vector<16xi32>
      %ge3A = arith.constant 10000 : i32
      %ge3A_32 = vector.broadcast %ge3A : i32 to vector<16xi32>
      %ge3A_33 = arith.cmpi uge, %sub3A_31, %ge3A_32 : vector<16xi32>
      %jit3A = arith.constant 10000 : i32
      %broadcast_in_dim3A = vector.broadcast %jit3A : i32 to vector<16xi32>
      %select_n3A = arith.select %ge3A_33, %broadcast_in_dim3A, %sub3A_31 : vector<16xi1>, vector<16xi32>
      %swap3A = arith.constant 0 : index
      %swap3A_34 = tpu.vector_load %arg6[%swap3A] {strides = array<i32>} : memref<80xi32, #tpu.memory_space<vmem>>, vector<16xi32>,
      %swap3A_35 = vector.shape_cast %swap3A_34 : vector<16xi32> to vector<16xi32>
      %swap3A_36 = vector.shape_cast %select_n3A : vector<16xi32> to vector<16xi32>
      tpu.vector_store %arg6[%swap3A], %swap3A_36 {strides = array<i32>} : memref<80xi32, #tpu.memory_space<vmem>>, vector<16xi32>,
      %get3A_37 = arith.constant 16 : index
      %get3A_38 = tpu.vector_load %arg6[%get3A_37] {strides = array<i32>} : memref<80xi32, #tpu.memory_space<vmem>>, vector<16xi32>,
      %get3A_39 = vector.shape_cast %get3A_38 : vector<16xi32> to vector<16xi32>
      %sub3A_40 = vector.broadcast %mul3A_7 : i32 to vector<16xi32>
      %sub3A_41 = arith.subi %get3A_39, %sub3A_40 : vector<16xi32>
      %ge3A_42 = arith.constant 10000 : i32
      %ge3A_43 = vector.broadcast %ge3A_42 : i32 to vector<16xi32>
      %ge3A_44 = arith.cmpi uge, %sub3A_41, %ge3A_43 : vector<16xi32>
      %jit3A_45 = arith.constant 10000 : i32
      %broadcast_in_dim3A_46 = vector.broadcast %jit3A_45 : i32 to vector<16xi32>
      %select_n3A_47 = arith.select %ge3A_44, %broadcast_in_dim3A_46, %sub3A_41 : vector<16xi1>, vector<16xi32>
      %swap3A_48 = arith.constant 16 : index
      %swap3A_49 = tpu.vector_load %arg6[%swap3A_48] {strides = array<i32>} : memref<80xi32, #tpu.memory_space<vmem>>, vector<16xi32>,
      %swap3A_50 = vector.shape_cast %swap3A_49 : vector<16xi32> to vector<16xi32>
      %swap3A_51 = vector.shape_cast %select_n3A_47 : vector<16xi32> to vector<16xi32>
      tpu.vector_store %arg6[%swap3A_48], %swap3A_51 {strides = array<i32>} : memref<80xi32, #tpu.memory_space<vmem>>, vector<16xi32>,
      %get3A_52 = arith.constant 32 : index
      %get3A_53 = tpu.vector_load %arg6[%get3A_52] {strides = array<i32>} : memref<80xi32, #tpu.memory_space<vmem>>, vector<16xi32>,
      %get3A_54 = vector.shape_cast %get3A_53 : vector<16xi32> to vector<16xi32>
      %sub3A_55 = vector.broadcast %mul3A_7 : i32 to vector<16xi32>
      %sub3A_56 = arith.subi %get3A_54, %sub3A_55 : vector<16xi32>
      %ge3A_57 = arith.constant 10000 : i32
      %ge3A_58 = vector.broadcast %ge3A_57 : i32 to vector<16xi32>
      %ge3A_59 = arith.cmpi uge, %sub3A_56, %ge3A_58 : vector<16xi32>
      %jit3A_60 = arith.constant 10000 : i32
      %broadcast_in_dim3A_61 = vector.broadcast %jit3A_60 : i32 to vector<16xi32>
      %select_n3A_62 = arith.select %ge3A_59, %broadcast_in_dim3A_61, %sub3A_56 : vector<16xi1>, vector<16xi32>
      %swap3A_63 = arith.constant 32 : index
      %swap3A_64 = tpu.vector_load %arg6[%swap3A_63] {strides = array<i32>} : memref<80xi32, #tpu.memory_space<vmem>>, vector<16xi32>,
      %swap3A_65 = vector.shape_cast %swap3A_64 : vector<16xi32> to vector<16xi32>
      %swap3A_66 = vector.shape_cast %select_n3A_62 : vector<16xi32> to vector<16xi32>
      tpu.vector_store %arg6[%swap3A_63], %swap3A_66 {strides = array<i32>} : memref<80xi32, #tpu.memory_space<vmem>>, vector<16xi32>,
      %get3A_67 = arith.constant 48 : index
      %get3A_68 = tpu.vector_load %arg6[%get3A_67] {strides = array<i32>} : memref<80xi32, #tpu.memory_space<vmem>>, vector<16xi32>,
      %get3A_69 = vector.shape_cast %get3A_68 : vector<16xi32> to vector<16xi32>
      %sub3A_70 = vector.broadcast %mul3A_7 : i32 to vector<16xi32>
      %sub3A_71 = arith.subi %get3A_69, %sub3A_70 : vector<16xi32>
      %ge3A_72 = arith.constant 10000 : i32
      %ge3A_73 = vector.broadcast %ge3A_72 : i32 to vector<16xi32>
      %ge3A_74 = arith.cmpi uge, %sub3A_71, %ge3A_73 : vector<16xi32>
      %jit3A_75 = arith.constant 10000 : i32
      %broadcast_in_dim3A_76 = vector.broadcast %jit3A_75 : i32 to vector<16xi32>
      %select_n3A_77 = arith.select %ge3A_74, %broadcast_in_dim3A_76, %sub3A_71 : vector<16xi1>, vector<16xi32>
      %swap3A_78 = arith.constant 48 : index
      %swap3A_79 = tpu.vector_load %arg6[%swap3A_78] {strides = array<i32>} : memref<80xi32, #tpu.memory_space<vmem>>, vector<16xi32>,
      %swap3A_80 = vector.shape_cast %swap3A_79 : vector<16xi32> to vector<16xi32>
      %swap3A_81 = vector.shape_cast %select_n3A_77 : vector<16xi32> to vector<16xi32>
      tpu.vector_store %arg6[%swap3A_78], %swap3A_81 {strides = array<i32>} : memref<80xi32, #tpu.memory_space<vmem>>, vector<16xi32>,
      %get3A_82 = arith.constant 64 : index
      %get3A_83 = tpu.vector_load %arg6[%get3A_82] {strides = array<i32>} : memref<80xi32, #tpu.memory_space<vmem>>, vector<16xi32>,
      %get3A_84 = vector.shape_cast %get3A_83 : vector<16xi32> to vector<16xi32>
      %sub3A_85 = vector.broadcast %mul3A_7 : i32 to vector<16xi32>
      %sub3A_86 = arith.subi %get3A_84, %sub3A_85 : vector<16xi32>
      %ge3A_87 = arith.constant 10000 : i32
      %ge3A_88 = vector.broadcast %ge3A_87 : i32 to vector<16xi32>
      %ge3A_89 = arith.cmpi uge, %sub3A_86, %ge3A_88 : vector<16xi32>
      %jit3A_90 = arith.constant 10000 : i32
      %broadcast_in_dim3A_91 = vector.broadcast %jit3A_90 : i32 to vector<16xi32>
      %select_n3A_92 = arith.select %ge3A_89, %broadcast_in_dim3A_91, %sub3A_86 : vector<16xi1>, vector<16xi32>
      %swap3A_93 = arith.constant 64 : index
      %swap3A_94 = tpu.vector_load %arg6[%swap3A_93] {strides = array<i32>} : memref<80xi32, #tpu.memory_space<vmem>>, vector<16xi32>,
      %swap3A_95 = vector.shape_cast %swap3A_94 : vector<16xi32> to vector<16xi32>
      %swap3A_96 = vector.shape_cast %select_n3A_92 : vector<16xi32> to vector<16xi32>
      tpu.vector_store %arg6[%swap3A_93], %swap3A_96 {strides = array<i32>} : memref<80xi32, #tpu.memory_space<vmem>>, vector<16xi32>,
      "tpu.region"() ({
        %run_scoped3A = tpu.sem_alloc : memref<!tpu.dma_semaphore, #tpu.memory_space<semaphore_mem>>
        %dma_start3A = arith.constant 0 : i32
        %dma_start3A_97 = tpu.memref_slice %arg2[%add3A_28, %dma_start3A] : memref<320000x64xf32, #tpu.memory_space<hbm>> -> memref<80x64xf32, #tpu.memory_space<hbm>>
        %dma_start3A_98 = arith.constant 0 : i32
        %dma_start3A_99 = tpu.memref_slice %arg2[%add3A_28, %dma_start3A_98] : memref<320000x64xf32, #tpu.memory_space<hbm>> -> memref<80x64xf32, #tpu.memory_space<hbm>>
        tpu.enqueue_dma source(%dma_start3A_99 : memref<80x64xf32, #tpu.memory_space<hbm>>) target(%arg7 : memref<80x64xf32, #tpu.memory_space<vmem>>) target_semaphore(%run_scoped3A : memref<!tpu.dma_semaphore, #tpu.memory_space<semaphore_mem>>)
        %dma_wait3A = arith.constant 0 : i32
        %dma_wait3A_100 = tpu.memref_slice %arg2[%add3A_28, %dma_wait3A] : memref<320000x64xf32, #tpu.memory_space<hbm>> -> memref<80x64xf32, #tpu.memory_space<hbm>>
        %dma_wait3A_101 = arith.constant 0 : i32
        %dma_wait3A_102 = tpu.memref_slice %arg2[%add3A_28, %dma_wait3A_101] : memref<320000x64xf32, #tpu.memory_space<hbm>> -> memref<80x64xf32, #tpu.memory_space<hbm>>
        tpu.wait_dma2 semaphore(%run_scoped3A : memref<!tpu.dma_semaphore, #tpu.memory_space<semaphore_mem>>) src(%dma_wait3A_102 : memref<80x64xf32, #tpu.memory_space<hbm>>) dst(%arg7 : memref<80x64xf32, #tpu.memory_space<vmem>>)
        tpu.yield
      }) : () -> ()
      "tpu.region"() ({
        %run_scoped3A = tpu.sem_alloc : memref<!tpu.dma_semaphore, #tpu.memory_space<semaphore_mem>>
        %dma_start3A = arith.constant 0 : i32
        %dma_start3A_97 = arith.constant 0 : i32
        %dma_start3A_98 = tpu.memref_slice %arg8[%dma_start3A, %dma_start3A_97] : memref<10016x64xf32, #tpu.memory_space<vmem_shared>> -> memref<10016x64xf32, #tpu.memory_space<vmem_shared>>
        tpu.enqueue_indirect_dma source(%arg7 : memref<80x64xf32, #tpu.memory_space<vmem>>) target(%dma_start3A_98 : memref<10016x64xf32, #tpu.memory_space<vmem_shared>>) offsets(%arg6 : memref<80xi32, #tpu.memory_space<vmem>>) semaphore(%run_scoped3A : memref<!tpu.dma_semaphore, #tpu.memory_space<semaphore_mem>>) {add = true}
        %dma_wait3A = arith.constant 0 : i32
        %dma_wait3A_99 = arith.constant 0 : i32
        %dma_wait3A_100 = tpu.memref_slice %arg8[%dma_wait3A, %dma_wait3A_99] : memref<10016x64xf32, #tpu.memory_space<vmem_shared>> -> memref<10016x64xf32, #tpu.memory_space<vmem_shared>>
        tpu.wait_indirect_dma semaphore(%run_scoped3A : memref<!tpu.dma_semaphore, #tpu.memory_space<semaphore_mem>>) src(%arg7 : memref<80x64xf32, #tpu.memory_space<vmem>>) dst(%dma_wait3A_100 : memref<10016x64xf32, #tpu.memory_space<vmem_shared>>)
        tpu.yield
      }) : () -> ()
    }
    %scan3A_13 = arith.constant 125 : i32
    %barrier3A_14 = arith.constant 0 : index
    tpu.barrier barrier_id(%barrier3A_14)
    %mul3A_15 = arith.constant 625 : i32
    %mul3A_16 = arith.muli %arg1, %mul3A_15 : i32
    %mul3A_17 = arith.constant 10000 : i32
    %mul3A_18 = arith.muli %arg0, %mul3A_17 : i32
    %add3A_19 = arith.addi %mul3A_18, %mul3A_7 : i32
    %mul3A_20 = arith.constant 625 : i32
    %mul3A_21 = arith.muli %arg1, %mul3A_20 : i32
    %add3A_22 = arith.addi %add3A_19, %mul3A_21 : i32
    "tpu.region"() ({
      %run_scoped3A = tpu.sem_alloc : memref<!tpu.dma_semaphore, #tpu.memory_space<semaphore_mem>>
      %dma_start3A = arith.constant 0 : i32
      %dma_start3A_25 = tpu.memref_slice %arg5[%add3A_22, %dma_start3A] : memref<20000x64xf32, #tpu.memory_space<hbm>> -> memref<625x64xf32, #tpu.memory_space<hbm>>
      %dma_start3A_26 = arith.constant 0 : i32
      %dma_start3A_27 = tpu.memref_slice %arg8[%mul3A_16, %dma_start3A_26] : memref<10016x64xf32, #tpu.memory_space<vmem_shared>> -> memref<625x64xf32, #tpu.memory_space<vmem_shared>>
      tpu.enqueue_dma source(%dma_start3A_27 : memref<625x64xf32, #tpu.memory_space<vmem_shared>>) target(%dma_start3A_25 : memref<625x64xf32, #tpu.memory_space<hbm>>) target_semaphore(%run_scoped3A : memref<!tpu.dma_semaphore, #tpu.memory_space<semaphore_mem>>)
      %dma_wait3A = arith.constant 0 : i32
      %dma_wait3A_28 = tpu.memref_slice %arg5[%add3A_22, %dma_wait3A] : memref<20000x64xf32, #tpu.memory_space<hbm>> -> memref<625x64xf32, #tpu.memory_space<hbm>>
      %dma_wait3A_29 = arith.constant 0 : i32
      %dma_wait3A_30 = tpu.memref_slice %arg8[%mul3A_16, %dma_wait3A_29] : memref<10016x64xf32, #tpu.memory_space<vmem_shared>> -> memref<625x64xf32, #tpu.memory_space<vmem_shared>>
      tpu.wait_dma2 semaphore(%run_scoped3A : memref<!tpu.dma_semaphore, #tpu.memory_space<semaphore_mem>>) src(%dma_wait3A_30 : memref<625x64xf32, #tpu.memory_space<vmem_shared>>) dst(%dma_wait3A_28 : memref<625x64xf32, #tpu.memory_space<hbm>>)
      tpu.yield
    }) : () -> ()
    %barrier3A_23 = arith.constant 0 : index
    tpu.barrier barrier_id(%barrier3A_23)
    %scan3A_24 = arith.constant 1 : i32
    return
  }
}

module attributes {stable_mosaic.version = 14 : i64} {
  func.func @kern(%arg0: i32, %arg1: memref<2000x128xf32, #tpu.memory_space<vmem>>, %arg2: memref<128x64xf32, #tpu.memory_space<vmem>>, %arg3: memref<1x64xf32, #tpu.memory_space<vmem>>, %arg4: memref<2000x64xf32, #tpu.memory_space<vmem>>, %arg5: memref<2x64xf32, #tpu.memory_space<vmem>>) attributes {dimension_semantics = [#tpu.dimension_semantics<arbitrary>], iteration_bounds = array<i64: 160>, scalar_prefetch = 0 : i64, scratch_operands = 0 : i64, tpu.core_type = #tpu.core_type<tc>, window_params = [{transform_indices = @transform_0, window_bounds = array<i64: 2000, 128>}, {pipeline_mode = #tpu.pipeline_mode<synchronous>, transform_indices = @transform_1, window_bounds = array<i64: 128, 64>}, {pipeline_mode = #tpu.pipeline_mode<synchronous>, transform_indices = @transform_2, window_bounds = array<i64: 1, 64>}, {transform_indices = @transform_3, window_bounds = array<i64: 2000, 64>}, {pipeline_mode = #tpu.pipeline_mode<synchronous>, transform_indices = @transform_4, window_bounds = array<i64: 2, 64>}]} {
    %get3A = arith.constant 0 : index
    %get3A_0 = arith.constant 0 : index
    %get3A_1 = vector.load %arg1[%get3A, %get3A_0] : memref<2000x128xf32, #tpu.memory_space<vmem>>, vector<2000x128xf32>
    %get3A_2 = arith.constant 0 : index
    %get3A_3 = arith.constant 0 : index
    %get3A_4 = vector.load %arg2[%get3A_2, %get3A_3] : memref<128x64xf32, #tpu.memory_space<vmem>>, vector<128x64xf32>
    %dot_general3A = arith.constant dense<0.000000e+00> : vector<2000x64xf32>
    %dot_general3A_5 = tpu.matmul %get3A_1, %get3A_4, %dot_general3A {dimension_numbers = #tpu.dot_dimension_numbers<[1], [0], [0], [1], [0, 0, 1, 1], [], []>, transpose_lhs_hint = false} : vector<2000x128xf32>, vector<128x64xf32>, vector<2000x64xf32> -> vector<2000x64xf32>
    %get3A_6 = arith.constant 0 : index
    %get3A_7 = arith.constant 0 : index
    %get3A_8 = vector.load %arg3[%get3A_6, %get3A_7] : memref<1x64xf32, #tpu.memory_space<vmem>>, vector<1x64xf32>
    %add3A = vector.broadcast %get3A_8 : vector<1x64xf32> to vector<2000x64xf32>
    %add3A_9 = arith.addf %dot_general3A_5, %add3A : vector<2000x64xf32>
    %swap3A = arith.constant 0 : index
    %swap3A_10 = arith.constant 0 : index
    %swap3A_11 = vector.load %arg4[%swap3A, %swap3A_10] : memref<2000x64xf32, #tpu.memory_space<vmem>>, vector<2000x64xf32>
    tpu.vector_store %arg4[%swap3A, %swap3A_10], %add3A_9 {strides = array<i32>} : memref<2000x64xf32, #tpu.memory_space<vmem>>, vector<2000x64xf32>,
    %eq3A = arith.constant 0 : i32
    %eq3A_12 = arith.cmpi eq, %arg0, %eq3A : i32
    %convert_element_type3A = arith.extui %eq3A_12 : i1 to i32
    %cond3A = arith.constant 0 : i32
    %cond3A_13 = arith.cmpi ne, %convert_element_type3A, %cond3A : i32
    scf.if %cond3A_13 {
      %broadcast_in_dim3A_25 = arith.constant 0.000000e+00 : f32
      %broadcast_in_dim3A_26 = vector.broadcast %broadcast_in_dim3A_25 : f32 to vector<2x64xf32>
      %swap3A_27 = arith.constant 0 : index
      %swap3A_28 = arith.constant 0 : index
      %swap3A_29 = vector.load %arg5[%swap3A_27, %swap3A_28] : memref<2x64xf32, #tpu.memory_space<vmem>>, vector<2x64xf32>
      tpu.vector_store %arg5[%swap3A_27, %swap3A_28], %broadcast_in_dim3A_26 {strides = array<i32>} : memref<2x64xf32, #tpu.memory_space<vmem>>, vector<2x64xf32>,
    } else {
    }
    %get3A_14 = arith.constant 0 : index
    %get3A_15 = arith.constant 0 : index
    %get3A_16 = vector.load %arg5[%get3A_14, %get3A_15] : memref<2x64xf32, #tpu.memory_space<vmem>>, vector<2x64xf32>
    %reduce_sum3A = arith.constant dense<0.000000e+00> : vector<64xf32>
    %reduce_sum3A_17 = vector.multi_reduction <add>, %add3A_9, %reduce_sum3A [0] : vector<2000x64xf32> to vector<64xf32>
    %broadcast_in_dim3A = vector.shape_cast %reduce_sum3A_17 : vector<64xf32> to vector<1x64xf32>
    %mul3A = arith.mulf %add3A_9, %add3A_9 : vector<2000x64xf32>
    %reduce_sum3A_18 = arith.constant dense<0.000000e+00> : vector<64xf32>
    %reduce_sum3A_19 = vector.multi_reduction <add>, %mul3A, %reduce_sum3A_18 [0] : vector<2000x64xf32> to vector<64xf32>
    %broadcast_in_dim3A_20 = vector.shape_cast %reduce_sum3A_19 : vector<64xf32> to vector<1x64xf32>
    %concatenate3A = tpu.concatenate %broadcast_in_dim3A, %broadcast_in_dim3A_20 in 0 : vector<1x64xf32>, vector<1x64xf32> -> vector<2x64xf32>
    %add3A_21 = arith.addf %get3A_16, %concatenate3A : vector<2x64xf32>
    %swap3A_22 = arith.constant 0 : index
    %swap3A_23 = arith.constant 0 : index
    %swap3A_24 = vector.load %arg5[%swap3A_22, %swap3A_23] : memref<2x64xf32, #tpu.memory_space<vmem>>, vector<2x64xf32>
    tpu.vector_store %arg5[%swap3A_22, %swap3A_23], %add3A_21 {strides = array<i32>} : memref<2x64xf32, #tpu.memory_space<vmem>>, vector<2x64xf32>,
    return
  }
  func.func @transform_0(%arg0: i32) -> (i32, i32) {
    %c0_i32 = arith.constant 0 : i32
    %c0_i32_0 = arith.constant 0 : i32
    return %arg0, %c0_i32 : i32, i32
  }
  func.func @transform_1(%arg0: i32) -> (i32, i32) {
    %c0_i32 = arith.constant 0 : i32
    %c0_i32_0 = arith.constant 0 : i32
    %c0_i32_1 = arith.constant 0 : i32
    return %c0_i32, %c0_i32_0 : i32, i32
  }
  func.func @transform_2(%arg0: i32) -> (i32, i32) {
    %c0_i32 = arith.constant 0 : i32
    %c0_i32_0 = arith.constant 0 : i32
    %c0_i32_1 = arith.constant 0 : i32
    return %c0_i32, %c0_i32_0 : i32, i32
  }
  func.func @transform_3(%arg0: i32) -> (i32, i32) {
    %c0_i32 = arith.constant 0 : i32
    %c0_i32_0 = arith.constant 0 : i32
    return %arg0, %c0_i32 : i32, i32
  }
  func.func @transform_4(%arg0: i32) -> (i32, i32) {
    %c0_i32 = arith.constant 0 : i32
    %c0_i32_0 = arith.constant 0 : i32
    %c0_i32_1 = arith.constant 0 : i32
    return %c0_i32, %c0_i32_0 : i32, i32
  }
}

module attributes {stable_mosaic.version = 14 : i64} {
  func.func @kern(%arg0: i32, %arg1: memref<2000x64xf32, #tpu.memory_space<vmem>>, %arg2: memref<2x64xf32, #tpu.memory_space<vmem>>, %arg3: memref<1x64xf32, #tpu.memory_space<vmem>>, %arg4: memref<1x64xf32, #tpu.memory_space<vmem>>, %arg5: memref<64x32xf32, #tpu.memory_space<vmem>>, %arg6: memref<1x32xf32, #tpu.memory_space<vmem>>, %arg7: memref<2000x32xf32, #tpu.memory_space<vmem>>, %arg8: memref<2x32xf32, #tpu.memory_space<vmem>>) attributes {dimension_semantics = [#tpu.dimension_semantics<arbitrary>], iteration_bounds = array<i64: 160>, scalar_prefetch = 0 : i64, scratch_operands = 0 : i64, tpu.core_type = #tpu.core_type<tc>, window_params = [{transform_indices = @transform_0, window_bounds = array<i64: 2000, 64>}, {pipeline_mode = #tpu.pipeline_mode<synchronous>, transform_indices = @transform_1, window_bounds = array<i64: 2, 64>}, {pipeline_mode = #tpu.pipeline_mode<synchronous>, transform_indices = @transform_2, window_bounds = array<i64: 1, 64>}, {pipeline_mode = #tpu.pipeline_mode<synchronous>, transform_indices = @transform_3, window_bounds = array<i64: 1, 64>}, {pipeline_mode = #tpu.pipeline_mode<synchronous>, transform_indices = @transform_4, window_bounds = array<i64: 64, 32>}, {pipeline_mode = #tpu.pipeline_mode<synchronous>, transform_indices = @transform_5, window_bounds = array<i64: 1, 32>}, {transform_indices = @transform_6, window_bounds = array<i64: 2000, 32>}, {pipeline_mode = #tpu.pipeline_mode<synchronous>, transform_indices = @transform_7, window_bounds = array<i64: 2, 32>}]} {
    %get3A = arith.constant 0 : index
    %get3A_0 = arith.constant 0 : index
    %get3A_1 = vector.load %arg1[%get3A, %get3A_0] : memref<2000x64xf32, #tpu.memory_space<vmem>>, vector<2000x64xf32>
    %get3A_2 = arith.constant 0 : index
    %get3A_3 = arith.constant 0 : index
    %get3A_4 = vector.load %arg2[%get3A_2, %get3A_3] : memref<2x64xf32, #tpu.memory_space<vmem>>, vector<2x64xf32>
    %get3A_5 = arith.constant 0 : index
    %get3A_6 = arith.constant 0 : index
    %get3A_7 = vector.load %arg3[%get3A_5, %get3A_6] : memref<1x64xf32, #tpu.memory_space<vmem>>, vector<1x64xf32>
    %get3A_8 = arith.constant 0 : index
    %get3A_9 = arith.constant 0 : index
    %get3A_10 = vector.load %arg4[%get3A_8, %get3A_9] : memref<1x64xf32, #tpu.memory_space<vmem>>, vector<1x64xf32>
    %slice3A = vector.extract_strided_slice %get3A_4 {offsets = [0, 0], sizes = [1, 64], strides = [1, 1]} : vector<2x64xf32> to vector<1x64xf32>
    %div3A = arith.constant 3.200000e+05 : f32
    %div3A_11 = vector.broadcast %div3A : f32 to vector<1x64xf32>
    %div3A_12 = arith.divf %slice3A, %div3A_11 : vector<1x64xf32>
    %slice3A_13 = vector.extract_strided_slice %get3A_4 {offsets = [1, 0], sizes = [1, 64], strides = [1, 1]} : vector<2x64xf32> to vector<1x64xf32>
    %div3A_14 = arith.constant 3.200000e+05 : f32
    %div3A_15 = vector.broadcast %div3A_14 : f32 to vector<1x64xf32>
    %div3A_16 = arith.divf %slice3A_13, %div3A_15 : vector<1x64xf32>
    %mul3A = arith.mulf %div3A_12, %div3A_12 : vector<1x64xf32>
    %sub3A = arith.subf %div3A_16, %mul3A : vector<1x64xf32>
    %sub3A_17 = vector.broadcast %div3A_12 : vector<1x64xf32> to vector<2000x64xf32>
    %sub3A_18 = arith.subf %get3A_1, %sub3A_17 : vector<2000x64xf32>
    %add3A = arith.constant 9.99999974E-6 : f32
    %add3A_19 = vector.broadcast %add3A : f32 to vector<1x64xf32>
    %add3A_20 = arith.addf %sub3A, %add3A_19 : vector<1x64xf32>
    %sqrt3A = math.sqrt %add3A_20 : vector<1x64xf32>
    %div3A_21 = vector.broadcast %sqrt3A : vector<1x64xf32> to vector<2000x64xf32>
    %div3A_22 = arith.divf %sub3A_18, %div3A_21 : vector<2000x64xf32>
    %mul3A_23 = vector.broadcast %get3A_7 : vector<1x64xf32> to vector<2000x64xf32>
    %mul3A_24 = arith.mulf %div3A_22, %mul3A_23 : vector<2000x64xf32>
    %add3A_25 = vector.broadcast %get3A_10 : vector<1x64xf32> to vector<2000x64xf32>
    %add3A_26 = arith.addf %mul3A_24, %add3A_25 : vector<2000x64xf32>
    %logistic3A = arith.negf %add3A_26 : vector<2000x64xf32>
    %logistic3A_27 = math.exp %logistic3A : vector<2000x64xf32>
    %logistic3A_28 = arith.constant 1.000000e+00 : f32
    %logistic3A_29 = vector.broadcast %logistic3A_28 : f32 to vector<2000x64xf32>
    %logistic3A_30 = arith.addf %logistic3A_29, %logistic3A_27 : vector<2000x64xf32>
    %logistic3A_31 = arith.divf %logistic3A_29, %logistic3A_30 : vector<2000x64xf32>
    %mul3A_32 = arith.mulf %add3A_26, %logistic3A_31 : vector<2000x64xf32>
    %get3A_33 = arith.constant 0 : index
    %get3A_34 = arith.constant 0 : index
    %get3A_35 = vector.load %arg5[%get3A_33, %get3A_34] : memref<64x32xf32, #tpu.memory_space<vmem>>, vector<64x32xf32>
    %dot_general3A = arith.constant dense<0.000000e+00> : vector<2000x32xf32>
    %dot_general3A_36 = tpu.matmul %mul3A_32, %get3A_35, %dot_general3A {dimension_numbers = #tpu.dot_dimension_numbers<[1], [0], [0], [1], [0, 0, 1, 1], [], []>, transpose_lhs_hint = false} : vector<2000x64xf32>, vector<64x32xf32>, vector<2000x32xf32> -> vector<2000x32xf32>
    %get3A_37 = arith.constant 0 : index
    %get3A_38 = arith.constant 0 : index
    %get3A_39 = vector.load %arg6[%get3A_37, %get3A_38] : memref<1x32xf32, #tpu.memory_space<vmem>>, vector<1x32xf32>
    %add3A_40 = vector.broadcast %get3A_39 : vector<1x32xf32> to vector<2000x32xf32>
    %add3A_41 = arith.addf %dot_general3A_36, %add3A_40 : vector<2000x32xf32>
    %swap3A = arith.constant 0 : index
    %swap3A_42 = arith.constant 0 : index
    %swap3A_43 = vector.load %arg7[%swap3A, %swap3A_42] : memref<2000x32xf32, #tpu.memory_space<vmem>>, vector<2000x32xf32>
    tpu.vector_store %arg7[%swap3A, %swap3A_42], %add3A_41 {strides = array<i32>} : memref<2000x32xf32, #tpu.memory_space<vmem>>, vector<2000x32xf32>,
    %eq3A = arith.constant 0 : i32
    %eq3A_44 = arith.cmpi eq, %arg0, %eq3A : i32
    %convert_element_type3A = arith.extui %eq3A_44 : i1 to i32
    %cond3A = arith.constant 0 : i32
    %cond3A_45 = arith.cmpi ne, %convert_element_type3A, %cond3A : i32
    scf.if %cond3A_45 {
      %broadcast_in_dim3A_58 = arith.constant 0.000000e+00 : f32
      %broadcast_in_dim3A_59 = vector.broadcast %broadcast_in_dim3A_58 : f32 to vector<2x32xf32>
      %swap3A_60 = arith.constant 0 : index
      %swap3A_61 = arith.constant 0 : index
      %swap3A_62 = vector.load %arg8[%swap3A_60, %swap3A_61] : memref<2x32xf32, #tpu.memory_space<vmem>>, vector<2x32xf32>
      tpu.vector_store %arg8[%swap3A_60, %swap3A_61], %broadcast_in_dim3A_59 {strides = array<i32>} : memref<2x32xf32, #tpu.memory_space<vmem>>, vector<2x32xf32>,
    } else {
    }
    %get3A_46 = arith.constant 0 : index
    %get3A_47 = arith.constant 0 : index
    %get3A_48 = vector.load %arg8[%get3A_46, %get3A_47] : memref<2x32xf32, #tpu.memory_space<vmem>>, vector<2x32xf32>
    %reduce_sum3A = arith.constant dense<0.000000e+00> : vector<32xf32>
    %reduce_sum3A_49 = vector.multi_reduction <add>, %add3A_41, %reduce_sum3A [0] : vector<2000x32xf32> to vector<32xf32>
    %broadcast_in_dim3A = vector.shape_cast %reduce_sum3A_49 : vector<32xf32> to vector<1x32xf32>
    %mul3A_50 = arith.mulf %add3A_41, %add3A_41 : vector<2000x32xf32>
    %reduce_sum3A_51 = arith.constant dense<0.000000e+00> : vector<32xf32>
    %reduce_sum3A_52 = vector.multi_reduction <add>, %mul3A_50, %reduce_sum3A_51 [0] : vector<2000x32xf32> to vector<32xf32>
    %broadcast_in_dim3A_53 = vector.shape_cast %reduce_sum3A_52 : vector<32xf32> to vector<1x32xf32>
    %concatenate3A = tpu.concatenate %broadcast_in_dim3A, %broadcast_in_dim3A_53 in 0 : vector<1x32xf32>, vector<1x32xf32> -> vector<2x32xf32>
    %add3A_54 = arith.addf %get3A_48, %concatenate3A : vector<2x32xf32>
    %swap3A_55 = arith.constant 0 : index
    %swap3A_56 = arith.constant 0 : index
    %swap3A_57 = vector.load %arg8[%swap3A_55, %swap3A_56] : memref<2x32xf32, #tpu.memory_space<vmem>>, vector<2x32xf32>
    tpu.vector_store %arg8[%swap3A_55, %swap3A_56], %add3A_54 {strides = array<i32>} : memref<2x32xf32, #tpu.memory_space<vmem>>, vector<2x32xf32>,
    return
  }
  func.func @transform_0(%arg0: i32) -> (i32, i32) {
    %c0_i32 = arith.constant 0 : i32
    %c0_i32_0 = arith.constant 0 : i32
    return %arg0, %c0_i32 : i32, i32
  }
  func.func @transform_1(%arg0: i32) -> (i32, i32) {
    %c0_i32 = arith.constant 0 : i32
    %c0_i32_0 = arith.constant 0 : i32
    %c0_i32_1 = arith.constant 0 : i32
    return %c0_i32, %c0_i32_0 : i32, i32
  }
  func.func @transform_2(%arg0: i32) -> (i32, i32) {
    %c0_i32 = arith.constant 0 : i32
    %c0_i32_0 = arith.constant 0 : i32
    %c0_i32_1 = arith.constant 0 : i32
    return %c0_i32, %c0_i32_0 : i32, i32
  }
  func.func @transform_3(%arg0: i32) -> (i32, i32) {
    %c0_i32 = arith.constant 0 : i32
    %c0_i32_0 = arith.constant 0 : i32
    %c0_i32_1 = arith.constant 0 : i32
    return %c0_i32, %c0_i32_0 : i32, i32
  }
  func.func @transform_4(%arg0: i32) -> (i32, i32) {
    %c0_i32 = arith.constant 0 : i32
    %c0_i32_0 = arith.constant 0 : i32
    %c0_i32_1 = arith.constant 0 : i32
    return %c0_i32, %c0_i32_0 : i32, i32
  }
  func.func @transform_5(%arg0: i32) -> (i32, i32) {
    %c0_i32 = arith.constant 0 : i32
    %c0_i32_0 = arith.constant 0 : i32
    %c0_i32_1 = arith.constant 0 : i32
    return %c0_i32, %c0_i32_0 : i32, i32
  }
  func.func @transform_6(%arg0: i32) -> (i32, i32) {
    %c0_i32 = arith.constant 0 : i32
    %c0_i32_0 = arith.constant 0 : i32
    return %arg0, %c0_i32 : i32, i32
  }
  func.func @transform_7(%arg0: i32) -> (i32, i32) {
    %c0_i32 = arith.constant 0 : i32
    %c0_i32_0 = arith.constant 0 : i32
    %c0_i32_1 = arith.constant 0 : i32
    return %c0_i32, %c0_i32_0 : i32, i32
  }
}

module attributes {stable_mosaic.version = 14 : i64} {
  func.func @kern(%arg0: i32, %arg1: memref<2000x32xf32, #tpu.memory_space<vmem>>, %arg2: memref<2x32xf32, #tpu.memory_space<vmem>>, %arg3: memref<1x32xf32, #tpu.memory_space<vmem>>, %arg4: memref<1x32xf32, #tpu.memory_space<vmem>>, %arg5: memref<32x64xf32, #tpu.memory_space<vmem>>, %arg6: memref<32x32xf32, #tpu.memory_space<vmem>>, %arg7: memref<32x32xf32, #tpu.memory_space<vmem>>, %arg8: memref<2000x64xf32, #tpu.memory_space<vmem>>, %arg9: memref<2000x32xf32, #tpu.memory_space<vmem>>, %arg10: memref<2000x32xf32, #tpu.memory_space<vmem>>) attributes {dimension_semantics = [#tpu.dimension_semantics<arbitrary>], iteration_bounds = array<i64: 160>, scalar_prefetch = 0 : i64, scratch_operands = 0 : i64, tpu.core_type = #tpu.core_type<tc>, window_params = [{transform_indices = @transform_0, window_bounds = array<i64: 2000, 32>}, {pipeline_mode = #tpu.pipeline_mode<synchronous>, transform_indices = @transform_1, window_bounds = array<i64: 2, 32>}, {pipeline_mode = #tpu.pipeline_mode<synchronous>, transform_indices = @transform_2, window_bounds = array<i64: 1, 32>}, {pipeline_mode = #tpu.pipeline_mode<synchronous>, transform_indices = @transform_3, window_bounds = array<i64: 1, 32>}, {pipeline_mode = #tpu.pipeline_mode<synchronous>, transform_indices = @transform_4, window_bounds = array<i64: 32, 64>}, {pipeline_mode = #tpu.pipeline_mode<synchronous>, transform_indices = @transform_5, window_bounds = array<i64: 32, 32>}, {pipeline_mode = #tpu.pipeline_mode<synchronous>, transform_indices = @transform_6, window_bounds = array<i64: 32, 32>}, {transform_indices = @transform_7, window_bounds = array<i64: 2000, 64>}, {transform_indices = @transform_8, window_bounds = array<i64: 2000, 32>}, {transform_indices = @transform_9, window_bounds = array<i64: 2000, 32>}]} {
    %get3A = arith.constant 0 : index
    %get3A_0 = arith.constant 0 : index
    %get3A_1 = vector.load %arg1[%get3A, %get3A_0] : memref<2000x32xf32, #tpu.memory_space<vmem>>, vector<2000x32xf32>
    %get3A_2 = arith.constant 0 : index
    %get3A_3 = arith.constant 0 : index
    %get3A_4 = vector.load %arg2[%get3A_2, %get3A_3] : memref<2x32xf32, #tpu.memory_space<vmem>>, vector<2x32xf32>
    %get3A_5 = arith.constant 0 : index
    %get3A_6 = arith.constant 0 : index
    %get3A_7 = vector.load %arg3[%get3A_5, %get3A_6] : memref<1x32xf32, #tpu.memory_space<vmem>>, vector<1x32xf32>
    %get3A_8 = arith.constant 0 : index
    %get3A_9 = arith.constant 0 : index
    %get3A_10 = vector.load %arg4[%get3A_8, %get3A_9] : memref<1x32xf32, #tpu.memory_space<vmem>>, vector<1x32xf32>
    %slice3A = vector.extract_strided_slice %get3A_4 {offsets = [0, 0], sizes = [1, 32], strides = [1, 1]} : vector<2x32xf32> to vector<1x32xf32>
    %div3A = arith.constant 3.200000e+05 : f32
    %div3A_11 = vector.broadcast %div3A : f32 to vector<1x32xf32>
    %div3A_12 = arith.divf %slice3A, %div3A_11 : vector<1x32xf32>
    %slice3A_13 = vector.extract_strided_slice %get3A_4 {offsets = [1, 0], sizes = [1, 32], strides = [1, 1]} : vector<2x32xf32> to vector<1x32xf32>
    %div3A_14 = arith.constant 3.200000e+05 : f32
    %div3A_15 = vector.broadcast %div3A_14 : f32 to vector<1x32xf32>
    %div3A_16 = arith.divf %slice3A_13, %div3A_15 : vector<1x32xf32>
    %mul3A = arith.mulf %div3A_12, %div3A_12 : vector<1x32xf32>
    %sub3A = arith.subf %div3A_16, %mul3A : vector<1x32xf32>
    %sub3A_17 = vector.broadcast %div3A_12 : vector<1x32xf32> to vector<2000x32xf32>
    %sub3A_18 = arith.subf %get3A_1, %sub3A_17 : vector<2000x32xf32>
    %add3A = arith.constant 9.99999974E-6 : f32
    %add3A_19 = vector.broadcast %add3A : f32 to vector<1x32xf32>
    %add3A_20 = arith.addf %sub3A, %add3A_19 : vector<1x32xf32>
    %sqrt3A = math.sqrt %add3A_20 : vector<1x32xf32>
    %div3A_21 = vector.broadcast %sqrt3A : vector<1x32xf32> to vector<2000x32xf32>
    %div3A_22 = arith.divf %sub3A_18, %div3A_21 : vector<2000x32xf32>
    %mul3A_23 = vector.broadcast %get3A_7 : vector<1x32xf32> to vector<2000x32xf32>
    %mul3A_24 = arith.mulf %div3A_22, %mul3A_23 : vector<2000x32xf32>
    %add3A_25 = vector.broadcast %get3A_10 : vector<1x32xf32> to vector<2000x32xf32>
    %add3A_26 = arith.addf %mul3A_24, %add3A_25 : vector<2000x32xf32>
    %logistic3A = arith.negf %add3A_26 : vector<2000x32xf32>
    %logistic3A_27 = math.exp %logistic3A : vector<2000x32xf32>
    %logistic3A_28 = arith.constant 1.000000e+00 : f32
    %logistic3A_29 = vector.broadcast %logistic3A_28 : f32 to vector<2000x32xf32>
    %logistic3A_30 = arith.addf %logistic3A_29, %logistic3A_27 : vector<2000x32xf32>
    %logistic3A_31 = arith.divf %logistic3A_29, %logistic3A_30 : vector<2000x32xf32>
    %mul3A_32 = arith.mulf %add3A_26, %logistic3A_31 : vector<2000x32xf32>
    %get3A_33 = arith.constant 0 : index
    %get3A_34 = arith.constant 0 : index
    %get3A_35 = vector.load %arg5[%get3A_33, %get3A_34] : memref<32x64xf32, #tpu.memory_space<vmem>>, vector<32x64xf32>
    %dot_general3A = arith.constant dense<0.000000e+00> : vector<2000x64xf32>
    %dot_general3A_36 = tpu.matmul %mul3A_32, %get3A_35, %dot_general3A {dimension_numbers = #tpu.dot_dimension_numbers<[1], [0], [0], [1], [0, 0, 1, 1], [], []>, transpose_lhs_hint = false} : vector<2000x32xf32>, vector<32x64xf32>, vector<2000x64xf32> -> vector<2000x64xf32>
    %swap3A = arith.constant 0 : index
    %swap3A_37 = arith.constant 0 : index
    %swap3A_38 = vector.load %arg8[%swap3A, %swap3A_37] : memref<2000x64xf32, #tpu.memory_space<vmem>>, vector<2000x64xf32>
    tpu.vector_store %arg8[%swap3A, %swap3A_37], %dot_general3A_36 {strides = array<i32>} : memref<2000x64xf32, #tpu.memory_space<vmem>>, vector<2000x64xf32>,
    %get3A_39 = arith.constant 0 : index
    %get3A_40 = arith.constant 0 : index
    %get3A_41 = vector.load %arg6[%get3A_39, %get3A_40] : memref<32x32xf32, #tpu.memory_space<vmem>>, vector<32x32xf32>
    %dot_general3A_42 = arith.constant dense<0.000000e+00> : vector<2000x32xf32>
    %dot_general3A_43 = tpu.matmul %mul3A_32, %get3A_41, %dot_general3A_42 {dimension_numbers = #tpu.dot_dimension_numbers<[1], [0], [0], [1], [0, 0, 1, 1], [], []>, transpose_lhs_hint = false} : vector<2000x32xf32>, vector<32x32xf32>, vector<2000x32xf32> -> vector<2000x32xf32>
    %swap3A_44 = arith.constant 0 : index
    %swap3A_45 = arith.constant 0 : index
    %swap3A_46 = vector.load %arg9[%swap3A_44, %swap3A_45] : memref<2000x32xf32, #tpu.memory_space<vmem>>, vector<2000x32xf32>
    tpu.vector_store %arg9[%swap3A_44, %swap3A_45], %dot_general3A_43 {strides = array<i32>} : memref<2000x32xf32, #tpu.memory_space<vmem>>, vector<2000x32xf32>,
    %get3A_47 = arith.constant 0 : index
    %get3A_48 = arith.constant 0 : index
    %get3A_49 = vector.load %arg7[%get3A_47, %get3A_48] : memref<32x32xf32, #tpu.memory_space<vmem>>, vector<32x32xf32>
    %dot_general3A_50 = arith.constant dense<0.000000e+00> : vector<2000x32xf32>
    %dot_general3A_51 = tpu.matmul %mul3A_32, %get3A_49, %dot_general3A_50 {dimension_numbers = #tpu.dot_dimension_numbers<[1], [0], [0], [1], [0, 0, 1, 1], [], []>, transpose_lhs_hint = false} : vector<2000x32xf32>, vector<32x32xf32>, vector<2000x32xf32> -> vector<2000x32xf32>
    %swap3A_52 = arith.constant 0 : index
    %swap3A_53 = arith.constant 0 : index
    %swap3A_54 = vector.load %arg10[%swap3A_52, %swap3A_53] : memref<2000x32xf32, #tpu.memory_space<vmem>>, vector<2000x32xf32>
    tpu.vector_store %arg10[%swap3A_52, %swap3A_53], %dot_general3A_51 {strides = array<i32>} : memref<2000x32xf32, #tpu.memory_space<vmem>>, vector<2000x32xf32>,
    return
  }
  func.func @transform_0(%arg0: i32) -> (i32, i32) {
    %c0_i32 = arith.constant 0 : i32
    %c0_i32_0 = arith.constant 0 : i32
    return %arg0, %c0_i32 : i32, i32
  }
  func.func @transform_1(%arg0: i32) -> (i32, i32) {
    %c0_i32 = arith.constant 0 : i32
    %c0_i32_0 = arith.constant 0 : i32
    %c0_i32_1 = arith.constant 0 : i32
    return %c0_i32, %c0_i32_0 : i32, i32
  }
  func.func @transform_2(%arg0: i32) -> (i32, i32) {
    %c0_i32 = arith.constant 0 : i32
    %c0_i32_0 = arith.constant 0 : i32
    %c0_i32_1 = arith.constant 0 : i32
    return %c0_i32, %c0_i32_0 : i32, i32
  }
  func.func @transform_3(%arg0: i32) -> (i32, i32) {
    %c0_i32 = arith.constant 0 : i32
    %c0_i32_0 = arith.constant 0 : i32
    %c0_i32_1 = arith.constant 0 : i32
    return %c0_i32, %c0_i32_0 : i32, i32
  }
  func.func @transform_4(%arg0: i32) -> (i32, i32) {
    %c0_i32 = arith.constant 0 : i32
    %c0_i32_0 = arith.constant 0 : i32
    %c0_i32_1 = arith.constant 0 : i32
    return %c0_i32, %c0_i32_0 : i32, i32
  }
  func.func @transform_5(%arg0: i32) -> (i32, i32) {
    %c0_i32 = arith.constant 0 : i32
    %c0_i32_0 = arith.constant 0 : i32
    %c0_i32_1 = arith.constant 0 : i32
    return %c0_i32, %c0_i32_0 : i32, i32
  }
  func.func @transform_6(%arg0: i32) -> (i32, i32) {
    %c0_i32 = arith.constant 0 : i32
    %c0_i32_0 = arith.constant 0 : i32
    %c0_i32_1 = arith.constant 0 : i32
    return %c0_i32, %c0_i32_0 : i32, i32
  }
  func.func @transform_7(%arg0: i32) -> (i32, i32) {
    %c0_i32 = arith.constant 0 : i32
    %c0_i32_0 = arith.constant 0 : i32
    return %arg0, %c0_i32 : i32, i32
  }
  func.func @transform_8(%arg0: i32) -> (i32, i32) {
    %c0_i32 = arith.constant 0 : i32
    %c0_i32_0 = arith.constant 0 : i32
    return %arg0, %c0_i32 : i32, i32
  }
  func.func @transform_9(%arg0: i32) -> (i32, i32) {
    %c0_i32 = arith.constant 0 : i32
    %c0_i32_0 = arith.constant 0 : i32
    return %arg0, %c0_i32 : i32, i32
  }
}

module attributes {stable_mosaic.version = 14 : i64} {
  func.func @kern(%arg0: i32, %arg1: memref<2000x64xf32, #tpu.memory_space<vmem>>, %arg2: memref<2x64xf32, #tpu.memory_space<vmem>>, %arg3: memref<1x64xf32, #tpu.memory_space<vmem>>, %arg4: memref<1x64xf32, #tpu.memory_space<vmem>>, %arg5: memref<64x32xf32, #tpu.memory_space<vmem>>, %arg6: memref<1x32xf32, #tpu.memory_space<vmem>>, %arg7: memref<2000x32xf32, #tpu.memory_space<vmem>>, %arg8: memref<2x32xf32, #tpu.memory_space<vmem>>) attributes {dimension_semantics = [#tpu.dimension_semantics<arbitrary>], iteration_bounds = array<i64: 5>, scalar_prefetch = 0 : i64, scratch_operands = 0 : i64, tpu.core_type = #tpu.core_type<tc>, window_params = [{transform_indices = @transform_0, window_bounds = array<i64: 2000, 64>}, {pipeline_mode = #tpu.pipeline_mode<synchronous>, transform_indices = @transform_1, window_bounds = array<i64: 2, 64>}, {pipeline_mode = #tpu.pipeline_mode<synchronous>, transform_indices = @transform_2, window_bounds = array<i64: 1, 64>}, {pipeline_mode = #tpu.pipeline_mode<synchronous>, transform_indices = @transform_3, window_bounds = array<i64: 1, 64>}, {pipeline_mode = #tpu.pipeline_mode<synchronous>, transform_indices = @transform_4, window_bounds = array<i64: 64, 32>}, {pipeline_mode = #tpu.pipeline_mode<synchronous>, transform_indices = @transform_5, window_bounds = array<i64: 1, 32>}, {transform_indices = @transform_6, window_bounds = array<i64: 2000, 32>}, {pipeline_mode = #tpu.pipeline_mode<synchronous>, transform_indices = @transform_7, window_bounds = array<i64: 2, 32>}]} {
    %get3A = arith.constant 0 : index
    %get3A_0 = arith.constant 0 : index
    %get3A_1 = vector.load %arg1[%get3A, %get3A_0] : memref<2000x64xf32, #tpu.memory_space<vmem>>, vector<2000x64xf32>
    %get3A_2 = arith.constant 0 : index
    %get3A_3 = arith.constant 0 : index
    %get3A_4 = vector.load %arg2[%get3A_2, %get3A_3] : memref<2x64xf32, #tpu.memory_space<vmem>>, vector<2x64xf32>
    %get3A_5 = arith.constant 0 : index
    %get3A_6 = arith.constant 0 : index
    %get3A_7 = vector.load %arg3[%get3A_5, %get3A_6] : memref<1x64xf32, #tpu.memory_space<vmem>>, vector<1x64xf32>
    %get3A_8 = arith.constant 0 : index
    %get3A_9 = arith.constant 0 : index
    %get3A_10 = vector.load %arg4[%get3A_8, %get3A_9] : memref<1x64xf32, #tpu.memory_space<vmem>>, vector<1x64xf32>
    %slice3A = vector.extract_strided_slice %get3A_4 {offsets = [0, 0], sizes = [1, 64], strides = [1, 1]} : vector<2x64xf32> to vector<1x64xf32>
    %div3A = arith.constant 1.000000e+04 : f32
    %div3A_11 = vector.broadcast %div3A : f32 to vector<1x64xf32>
    %div3A_12 = arith.divf %slice3A, %div3A_11 : vector<1x64xf32>
    %slice3A_13 = vector.extract_strided_slice %get3A_4 {offsets = [1, 0], sizes = [1, 64], strides = [1, 1]} : vector<2x64xf32> to vector<1x64xf32>
    %div3A_14 = arith.constant 1.000000e+04 : f32
    %div3A_15 = vector.broadcast %div3A_14 : f32 to vector<1x64xf32>
    %div3A_16 = arith.divf %slice3A_13, %div3A_15 : vector<1x64xf32>
    %mul3A = arith.mulf %div3A_12, %div3A_12 : vector<1x64xf32>
    %sub3A = arith.subf %div3A_16, %mul3A : vector<1x64xf32>
    %sub3A_17 = vector.broadcast %div3A_12 : vector<1x64xf32> to vector<2000x64xf32>
    %sub3A_18 = arith.subf %get3A_1, %sub3A_17 : vector<2000x64xf32>
    %add3A = arith.constant 9.99999974E-6 : f32
    %add3A_19 = vector.broadcast %add3A : f32 to vector<1x64xf32>
    %add3A_20 = arith.addf %sub3A, %add3A_19 : vector<1x64xf32>
    %sqrt3A = math.sqrt %add3A_20 : vector<1x64xf32>
    %div3A_21 = vector.broadcast %sqrt3A : vector<1x64xf32> to vector<2000x64xf32>
    %div3A_22 = arith.divf %sub3A_18, %div3A_21 : vector<2000x64xf32>
    %mul3A_23 = vector.broadcast %get3A_7 : vector<1x64xf32> to vector<2000x64xf32>
    %mul3A_24 = arith.mulf %div3A_22, %mul3A_23 : vector<2000x64xf32>
    %add3A_25 = vector.broadcast %get3A_10 : vector<1x64xf32> to vector<2000x64xf32>
    %add3A_26 = arith.addf %mul3A_24, %add3A_25 : vector<2000x64xf32>
    %logistic3A = arith.negf %add3A_26 : vector<2000x64xf32>
    %logistic3A_27 = math.exp %logistic3A : vector<2000x64xf32>
    %logistic3A_28 = arith.constant 1.000000e+00 : f32
    %logistic3A_29 = vector.broadcast %logistic3A_28 : f32 to vector<2000x64xf32>
    %logistic3A_30 = arith.addf %logistic3A_29, %logistic3A_27 : vector<2000x64xf32>
    %logistic3A_31 = arith.divf %logistic3A_29, %logistic3A_30 : vector<2000x64xf32>
    %mul3A_32 = arith.mulf %add3A_26, %logistic3A_31 : vector<2000x64xf32>
    %get3A_33 = arith.constant 0 : index
    %get3A_34 = arith.constant 0 : index
    %get3A_35 = vector.load %arg5[%get3A_33, %get3A_34] : memref<64x32xf32, #tpu.memory_space<vmem>>, vector<64x32xf32>
    %dot_general3A = arith.constant dense<0.000000e+00> : vector<2000x32xf32>
    %dot_general3A_36 = tpu.matmul %mul3A_32, %get3A_35, %dot_general3A {dimension_numbers = #tpu.dot_dimension_numbers<[1], [0], [0], [1], [0, 0, 1, 1], [], []>, transpose_lhs_hint = false} : vector<2000x64xf32>, vector<64x32xf32>, vector<2000x32xf32> -> vector<2000x32xf32>
    %get3A_37 = arith.constant 0 : index
    %get3A_38 = arith.constant 0 : index
    %get3A_39 = vector.load %arg6[%get3A_37, %get3A_38] : memref<1x32xf32, #tpu.memory_space<vmem>>, vector<1x32xf32>
    %add3A_40 = vector.broadcast %get3A_39 : vector<1x32xf32> to vector<2000x32xf32>
    %add3A_41 = arith.addf %dot_general3A_36, %add3A_40 : vector<2000x32xf32>
    %swap3A = arith.constant 0 : index
    %swap3A_42 = arith.constant 0 : index
    %swap3A_43 = vector.load %arg7[%swap3A, %swap3A_42] : memref<2000x32xf32, #tpu.memory_space<vmem>>, vector<2000x32xf32>
    tpu.vector_store %arg7[%swap3A, %swap3A_42], %add3A_41 {strides = array<i32>} : memref<2000x32xf32, #tpu.memory_space<vmem>>, vector<2000x32xf32>,
    %eq3A = arith.constant 0 : i32
    %eq3A_44 = arith.cmpi eq, %arg0, %eq3A : i32
    %convert_element_type3A = arith.extui %eq3A_44 : i1 to i32
    %cond3A = arith.constant 0 : i32
    %cond3A_45 = arith.cmpi ne, %convert_element_type3A, %cond3A : i32
    scf.if %cond3A_45 {
      %broadcast_in_dim3A_58 = arith.constant 0.000000e+00 : f32
      %broadcast_in_dim3A_59 = vector.broadcast %broadcast_in_dim3A_58 : f32 to vector<2x32xf32>
      %swap3A_60 = arith.constant 0 : index
      %swap3A_61 = arith.constant 0 : index
      %swap3A_62 = vector.load %arg8[%swap3A_60, %swap3A_61] : memref<2x32xf32, #tpu.memory_space<vmem>>, vector<2x32xf32>
      tpu.vector_store %arg8[%swap3A_60, %swap3A_61], %broadcast_in_dim3A_59 {strides = array<i32>} : memref<2x32xf32, #tpu.memory_space<vmem>>, vector<2x32xf32>,
    } else {
    }
    %get3A_46 = arith.constant 0 : index
    %get3A_47 = arith.constant 0 : index
    %get3A_48 = vector.load %arg8[%get3A_46, %get3A_47] : memref<2x32xf32, #tpu.memory_space<vmem>>, vector<2x32xf32>
    %reduce_sum3A = arith.constant dense<0.000000e+00> : vector<32xf32>
    %reduce_sum3A_49 = vector.multi_reduction <add>, %add3A_41, %reduce_sum3A [0] : vector<2000x32xf32> to vector<32xf32>
    %broadcast_in_dim3A = vector.shape_cast %reduce_sum3A_49 : vector<32xf32> to vector<1x32xf32>
    %mul3A_50 = arith.mulf %add3A_41, %add3A_41 : vector<2000x32xf32>
    %reduce_sum3A_51 = arith.constant dense<0.000000e+00> : vector<32xf32>
    %reduce_sum3A_52 = vector.multi_reduction <add>, %mul3A_50, %reduce_sum3A_51 [0] : vector<2000x32xf32> to vector<32xf32>
    %broadcast_in_dim3A_53 = vector.shape_cast %reduce_sum3A_52 : vector<32xf32> to vector<1x32xf32>
    %concatenate3A = tpu.concatenate %broadcast_in_dim3A, %broadcast_in_dim3A_53 in 0 : vector<1x32xf32>, vector<1x32xf32> -> vector<2x32xf32>
    %add3A_54 = arith.addf %get3A_48, %concatenate3A : vector<2x32xf32>
    %swap3A_55 = arith.constant 0 : index
    %swap3A_56 = arith.constant 0 : index
    %swap3A_57 = vector.load %arg8[%swap3A_55, %swap3A_56] : memref<2x32xf32, #tpu.memory_space<vmem>>, vector<2x32xf32>
    tpu.vector_store %arg8[%swap3A_55, %swap3A_56], %add3A_54 {strides = array<i32>} : memref<2x32xf32, #tpu.memory_space<vmem>>, vector<2x32xf32>,
    return
  }
  func.func @transform_0(%arg0: i32) -> (i32, i32) {
    %c0_i32 = arith.constant 0 : i32
    %c0_i32_0 = arith.constant 0 : i32
    return %arg0, %c0_i32 : i32, i32
  }
  func.func @transform_1(%arg0: i32) -> (i32, i32) {
    %c0_i32 = arith.constant 0 : i32
    %c0_i32_0 = arith.constant 0 : i32
    %c0_i32_1 = arith.constant 0 : i32
    return %c0_i32, %c0_i32_0 : i32, i32
  }
  func.func @transform_2(%arg0: i32) -> (i32, i32) {
    %c0_i32 = arith.constant 0 : i32
    %c0_i32_0 = arith.constant 0 : i32
    %c0_i32_1 = arith.constant 0 : i32
    return %c0_i32, %c0_i32_0 : i32, i32
  }
  func.func @transform_3(%arg0: i32) -> (i32, i32) {
    %c0_i32 = arith.constant 0 : i32
    %c0_i32_0 = arith.constant 0 : i32
    %c0_i32_1 = arith.constant 0 : i32
    return %c0_i32, %c0_i32_0 : i32, i32
  }
  func.func @transform_4(%arg0: i32) -> (i32, i32) {
    %c0_i32 = arith.constant 0 : i32
    %c0_i32_0 = arith.constant 0 : i32
    %c0_i32_1 = arith.constant 0 : i32
    return %c0_i32, %c0_i32_0 : i32, i32
  }
  func.func @transform_5(%arg0: i32) -> (i32, i32) {
    %c0_i32 = arith.constant 0 : i32
    %c0_i32_0 = arith.constant 0 : i32
    %c0_i32_1 = arith.constant 0 : i32
    return %c0_i32, %c0_i32_0 : i32, i32
  }
  func.func @transform_6(%arg0: i32) -> (i32, i32) {
    %c0_i32 = arith.constant 0 : i32
    %c0_i32_0 = arith.constant 0 : i32
    return %arg0, %c0_i32 : i32, i32
  }
  func.func @transform_7(%arg0: i32) -> (i32, i32) {
    %c0_i32 = arith.constant 0 : i32
    %c0_i32_0 = arith.constant 0 : i32
    %c0_i32_1 = arith.constant 0 : i32
    return %c0_i32, %c0_i32_0 : i32, i32
  }
}

module attributes {stable_mosaic.version = 14 : i64} {
  func.func @kern(%arg0: i32, %arg1: memref<2000x128xf32, #tpu.memory_space<vmem>>, %arg2: memref<128x64xf32, #tpu.memory_space<vmem>>, %arg3: memref<1x64xf32, #tpu.memory_space<vmem>>, %arg4: memref<2000x64xf32, #tpu.memory_space<vmem>>, %arg5: memref<2x64xf32, #tpu.memory_space<vmem>>) attributes {dimension_semantics = [#tpu.dimension_semantics<arbitrary>], iteration_bounds = array<i64: 5>, scalar_prefetch = 0 : i64, scratch_operands = 0 : i64, tpu.core_type = #tpu.core_type<tc>, window_params = [{transform_indices = @transform_0, window_bounds = array<i64: 2000, 128>}, {pipeline_mode = #tpu.pipeline_mode<synchronous>, transform_indices = @transform_1, window_bounds = array<i64: 128, 64>}, {pipeline_mode = #tpu.pipeline_mode<synchronous>, transform_indices = @transform_2, window_bounds = array<i64: 1, 64>}, {transform_indices = @transform_3, window_bounds = array<i64: 2000, 64>}, {pipeline_mode = #tpu.pipeline_mode<synchronous>, transform_indices = @transform_4, window_bounds = array<i64: 2, 64>}]} {
    %get3A = arith.constant 0 : index
    %get3A_0 = arith.constant 0 : index
    %get3A_1 = vector.load %arg1[%get3A, %get3A_0] : memref<2000x128xf32, #tpu.memory_space<vmem>>, vector<2000x128xf32>
    %get3A_2 = arith.constant 0 : index
    %get3A_3 = arith.constant 0 : index
    %get3A_4 = vector.load %arg2[%get3A_2, %get3A_3] : memref<128x64xf32, #tpu.memory_space<vmem>>, vector<128x64xf32>
    %dot_general3A = arith.constant dense<0.000000e+00> : vector<2000x64xf32>
    %dot_general3A_5 = tpu.matmul %get3A_1, %get3A_4, %dot_general3A {dimension_numbers = #tpu.dot_dimension_numbers<[1], [0], [0], [1], [0, 0, 1, 1], [], []>, transpose_lhs_hint = false} : vector<2000x128xf32>, vector<128x64xf32>, vector<2000x64xf32> -> vector<2000x64xf32>
    %get3A_6 = arith.constant 0 : index
    %get3A_7 = arith.constant 0 : index
    %get3A_8 = vector.load %arg3[%get3A_6, %get3A_7] : memref<1x64xf32, #tpu.memory_space<vmem>>, vector<1x64xf32>
    %add3A = vector.broadcast %get3A_8 : vector<1x64xf32> to vector<2000x64xf32>
    %add3A_9 = arith.addf %dot_general3A_5, %add3A : vector<2000x64xf32>
    %swap3A = arith.constant 0 : index
    %swap3A_10 = arith.constant 0 : index
    %swap3A_11 = vector.load %arg4[%swap3A, %swap3A_10] : memref<2000x64xf32, #tpu.memory_space<vmem>>, vector<2000x64xf32>
    tpu.vector_store %arg4[%swap3A, %swap3A_10], %add3A_9 {strides = array<i32>} : memref<2000x64xf32, #tpu.memory_space<vmem>>, vector<2000x64xf32>,
    %eq3A = arith.constant 0 : i32
    %eq3A_12 = arith.cmpi eq, %arg0, %eq3A : i32
    %convert_element_type3A = arith.extui %eq3A_12 : i1 to i32
    %cond3A = arith.constant 0 : i32
    %cond3A_13 = arith.cmpi ne, %convert_element_type3A, %cond3A : i32
    scf.if %cond3A_13 {
      %broadcast_in_dim3A_25 = arith.constant 0.000000e+00 : f32
      %broadcast_in_dim3A_26 = vector.broadcast %broadcast_in_dim3A_25 : f32 to vector<2x64xf32>
      %swap3A_27 = arith.constant 0 : index
      %swap3A_28 = arith.constant 0 : index
      %swap3A_29 = vector.load %arg5[%swap3A_27, %swap3A_28] : memref<2x64xf32, #tpu.memory_space<vmem>>, vector<2x64xf32>
      tpu.vector_store %arg5[%swap3A_27, %swap3A_28], %broadcast_in_dim3A_26 {strides = array<i32>} : memref<2x64xf32, #tpu.memory_space<vmem>>, vector<2x64xf32>,
    } else {
    }
    %get3A_14 = arith.constant 0 : index
    %get3A_15 = arith.constant 0 : index
    %get3A_16 = vector.load %arg5[%get3A_14, %get3A_15] : memref<2x64xf32, #tpu.memory_space<vmem>>, vector<2x64xf32>
    %reduce_sum3A = arith.constant dense<0.000000e+00> : vector<64xf32>
    %reduce_sum3A_17 = vector.multi_reduction <add>, %add3A_9, %reduce_sum3A [0] : vector<2000x64xf32> to vector<64xf32>
    %broadcast_in_dim3A = vector.shape_cast %reduce_sum3A_17 : vector<64xf32> to vector<1x64xf32>
    %mul3A = arith.mulf %add3A_9, %add3A_9 : vector<2000x64xf32>
    %reduce_sum3A_18 = arith.constant dense<0.000000e+00> : vector<64xf32>
    %reduce_sum3A_19 = vector.multi_reduction <add>, %mul3A, %reduce_sum3A_18 [0] : vector<2000x64xf32> to vector<64xf32>
    %broadcast_in_dim3A_20 = vector.shape_cast %reduce_sum3A_19 : vector<64xf32> to vector<1x64xf32>
    %concatenate3A = tpu.concatenate %broadcast_in_dim3A, %broadcast_in_dim3A_20 in 0 : vector<1x64xf32>, vector<1x64xf32> -> vector<2x64xf32>
    %add3A_21 = arith.addf %get3A_16, %concatenate3A : vector<2x64xf32>
    %swap3A_22 = arith.constant 0 : index
    %swap3A_23 = arith.constant 0 : index
    %swap3A_24 = vector.load %arg5[%swap3A_22, %swap3A_23] : memref<2x64xf32, #tpu.memory_space<vmem>>, vector<2x64xf32>
    tpu.vector_store %arg5[%swap3A_22, %swap3A_23], %add3A_21 {strides = array<i32>} : memref<2x64xf32, #tpu.memory_space<vmem>>, vector<2x64xf32>,
    return
  }
  func.func @transform_0(%arg0: i32) -> (i32, i32) {
    %c0_i32 = arith.constant 0 : i32
    %c0_i32_0 = arith.constant 0 : i32
    return %arg0, %c0_i32 : i32, i32
  }
  func.func @transform_1(%arg0: i32) -> (i32, i32) {
    %c0_i32 = arith.constant 0 : i32
    %c0_i32_0 = arith.constant 0 : i32
    %c0_i32_1 = arith.constant 0 : i32
    return %c0_i32, %c0_i32_0 : i32, i32
  }
  func.func @transform_2(%arg0: i32) -> (i32, i32) {
    %c0_i32 = arith.constant 0 : i32
    %c0_i32_0 = arith.constant 0 : i32
    %c0_i32_1 = arith.constant 0 : i32
    return %c0_i32, %c0_i32_0 : i32, i32
  }
  func.func @transform_3(%arg0: i32) -> (i32, i32) {
    %c0_i32 = arith.constant 0 : i32
    %c0_i32_0 = arith.constant 0 : i32
    return %arg0, %c0_i32 : i32, i32
  }
  func.func @transform_4(%arg0: i32) -> (i32, i32) {
    %c0_i32 = arith.constant 0 : i32
    %c0_i32_0 = arith.constant 0 : i32
    %c0_i32_1 = arith.constant 0 : i32
    return %c0_i32, %c0_i32_0 : i32, i32
  }
}

module attributes {stable_mosaic.version = 14 : i64} {
  func.func @kern(%arg0: i32, %arg1: memref<2000x32xf32, #tpu.memory_space<vmem>>, %arg2: memref<2x32xf32, #tpu.memory_space<vmem>>, %arg3: memref<1x32xf32, #tpu.memory_space<vmem>>, %arg4: memref<1x32xf32, #tpu.memory_space<vmem>>, %arg5: memref<32x64xf32, #tpu.memory_space<vmem>>, %arg6: memref<32x32xf32, #tpu.memory_space<vmem>>, %arg7: memref<32x32xf32, #tpu.memory_space<vmem>>, %arg8: memref<2000x64xf32, #tpu.memory_space<vmem>>, %arg9: memref<2000x32xf32, #tpu.memory_space<vmem>>, %arg10: memref<2000x32xf32, #tpu.memory_space<vmem>>) attributes {dimension_semantics = [#tpu.dimension_semantics<arbitrary>], iteration_bounds = array<i64: 5>, scalar_prefetch = 0 : i64, scratch_operands = 0 : i64, tpu.core_type = #tpu.core_type<tc>, window_params = [{transform_indices = @transform_0, window_bounds = array<i64: 2000, 32>}, {pipeline_mode = #tpu.pipeline_mode<synchronous>, transform_indices = @transform_1, window_bounds = array<i64: 2, 32>}, {pipeline_mode = #tpu.pipeline_mode<synchronous>, transform_indices = @transform_2, window_bounds = array<i64: 1, 32>}, {pipeline_mode = #tpu.pipeline_mode<synchronous>, transform_indices = @transform_3, window_bounds = array<i64: 1, 32>}, {pipeline_mode = #tpu.pipeline_mode<synchronous>, transform_indices = @transform_4, window_bounds = array<i64: 32, 64>}, {pipeline_mode = #tpu.pipeline_mode<synchronous>, transform_indices = @transform_5, window_bounds = array<i64: 32, 32>}, {pipeline_mode = #tpu.pipeline_mode<synchronous>, transform_indices = @transform_6, window_bounds = array<i64: 32, 32>}, {transform_indices = @transform_7, window_bounds = array<i64: 2000, 64>}, {transform_indices = @transform_8, window_bounds = array<i64: 2000, 32>}, {transform_indices = @transform_9, window_bounds = array<i64: 2000, 32>}]} {
    %get3A = arith.constant 0 : index
    %get3A_0 = arith.constant 0 : index
    %get3A_1 = vector.load %arg1[%get3A, %get3A_0] : memref<2000x32xf32, #tpu.memory_space<vmem>>, vector<2000x32xf32>
    %get3A_2 = arith.constant 0 : index
    %get3A_3 = arith.constant 0 : index
    %get3A_4 = vector.load %arg2[%get3A_2, %get3A_3] : memref<2x32xf32, #tpu.memory_space<vmem>>, vector<2x32xf32>
    %get3A_5 = arith.constant 0 : index
    %get3A_6 = arith.constant 0 : index
    %get3A_7 = vector.load %arg3[%get3A_5, %get3A_6] : memref<1x32xf32, #tpu.memory_space<vmem>>, vector<1x32xf32>
    %get3A_8 = arith.constant 0 : index
    %get3A_9 = arith.constant 0 : index
    %get3A_10 = vector.load %arg4[%get3A_8, %get3A_9] : memref<1x32xf32, #tpu.memory_space<vmem>>, vector<1x32xf32>
    %slice3A = vector.extract_strided_slice %get3A_4 {offsets = [0, 0], sizes = [1, 32], strides = [1, 1]} : vector<2x32xf32> to vector<1x32xf32>
    %div3A = arith.constant 1.000000e+04 : f32
    %div3A_11 = vector.broadcast %div3A : f32 to vector<1x32xf32>
    %div3A_12 = arith.divf %slice3A, %div3A_11 : vector<1x32xf32>
    %slice3A_13 = vector.extract_strided_slice %get3A_4 {offsets = [1, 0], sizes = [1, 32], strides = [1, 1]} : vector<2x32xf32> to vector<1x32xf32>
    %div3A_14 = arith.constant 1.000000e+04 : f32
    %div3A_15 = vector.broadcast %div3A_14 : f32 to vector<1x32xf32>
    %div3A_16 = arith.divf %slice3A_13, %div3A_15 : vector<1x32xf32>
    %mul3A = arith.mulf %div3A_12, %div3A_12 : vector<1x32xf32>
    %sub3A = arith.subf %div3A_16, %mul3A : vector<1x32xf32>
    %sub3A_17 = vector.broadcast %div3A_12 : vector<1x32xf32> to vector<2000x32xf32>
    %sub3A_18 = arith.subf %get3A_1, %sub3A_17 : vector<2000x32xf32>
    %add3A = arith.constant 9.99999974E-6 : f32
    %add3A_19 = vector.broadcast %add3A : f32 to vector<1x32xf32>
    %add3A_20 = arith.addf %sub3A, %add3A_19 : vector<1x32xf32>
    %sqrt3A = math.sqrt %add3A_20 : vector<1x32xf32>
    %div3A_21 = vector.broadcast %sqrt3A : vector<1x32xf32> to vector<2000x32xf32>
    %div3A_22 = arith.divf %sub3A_18, %div3A_21 : vector<2000x32xf32>
    %mul3A_23 = vector.broadcast %get3A_7 : vector<1x32xf32> to vector<2000x32xf32>
    %mul3A_24 = arith.mulf %div3A_22, %mul3A_23 : vector<2000x32xf32>
    %add3A_25 = vector.broadcast %get3A_10 : vector<1x32xf32> to vector<2000x32xf32>
    %add3A_26 = arith.addf %mul3A_24, %add3A_25 : vector<2000x32xf32>
    %logistic3A = arith.negf %add3A_26 : vector<2000x32xf32>
    %logistic3A_27 = math.exp %logistic3A : vector<2000x32xf32>
    %logistic3A_28 = arith.constant 1.000000e+00 : f32
    %logistic3A_29 = vector.broadcast %logistic3A_28 : f32 to vector<2000x32xf32>
    %logistic3A_30 = arith.addf %logistic3A_29, %logistic3A_27 : vector<2000x32xf32>
    %logistic3A_31 = arith.divf %logistic3A_29, %logistic3A_30 : vector<2000x32xf32>
    %mul3A_32 = arith.mulf %add3A_26, %logistic3A_31 : vector<2000x32xf32>
    %get3A_33 = arith.constant 0 : index
    %get3A_34 = arith.constant 0 : index
    %get3A_35 = vector.load %arg5[%get3A_33, %get3A_34] : memref<32x64xf32, #tpu.memory_space<vmem>>, vector<32x64xf32>
    %dot_general3A = arith.constant dense<0.000000e+00> : vector<2000x64xf32>
    %dot_general3A_36 = tpu.matmul %mul3A_32, %get3A_35, %dot_general3A {dimension_numbers = #tpu.dot_dimension_numbers<[1], [0], [0], [1], [0, 0, 1, 1], [], []>, transpose_lhs_hint = false} : vector<2000x32xf32>, vector<32x64xf32>, vector<2000x64xf32> -> vector<2000x64xf32>
    %swap3A = arith.constant 0 : index
    %swap3A_37 = arith.constant 0 : index
    %swap3A_38 = vector.load %arg8[%swap3A, %swap3A_37] : memref<2000x64xf32, #tpu.memory_space<vmem>>, vector<2000x64xf32>
    tpu.vector_store %arg8[%swap3A, %swap3A_37], %dot_general3A_36 {strides = array<i32>} : memref<2000x64xf32, #tpu.memory_space<vmem>>, vector<2000x64xf32>,
    %get3A_39 = arith.constant 0 : index
    %get3A_40 = arith.constant 0 : index
    %get3A_41 = vector.load %arg6[%get3A_39, %get3A_40] : memref<32x32xf32, #tpu.memory_space<vmem>>, vector<32x32xf32>
    %dot_general3A_42 = arith.constant dense<0.000000e+00> : vector<2000x32xf32>
    %dot_general3A_43 = tpu.matmul %mul3A_32, %get3A_41, %dot_general3A_42 {dimension_numbers = #tpu.dot_dimension_numbers<[1], [0], [0], [1], [0, 0, 1, 1], [], []>, transpose_lhs_hint = false} : vector<2000x32xf32>, vector<32x32xf32>, vector<2000x32xf32> -> vector<2000x32xf32>
    %swap3A_44 = arith.constant 0 : index
    %swap3A_45 = arith.constant 0 : index
    %swap3A_46 = vector.load %arg9[%swap3A_44, %swap3A_45] : memref<2000x32xf32, #tpu.memory_space<vmem>>, vector<2000x32xf32>
    tpu.vector_store %arg9[%swap3A_44, %swap3A_45], %dot_general3A_43 {strides = array<i32>} : memref<2000x32xf32, #tpu.memory_space<vmem>>, vector<2000x32xf32>,
    %get3A_47 = arith.constant 0 : index
    %get3A_48 = arith.constant 0 : index
    %get3A_49 = vector.load %arg7[%get3A_47, %get3A_48] : memref<32x32xf32, #tpu.memory_space<vmem>>, vector<32x32xf32>
    %dot_general3A_50 = arith.constant dense<0.000000e+00> : vector<2000x32xf32>
    %dot_general3A_51 = tpu.matmul %mul3A_32, %get3A_49, %dot_general3A_50 {dimension_numbers = #tpu.dot_dimension_numbers<[1], [0], [0], [1], [0, 0, 1, 1], [], []>, transpose_lhs_hint = false} : vector<2000x32xf32>, vector<32x32xf32>, vector<2000x32xf32> -> vector<2000x32xf32>
    %swap3A_52 = arith.constant 0 : index
    %swap3A_53 = arith.constant 0 : index
    %swap3A_54 = vector.load %arg10[%swap3A_52, %swap3A_53] : memref<2000x32xf32, #tpu.memory_space<vmem>>, vector<2000x32xf32>
    tpu.vector_store %arg10[%swap3A_52, %swap3A_53], %dot_general3A_51 {strides = array<i32>} : memref<2000x32xf32, #tpu.memory_space<vmem>>, vector<2000x32xf32>,
    return
  }
  func.func @transform_0(%arg0: i32) -> (i32, i32) {
    %c0_i32 = arith.constant 0 : i32
    %c0_i32_0 = arith.constant 0 : i32
    return %arg0, %c0_i32 : i32, i32
  }
  func.func @transform_1(%arg0: i32) -> (i32, i32) {
    %c0_i32 = arith.constant 0 : i32
    %c0_i32_0 = arith.constant 0 : i32
    %c0_i32_1 = arith.constant 0 : i32
    return %c0_i32, %c0_i32_0 : i32, i32
  }
  func.func @transform_2(%arg0: i32) -> (i32, i32) {
    %c0_i32 = arith.constant 0 : i32
    %c0_i32_0 = arith.constant 0 : i32
    %c0_i32_1 = arith.constant 0 : i32
    return %c0_i32, %c0_i32_0 : i32, i32
  }
  func.func @transform_3(%arg0: i32) -> (i32, i32) {
    %c0_i32 = arith.constant 0 : i32
    %c0_i32_0 = arith.constant 0 : i32
    %c0_i32_1 = arith.constant 0 : i32
    return %c0_i32, %c0_i32_0 : i32, i32
  }
  func.func @transform_4(%arg0: i32) -> (i32, i32) {
    %c0_i32 = arith.constant 0 : i32
    %c0_i32_0 = arith.constant 0 : i32
    %c0_i32_1 = arith.constant 0 : i32
    return %c0_i32, %c0_i32_0 : i32, i32
  }
  func.func @transform_5(%arg0: i32) -> (i32, i32) {
    %c0_i32 = arith.constant 0 : i32
    %c0_i32_0 = arith.constant 0 : i32
    %c0_i32_1 = arith.constant 0 : i32
    return %c0_i32, %c0_i32_0 : i32, i32
  }
  func.func @transform_6(%arg0: i32) -> (i32, i32) {
    %c0_i32 = arith.constant 0 : i32
    %c0_i32_0 = arith.constant 0 : i32
    %c0_i32_1 = arith.constant 0 : i32
    return %c0_i32, %c0_i32_0 : i32, i32
  }
  func.func @transform_7(%arg0: i32) -> (i32, i32) {
    %c0_i32 = arith.constant 0 : i32
    %c0_i32_0 = arith.constant 0 : i32
    return %arg0, %c0_i32 : i32, i32
  }
  func.func @transform_8(%arg0: i32) -> (i32, i32) {
    %c0_i32 = arith.constant 0 : i32
    %c0_i32_0 = arith.constant 0 : i32
    return %arg0, %c0_i32 : i32, i32
  }
  func.func @transform_9(%arg0: i32) -> (i32, i32) {
    %c0_i32 = arith.constant 0 : i32
    %c0_i32_0 = arith.constant 0 : i32
    return %arg0, %c0_i32 : i32, i32
  }
}

module attributes {stable_mosaic.version = 14 : i64} {
  func.func @kern(%arg0: i32, %arg1: memref<2000x128xf32, #tpu.memory_space<vmem>>, %arg2: memref<128x64xf32, #tpu.memory_space<vmem>>, %arg3: memref<1x64xf32, #tpu.memory_space<vmem>>, %arg4: memref<2000x64xf32, #tpu.memory_space<vmem>>, %arg5: memref<2x64xf32, #tpu.memory_space<vmem>>) attributes {dimension_semantics = [#tpu.dimension_semantics<arbitrary>], iteration_bounds = array<i64: 320>, scalar_prefetch = 0 : i64, scratch_operands = 0 : i64, tpu.core_type = #tpu.core_type<tc>, window_params = [{transform_indices = @transform_0, window_bounds = array<i64: 2000, 128>}, {pipeline_mode = #tpu.pipeline_mode<synchronous>, transform_indices = @transform_1, window_bounds = array<i64: 128, 64>}, {pipeline_mode = #tpu.pipeline_mode<synchronous>, transform_indices = @transform_2, window_bounds = array<i64: 1, 64>}, {transform_indices = @transform_3, window_bounds = array<i64: 2000, 64>}, {pipeline_mode = #tpu.pipeline_mode<synchronous>, transform_indices = @transform_4, window_bounds = array<i64: 2, 64>}]} {
    %get3A = arith.constant 0 : index
    %get3A_0 = arith.constant 0 : index
    %get3A_1 = vector.load %arg1[%get3A, %get3A_0] : memref<2000x128xf32, #tpu.memory_space<vmem>>, vector<2000x128xf32>
    %get3A_2 = arith.constant 0 : index
    %get3A_3 = arith.constant 0 : index
    %get3A_4 = vector.load %arg2[%get3A_2, %get3A_3] : memref<128x64xf32, #tpu.memory_space<vmem>>, vector<128x64xf32>
    %dot_general3A = arith.constant dense<0.000000e+00> : vector<2000x64xf32>
    %dot_general3A_5 = tpu.matmul %get3A_1, %get3A_4, %dot_general3A {dimension_numbers = #tpu.dot_dimension_numbers<[1], [0], [0], [1], [0, 0, 1, 1], [], []>, transpose_lhs_hint = false} : vector<2000x128xf32>, vector<128x64xf32>, vector<2000x64xf32> -> vector<2000x64xf32>
    %get3A_6 = arith.constant 0 : index
    %get3A_7 = arith.constant 0 : index
    %get3A_8 = vector.load %arg3[%get3A_6, %get3A_7] : memref<1x64xf32, #tpu.memory_space<vmem>>, vector<1x64xf32>
    %add3A = vector.broadcast %get3A_8 : vector<1x64xf32> to vector<2000x64xf32>
    %add3A_9 = arith.addf %dot_general3A_5, %add3A : vector<2000x64xf32>
    %swap3A = arith.constant 0 : index
    %swap3A_10 = arith.constant 0 : index
    %swap3A_11 = vector.load %arg4[%swap3A, %swap3A_10] : memref<2000x64xf32, #tpu.memory_space<vmem>>, vector<2000x64xf32>
    tpu.vector_store %arg4[%swap3A, %swap3A_10], %add3A_9 {strides = array<i32>} : memref<2000x64xf32, #tpu.memory_space<vmem>>, vector<2000x64xf32>,
    %eq3A = arith.constant 0 : i32
    %eq3A_12 = arith.cmpi eq, %arg0, %eq3A : i32
    %convert_element_type3A = arith.extui %eq3A_12 : i1 to i32
    %cond3A = arith.constant 0 : i32
    %cond3A_13 = arith.cmpi ne, %convert_element_type3A, %cond3A : i32
    scf.if %cond3A_13 {
      %broadcast_in_dim3A_25 = arith.constant 0.000000e+00 : f32
      %broadcast_in_dim3A_26 = vector.broadcast %broadcast_in_dim3A_25 : f32 to vector<2x64xf32>
      %swap3A_27 = arith.constant 0 : index
      %swap3A_28 = arith.constant 0 : index
      %swap3A_29 = vector.load %arg5[%swap3A_27, %swap3A_28] : memref<2x64xf32, #tpu.memory_space<vmem>>, vector<2x64xf32>
      tpu.vector_store %arg5[%swap3A_27, %swap3A_28], %broadcast_in_dim3A_26 {strides = array<i32>} : memref<2x64xf32, #tpu.memory_space<vmem>>, vector<2x64xf32>,
    } else {
    }
    %get3A_14 = arith.constant 0 : index
    %get3A_15 = arith.constant 0 : index
    %get3A_16 = vector.load %arg5[%get3A_14, %get3A_15] : memref<2x64xf32, #tpu.memory_space<vmem>>, vector<2x64xf32>
    %reduce_sum3A = arith.constant dense<0.000000e+00> : vector<64xf32>
    %reduce_sum3A_17 = vector.multi_reduction <add>, %add3A_9, %reduce_sum3A [0] : vector<2000x64xf32> to vector<64xf32>
    %broadcast_in_dim3A = vector.shape_cast %reduce_sum3A_17 : vector<64xf32> to vector<1x64xf32>
    %mul3A = arith.mulf %add3A_9, %add3A_9 : vector<2000x64xf32>
    %reduce_sum3A_18 = arith.constant dense<0.000000e+00> : vector<64xf32>
    %reduce_sum3A_19 = vector.multi_reduction <add>, %mul3A, %reduce_sum3A_18 [0] : vector<2000x64xf32> to vector<64xf32>
    %broadcast_in_dim3A_20 = vector.shape_cast %reduce_sum3A_19 : vector<64xf32> to vector<1x64xf32>
    %concatenate3A = tpu.concatenate %broadcast_in_dim3A, %broadcast_in_dim3A_20 in 0 : vector<1x64xf32>, vector<1x64xf32> -> vector<2x64xf32>
    %add3A_21 = arith.addf %get3A_16, %concatenate3A : vector<2x64xf32>
    %swap3A_22 = arith.constant 0 : index
    %swap3A_23 = arith.constant 0 : index
    %swap3A_24 = vector.load %arg5[%swap3A_22, %swap3A_23] : memref<2x64xf32, #tpu.memory_space<vmem>>, vector<2x64xf32>
    tpu.vector_store %arg5[%swap3A_22, %swap3A_23], %add3A_21 {strides = array<i32>} : memref<2x64xf32, #tpu.memory_space<vmem>>, vector<2x64xf32>,
    return
  }
  func.func @transform_0(%arg0: i32) -> (i32, i32) {
    %c0_i32 = arith.constant 0 : i32
    %c0_i32_0 = arith.constant 0 : i32
    return %arg0, %c0_i32 : i32, i32
  }
  func.func @transform_1(%arg0: i32) -> (i32, i32) {
    %c0_i32 = arith.constant 0 : i32
    %c0_i32_0 = arith.constant 0 : i32
    %c0_i32_1 = arith.constant 0 : i32
    return %c0_i32, %c0_i32_0 : i32, i32
  }
  func.func @transform_2(%arg0: i32) -> (i32, i32) {
    %c0_i32 = arith.constant 0 : i32
    %c0_i32_0 = arith.constant 0 : i32
    %c0_i32_1 = arith.constant 0 : i32
    return %c0_i32, %c0_i32_0 : i32, i32
  }
  func.func @transform_3(%arg0: i32) -> (i32, i32) {
    %c0_i32 = arith.constant 0 : i32
    %c0_i32_0 = arith.constant 0 : i32
    return %arg0, %c0_i32 : i32, i32
  }
  func.func @transform_4(%arg0: i32) -> (i32, i32) {
    %c0_i32 = arith.constant 0 : i32
    %c0_i32_0 = arith.constant 0 : i32
    %c0_i32_1 = arith.constant 0 : i32
    return %c0_i32, %c0_i32_0 : i32, i32
  }
}

module attributes {stable_mosaic.version = 14 : i64} {
  func.func @kern(%arg0: i32, %arg1: memref<2000x64xf32, #tpu.memory_space<vmem>>, %arg2: memref<2x64xf32, #tpu.memory_space<vmem>>, %arg3: memref<1x64xf32, #tpu.memory_space<vmem>>, %arg4: memref<1x64xf32, #tpu.memory_space<vmem>>, %arg5: memref<64x32xf32, #tpu.memory_space<vmem>>, %arg6: memref<1x32xf32, #tpu.memory_space<vmem>>, %arg7: memref<2000x32xf32, #tpu.memory_space<vmem>>, %arg8: memref<2x32xf32, #tpu.memory_space<vmem>>) attributes {dimension_semantics = [#tpu.dimension_semantics<arbitrary>], iteration_bounds = array<i64: 320>, scalar_prefetch = 0 : i64, scratch_operands = 0 : i64, tpu.core_type = #tpu.core_type<tc>, window_params = [{transform_indices = @transform_0, window_bounds = array<i64: 2000, 64>}, {pipeline_mode = #tpu.pipeline_mode<synchronous>, transform_indices = @transform_1, window_bounds = array<i64: 2, 64>}, {pipeline_mode = #tpu.pipeline_mode<synchronous>, transform_indices = @transform_2, window_bounds = array<i64: 1, 64>}, {pipeline_mode = #tpu.pipeline_mode<synchronous>, transform_indices = @transform_3, window_bounds = array<i64: 1, 64>}, {pipeline_mode = #tpu.pipeline_mode<synchronous>, transform_indices = @transform_4, window_bounds = array<i64: 64, 32>}, {pipeline_mode = #tpu.pipeline_mode<synchronous>, transform_indices = @transform_5, window_bounds = array<i64: 1, 32>}, {transform_indices = @transform_6, window_bounds = array<i64: 2000, 32>}, {pipeline_mode = #tpu.pipeline_mode<synchronous>, transform_indices = @transform_7, window_bounds = array<i64: 2, 32>}]} {
    %get3A = arith.constant 0 : index
    %get3A_0 = arith.constant 0 : index
    %get3A_1 = vector.load %arg1[%get3A, %get3A_0] : memref<2000x64xf32, #tpu.memory_space<vmem>>, vector<2000x64xf32>
    %get3A_2 = arith.constant 0 : index
    %get3A_3 = arith.constant 0 : index
    %get3A_4 = vector.load %arg2[%get3A_2, %get3A_3] : memref<2x64xf32, #tpu.memory_space<vmem>>, vector<2x64xf32>
    %get3A_5 = arith.constant 0 : index
    %get3A_6 = arith.constant 0 : index
    %get3A_7 = vector.load %arg3[%get3A_5, %get3A_6] : memref<1x64xf32, #tpu.memory_space<vmem>>, vector<1x64xf32>
    %get3A_8 = arith.constant 0 : index
    %get3A_9 = arith.constant 0 : index
    %get3A_10 = vector.load %arg4[%get3A_8, %get3A_9] : memref<1x64xf32, #tpu.memory_space<vmem>>, vector<1x64xf32>
    %slice3A = vector.extract_strided_slice %get3A_4 {offsets = [0, 0], sizes = [1, 64], strides = [1, 1]} : vector<2x64xf32> to vector<1x64xf32>
    %div3A = arith.constant 6.400000e+05 : f32
    %div3A_11 = vector.broadcast %div3A : f32 to vector<1x64xf32>
    %div3A_12 = arith.divf %slice3A, %div3A_11 : vector<1x64xf32>
    %slice3A_13 = vector.extract_strided_slice %get3A_4 {offsets = [1, 0], sizes = [1, 64], strides = [1, 1]} : vector<2x64xf32> to vector<1x64xf32>
    %div3A_14 = arith.constant 6.400000e+05 : f32
    %div3A_15 = vector.broadcast %div3A_14 : f32 to vector<1x64xf32>
    %div3A_16 = arith.divf %slice3A_13, %div3A_15 : vector<1x64xf32>
    %mul3A = arith.mulf %div3A_12, %div3A_12 : vector<1x64xf32>
    %sub3A = arith.subf %div3A_16, %mul3A : vector<1x64xf32>
    %sub3A_17 = vector.broadcast %div3A_12 : vector<1x64xf32> to vector<2000x64xf32>
    %sub3A_18 = arith.subf %get3A_1, %sub3A_17 : vector<2000x64xf32>
    %add3A = arith.constant 9.99999974E-6 : f32
    %add3A_19 = vector.broadcast %add3A : f32 to vector<1x64xf32>
    %add3A_20 = arith.addf %sub3A, %add3A_19 : vector<1x64xf32>
    %sqrt3A = math.sqrt %add3A_20 : vector<1x64xf32>
    %div3A_21 = vector.broadcast %sqrt3A : vector<1x64xf32> to vector<2000x64xf32>
    %div3A_22 = arith.divf %sub3A_18, %div3A_21 : vector<2000x64xf32>
    %mul3A_23 = vector.broadcast %get3A_7 : vector<1x64xf32> to vector<2000x64xf32>
    %mul3A_24 = arith.mulf %div3A_22, %mul3A_23 : vector<2000x64xf32>
    %add3A_25 = vector.broadcast %get3A_10 : vector<1x64xf32> to vector<2000x64xf32>
    %add3A_26 = arith.addf %mul3A_24, %add3A_25 : vector<2000x64xf32>
    %logistic3A = arith.negf %add3A_26 : vector<2000x64xf32>
    %logistic3A_27 = math.exp %logistic3A : vector<2000x64xf32>
    %logistic3A_28 = arith.constant 1.000000e+00 : f32
    %logistic3A_29 = vector.broadcast %logistic3A_28 : f32 to vector<2000x64xf32>
    %logistic3A_30 = arith.addf %logistic3A_29, %logistic3A_27 : vector<2000x64xf32>
    %logistic3A_31 = arith.divf %logistic3A_29, %logistic3A_30 : vector<2000x64xf32>
    %mul3A_32 = arith.mulf %add3A_26, %logistic3A_31 : vector<2000x64xf32>
    %get3A_33 = arith.constant 0 : index
    %get3A_34 = arith.constant 0 : index
    %get3A_35 = vector.load %arg5[%get3A_33, %get3A_34] : memref<64x32xf32, #tpu.memory_space<vmem>>, vector<64x32xf32>
    %dot_general3A = arith.constant dense<0.000000e+00> : vector<2000x32xf32>
    %dot_general3A_36 = tpu.matmul %mul3A_32, %get3A_35, %dot_general3A {dimension_numbers = #tpu.dot_dimension_numbers<[1], [0], [0], [1], [0, 0, 1, 1], [], []>, transpose_lhs_hint = false} : vector<2000x64xf32>, vector<64x32xf32>, vector<2000x32xf32> -> vector<2000x32xf32>
    %get3A_37 = arith.constant 0 : index
    %get3A_38 = arith.constant 0 : index
    %get3A_39 = vector.load %arg6[%get3A_37, %get3A_38] : memref<1x32xf32, #tpu.memory_space<vmem>>, vector<1x32xf32>
    %add3A_40 = vector.broadcast %get3A_39 : vector<1x32xf32> to vector<2000x32xf32>
    %add3A_41 = arith.addf %dot_general3A_36, %add3A_40 : vector<2000x32xf32>
    %swap3A = arith.constant 0 : index
    %swap3A_42 = arith.constant 0 : index
    %swap3A_43 = vector.load %arg7[%swap3A, %swap3A_42] : memref<2000x32xf32, #tpu.memory_space<vmem>>, vector<2000x32xf32>
    tpu.vector_store %arg7[%swap3A, %swap3A_42], %add3A_41 {strides = array<i32>} : memref<2000x32xf32, #tpu.memory_space<vmem>>, vector<2000x32xf32>,
    %eq3A = arith.constant 0 : i32
    %eq3A_44 = arith.cmpi eq, %arg0, %eq3A : i32
    %convert_element_type3A = arith.extui %eq3A_44 : i1 to i32
    %cond3A = arith.constant 0 : i32
    %cond3A_45 = arith.cmpi ne, %convert_element_type3A, %cond3A : i32
    scf.if %cond3A_45 {
      %broadcast_in_dim3A_58 = arith.constant 0.000000e+00 : f32
      %broadcast_in_dim3A_59 = vector.broadcast %broadcast_in_dim3A_58 : f32 to vector<2x32xf32>
      %swap3A_60 = arith.constant 0 : index
      %swap3A_61 = arith.constant 0 : index
      %swap3A_62 = vector.load %arg8[%swap3A_60, %swap3A_61] : memref<2x32xf32, #tpu.memory_space<vmem>>, vector<2x32xf32>
      tpu.vector_store %arg8[%swap3A_60, %swap3A_61], %broadcast_in_dim3A_59 {strides = array<i32>} : memref<2x32xf32, #tpu.memory_space<vmem>>, vector<2x32xf32>,
    } else {
    }
    %get3A_46 = arith.constant 0 : index
    %get3A_47 = arith.constant 0 : index
    %get3A_48 = vector.load %arg8[%get3A_46, %get3A_47] : memref<2x32xf32, #tpu.memory_space<vmem>>, vector<2x32xf32>
    %reduce_sum3A = arith.constant dense<0.000000e+00> : vector<32xf32>
    %reduce_sum3A_49 = vector.multi_reduction <add>, %add3A_41, %reduce_sum3A [0] : vector<2000x32xf32> to vector<32xf32>
    %broadcast_in_dim3A = vector.shape_cast %reduce_sum3A_49 : vector<32xf32> to vector<1x32xf32>
    %mul3A_50 = arith.mulf %add3A_41, %add3A_41 : vector<2000x32xf32>
    %reduce_sum3A_51 = arith.constant dense<0.000000e+00> : vector<32xf32>
    %reduce_sum3A_52 = vector.multi_reduction <add>, %mul3A_50, %reduce_sum3A_51 [0] : vector<2000x32xf32> to vector<32xf32>
    %broadcast_in_dim3A_53 = vector.shape_cast %reduce_sum3A_52 : vector<32xf32> to vector<1x32xf32>
    %concatenate3A = tpu.concatenate %broadcast_in_dim3A, %broadcast_in_dim3A_53 in 0 : vector<1x32xf32>, vector<1x32xf32> -> vector<2x32xf32>
    %add3A_54 = arith.addf %get3A_48, %concatenate3A : vector<2x32xf32>
    %swap3A_55 = arith.constant 0 : index
    %swap3A_56 = arith.constant 0 : index
    %swap3A_57 = vector.load %arg8[%swap3A_55, %swap3A_56] : memref<2x32xf32, #tpu.memory_space<vmem>>, vector<2x32xf32>
    tpu.vector_store %arg8[%swap3A_55, %swap3A_56], %add3A_54 {strides = array<i32>} : memref<2x32xf32, #tpu.memory_space<vmem>>, vector<2x32xf32>,
    return
  }
  func.func @transform_0(%arg0: i32) -> (i32, i32) {
    %c0_i32 = arith.constant 0 : i32
    %c0_i32_0 = arith.constant 0 : i32
    return %arg0, %c0_i32 : i32, i32
  }
  func.func @transform_1(%arg0: i32) -> (i32, i32) {
    %c0_i32 = arith.constant 0 : i32
    %c0_i32_0 = arith.constant 0 : i32
    %c0_i32_1 = arith.constant 0 : i32
    return %c0_i32, %c0_i32_0 : i32, i32
  }
  func.func @transform_2(%arg0: i32) -> (i32, i32) {
    %c0_i32 = arith.constant 0 : i32
    %c0_i32_0 = arith.constant 0 : i32
    %c0_i32_1 = arith.constant 0 : i32
    return %c0_i32, %c0_i32_0 : i32, i32
  }
  func.func @transform_3(%arg0: i32) -> (i32, i32) {
    %c0_i32 = arith.constant 0 : i32
    %c0_i32_0 = arith.constant 0 : i32
    %c0_i32_1 = arith.constant 0 : i32
    return %c0_i32, %c0_i32_0 : i32, i32
  }
  func.func @transform_4(%arg0: i32) -> (i32, i32) {
    %c0_i32 = arith.constant 0 : i32
    %c0_i32_0 = arith.constant 0 : i32
    %c0_i32_1 = arith.constant 0 : i32
    return %c0_i32, %c0_i32_0 : i32, i32
  }
  func.func @transform_5(%arg0: i32) -> (i32, i32) {
    %c0_i32 = arith.constant 0 : i32
    %c0_i32_0 = arith.constant 0 : i32
    %c0_i32_1 = arith.constant 0 : i32
    return %c0_i32, %c0_i32_0 : i32, i32
  }
  func.func @transform_6(%arg0: i32) -> (i32, i32) {
    %c0_i32 = arith.constant 0 : i32
    %c0_i32_0 = arith.constant 0 : i32
    return %arg0, %c0_i32 : i32, i32
  }
  func.func @transform_7(%arg0: i32) -> (i32, i32) {
    %c0_i32 = arith.constant 0 : i32
    %c0_i32_0 = arith.constant 0 : i32
    %c0_i32_1 = arith.constant 0 : i32
    return %c0_i32, %c0_i32_0 : i32, i32
  }
}

module attributes {stable_mosaic.version = 14 : i64} {
  func.func @kern(%arg0: i32, %arg1: memref<2000x32xf32, #tpu.memory_space<vmem>>, %arg2: memref<2x32xf32, #tpu.memory_space<vmem>>, %arg3: memref<1x32xf32, #tpu.memory_space<vmem>>, %arg4: memref<1x32xf32, #tpu.memory_space<vmem>>, %arg5: memref<32x32xf32, #tpu.memory_space<vmem>>, %arg6: memref<2000x32xf32, #tpu.memory_space<vmem>>) attributes {dimension_semantics = [#tpu.dimension_semantics<arbitrary>], iteration_bounds = array<i64: 320>, scalar_prefetch = 0 : i64, scratch_operands = 0 : i64, tpu.core_type = #tpu.core_type<tc>, window_params = [{transform_indices = @transform_0, window_bounds = array<i64: 2000, 32>}, {pipeline_mode = #tpu.pipeline_mode<synchronous>, transform_indices = @transform_1, window_bounds = array<i64: 2, 32>}, {pipeline_mode = #tpu.pipeline_mode<synchronous>, transform_indices = @transform_2, window_bounds = array<i64: 1, 32>}, {pipeline_mode = #tpu.pipeline_mode<synchronous>, transform_indices = @transform_3, window_bounds = array<i64: 1, 32>}, {pipeline_mode = #tpu.pipeline_mode<synchronous>, transform_indices = @transform_4, window_bounds = array<i64: 32, 32>}, {transform_indices = @transform_5, window_bounds = array<i64: 2000, 32>}]} {
    %get3A = arith.constant 0 : index
    %get3A_0 = arith.constant 0 : index
    %get3A_1 = vector.load %arg1[%get3A, %get3A_0] : memref<2000x32xf32, #tpu.memory_space<vmem>>, vector<2000x32xf32>
    %get3A_2 = arith.constant 0 : index
    %get3A_3 = arith.constant 0 : index
    %get3A_4 = vector.load %arg2[%get3A_2, %get3A_3] : memref<2x32xf32, #tpu.memory_space<vmem>>, vector<2x32xf32>
    %get3A_5 = arith.constant 0 : index
    %get3A_6 = arith.constant 0 : index
    %get3A_7 = vector.load %arg3[%get3A_5, %get3A_6] : memref<1x32xf32, #tpu.memory_space<vmem>>, vector<1x32xf32>
    %get3A_8 = arith.constant 0 : index
    %get3A_9 = arith.constant 0 : index
    %get3A_10 = vector.load %arg4[%get3A_8, %get3A_9] : memref<1x32xf32, #tpu.memory_space<vmem>>, vector<1x32xf32>
    %slice3A = vector.extract_strided_slice %get3A_4 {offsets = [0, 0], sizes = [1, 32], strides = [1, 1]} : vector<2x32xf32> to vector<1x32xf32>
    %div3A = arith.constant 6.400000e+05 : f32
    %div3A_11 = vector.broadcast %div3A : f32 to vector<1x32xf32>
    %div3A_12 = arith.divf %slice3A, %div3A_11 : vector<1x32xf32>
    %slice3A_13 = vector.extract_strided_slice %get3A_4 {offsets = [1, 0], sizes = [1, 32], strides = [1, 1]} : vector<2x32xf32> to vector<1x32xf32>
    %div3A_14 = arith.constant 6.400000e+05 : f32
    %div3A_15 = vector.broadcast %div3A_14 : f32 to vector<1x32xf32>
    %div3A_16 = arith.divf %slice3A_13, %div3A_15 : vector<1x32xf32>
    %mul3A = arith.mulf %div3A_12, %div3A_12 : vector<1x32xf32>
    %sub3A = arith.subf %div3A_16, %mul3A : vector<1x32xf32>
    %sub3A_17 = vector.broadcast %div3A_12 : vector<1x32xf32> to vector<2000x32xf32>
    %sub3A_18 = arith.subf %get3A_1, %sub3A_17 : vector<2000x32xf32>
    %add3A = arith.constant 9.99999974E-6 : f32
    %add3A_19 = vector.broadcast %add3A : f32 to vector<1x32xf32>
    %add3A_20 = arith.addf %sub3A, %add3A_19 : vector<1x32xf32>
    %sqrt3A = math.sqrt %add3A_20 : vector<1x32xf32>
    %div3A_21 = vector.broadcast %sqrt3A : vector<1x32xf32> to vector<2000x32xf32>
    %div3A_22 = arith.divf %sub3A_18, %div3A_21 : vector<2000x32xf32>
    %mul3A_23 = vector.broadcast %get3A_7 : vector<1x32xf32> to vector<2000x32xf32>
    %mul3A_24 = arith.mulf %div3A_22, %mul3A_23 : vector<2000x32xf32>
    %add3A_25 = vector.broadcast %get3A_10 : vector<1x32xf32> to vector<2000x32xf32>
    %add3A_26 = arith.addf %mul3A_24, %add3A_25 : vector<2000x32xf32>
    %logistic3A = arith.negf %add3A_26 : vector<2000x32xf32>
    %logistic3A_27 = math.exp %logistic3A : vector<2000x32xf32>
    %logistic3A_28 = arith.constant 1.000000e+00 : f32
    %logistic3A_29 = vector.broadcast %logistic3A_28 : f32 to vector<2000x32xf32>
    %logistic3A_30 = arith.addf %logistic3A_29, %logistic3A_27 : vector<2000x32xf32>
    %logistic3A_31 = arith.divf %logistic3A_29, %logistic3A_30 : vector<2000x32xf32>
    %mul3A_32 = arith.mulf %add3A_26, %logistic3A_31 : vector<2000x32xf32>
    %get3A_33 = arith.constant 0 : index
    %get3A_34 = arith.constant 0 : index
    %get3A_35 = vector.load %arg5[%get3A_33, %get3A_34] : memref<32x32xf32, #tpu.memory_space<vmem>>, vector<32x32xf32>
    %dot_general3A = arith.constant dense<0.000000e+00> : vector<2000x32xf32>
    %dot_general3A_36 = tpu.matmul %mul3A_32, %get3A_35, %dot_general3A {dimension_numbers = #tpu.dot_dimension_numbers<[1], [0], [0], [1], [0, 0, 1, 1], [], []>, transpose_lhs_hint = false} : vector<2000x32xf32>, vector<32x32xf32>, vector<2000x32xf32> -> vector<2000x32xf32>
    %swap3A = arith.constant 0 : index
    %swap3A_37 = arith.constant 0 : index
    %swap3A_38 = vector.load %arg6[%swap3A, %swap3A_37] : memref<2000x32xf32, #tpu.memory_space<vmem>>, vector<2000x32xf32>
    tpu.vector_store %arg6[%swap3A, %swap3A_37], %dot_general3A_36 {strides = array<i32>} : memref<2000x32xf32, #tpu.memory_space<vmem>>, vector<2000x32xf32>,
    return
  }
  func.func @transform_0(%arg0: i32) -> (i32, i32) {
    %c0_i32 = arith.constant 0 : i32
    %c0_i32_0 = arith.constant 0 : i32
    return %arg0, %c0_i32 : i32, i32
  }
  func.func @transform_1(%arg0: i32) -> (i32, i32) {
    %c0_i32 = arith.constant 0 : i32
    %c0_i32_0 = arith.constant 0 : i32
    %c0_i32_1 = arith.constant 0 : i32
    return %c0_i32, %c0_i32_0 : i32, i32
  }
  func.func @transform_2(%arg0: i32) -> (i32, i32) {
    %c0_i32 = arith.constant 0 : i32
    %c0_i32_0 = arith.constant 0 : i32
    %c0_i32_1 = arith.constant 0 : i32
    return %c0_i32, %c0_i32_0 : i32, i32
  }
  func.func @transform_3(%arg0: i32) -> (i32, i32) {
    %c0_i32 = arith.constant 0 : i32
    %c0_i32_0 = arith.constant 0 : i32
    %c0_i32_1 = arith.constant 0 : i32
    return %c0_i32, %c0_i32_0 : i32, i32
  }
  func.func @transform_4(%arg0: i32) -> (i32, i32) {
    %c0_i32 = arith.constant 0 : i32
    %c0_i32_0 = arith.constant 0 : i32
    %c0_i32_1 = arith.constant 0 : i32
    return %c0_i32, %c0_i32_0 : i32, i32
  }
  func.func @transform_5(%arg0: i32) -> (i32, i32) {
    %c0_i32 = arith.constant 0 : i32
    %c0_i32_0 = arith.constant 0 : i32
    return %arg0, %c0_i32 : i32, i32
  }
}

module attributes {stable_mosaic.version = 14 : i64} {
  func.func @kern(%arg0: i32, %arg1: memref<2000x64xf32, #tpu.memory_space<vmem>>, %arg2: memref<2000x32xf32, #tpu.memory_space<vmem>>, %arg3: memref<2000x32xf32, #tpu.memory_space<vmem>>, %arg4: memref<2000x32xf32, #tpu.memory_space<vmem>>, %arg5: memref<2000x64xf32, #tpu.memory_space<vmem>>, %arg6: memref<2x32xf32, #tpu.memory_space<vmem>>) attributes {dimension_semantics = [#tpu.dimension_semantics<arbitrary>], iteration_bounds = array<i64: 320>, scalar_prefetch = 0 : i64, scratch_operands = 0 : i64, tpu.core_type = #tpu.core_type<tc>, window_params = [{transform_indices = @transform_0, window_bounds = array<i64: 2000, 64>}, {transform_indices = @transform_1, window_bounds = array<i64: 2000, 32>}, {transform_indices = @transform_2, window_bounds = array<i64: 2000, 32>}, {transform_indices = @transform_3, window_bounds = array<i64: 2000, 32>}, {transform_indices = @transform_4, window_bounds = array<i64: 2000, 64>}, {pipeline_mode = #tpu.pipeline_mode<synchronous>, transform_indices = @transform_5, window_bounds = array<i64: 2, 32>}]} {
    %get3A = arith.constant 0 : index
    %get3A_0 = arith.constant 0 : index
    %get3A_1 = vector.load %arg1[%get3A, %get3A_0] : memref<2000x64xf32, #tpu.memory_space<vmem>>, vector<2000x64xf32>
    %slice3A = vector.extract_strided_slice %get3A_1 {offsets = [0, 0], sizes = [2000, 32], strides = [1, 1]} : vector<2000x64xf32> to vector<2000x32xf32>
    %get3A_2 = arith.constant 0 : index
    %get3A_3 = arith.constant 0 : index
    %get3A_4 = vector.load %arg2[%get3A_2, %get3A_3] : memref<2000x32xf32, #tpu.memory_space<vmem>>, vector<2000x32xf32>
    %add3A = arith.addf %slice3A, %get3A_4 : vector<2000x32xf32>
    %get3A_5 = arith.constant 0 : index
    %get3A_6 = arith.constant 0 : index
    %get3A_7 = vector.load %arg3[%get3A_5, %get3A_6] : memref<2000x32xf32, #tpu.memory_space<vmem>>, vector<2000x32xf32>
    %add3A_8 = arith.addf %add3A, %get3A_7 : vector<2000x32xf32>
    %logistic3A = arith.negf %add3A_8 : vector<2000x32xf32>
    %logistic3A_9 = math.exp %logistic3A : vector<2000x32xf32>
    %logistic3A_10 = arith.constant 1.000000e+00 : f32
    %logistic3A_11 = vector.broadcast %logistic3A_10 : f32 to vector<2000x32xf32>
    %logistic3A_12 = arith.addf %logistic3A_11, %logistic3A_9 : vector<2000x32xf32>
    %logistic3A_13 = arith.divf %logistic3A_11, %logistic3A_12 : vector<2000x32xf32>
    %swap3A = arith.constant 0 : index
    %swap3A_14 = arith.constant 0 : index
    %swap3A_15 = vector.load %arg4[%swap3A, %swap3A_14] : memref<2000x32xf32, #tpu.memory_space<vmem>>, vector<2000x32xf32>
    tpu.vector_store %arg4[%swap3A, %swap3A_14], %add3A_8 {strides = array<i32>} : memref<2000x32xf32, #tpu.memory_space<vmem>>, vector<2000x32xf32>,
    %slice3A_16 = vector.extract_strided_slice %get3A_1 {offsets = [0, 32], sizes = [2000, 32], strides = [1, 1]} : vector<2000x64xf32> to vector<2000x32xf32>
    %mul3A = arith.mulf %slice3A_16, %logistic3A_13 : vector<2000x32xf32>
    %concatenate3A = tpu.concatenate %logistic3A_13, %mul3A in 1 : vector<2000x32xf32>, vector<2000x32xf32> -> vector<2000x64xf32>
    %swap3A_17 = arith.constant 0 : index
    %swap3A_18 = arith.constant 0 : index
    %swap3A_19 = vector.load %arg5[%swap3A_17, %swap3A_18] : memref<2000x64xf32, #tpu.memory_space<vmem>>, vector<2000x64xf32>
    tpu.vector_store %arg5[%swap3A_17, %swap3A_18], %concatenate3A {strides = array<i32>} : memref<2000x64xf32, #tpu.memory_space<vmem>>, vector<2000x64xf32>,
    %eq3A = arith.constant 0 : i32
    %eq3A_20 = arith.cmpi eq, %arg0, %eq3A : i32
    %convert_element_type3A = arith.extui %eq3A_20 : i1 to i32
    %cond3A = arith.constant 0 : i32
    %cond3A_21 = arith.cmpi ne, %convert_element_type3A, %cond3A : i32
    scf.if %cond3A_21 {
      %broadcast_in_dim3A_35 = arith.constant 0.000000e+00 : f32
      %broadcast_in_dim3A_36 = vector.broadcast %broadcast_in_dim3A_35 : f32 to vector<2x32xf32>
      %swap3A_37 = arith.constant 0 : index
      %swap3A_38 = arith.constant 0 : index
      %swap3A_39 = vector.load %arg6[%swap3A_37, %swap3A_38] : memref<2x32xf32, #tpu.memory_space<vmem>>, vector<2x32xf32>
      tpu.vector_store %arg6[%swap3A_37, %swap3A_38], %broadcast_in_dim3A_36 {strides = array<i32>} : memref<2x32xf32, #tpu.memory_space<vmem>>, vector<2x32xf32>,
    } else {
    }
    %get3A_22 = arith.constant 0 : index
    %get3A_23 = arith.constant 0 : index
    %get3A_24 = vector.load %arg6[%get3A_22, %get3A_23] : memref<2x32xf32, #tpu.memory_space<vmem>>, vector<2x32xf32>
    %reduce_sum3A = arith.constant dense<0.000000e+00> : vector<32xf32>
    %reduce_sum3A_25 = vector.multi_reduction <add>, %add3A_8, %reduce_sum3A [0] : vector<2000x32xf32> to vector<32xf32>
    %broadcast_in_dim3A = vector.shape_cast %reduce_sum3A_25 : vector<32xf32> to vector<1x32xf32>
    %mul3A_26 = arith.mulf %add3A_8, %add3A_8 : vector<2000x32xf32>
    %reduce_sum3A_27 = arith.constant dense<0.000000e+00> : vector<32xf32>
    %reduce_sum3A_28 = vector.multi_reduction <add>, %mul3A_26, %reduce_sum3A_27 [0] : vector<2000x32xf32> to vector<32xf32>
    %broadcast_in_dim3A_29 = vector.shape_cast %reduce_sum3A_28 : vector<32xf32> to vector<1x32xf32>
    %concatenate3A_30 = tpu.concatenate %broadcast_in_dim3A, %broadcast_in_dim3A_29 in 0 : vector<1x32xf32>, vector<1x32xf32> -> vector<2x32xf32>
    %add3A_31 = arith.addf %get3A_24, %concatenate3A_30 : vector<2x32xf32>
    %swap3A_32 = arith.constant 0 : index
    %swap3A_33 = arith.constant 0 : index
    %swap3A_34 = vector.load %arg6[%swap3A_32, %swap3A_33] : memref<2x32xf32, #tpu.memory_space<vmem>>, vector<2x32xf32>
    tpu.vector_store %arg6[%swap3A_32, %swap3A_33], %add3A_31 {strides = array<i32>} : memref<2x32xf32, #tpu.memory_space<vmem>>, vector<2x32xf32>,
    return
  }
  func.func @transform_0(%arg0: i32) -> (i32, i32) {
    %c0_i32 = arith.constant 0 : i32
    %c0_i32_0 = arith.constant 0 : i32
    return %arg0, %c0_i32 : i32, i32
  }
  func.func @transform_1(%arg0: i32) -> (i32, i32) {
    %c0_i32 = arith.constant 0 : i32
    %c0_i32_0 = arith.constant 0 : i32
    return %arg0, %c0_i32 : i32, i32
  }
  func.func @transform_2(%arg0: i32) -> (i32, i32) {
    %c0_i32 = arith.constant 0 : i32
    %c0_i32_0 = arith.constant 0 : i32
    return %arg0, %c0_i32 : i32, i32
  }
  func.func @transform_3(%arg0: i32) -> (i32, i32) {
    %c0_i32 = arith.constant 0 : i32
    %c0_i32_0 = arith.constant 0 : i32
    return %arg0, %c0_i32 : i32, i32
  }
  func.func @transform_4(%arg0: i32) -> (i32, i32) {
    %c0_i32 = arith.constant 0 : i32
    %c0_i32_0 = arith.constant 0 : i32
    return %arg0, %c0_i32 : i32, i32
  }
  func.func @transform_5(%arg0: i32) -> (i32, i32) {
    %c0_i32 = arith.constant 0 : i32
    %c0_i32_0 = arith.constant 0 : i32
    %c0_i32_1 = arith.constant 0 : i32
    return %c0_i32, %c0_i32_0 : i32, i32
  }
}

module attributes {stable_mosaic.version = 14 : i64} {
  func.func @kern(%arg0: i32, %arg1: memref<2x2000x64xf32, #tpu.memory_space<vmem>>, %arg2: memref<2000x32xf32, #tpu.memory_space<vmem>>, %arg3: memref<2000x32xf32, #tpu.memory_space<vmem>>, %arg4: memref<2x32xf32, #tpu.memory_space<vmem>>) attributes {dimension_semantics = [#tpu.dimension_semantics<arbitrary>], iteration_bounds = array<i64: 160>, scalar_prefetch = 0 : i64, scratch_operands = 0 : i64, tpu.core_type = #tpu.core_type<tc>, window_params = [{transform_indices = @transform_0, window_bounds = array<i64: 2, 2000, 64>}, {transform_indices = @transform_1, window_bounds = array<i64: 2000, 32>}, {transform_indices = @transform_2, window_bounds = array<i64: 2000, 32>}, {pipeline_mode = #tpu.pipeline_mode<synchronous>, transform_indices = @transform_3, window_bounds = array<i64: 2, 32>}]} {
    %get3A = arith.constant 0 : index
    %get3A_0 = arith.constant 0 : index
    %get3A_1 = arith.constant 0 : index
    %get3A_2 = vector.load %arg1[%get3A, %get3A_0, %get3A_1] : memref<2x2000x64xf32, #tpu.memory_space<vmem>>, vector<1x2000x64xf32>
    %get3A_3 = vector.shape_cast %get3A_2 : vector<1x2000x64xf32> to vector<2000x64xf32>
    %get3A_4 = arith.constant 1 : index
    %get3A_5 = arith.constant 0 : index
    %get3A_6 = arith.constant 0 : index
    %get3A_7 = vector.load %arg1[%get3A_4, %get3A_5, %get3A_6] : memref<2x2000x64xf32, #tpu.memory_space<vmem>>, vector<1x2000x64xf32>
    %get3A_8 = vector.shape_cast %get3A_7 : vector<1x2000x64xf32> to vector<2000x64xf32>
    %add3A = arith.addf %get3A_3, %get3A_8 : vector<2000x64xf32>
    %get3A_9 = arith.constant 0 : index
    %get3A_10 = arith.constant 0 : index
    %get3A_11 = vector.load %arg2[%get3A_9, %get3A_10] : memref<2000x32xf32, #tpu.memory_space<vmem>>, vector<2000x32xf32>
    %slice3A = vector.extract_strided_slice %add3A {offsets = [0, 32], sizes = [2000, 32], strides = [1, 1]} : vector<2000x64xf32> to vector<2000x32xf32>
    %slice3A_12 = vector.extract_strided_slice %add3A {offsets = [0, 0], sizes = [2000, 32], strides = [1, 1]} : vector<2000x64xf32> to vector<2000x32xf32>
    %add3A_13 = arith.constant 9.99999997E-7 : f32
    %add3A_14 = vector.broadcast %add3A_13 : f32 to vector<2000x32xf32>
    %add3A_15 = arith.addf %slice3A_12, %add3A_14 : vector<2000x32xf32>
    %div3A = arith.divf %slice3A, %add3A_15 : vector<2000x32xf32>
    %add3A_16 = arith.addf %get3A_11, %div3A : vector<2000x32xf32>
    %swap3A = arith.constant 0 : index
    %swap3A_17 = arith.constant 0 : index
    %swap3A_18 = vector.load %arg3[%swap3A, %swap3A_17] : memref<2000x32xf32, #tpu.memory_space<vmem>>, vector<2000x32xf32>
    tpu.vector_store %arg3[%swap3A, %swap3A_17], %add3A_16 {strides = array<i32>} : memref<2000x32xf32, #tpu.memory_space<vmem>>, vector<2000x32xf32>,
    %eq3A = arith.constant 0 : i32
    %eq3A_19 = arith.cmpi eq, %arg0, %eq3A : i32
    %convert_element_type3A = arith.extui %eq3A_19 : i1 to i32
    %cond3A = arith.constant 0 : i32
    %cond3A_20 = arith.cmpi ne, %convert_element_type3A, %cond3A : i32
    scf.if %cond3A_20 {
      %broadcast_in_dim3A_32 = arith.constant 0.000000e+00 : f32
      %broadcast_in_dim3A_33 = vector.broadcast %broadcast_in_dim3A_32 : f32 to vector<2x32xf32>
      %swap3A_34 = arith.constant 0 : index
      %swap3A_35 = arith.constant 0 : index
      %swap3A_36 = vector.load %arg4[%swap3A_34, %swap3A_35] : memref<2x32xf32, #tpu.memory_space<vmem>>, vector<2x32xf32>
      tpu.vector_store %arg4[%swap3A_34, %swap3A_35], %broadcast_in_dim3A_33 {strides = array<i32>} : memref<2x32xf32, #tpu.memory_space<vmem>>, vector<2x32xf32>,
    } else {
    }
    %get3A_21 = arith.constant 0 : index
    %get3A_22 = arith.constant 0 : index
    %get3A_23 = vector.load %arg4[%get3A_21, %get3A_22] : memref<2x32xf32, #tpu.memory_space<vmem>>, vector<2x32xf32>
    %reduce_sum3A = arith.constant dense<0.000000e+00> : vector<32xf32>
    %reduce_sum3A_24 = vector.multi_reduction <add>, %add3A_16, %reduce_sum3A [0] : vector<2000x32xf32> to vector<32xf32>
    %broadcast_in_dim3A = vector.shape_cast %reduce_sum3A_24 : vector<32xf32> to vector<1x32xf32>
    %mul3A = arith.mulf %add3A_16, %add3A_16 : vector<2000x32xf32>
    %reduce_sum3A_25 = arith.constant dense<0.000000e+00> : vector<32xf32>
    %reduce_sum3A_26 = vector.multi_reduction <add>, %mul3A, %reduce_sum3A_25 [0] : vector<2000x32xf32> to vector<32xf32>
    %broadcast_in_dim3A_27 = vector.shape_cast %reduce_sum3A_26 : vector<32xf32> to vector<1x32xf32>
    %concatenate3A = tpu.concatenate %broadcast_in_dim3A, %broadcast_in_dim3A_27 in 0 : vector<1x32xf32>, vector<1x32xf32> -> vector<2x32xf32>
    %add3A_28 = arith.addf %get3A_23, %concatenate3A : vector<2x32xf32>
    %swap3A_29 = arith.constant 0 : index
    %swap3A_30 = arith.constant 0 : index
    %swap3A_31 = vector.load %arg4[%swap3A_29, %swap3A_30] : memref<2x32xf32, #tpu.memory_space<vmem>>, vector<2x32xf32>
    tpu.vector_store %arg4[%swap3A_29, %swap3A_30], %add3A_28 {strides = array<i32>} : memref<2x32xf32, #tpu.memory_space<vmem>>, vector<2x32xf32>,
    return
  }
  func.func @transform_0(%arg0: i32) -> (i32, i32, i32) {
    %c0_i32 = arith.constant 0 : i32
    %c0_i32_0 = arith.constant 0 : i32
    %c0_i32_1 = arith.constant 0 : i32
    return %c0_i32, %arg0, %c0_i32_0 : i32, i32, i32
  }
  func.func @transform_1(%arg0: i32) -> (i32, i32) {
    %c0_i32 = arith.constant 0 : i32
    %c0_i32_0 = arith.constant 0 : i32
    return %arg0, %c0_i32 : i32, i32
  }
  func.func @transform_2(%arg0: i32) -> (i32, i32) {
    %c0_i32 = arith.constant 0 : i32
    %c0_i32_0 = arith.constant 0 : i32
    return %arg0, %c0_i32 : i32, i32
  }
  func.func @transform_3(%arg0: i32) -> (i32, i32) {
    %c0_i32 = arith.constant 0 : i32
    %c0_i32_0 = arith.constant 0 : i32
    %c0_i32_1 = arith.constant 0 : i32
    return %c0_i32, %c0_i32_0 : i32, i32
  }
}

module attributes {stable_mosaic.version = 14 : i64} {
  func.func @kern(%arg0: i32, %arg1: memref<2000x32xf32, #tpu.memory_space<vmem>>, %arg2: memref<2x32xf32, #tpu.memory_space<vmem>>, %arg3: memref<1x32xf32, #tpu.memory_space<vmem>>, %arg4: memref<1x32xf32, #tpu.memory_space<vmem>>, %arg5: memref<32x32xf32, #tpu.memory_space<vmem>>, %arg6: memref<2000x32xf32, #tpu.memory_space<vmem>>) attributes {dimension_semantics = [#tpu.dimension_semantics<arbitrary>], iteration_bounds = array<i64: 160>, scalar_prefetch = 0 : i64, scratch_operands = 0 : i64, tpu.core_type = #tpu.core_type<tc>, window_params = [{transform_indices = @transform_0, window_bounds = array<i64: 2000, 32>}, {pipeline_mode = #tpu.pipeline_mode<synchronous>, transform_indices = @transform_1, window_bounds = array<i64: 2, 32>}, {pipeline_mode = #tpu.pipeline_mode<synchronous>, transform_indices = @transform_2, window_bounds = array<i64: 1, 32>}, {pipeline_mode = #tpu.pipeline_mode<synchronous>, transform_indices = @transform_3, window_bounds = array<i64: 1, 32>}, {pipeline_mode = #tpu.pipeline_mode<synchronous>, transform_indices = @transform_4, window_bounds = array<i64: 32, 32>}, {transform_indices = @transform_5, window_bounds = array<i64: 2000, 32>}]} {
    %get3A = arith.constant 0 : index
    %get3A_0 = arith.constant 0 : index
    %get3A_1 = vector.load %arg1[%get3A, %get3A_0] : memref<2000x32xf32, #tpu.memory_space<vmem>>, vector<2000x32xf32>
    %get3A_2 = arith.constant 0 : index
    %get3A_3 = arith.constant 0 : index
    %get3A_4 = vector.load %arg2[%get3A_2, %get3A_3] : memref<2x32xf32, #tpu.memory_space<vmem>>, vector<2x32xf32>
    %get3A_5 = arith.constant 0 : index
    %get3A_6 = arith.constant 0 : index
    %get3A_7 = vector.load %arg3[%get3A_5, %get3A_6] : memref<1x32xf32, #tpu.memory_space<vmem>>, vector<1x32xf32>
    %get3A_8 = arith.constant 0 : index
    %get3A_9 = arith.constant 0 : index
    %get3A_10 = vector.load %arg4[%get3A_8, %get3A_9] : memref<1x32xf32, #tpu.memory_space<vmem>>, vector<1x32xf32>
    %slice3A = vector.extract_strided_slice %get3A_4 {offsets = [0, 0], sizes = [1, 32], strides = [1, 1]} : vector<2x32xf32> to vector<1x32xf32>
    %div3A = arith.constant 3.200000e+05 : f32
    %div3A_11 = vector.broadcast %div3A : f32 to vector<1x32xf32>
    %div3A_12 = arith.divf %slice3A, %div3A_11 : vector<1x32xf32>
    %slice3A_13 = vector.extract_strided_slice %get3A_4 {offsets = [1, 0], sizes = [1, 32], strides = [1, 1]} : vector<2x32xf32> to vector<1x32xf32>
    %div3A_14 = arith.constant 3.200000e+05 : f32
    %div3A_15 = vector.broadcast %div3A_14 : f32 to vector<1x32xf32>
    %div3A_16 = arith.divf %slice3A_13, %div3A_15 : vector<1x32xf32>
    %mul3A = arith.mulf %div3A_12, %div3A_12 : vector<1x32xf32>
    %sub3A = arith.subf %div3A_16, %mul3A : vector<1x32xf32>
    %sub3A_17 = vector.broadcast %div3A_12 : vector<1x32xf32> to vector<2000x32xf32>
    %sub3A_18 = arith.subf %get3A_1, %sub3A_17 : vector<2000x32xf32>
    %add3A = arith.constant 9.99999974E-6 : f32
    %add3A_19 = vector.broadcast %add3A : f32 to vector<1x32xf32>
    %add3A_20 = arith.addf %sub3A, %add3A_19 : vector<1x32xf32>
    %sqrt3A = math.sqrt %add3A_20 : vector<1x32xf32>
    %div3A_21 = vector.broadcast %sqrt3A : vector<1x32xf32> to vector<2000x32xf32>
    %div3A_22 = arith.divf %sub3A_18, %div3A_21 : vector<2000x32xf32>
    %mul3A_23 = vector.broadcast %get3A_7 : vector<1x32xf32> to vector<2000x32xf32>
    %mul3A_24 = arith.mulf %div3A_22, %mul3A_23 : vector<2000x32xf32>
    %add3A_25 = vector.broadcast %get3A_10 : vector<1x32xf32> to vector<2000x32xf32>
    %add3A_26 = arith.addf %mul3A_24, %add3A_25 : vector<2000x32xf32>
    %logistic3A = arith.negf %add3A_26 : vector<2000x32xf32>
    %logistic3A_27 = math.exp %logistic3A : vector<2000x32xf32>
    %logistic3A_28 = arith.constant 1.000000e+00 : f32
    %logistic3A_29 = vector.broadcast %logistic3A_28 : f32 to vector<2000x32xf32>
    %logistic3A_30 = arith.addf %logistic3A_29, %logistic3A_27 : vector<2000x32xf32>
    %logistic3A_31 = arith.divf %logistic3A_29, %logistic3A_30 : vector<2000x32xf32>
    %mul3A_32 = arith.mulf %add3A_26, %logistic3A_31 : vector<2000x32xf32>
    %get3A_33 = arith.constant 0 : index
    %get3A_34 = arith.constant 0 : index
    %get3A_35 = vector.load %arg5[%get3A_33, %get3A_34] : memref<32x32xf32, #tpu.memory_space<vmem>>, vector<32x32xf32>
    %dot_general3A = arith.constant dense<0.000000e+00> : vector<2000x32xf32>
    %dot_general3A_36 = tpu.matmul %mul3A_32, %get3A_35, %dot_general3A {dimension_numbers = #tpu.dot_dimension_numbers<[1], [0], [0], [1], [0, 0, 1, 1], [], []>, transpose_lhs_hint = false} : vector<2000x32xf32>, vector<32x32xf32>, vector<2000x32xf32> -> vector<2000x32xf32>
    %swap3A = arith.constant 0 : index
    %swap3A_37 = arith.constant 0 : index
    %swap3A_38 = vector.load %arg6[%swap3A, %swap3A_37] : memref<2000x32xf32, #tpu.memory_space<vmem>>, vector<2000x32xf32>
    tpu.vector_store %arg6[%swap3A, %swap3A_37], %dot_general3A_36 {strides = array<i32>} : memref<2000x32xf32, #tpu.memory_space<vmem>>, vector<2000x32xf32>,
    return
  }
  func.func @transform_0(%arg0: i32) -> (i32, i32) {
    %c0_i32 = arith.constant 0 : i32
    %c0_i32_0 = arith.constant 0 : i32
    return %arg0, %c0_i32 : i32, i32
  }
  func.func @transform_1(%arg0: i32) -> (i32, i32) {
    %c0_i32 = arith.constant 0 : i32
    %c0_i32_0 = arith.constant 0 : i32
    %c0_i32_1 = arith.constant 0 : i32
    return %c0_i32, %c0_i32_0 : i32, i32
  }
  func.func @transform_2(%arg0: i32) -> (i32, i32) {
    %c0_i32 = arith.constant 0 : i32
    %c0_i32_0 = arith.constant 0 : i32
    %c0_i32_1 = arith.constant 0 : i32
    return %c0_i32, %c0_i32_0 : i32, i32
  }
  func.func @transform_3(%arg0: i32) -> (i32, i32) {
    %c0_i32 = arith.constant 0 : i32
    %c0_i32_0 = arith.constant 0 : i32
    %c0_i32_1 = arith.constant 0 : i32
    return %c0_i32, %c0_i32_0 : i32, i32
  }
  func.func @transform_4(%arg0: i32) -> (i32, i32) {
    %c0_i32 = arith.constant 0 : i32
    %c0_i32_0 = arith.constant 0 : i32
    %c0_i32_1 = arith.constant 0 : i32
    return %c0_i32, %c0_i32_0 : i32, i32
  }
  func.func @transform_5(%arg0: i32) -> (i32, i32) {
    %c0_i32 = arith.constant 0 : i32
    %c0_i32_0 = arith.constant 0 : i32
    return %arg0, %c0_i32 : i32, i32
  }
}

module attributes {stable_mosaic.version = 14 : i64} {
  func.func @kern(%arg0: i32, %arg1: memref<2000x64xf32, #tpu.memory_space<vmem>>, %arg2: memref<2000x32xf32, #tpu.memory_space<vmem>>, %arg3: memref<2000x32xf32, #tpu.memory_space<vmem>>, %arg4: memref<2000x32xf32, #tpu.memory_space<vmem>>, %arg5: memref<2000x64xf32, #tpu.memory_space<vmem>>, %arg6: memref<2x32xf32, #tpu.memory_space<vmem>>) attributes {dimension_semantics = [#tpu.dimension_semantics<arbitrary>], iteration_bounds = array<i64: 160>, scalar_prefetch = 0 : i64, scratch_operands = 0 : i64, tpu.core_type = #tpu.core_type<tc>, window_params = [{transform_indices = @transform_0, window_bounds = array<i64: 2000, 64>}, {transform_indices = @transform_1, window_bounds = array<i64: 2000, 32>}, {transform_indices = @transform_2, window_bounds = array<i64: 2000, 32>}, {transform_indices = @transform_3, window_bounds = array<i64: 2000, 32>}, {transform_indices = @transform_4, window_bounds = array<i64: 2000, 64>}, {pipeline_mode = #tpu.pipeline_mode<synchronous>, transform_indices = @transform_5, window_bounds = array<i64: 2, 32>}]} {
    %get3A = arith.constant 0 : index
    %get3A_0 = arith.constant 0 : index
    %get3A_1 = vector.load %arg1[%get3A, %get3A_0] : memref<2000x64xf32, #tpu.memory_space<vmem>>, vector<2000x64xf32>
    %slice3A = vector.extract_strided_slice %get3A_1 {offsets = [0, 0], sizes = [2000, 32], strides = [1, 1]} : vector<2000x64xf32> to vector<2000x32xf32>
    %get3A_2 = arith.constant 0 : index
    %get3A_3 = arith.constant 0 : index
    %get3A_4 = vector.load %arg2[%get3A_2, %get3A_3] : memref<2000x32xf32, #tpu.memory_space<vmem>>, vector<2000x32xf32>
    %add3A = arith.addf %slice3A, %get3A_4 : vector<2000x32xf32>
    %get3A_5 = arith.constant 0 : index
    %get3A_6 = arith.constant 0 : index
    %get3A_7 = vector.load %arg3[%get3A_5, %get3A_6] : memref<2000x32xf32, #tpu.memory_space<vmem>>, vector<2000x32xf32>
    %add3A_8 = arith.addf %add3A, %get3A_7 : vector<2000x32xf32>
    %logistic3A = arith.negf %add3A_8 : vector<2000x32xf32>
    %logistic3A_9 = math.exp %logistic3A : vector<2000x32xf32>
    %logistic3A_10 = arith.constant 1.000000e+00 : f32
    %logistic3A_11 = vector.broadcast %logistic3A_10 : f32 to vector<2000x32xf32>
    %logistic3A_12 = arith.addf %logistic3A_11, %logistic3A_9 : vector<2000x32xf32>
    %logistic3A_13 = arith.divf %logistic3A_11, %logistic3A_12 : vector<2000x32xf32>
    %swap3A = arith.constant 0 : index
    %swap3A_14 = arith.constant 0 : index
    %swap3A_15 = vector.load %arg4[%swap3A, %swap3A_14] : memref<2000x32xf32, #tpu.memory_space<vmem>>, vector<2000x32xf32>
    tpu.vector_store %arg4[%swap3A, %swap3A_14], %add3A_8 {strides = array<i32>} : memref<2000x32xf32, #tpu.memory_space<vmem>>, vector<2000x32xf32>,
    %slice3A_16 = vector.extract_strided_slice %get3A_1 {offsets = [0, 32], sizes = [2000, 32], strides = [1, 1]} : vector<2000x64xf32> to vector<2000x32xf32>
    %mul3A = arith.mulf %slice3A_16, %logistic3A_13 : vector<2000x32xf32>
    %concatenate3A = tpu.concatenate %logistic3A_13, %mul3A in 1 : vector<2000x32xf32>, vector<2000x32xf32> -> vector<2000x64xf32>
    %swap3A_17 = arith.constant 0 : index
    %swap3A_18 = arith.constant 0 : index
    %swap3A_19 = vector.load %arg5[%swap3A_17, %swap3A_18] : memref<2000x64xf32, #tpu.memory_space<vmem>>, vector<2000x64xf32>
    tpu.vector_store %arg5[%swap3A_17, %swap3A_18], %concatenate3A {strides = array<i32>} : memref<2000x64xf32, #tpu.memory_space<vmem>>, vector<2000x64xf32>,
    %eq3A = arith.constant 0 : i32
    %eq3A_20 = arith.cmpi eq, %arg0, %eq3A : i32
    %convert_element_type3A = arith.extui %eq3A_20 : i1 to i32
    %cond3A = arith.constant 0 : i32
    %cond3A_21 = arith.cmpi ne, %convert_element_type3A, %cond3A : i32
    scf.if %cond3A_21 {
      %broadcast_in_dim3A_35 = arith.constant 0.000000e+00 : f32
      %broadcast_in_dim3A_36 = vector.broadcast %broadcast_in_dim3A_35 : f32 to vector<2x32xf32>
      %swap3A_37 = arith.constant 0 : index
      %swap3A_38 = arith.constant 0 : index
      %swap3A_39 = vector.load %arg6[%swap3A_37, %swap3A_38] : memref<2x32xf32, #tpu.memory_space<vmem>>, vector<2x32xf32>
      tpu.vector_store %arg6[%swap3A_37, %swap3A_38], %broadcast_in_dim3A_36 {strides = array<i32>} : memref<2x32xf32, #tpu.memory_space<vmem>>, vector<2x32xf32>,
    } else {
    }
    %get3A_22 = arith.constant 0 : index
    %get3A_23 = arith.constant 0 : index
    %get3A_24 = vector.load %arg6[%get3A_22, %get3A_23] : memref<2x32xf32, #tpu.memory_space<vmem>>, vector<2x32xf32>
    %reduce_sum3A = arith.constant dense<0.000000e+00> : vector<32xf32>
    %reduce_sum3A_25 = vector.multi_reduction <add>, %add3A_8, %reduce_sum3A [0] : vector<2000x32xf32> to vector<32xf32>
    %broadcast_in_dim3A = vector.shape_cast %reduce_sum3A_25 : vector<32xf32> to vector<1x32xf32>
    %mul3A_26 = arith.mulf %add3A_8, %add3A_8 : vector<2000x32xf32>
    %reduce_sum3A_27 = arith.constant dense<0.000000e+00> : vector<32xf32>
    %reduce_sum3A_28 = vector.multi_reduction <add>, %mul3A_26, %reduce_sum3A_27 [0] : vector<2000x32xf32> to vector<32xf32>
    %broadcast_in_dim3A_29 = vector.shape_cast %reduce_sum3A_28 : vector<32xf32> to vector<1x32xf32>
    %concatenate3A_30 = tpu.concatenate %broadcast_in_dim3A, %broadcast_in_dim3A_29 in 0 : vector<1x32xf32>, vector<1x32xf32> -> vector<2x32xf32>
    %add3A_31 = arith.addf %get3A_24, %concatenate3A_30 : vector<2x32xf32>
    %swap3A_32 = arith.constant 0 : index
    %swap3A_33 = arith.constant 0 : index
    %swap3A_34 = vector.load %arg6[%swap3A_32, %swap3A_33] : memref<2x32xf32, #tpu.memory_space<vmem>>, vector<2x32xf32>
    tpu.vector_store %arg6[%swap3A_32, %swap3A_33], %add3A_31 {strides = array<i32>} : memref<2x32xf32, #tpu.memory_space<vmem>>, vector<2x32xf32>,
    return
  }
  func.func @transform_0(%arg0: i32) -> (i32, i32) {
    %c0_i32 = arith.constant 0 : i32
    %c0_i32_0 = arith.constant 0 : i32
    return %arg0, %c0_i32 : i32, i32
  }
  func.func @transform_1(%arg0: i32) -> (i32, i32) {
    %c0_i32 = arith.constant 0 : i32
    %c0_i32_0 = arith.constant 0 : i32
    return %arg0, %c0_i32 : i32, i32
  }
  func.func @transform_2(%arg0: i32) -> (i32, i32) {
    %c0_i32 = arith.constant 0 : i32
    %c0_i32_0 = arith.constant 0 : i32
    return %arg0, %c0_i32 : i32, i32
  }
  func.func @transform_3(%arg0: i32) -> (i32, i32) {
    %c0_i32 = arith.constant 0 : i32
    %c0_i32_0 = arith.constant 0 : i32
    return %arg0, %c0_i32 : i32, i32
  }
  func.func @transform_4(%arg0: i32) -> (i32, i32) {
    %c0_i32 = arith.constant 0 : i32
    %c0_i32_0 = arith.constant 0 : i32
    return %arg0, %c0_i32 : i32, i32
  }
  func.func @transform_5(%arg0: i32) -> (i32, i32) {
    %c0_i32 = arith.constant 0 : i32
    %c0_i32_0 = arith.constant 0 : i32
    %c0_i32_1 = arith.constant 0 : i32
    return %c0_i32, %c0_i32_0 : i32, i32
  }
}

module attributes {stable_mosaic.version = 14 : i64} {
  func.func @kern(%arg0: i32, %arg1: memref<2000x32xf32, #tpu.memory_space<vmem>>, %arg2: memref<2x32xf32, #tpu.memory_space<vmem>>, %arg3: memref<1x32xf32, #tpu.memory_space<vmem>>, %arg4: memref<1x32xf32, #tpu.memory_space<vmem>>, %arg5: memref<32x128xf32, #tpu.memory_space<vmem>>, %arg6: memref<1x128xf32, #tpu.memory_space<vmem>>, %arg7: memref<2000x128xf32, #tpu.memory_space<vmem>>, %arg8: memref<2x128xf32, #tpu.memory_space<vmem>>) attributes {dimension_semantics = [#tpu.dimension_semantics<arbitrary>], iteration_bounds = array<i64: 320>, scalar_prefetch = 0 : i64, scratch_operands = 0 : i64, tpu.core_type = #tpu.core_type<tc>, window_params = [{transform_indices = @transform_0, window_bounds = array<i64: 2000, 32>}, {pipeline_mode = #tpu.pipeline_mode<synchronous>, transform_indices = @transform_1, window_bounds = array<i64: 2, 32>}, {pipeline_mode = #tpu.pipeline_mode<synchronous>, transform_indices = @transform_2, window_bounds = array<i64: 1, 32>}, {pipeline_mode = #tpu.pipeline_mode<synchronous>, transform_indices = @transform_3, window_bounds = array<i64: 1, 32>}, {pipeline_mode = #tpu.pipeline_mode<synchronous>, transform_indices = @transform_4, window_bounds = array<i64: 32, 128>}, {pipeline_mode = #tpu.pipeline_mode<synchronous>, transform_indices = @transform_5, window_bounds = array<i64: 1, 128>}, {transform_indices = @transform_6, window_bounds = array<i64: 2000, 128>}, {pipeline_mode = #tpu.pipeline_mode<synchronous>, transform_indices = @transform_7, window_bounds = array<i64: 2, 128>}]} {
    %get3A = arith.constant 0 : index
    %get3A_0 = arith.constant 0 : index
    %get3A_1 = vector.load %arg1[%get3A, %get3A_0] : memref<2000x32xf32, #tpu.memory_space<vmem>>, vector<2000x32xf32>
    %get3A_2 = arith.constant 0 : index
    %get3A_3 = arith.constant 0 : index
    %get3A_4 = vector.load %arg2[%get3A_2, %get3A_3] : memref<2x32xf32, #tpu.memory_space<vmem>>, vector<2x32xf32>
    %get3A_5 = arith.constant 0 : index
    %get3A_6 = arith.constant 0 : index
    %get3A_7 = vector.load %arg3[%get3A_5, %get3A_6] : memref<1x32xf32, #tpu.memory_space<vmem>>, vector<1x32xf32>
    %get3A_8 = arith.constant 0 : index
    %get3A_9 = arith.constant 0 : index
    %get3A_10 = vector.load %arg4[%get3A_8, %get3A_9] : memref<1x32xf32, #tpu.memory_space<vmem>>, vector<1x32xf32>
    %slice3A = vector.extract_strided_slice %get3A_4 {offsets = [0, 0], sizes = [1, 32], strides = [1, 1]} : vector<2x32xf32> to vector<1x32xf32>
    %div3A = arith.constant 6.400000e+05 : f32
    %div3A_11 = vector.broadcast %div3A : f32 to vector<1x32xf32>
    %div3A_12 = arith.divf %slice3A, %div3A_11 : vector<1x32xf32>
    %slice3A_13 = vector.extract_strided_slice %get3A_4 {offsets = [1, 0], sizes = [1, 32], strides = [1, 1]} : vector<2x32xf32> to vector<1x32xf32>
    %div3A_14 = arith.constant 6.400000e+05 : f32
    %div3A_15 = vector.broadcast %div3A_14 : f32 to vector<1x32xf32>
    %div3A_16 = arith.divf %slice3A_13, %div3A_15 : vector<1x32xf32>
    %mul3A = arith.mulf %div3A_12, %div3A_12 : vector<1x32xf32>
    %sub3A = arith.subf %div3A_16, %mul3A : vector<1x32xf32>
    %sub3A_17 = vector.broadcast %div3A_12 : vector<1x32xf32> to vector<2000x32xf32>
    %sub3A_18 = arith.subf %get3A_1, %sub3A_17 : vector<2000x32xf32>
    %add3A = arith.constant 9.99999974E-6 : f32
    %add3A_19 = vector.broadcast %add3A : f32 to vector<1x32xf32>
    %add3A_20 = arith.addf %sub3A, %add3A_19 : vector<1x32xf32>
    %sqrt3A = math.sqrt %add3A_20 : vector<1x32xf32>
    %div3A_21 = vector.broadcast %sqrt3A : vector<1x32xf32> to vector<2000x32xf32>
    %div3A_22 = arith.divf %sub3A_18, %div3A_21 : vector<2000x32xf32>
    %mul3A_23 = vector.broadcast %get3A_7 : vector<1x32xf32> to vector<2000x32xf32>
    %mul3A_24 = arith.mulf %div3A_22, %mul3A_23 : vector<2000x32xf32>
    %add3A_25 = vector.broadcast %get3A_10 : vector<1x32xf32> to vector<2000x32xf32>
    %add3A_26 = arith.addf %mul3A_24, %add3A_25 : vector<2000x32xf32>
    %logistic3A = arith.negf %add3A_26 : vector<2000x32xf32>
    %logistic3A_27 = math.exp %logistic3A : vector<2000x32xf32>
    %logistic3A_28 = arith.constant 1.000000e+00 : f32
    %logistic3A_29 = vector.broadcast %logistic3A_28 : f32 to vector<2000x32xf32>
    %logistic3A_30 = arith.addf %logistic3A_29, %logistic3A_27 : vector<2000x32xf32>
    %logistic3A_31 = arith.divf %logistic3A_29, %logistic3A_30 : vector<2000x32xf32>
    %mul3A_32 = arith.mulf %add3A_26, %logistic3A_31 : vector<2000x32xf32>
    %get3A_33 = arith.constant 0 : index
    %get3A_34 = arith.constant 0 : index
    %get3A_35 = vector.load %arg5[%get3A_33, %get3A_34] : memref<32x128xf32, #tpu.memory_space<vmem>>, vector<32x128xf32>
    %dot_general3A = arith.constant dense<0.000000e+00> : vector<2000x128xf32>
    %dot_general3A_36 = tpu.matmul %mul3A_32, %get3A_35, %dot_general3A {dimension_numbers = #tpu.dot_dimension_numbers<[1], [0], [0], [1], [0, 0, 1, 1], [], []>, transpose_lhs_hint = false} : vector<2000x32xf32>, vector<32x128xf32>, vector<2000x128xf32> -> vector<2000x128xf32>
    %get3A_37 = arith.constant 0 : index
    %get3A_38 = arith.constant 0 : index
    %get3A_39 = vector.load %arg6[%get3A_37, %get3A_38] : memref<1x128xf32, #tpu.memory_space<vmem>>, vector<1x128xf32>
    %add3A_40 = vector.broadcast %get3A_39 : vector<1x128xf32> to vector<2000x128xf32>
    %add3A_41 = arith.addf %dot_general3A_36, %add3A_40 : vector<2000x128xf32>
    %swap3A = arith.constant 0 : index
    %swap3A_42 = arith.constant 0 : index
    %swap3A_43 = vector.load %arg7[%swap3A, %swap3A_42] : memref<2000x128xf32, #tpu.memory_space<vmem>>, vector<2000x128xf32>
    tpu.vector_store %arg7[%swap3A, %swap3A_42], %add3A_41 {strides = array<i32>} : memref<2000x128xf32, #tpu.memory_space<vmem>>, vector<2000x128xf32>,
    %eq3A = arith.constant 0 : i32
    %eq3A_44 = arith.cmpi eq, %arg0, %eq3A : i32
    %convert_element_type3A = arith.extui %eq3A_44 : i1 to i32
    %cond3A = arith.constant 0 : i32
    %cond3A_45 = arith.cmpi ne, %convert_element_type3A, %cond3A : i32
    scf.if %cond3A_45 {
      %broadcast_in_dim3A_58 = arith.constant 0.000000e+00 : f32
      %broadcast_in_dim3A_59 = vector.broadcast %broadcast_in_dim3A_58 : f32 to vector<2x128xf32>
      %swap3A_60 = arith.constant 0 : index
      %swap3A_61 = arith.constant 0 : index
      %swap3A_62 = vector.load %arg8[%swap3A_60, %swap3A_61] : memref<2x128xf32, #tpu.memory_space<vmem>>, vector<2x128xf32>
      tpu.vector_store %arg8[%swap3A_60, %swap3A_61], %broadcast_in_dim3A_59 {strides = array<i32>} : memref<2x128xf32, #tpu.memory_space<vmem>>, vector<2x128xf32>,
    } else {
    }
    %get3A_46 = arith.constant 0 : index
    %get3A_47 = arith.constant 0 : index
    %get3A_48 = vector.load %arg8[%get3A_46, %get3A_47] : memref<2x128xf32, #tpu.memory_space<vmem>>, vector<2x128xf32>
    %reduce_sum3A = arith.constant dense<0.000000e+00> : vector<128xf32>
    %reduce_sum3A_49 = vector.multi_reduction <add>, %add3A_41, %reduce_sum3A [0] : vector<2000x128xf32> to vector<128xf32>
    %broadcast_in_dim3A = vector.shape_cast %reduce_sum3A_49 : vector<128xf32> to vector<1x128xf32>
    %mul3A_50 = arith.mulf %add3A_41, %add3A_41 : vector<2000x128xf32>
    %reduce_sum3A_51 = arith.constant dense<0.000000e+00> : vector<128xf32>
    %reduce_sum3A_52 = vector.multi_reduction <add>, %mul3A_50, %reduce_sum3A_51 [0] : vector<2000x128xf32> to vector<128xf32>
    %broadcast_in_dim3A_53 = vector.shape_cast %reduce_sum3A_52 : vector<128xf32> to vector<1x128xf32>
    %concatenate3A = tpu.concatenate %broadcast_in_dim3A, %broadcast_in_dim3A_53 in 0 : vector<1x128xf32>, vector<1x128xf32> -> vector<2x128xf32>
    %add3A_54 = arith.addf %get3A_48, %concatenate3A : vector<2x128xf32>
    %swap3A_55 = arith.constant 0 : index
    %swap3A_56 = arith.constant 0 : index
    %swap3A_57 = vector.load %arg8[%swap3A_55, %swap3A_56] : memref<2x128xf32, #tpu.memory_space<vmem>>, vector<2x128xf32>
    tpu.vector_store %arg8[%swap3A_55, %swap3A_56], %add3A_54 {strides = array<i32>} : memref<2x128xf32, #tpu.memory_space<vmem>>, vector<2x128xf32>,
    return
  }
  func.func @transform_0(%arg0: i32) -> (i32, i32) {
    %c0_i32 = arith.constant 0 : i32
    %c0_i32_0 = arith.constant 0 : i32
    return %arg0, %c0_i32 : i32, i32
  }
  func.func @transform_1(%arg0: i32) -> (i32, i32) {
    %c0_i32 = arith.constant 0 : i32
    %c0_i32_0 = arith.constant 0 : i32
    %c0_i32_1 = arith.constant 0 : i32
    return %c0_i32, %c0_i32_0 : i32, i32
  }
  func.func @transform_2(%arg0: i32) -> (i32, i32) {
    %c0_i32 = arith.constant 0 : i32
    %c0_i32_0 = arith.constant 0 : i32
    %c0_i32_1 = arith.constant 0 : i32
    return %c0_i32, %c0_i32_0 : i32, i32
  }
  func.func @transform_3(%arg0: i32) -> (i32, i32) {
    %c0_i32 = arith.constant 0 : i32
    %c0_i32_0 = arith.constant 0 : i32
    %c0_i32_1 = arith.constant 0 : i32
    return %c0_i32, %c0_i32_0 : i32, i32
  }
  func.func @transform_4(%arg0: i32) -> (i32, i32) {
    %c0_i32 = arith.constant 0 : i32
    %c0_i32_0 = arith.constant 0 : i32
    %c0_i32_1 = arith.constant 0 : i32
    return %c0_i32, %c0_i32_0 : i32, i32
  }
  func.func @transform_5(%arg0: i32) -> (i32, i32) {
    %c0_i32 = arith.constant 0 : i32
    %c0_i32_0 = arith.constant 0 : i32
    %c0_i32_1 = arith.constant 0 : i32
    return %c0_i32, %c0_i32_0 : i32, i32
  }
  func.func @transform_6(%arg0: i32) -> (i32, i32) {
    %c0_i32 = arith.constant 0 : i32
    %c0_i32_0 = arith.constant 0 : i32
    return %arg0, %c0_i32 : i32, i32
  }
  func.func @transform_7(%arg0: i32) -> (i32, i32) {
    %c0_i32 = arith.constant 0 : i32
    %c0_i32_0 = arith.constant 0 : i32
    %c0_i32_1 = arith.constant 0 : i32
    return %c0_i32, %c0_i32_0 : i32, i32
  }
}

module attributes {stable_mosaic.version = 14 : i64} {
  func.func @kern(%arg0: i32, %arg1: memref<2000x128xf32, #tpu.memory_space<vmem>>, %arg2: memref<2x128xf32, #tpu.memory_space<vmem>>, %arg3: memref<1x128xf32, #tpu.memory_space<vmem>>, %arg4: memref<1x128xf32, #tpu.memory_space<vmem>>, %arg5: memref<2000x128xf32, #tpu.memory_space<vmem>>, %arg6: memref<2000x128xf32, #tpu.memory_space<vmem>>) attributes {dimension_semantics = [#tpu.dimension_semantics<arbitrary>], iteration_bounds = array<i64: 320>, scalar_prefetch = 0 : i64, scratch_operands = 0 : i64, tpu.core_type = #tpu.core_type<tc>, window_params = [{transform_indices = @transform_0, window_bounds = array<i64: 2000, 128>}, {pipeline_mode = #tpu.pipeline_mode<synchronous>, transform_indices = @transform_1, window_bounds = array<i64: 2, 128>}, {pipeline_mode = #tpu.pipeline_mode<synchronous>, transform_indices = @transform_2, window_bounds = array<i64: 1, 128>}, {pipeline_mode = #tpu.pipeline_mode<synchronous>, transform_indices = @transform_3, window_bounds = array<i64: 1, 128>}, {transform_indices = @transform_4, window_bounds = array<i64: 2000, 128>}, {transform_indices = @transform_5, window_bounds = array<i64: 2000, 128>}]} {
    %get3A = arith.constant 0 : index
    %get3A_0 = arith.constant 0 : index
    %get3A_1 = vector.load %arg1[%get3A, %get3A_0] : memref<2000x128xf32, #tpu.memory_space<vmem>>, vector<2000x128xf32>
    %get3A_2 = arith.constant 0 : index
    %get3A_3 = arith.constant 0 : index
    %get3A_4 = vector.load %arg2[%get3A_2, %get3A_3] : memref<2x128xf32, #tpu.memory_space<vmem>>, vector<2x128xf32>
    %get3A_5 = arith.constant 0 : index
    %get3A_6 = arith.constant 0 : index
    %get3A_7 = vector.load %arg3[%get3A_5, %get3A_6] : memref<1x128xf32, #tpu.memory_space<vmem>>, vector<1x128xf32>
    %get3A_8 = arith.constant 0 : index
    %get3A_9 = arith.constant 0 : index
    %get3A_10 = vector.load %arg4[%get3A_8, %get3A_9] : memref<1x128xf32, #tpu.memory_space<vmem>>, vector<1x128xf32>
    %slice3A = vector.extract_strided_slice %get3A_4 {offsets = [0, 0], sizes = [1, 128], strides = [1, 1]} : vector<2x128xf32> to vector<1x128xf32>
    %div3A = arith.constant 6.400000e+05 : f32
    %div3A_11 = vector.broadcast %div3A : f32 to vector<1x128xf32>
    %div3A_12 = arith.divf %slice3A, %div3A_11 : vector<1x128xf32>
    %slice3A_13 = vector.extract_strided_slice %get3A_4 {offsets = [1, 0], sizes = [1, 128], strides = [1, 1]} : vector<2x128xf32> to vector<1x128xf32>
    %div3A_14 = arith.constant 6.400000e+05 : f32
    %div3A_15 = vector.broadcast %div3A_14 : f32 to vector<1x128xf32>
    %div3A_16 = arith.divf %slice3A_13, %div3A_15 : vector<1x128xf32>
    %mul3A = arith.mulf %div3A_12, %div3A_12 : vector<1x128xf32>
    %sub3A = arith.subf %div3A_16, %mul3A : vector<1x128xf32>
    %sub3A_17 = vector.broadcast %div3A_12 : vector<1x128xf32> to vector<2000x128xf32>
    %sub3A_18 = arith.subf %get3A_1, %sub3A_17 : vector<2000x128xf32>
    %add3A = arith.constant 9.99999974E-6 : f32
    %add3A_19 = vector.broadcast %add3A : f32 to vector<1x128xf32>
    %add3A_20 = arith.addf %sub3A, %add3A_19 : vector<1x128xf32>
    %sqrt3A = math.sqrt %add3A_20 : vector<1x128xf32>
    %div3A_21 = vector.broadcast %sqrt3A : vector<1x128xf32> to vector<2000x128xf32>
    %div3A_22 = arith.divf %sub3A_18, %div3A_21 : vector<2000x128xf32>
    %mul3A_23 = vector.broadcast %get3A_7 : vector<1x128xf32> to vector<2000x128xf32>
    %mul3A_24 = arith.mulf %div3A_22, %mul3A_23 : vector<2000x128xf32>
    %add3A_25 = vector.broadcast %get3A_10 : vector<1x128xf32> to vector<2000x128xf32>
    %add3A_26 = arith.addf %mul3A_24, %add3A_25 : vector<2000x128xf32>
    %logistic3A = arith.negf %add3A_26 : vector<2000x128xf32>
    %logistic3A_27 = math.exp %logistic3A : vector<2000x128xf32>
    %logistic3A_28 = arith.constant 1.000000e+00 : f32
    %logistic3A_29 = vector.broadcast %logistic3A_28 : f32 to vector<2000x128xf32>
    %logistic3A_30 = arith.addf %logistic3A_29, %logistic3A_27 : vector<2000x128xf32>
    %logistic3A_31 = arith.divf %logistic3A_29, %logistic3A_30 : vector<2000x128xf32>
    %mul3A_32 = arith.mulf %add3A_26, %logistic3A_31 : vector<2000x128xf32>
    %get3A_33 = arith.constant 0 : index
    %get3A_34 = arith.constant 0 : index
    %get3A_35 = vector.load %arg5[%get3A_33, %get3A_34] : memref<2000x128xf32, #tpu.memory_space<vmem>>, vector<2000x128xf32>
    %add3A_36 = arith.addf %mul3A_32, %get3A_35 : vector<2000x128xf32>
    %swap3A = arith.constant 0 : index
    %swap3A_37 = arith.constant 0 : index
    %swap3A_38 = vector.load %arg6[%swap3A, %swap3A_37] : memref<2000x128xf32, #tpu.memory_space<vmem>>, vector<2000x128xf32>
    tpu.vector_store %arg6[%swap3A, %swap3A_37], %add3A_36 {strides = array<i32>} : memref<2000x128xf32, #tpu.memory_space<vmem>>, vector<2000x128xf32>,
    return
  }
  func.func @transform_0(%arg0: i32) -> (i32, i32) {
    %c0_i32 = arith.constant 0 : i32
    %c0_i32_0 = arith.constant 0 : i32
    return %arg0, %c0_i32 : i32, i32
  }
  func.func @transform_1(%arg0: i32) -> (i32, i32) {
    %c0_i32 = arith.constant 0 : i32
    %c0_i32_0 = arith.constant 0 : i32
    %c0_i32_1 = arith.constant 0 : i32
    return %c0_i32, %c0_i32_0 : i32, i32
  }
  func.func @transform_2(%arg0: i32) -> (i32, i32) {
    %c0_i32 = arith.constant 0 : i32
    %c0_i32_0 = arith.constant 0 : i32
    %c0_i32_1 = arith.constant 0 : i32
    return %c0_i32, %c0_i32_0 : i32, i32
  }
  func.func @transform_3(%arg0: i32) -> (i32, i32) {
    %c0_i32 = arith.constant 0 : i32
    %c0_i32_0 = arith.constant 0 : i32
    %c0_i32_1 = arith.constant 0 : i32
    return %c0_i32, %c0_i32_0 : i32, i32
  }
  func.func @transform_4(%arg0: i32) -> (i32, i32) {
    %c0_i32 = arith.constant 0 : i32
    %c0_i32_0 = arith.constant 0 : i32
    return %arg0, %c0_i32 : i32, i32
  }
  func.func @transform_5(%arg0: i32) -> (i32, i32) {
    %c0_i32 = arith.constant 0 : i32
    %c0_i32_0 = arith.constant 0 : i32
    return %arg0, %c0_i32 : i32, i32
  }
}

module attributes {stable_mosaic.version = 14 : i64} {
  func.func @kern(%arg0: i32, %arg1: memref<2000x32xf32, #tpu.memory_space<vmem>>, %arg2: memref<2x32xf32, #tpu.memory_space<vmem>>, %arg3: memref<1x32xf32, #tpu.memory_space<vmem>>, %arg4: memref<1x32xf32, #tpu.memory_space<vmem>>, %arg5: memref<32x128xf32, #tpu.memory_space<vmem>>, %arg6: memref<1x128xf32, #tpu.memory_space<vmem>>, %arg7: memref<2000x128xf32, #tpu.memory_space<vmem>>, %arg8: memref<2x128xf32, #tpu.memory_space<vmem>>) attributes {dimension_semantics = [#tpu.dimension_semantics<arbitrary>], iteration_bounds = array<i64: 160>, scalar_prefetch = 0 : i64, scratch_operands = 0 : i64, tpu.core_type = #tpu.core_type<tc>, window_params = [{transform_indices = @transform_0, window_bounds = array<i64: 2000, 32>}, {pipeline_mode = #tpu.pipeline_mode<synchronous>, transform_indices = @transform_1, window_bounds = array<i64: 2, 32>}, {pipeline_mode = #tpu.pipeline_mode<synchronous>, transform_indices = @transform_2, window_bounds = array<i64: 1, 32>}, {pipeline_mode = #tpu.pipeline_mode<synchronous>, transform_indices = @transform_3, window_bounds = array<i64: 1, 32>}, {pipeline_mode = #tpu.pipeline_mode<synchronous>, transform_indices = @transform_4, window_bounds = array<i64: 32, 128>}, {pipeline_mode = #tpu.pipeline_mode<synchronous>, transform_indices = @transform_5, window_bounds = array<i64: 1, 128>}, {transform_indices = @transform_6, window_bounds = array<i64: 2000, 128>}, {pipeline_mode = #tpu.pipeline_mode<synchronous>, transform_indices = @transform_7, window_bounds = array<i64: 2, 128>}]} {
    %get3A = arith.constant 0 : index
    %get3A_0 = arith.constant 0 : index
    %get3A_1 = vector.load %arg1[%get3A, %get3A_0] : memref<2000x32xf32, #tpu.memory_space<vmem>>, vector<2000x32xf32>
    %get3A_2 = arith.constant 0 : index
    %get3A_3 = arith.constant 0 : index
    %get3A_4 = vector.load %arg2[%get3A_2, %get3A_3] : memref<2x32xf32, #tpu.memory_space<vmem>>, vector<2x32xf32>
    %get3A_5 = arith.constant 0 : index
    %get3A_6 = arith.constant 0 : index
    %get3A_7 = vector.load %arg3[%get3A_5, %get3A_6] : memref<1x32xf32, #tpu.memory_space<vmem>>, vector<1x32xf32>
    %get3A_8 = arith.constant 0 : index
    %get3A_9 = arith.constant 0 : index
    %get3A_10 = vector.load %arg4[%get3A_8, %get3A_9] : memref<1x32xf32, #tpu.memory_space<vmem>>, vector<1x32xf32>
    %slice3A = vector.extract_strided_slice %get3A_4 {offsets = [0, 0], sizes = [1, 32], strides = [1, 1]} : vector<2x32xf32> to vector<1x32xf32>
    %div3A = arith.constant 3.200000e+05 : f32
    %div3A_11 = vector.broadcast %div3A : f32 to vector<1x32xf32>
    %div3A_12 = arith.divf %slice3A, %div3A_11 : vector<1x32xf32>
    %slice3A_13 = vector.extract_strided_slice %get3A_4 {offsets = [1, 0], sizes = [1, 32], strides = [1, 1]} : vector<2x32xf32> to vector<1x32xf32>
    %div3A_14 = arith.constant 3.200000e+05 : f32
    %div3A_15 = vector.broadcast %div3A_14 : f32 to vector<1x32xf32>
    %div3A_16 = arith.divf %slice3A_13, %div3A_15 : vector<1x32xf32>
    %mul3A = arith.mulf %div3A_12, %div3A_12 : vector<1x32xf32>
    %sub3A = arith.subf %div3A_16, %mul3A : vector<1x32xf32>
    %sub3A_17 = vector.broadcast %div3A_12 : vector<1x32xf32> to vector<2000x32xf32>
    %sub3A_18 = arith.subf %get3A_1, %sub3A_17 : vector<2000x32xf32>
    %add3A = arith.constant 9.99999974E-6 : f32
    %add3A_19 = vector.broadcast %add3A : f32 to vector<1x32xf32>
    %add3A_20 = arith.addf %sub3A, %add3A_19 : vector<1x32xf32>
    %sqrt3A = math.sqrt %add3A_20 : vector<1x32xf32>
    %div3A_21 = vector.broadcast %sqrt3A : vector<1x32xf32> to vector<2000x32xf32>
    %div3A_22 = arith.divf %sub3A_18, %div3A_21 : vector<2000x32xf32>
    %mul3A_23 = vector.broadcast %get3A_7 : vector<1x32xf32> to vector<2000x32xf32>
    %mul3A_24 = arith.mulf %div3A_22, %mul3A_23 : vector<2000x32xf32>
    %add3A_25 = vector.broadcast %get3A_10 : vector<1x32xf32> to vector<2000x32xf32>
    %add3A_26 = arith.addf %mul3A_24, %add3A_25 : vector<2000x32xf32>
    %logistic3A = arith.negf %add3A_26 : vector<2000x32xf32>
    %logistic3A_27 = math.exp %logistic3A : vector<2000x32xf32>
    %logistic3A_28 = arith.constant 1.000000e+00 : f32
    %logistic3A_29 = vector.broadcast %logistic3A_28 : f32 to vector<2000x32xf32>
    %logistic3A_30 = arith.addf %logistic3A_29, %logistic3A_27 : vector<2000x32xf32>
    %logistic3A_31 = arith.divf %logistic3A_29, %logistic3A_30 : vector<2000x32xf32>
    %mul3A_32 = arith.mulf %add3A_26, %logistic3A_31 : vector<2000x32xf32>
    %get3A_33 = arith.constant 0 : index
    %get3A_34 = arith.constant 0 : index
    %get3A_35 = vector.load %arg5[%get3A_33, %get3A_34] : memref<32x128xf32, #tpu.memory_space<vmem>>, vector<32x128xf32>
    %dot_general3A = arith.constant dense<0.000000e+00> : vector<2000x128xf32>
    %dot_general3A_36 = tpu.matmul %mul3A_32, %get3A_35, %dot_general3A {dimension_numbers = #tpu.dot_dimension_numbers<[1], [0], [0], [1], [0, 0, 1, 1], [], []>, transpose_lhs_hint = false} : vector<2000x32xf32>, vector<32x128xf32>, vector<2000x128xf32> -> vector<2000x128xf32>
    %get3A_37 = arith.constant 0 : index
    %get3A_38 = arith.constant 0 : index
    %get3A_39 = vector.load %arg6[%get3A_37, %get3A_38] : memref<1x128xf32, #tpu.memory_space<vmem>>, vector<1x128xf32>
    %add3A_40 = vector.broadcast %get3A_39 : vector<1x128xf32> to vector<2000x128xf32>
    %add3A_41 = arith.addf %dot_general3A_36, %add3A_40 : vector<2000x128xf32>
    %swap3A = arith.constant 0 : index
    %swap3A_42 = arith.constant 0 : index
    %swap3A_43 = vector.load %arg7[%swap3A, %swap3A_42] : memref<2000x128xf32, #tpu.memory_space<vmem>>, vector<2000x128xf32>
    tpu.vector_store %arg7[%swap3A, %swap3A_42], %add3A_41 {strides = array<i32>} : memref<2000x128xf32, #tpu.memory_space<vmem>>, vector<2000x128xf32>,
    %eq3A = arith.constant 0 : i32
    %eq3A_44 = arith.cmpi eq, %arg0, %eq3A : i32
    %convert_element_type3A = arith.extui %eq3A_44 : i1 to i32
    %cond3A = arith.constant 0 : i32
    %cond3A_45 = arith.cmpi ne, %convert_element_type3A, %cond3A : i32
    scf.if %cond3A_45 {
      %broadcast_in_dim3A_58 = arith.constant 0.000000e+00 : f32
      %broadcast_in_dim3A_59 = vector.broadcast %broadcast_in_dim3A_58 : f32 to vector<2x128xf32>
      %swap3A_60 = arith.constant 0 : index
      %swap3A_61 = arith.constant 0 : index
      %swap3A_62 = vector.load %arg8[%swap3A_60, %swap3A_61] : memref<2x128xf32, #tpu.memory_space<vmem>>, vector<2x128xf32>
      tpu.vector_store %arg8[%swap3A_60, %swap3A_61], %broadcast_in_dim3A_59 {strides = array<i32>} : memref<2x128xf32, #tpu.memory_space<vmem>>, vector<2x128xf32>,
    } else {
    }
    %get3A_46 = arith.constant 0 : index
    %get3A_47 = arith.constant 0 : index
    %get3A_48 = vector.load %arg8[%get3A_46, %get3A_47] : memref<2x128xf32, #tpu.memory_space<vmem>>, vector<2x128xf32>
    %reduce_sum3A = arith.constant dense<0.000000e+00> : vector<128xf32>
    %reduce_sum3A_49 = vector.multi_reduction <add>, %add3A_41, %reduce_sum3A [0] : vector<2000x128xf32> to vector<128xf32>
    %broadcast_in_dim3A = vector.shape_cast %reduce_sum3A_49 : vector<128xf32> to vector<1x128xf32>
    %mul3A_50 = arith.mulf %add3A_41, %add3A_41 : vector<2000x128xf32>
    %reduce_sum3A_51 = arith.constant dense<0.000000e+00> : vector<128xf32>
    %reduce_sum3A_52 = vector.multi_reduction <add>, %mul3A_50, %reduce_sum3A_51 [0] : vector<2000x128xf32> to vector<128xf32>
    %broadcast_in_dim3A_53 = vector.shape_cast %reduce_sum3A_52 : vector<128xf32> to vector<1x128xf32>
    %concatenate3A = tpu.concatenate %broadcast_in_dim3A, %broadcast_in_dim3A_53 in 0 : vector<1x128xf32>, vector<1x128xf32> -> vector<2x128xf32>
    %add3A_54 = arith.addf %get3A_48, %concatenate3A : vector<2x128xf32>
    %swap3A_55 = arith.constant 0 : index
    %swap3A_56 = arith.constant 0 : index
    %swap3A_57 = vector.load %arg8[%swap3A_55, %swap3A_56] : memref<2x128xf32, #tpu.memory_space<vmem>>, vector<2x128xf32>
    tpu.vector_store %arg8[%swap3A_55, %swap3A_56], %add3A_54 {strides = array<i32>} : memref<2x128xf32, #tpu.memory_space<vmem>>, vector<2x128xf32>,
    return
  }
  func.func @transform_0(%arg0: i32) -> (i32, i32) {
    %c0_i32 = arith.constant 0 : i32
    %c0_i32_0 = arith.constant 0 : i32
    return %arg0, %c0_i32 : i32, i32
  }
  func.func @transform_1(%arg0: i32) -> (i32, i32) {
    %c0_i32 = arith.constant 0 : i32
    %c0_i32_0 = arith.constant 0 : i32
    %c0_i32_1 = arith.constant 0 : i32
    return %c0_i32, %c0_i32_0 : i32, i32
  }
  func.func @transform_2(%arg0: i32) -> (i32, i32) {
    %c0_i32 = arith.constant 0 : i32
    %c0_i32_0 = arith.constant 0 : i32
    %c0_i32_1 = arith.constant 0 : i32
    return %c0_i32, %c0_i32_0 : i32, i32
  }
  func.func @transform_3(%arg0: i32) -> (i32, i32) {
    %c0_i32 = arith.constant 0 : i32
    %c0_i32_0 = arith.constant 0 : i32
    %c0_i32_1 = arith.constant 0 : i32
    return %c0_i32, %c0_i32_0 : i32, i32
  }
  func.func @transform_4(%arg0: i32) -> (i32, i32) {
    %c0_i32 = arith.constant 0 : i32
    %c0_i32_0 = arith.constant 0 : i32
    %c0_i32_1 = arith.constant 0 : i32
    return %c0_i32, %c0_i32_0 : i32, i32
  }
  func.func @transform_5(%arg0: i32) -> (i32, i32) {
    %c0_i32 = arith.constant 0 : i32
    %c0_i32_0 = arith.constant 0 : i32
    %c0_i32_1 = arith.constant 0 : i32
    return %c0_i32, %c0_i32_0 : i32, i32
  }
  func.func @transform_6(%arg0: i32) -> (i32, i32) {
    %c0_i32 = arith.constant 0 : i32
    %c0_i32_0 = arith.constant 0 : i32
    return %arg0, %c0_i32 : i32, i32
  }
  func.func @transform_7(%arg0: i32) -> (i32, i32) {
    %c0_i32 = arith.constant 0 : i32
    %c0_i32_0 = arith.constant 0 : i32
    %c0_i32_1 = arith.constant 0 : i32
    return %c0_i32, %c0_i32_0 : i32, i32
  }
}

module attributes {stable_mosaic.version = 14 : i64} {
  func.func @kern(%arg0: i32, %arg1: memref<2000x128xf32, #tpu.memory_space<vmem>>, %arg2: memref<2x128xf32, #tpu.memory_space<vmem>>, %arg3: memref<1x128xf32, #tpu.memory_space<vmem>>, %arg4: memref<1x128xf32, #tpu.memory_space<vmem>>, %arg5: memref<2000x128xf32, #tpu.memory_space<vmem>>, %arg6: memref<2000x128xf32, #tpu.memory_space<vmem>>) attributes {dimension_semantics = [#tpu.dimension_semantics<arbitrary>], iteration_bounds = array<i64: 160>, scalar_prefetch = 0 : i64, scratch_operands = 0 : i64, tpu.core_type = #tpu.core_type<tc>, window_params = [{transform_indices = @transform_0, window_bounds = array<i64: 2000, 128>}, {pipeline_mode = #tpu.pipeline_mode<synchronous>, transform_indices = @transform_1, window_bounds = array<i64: 2, 128>}, {pipeline_mode = #tpu.pipeline_mode<synchronous>, transform_indices = @transform_2, window_bounds = array<i64: 1, 128>}, {pipeline_mode = #tpu.pipeline_mode<synchronous>, transform_indices = @transform_3, window_bounds = array<i64: 1, 128>}, {transform_indices = @transform_4, window_bounds = array<i64: 2000, 128>}, {transform_indices = @transform_5, window_bounds = array<i64: 2000, 128>}]} {
    %get3A = arith.constant 0 : index
    %get3A_0 = arith.constant 0 : index
    %get3A_1 = vector.load %arg1[%get3A, %get3A_0] : memref<2000x128xf32, #tpu.memory_space<vmem>>, vector<2000x128xf32>
    %get3A_2 = arith.constant 0 : index
    %get3A_3 = arith.constant 0 : index
    %get3A_4 = vector.load %arg2[%get3A_2, %get3A_3] : memref<2x128xf32, #tpu.memory_space<vmem>>, vector<2x128xf32>
    %get3A_5 = arith.constant 0 : index
    %get3A_6 = arith.constant 0 : index
    %get3A_7 = vector.load %arg3[%get3A_5, %get3A_6] : memref<1x128xf32, #tpu.memory_space<vmem>>, vector<1x128xf32>
    %get3A_8 = arith.constant 0 : index
    %get3A_9 = arith.constant 0 : index
    %get3A_10 = vector.load %arg4[%get3A_8, %get3A_9] : memref<1x128xf32, #tpu.memory_space<vmem>>, vector<1x128xf32>
    %slice3A = vector.extract_strided_slice %get3A_4 {offsets = [0, 0], sizes = [1, 128], strides = [1, 1]} : vector<2x128xf32> to vector<1x128xf32>
    %div3A = arith.constant 3.200000e+05 : f32
    %div3A_11 = vector.broadcast %div3A : f32 to vector<1x128xf32>
    %div3A_12 = arith.divf %slice3A, %div3A_11 : vector<1x128xf32>
    %slice3A_13 = vector.extract_strided_slice %get3A_4 {offsets = [1, 0], sizes = [1, 128], strides = [1, 1]} : vector<2x128xf32> to vector<1x128xf32>
    %div3A_14 = arith.constant 3.200000e+05 : f32
    %div3A_15 = vector.broadcast %div3A_14 : f32 to vector<1x128xf32>
    %div3A_16 = arith.divf %slice3A_13, %div3A_15 : vector<1x128xf32>
    %mul3A = arith.mulf %div3A_12, %div3A_12 : vector<1x128xf32>
    %sub3A = arith.subf %div3A_16, %mul3A : vector<1x128xf32>
    %sub3A_17 = vector.broadcast %div3A_12 : vector<1x128xf32> to vector<2000x128xf32>
    %sub3A_18 = arith.subf %get3A_1, %sub3A_17 : vector<2000x128xf32>
    %add3A = arith.constant 9.99999974E-6 : f32
    %add3A_19 = vector.broadcast %add3A : f32 to vector<1x128xf32>
    %add3A_20 = arith.addf %sub3A, %add3A_19 : vector<1x128xf32>
    %sqrt3A = math.sqrt %add3A_20 : vector<1x128xf32>
    %div3A_21 = vector.broadcast %sqrt3A : vector<1x128xf32> to vector<2000x128xf32>
    %div3A_22 = arith.divf %sub3A_18, %div3A_21 : vector<2000x128xf32>
    %mul3A_23 = vector.broadcast %get3A_7 : vector<1x128xf32> to vector<2000x128xf32>
    %mul3A_24 = arith.mulf %div3A_22, %mul3A_23 : vector<2000x128xf32>
    %add3A_25 = vector.broadcast %get3A_10 : vector<1x128xf32> to vector<2000x128xf32>
    %add3A_26 = arith.addf %mul3A_24, %add3A_25 : vector<2000x128xf32>
    %logistic3A = arith.negf %add3A_26 : vector<2000x128xf32>
    %logistic3A_27 = math.exp %logistic3A : vector<2000x128xf32>
    %logistic3A_28 = arith.constant 1.000000e+00 : f32
    %logistic3A_29 = vector.broadcast %logistic3A_28 : f32 to vector<2000x128xf32>
    %logistic3A_30 = arith.addf %logistic3A_29, %logistic3A_27 : vector<2000x128xf32>
    %logistic3A_31 = arith.divf %logistic3A_29, %logistic3A_30 : vector<2000x128xf32>
    %mul3A_32 = arith.mulf %add3A_26, %logistic3A_31 : vector<2000x128xf32>
    %get3A_33 = arith.constant 0 : index
    %get3A_34 = arith.constant 0 : index
    %get3A_35 = vector.load %arg5[%get3A_33, %get3A_34] : memref<2000x128xf32, #tpu.memory_space<vmem>>, vector<2000x128xf32>
    %add3A_36 = arith.addf %mul3A_32, %get3A_35 : vector<2000x128xf32>
    %swap3A = arith.constant 0 : index
    %swap3A_37 = arith.constant 0 : index
    %swap3A_38 = vector.load %arg6[%swap3A, %swap3A_37] : memref<2000x128xf32, #tpu.memory_space<vmem>>, vector<2000x128xf32>
    tpu.vector_store %arg6[%swap3A, %swap3A_37], %add3A_36 {strides = array<i32>} : memref<2000x128xf32, #tpu.memory_space<vmem>>, vector<2000x128xf32>,
    return
  }
  func.func @transform_0(%arg0: i32) -> (i32, i32) {
    %c0_i32 = arith.constant 0 : i32
    %c0_i32_0 = arith.constant 0 : i32
    return %arg0, %c0_i32 : i32, i32
  }
  func.func @transform_1(%arg0: i32) -> (i32, i32) {
    %c0_i32 = arith.constant 0 : i32
    %c0_i32_0 = arith.constant 0 : i32
    %c0_i32_1 = arith.constant 0 : i32
    return %c0_i32, %c0_i32_0 : i32, i32
  }
  func.func @transform_2(%arg0: i32) -> (i32, i32) {
    %c0_i32 = arith.constant 0 : i32
    %c0_i32_0 = arith.constant 0 : i32
    %c0_i32_1 = arith.constant 0 : i32
    return %c0_i32, %c0_i32_0 : i32, i32
  }
  func.func @transform_3(%arg0: i32) -> (i32, i32) {
    %c0_i32 = arith.constant 0 : i32
    %c0_i32_0 = arith.constant 0 : i32
    %c0_i32_1 = arith.constant 0 : i32
    return %c0_i32, %c0_i32_0 : i32, i32
  }
  func.func @transform_4(%arg0: i32) -> (i32, i32) {
    %c0_i32 = arith.constant 0 : i32
    %c0_i32_0 = arith.constant 0 : i32
    return %arg0, %c0_i32 : i32, i32
  }
  func.func @transform_5(%arg0: i32) -> (i32, i32) {
    %c0_i32 = arith.constant 0 : i32
    %c0_i32_0 = arith.constant 0 : i32
    return %arg0, %c0_i32 : i32, i32
  }
}

module attributes {stable_mosaic.version = 14 : i64} {
  func.func @kern(%arg0: i32, %arg1: memref<2x2000x64xf32, #tpu.memory_space<vmem>>, %arg2: memref<2000x32xf32, #tpu.memory_space<vmem>>, %arg3: memref<2000x32xf32, #tpu.memory_space<vmem>>, %arg4: memref<2x32xf32, #tpu.memory_space<vmem>>) attributes {dimension_semantics = [#tpu.dimension_semantics<arbitrary>], iteration_bounds = array<i64: 5>, scalar_prefetch = 0 : i64, scratch_operands = 0 : i64, tpu.core_type = #tpu.core_type<tc>, window_params = [{transform_indices = @transform_0, window_bounds = array<i64: 2, 2000, 64>}, {transform_indices = @transform_1, window_bounds = array<i64: 2000, 32>}, {transform_indices = @transform_2, window_bounds = array<i64: 2000, 32>}, {pipeline_mode = #tpu.pipeline_mode<synchronous>, transform_indices = @transform_3, window_bounds = array<i64: 2, 32>}]} {
    %get3A = arith.constant 0 : index
    %get3A_0 = arith.constant 0 : index
    %get3A_1 = arith.constant 0 : index
    %get3A_2 = vector.load %arg1[%get3A, %get3A_0, %get3A_1] : memref<2x2000x64xf32, #tpu.memory_space<vmem>>, vector<1x2000x64xf32>
    %get3A_3 = vector.shape_cast %get3A_2 : vector<1x2000x64xf32> to vector<2000x64xf32>
    %get3A_4 = arith.constant 1 : index
    %get3A_5 = arith.constant 0 : index
    %get3A_6 = arith.constant 0 : index
    %get3A_7 = vector.load %arg1[%get3A_4, %get3A_5, %get3A_6] : memref<2x2000x64xf32, #tpu.memory_space<vmem>>, vector<1x2000x64xf32>
    %get3A_8 = vector.shape_cast %get3A_7 : vector<1x2000x64xf32> to vector<2000x64xf32>
    %add3A = arith.addf %get3A_3, %get3A_8 : vector<2000x64xf32>
    %get3A_9 = arith.constant 0 : index
    %get3A_10 = arith.constant 0 : index
    %get3A_11 = vector.load %arg2[%get3A_9, %get3A_10] : memref<2000x32xf32, #tpu.memory_space<vmem>>, vector<2000x32xf32>
    %slice3A = vector.extract_strided_slice %add3A {offsets = [0, 32], sizes = [2000, 32], strides = [1, 1]} : vector<2000x64xf32> to vector<2000x32xf32>
    %slice3A_12 = vector.extract_strided_slice %add3A {offsets = [0, 0], sizes = [2000, 32], strides = [1, 1]} : vector<2000x64xf32> to vector<2000x32xf32>
    %add3A_13 = arith.constant 9.99999997E-7 : f32
    %add3A_14 = vector.broadcast %add3A_13 : f32 to vector<2000x32xf32>
    %add3A_15 = arith.addf %slice3A_12, %add3A_14 : vector<2000x32xf32>
    %div3A = arith.divf %slice3A, %add3A_15 : vector<2000x32xf32>
    %add3A_16 = arith.addf %get3A_11, %div3A : vector<2000x32xf32>
    %swap3A = arith.constant 0 : index
    %swap3A_17 = arith.constant 0 : index
    %swap3A_18 = vector.load %arg3[%swap3A, %swap3A_17] : memref<2000x32xf32, #tpu.memory_space<vmem>>, vector<2000x32xf32>
    tpu.vector_store %arg3[%swap3A, %swap3A_17], %add3A_16 {strides = array<i32>} : memref<2000x32xf32, #tpu.memory_space<vmem>>, vector<2000x32xf32>,
    %eq3A = arith.constant 0 : i32
    %eq3A_19 = arith.cmpi eq, %arg0, %eq3A : i32
    %convert_element_type3A = arith.extui %eq3A_19 : i1 to i32
    %cond3A = arith.constant 0 : i32
    %cond3A_20 = arith.cmpi ne, %convert_element_type3A, %cond3A : i32
    scf.if %cond3A_20 {
      %broadcast_in_dim3A_32 = arith.constant 0.000000e+00 : f32
      %broadcast_in_dim3A_33 = vector.broadcast %broadcast_in_dim3A_32 : f32 to vector<2x32xf32>
      %swap3A_34 = arith.constant 0 : index
      %swap3A_35 = arith.constant 0 : index
      %swap3A_36 = vector.load %arg4[%swap3A_34, %swap3A_35] : memref<2x32xf32, #tpu.memory_space<vmem>>, vector<2x32xf32>
      tpu.vector_store %arg4[%swap3A_34, %swap3A_35], %broadcast_in_dim3A_33 {strides = array<i32>} : memref<2x32xf32, #tpu.memory_space<vmem>>, vector<2x32xf32>,
    } else {
    }
    %get3A_21 = arith.constant 0 : index
    %get3A_22 = arith.constant 0 : index
    %get3A_23 = vector.load %arg4[%get3A_21, %get3A_22] : memref<2x32xf32, #tpu.memory_space<vmem>>, vector<2x32xf32>
    %reduce_sum3A = arith.constant dense<0.000000e+00> : vector<32xf32>
    %reduce_sum3A_24 = vector.multi_reduction <add>, %add3A_16, %reduce_sum3A [0] : vector<2000x32xf32> to vector<32xf32>
    %broadcast_in_dim3A = vector.shape_cast %reduce_sum3A_24 : vector<32xf32> to vector<1x32xf32>
    %mul3A = arith.mulf %add3A_16, %add3A_16 : vector<2000x32xf32>
    %reduce_sum3A_25 = arith.constant dense<0.000000e+00> : vector<32xf32>
    %reduce_sum3A_26 = vector.multi_reduction <add>, %mul3A, %reduce_sum3A_25 [0] : vector<2000x32xf32> to vector<32xf32>
    %broadcast_in_dim3A_27 = vector.shape_cast %reduce_sum3A_26 : vector<32xf32> to vector<1x32xf32>
    %concatenate3A = tpu.concatenate %broadcast_in_dim3A, %broadcast_in_dim3A_27 in 0 : vector<1x32xf32>, vector<1x32xf32> -> vector<2x32xf32>
    %add3A_28 = arith.addf %get3A_23, %concatenate3A : vector<2x32xf32>
    %swap3A_29 = arith.constant 0 : index
    %swap3A_30 = arith.constant 0 : index
    %swap3A_31 = vector.load %arg4[%swap3A_29, %swap3A_30] : memref<2x32xf32, #tpu.memory_space<vmem>>, vector<2x32xf32>
    tpu.vector_store %arg4[%swap3A_29, %swap3A_30], %add3A_28 {strides = array<i32>} : memref<2x32xf32, #tpu.memory_space<vmem>>, vector<2x32xf32>,
    return
  }
  func.func @transform_0(%arg0: i32) -> (i32, i32, i32) {
    %c0_i32 = arith.constant 0 : i32
    %c0_i32_0 = arith.constant 0 : i32
    %c0_i32_1 = arith.constant 0 : i32
    return %c0_i32, %arg0, %c0_i32_0 : i32, i32, i32
  }
  func.func @transform_1(%arg0: i32) -> (i32, i32) {
    %c0_i32 = arith.constant 0 : i32
    %c0_i32_0 = arith.constant 0 : i32
    return %arg0, %c0_i32 : i32, i32
  }
  func.func @transform_2(%arg0: i32) -> (i32, i32) {
    %c0_i32 = arith.constant 0 : i32
    %c0_i32_0 = arith.constant 0 : i32
    return %arg0, %c0_i32 : i32, i32
  }
  func.func @transform_3(%arg0: i32) -> (i32, i32) {
    %c0_i32 = arith.constant 0 : i32
    %c0_i32_0 = arith.constant 0 : i32
    %c0_i32_1 = arith.constant 0 : i32
    return %c0_i32, %c0_i32_0 : i32, i32
  }
}

module attributes {stable_mosaic.version = 14 : i64} {
  func.func @kern(%arg0: i32, %arg1: memref<2000x32xf32, #tpu.memory_space<vmem>>, %arg2: memref<2x32xf32, #tpu.memory_space<vmem>>, %arg3: memref<1x32xf32, #tpu.memory_space<vmem>>, %arg4: memref<1x32xf32, #tpu.memory_space<vmem>>, %arg5: memref<32x128xf32, #tpu.memory_space<vmem>>, %arg6: memref<1x128xf32, #tpu.memory_space<vmem>>, %arg7: memref<2000x128xf32, #tpu.memory_space<vmem>>, %arg8: memref<2x128xf32, #tpu.memory_space<vmem>>) attributes {dimension_semantics = [#tpu.dimension_semantics<arbitrary>], iteration_bounds = array<i64: 5>, scalar_prefetch = 0 : i64, scratch_operands = 0 : i64, tpu.core_type = #tpu.core_type<tc>, window_params = [{transform_indices = @transform_0, window_bounds = array<i64: 2000, 32>}, {pipeline_mode = #tpu.pipeline_mode<synchronous>, transform_indices = @transform_1, window_bounds = array<i64: 2, 32>}, {pipeline_mode = #tpu.pipeline_mode<synchronous>, transform_indices = @transform_2, window_bounds = array<i64: 1, 32>}, {pipeline_mode = #tpu.pipeline_mode<synchronous>, transform_indices = @transform_3, window_bounds = array<i64: 1, 32>}, {pipeline_mode = #tpu.pipeline_mode<synchronous>, transform_indices = @transform_4, window_bounds = array<i64: 32, 128>}, {pipeline_mode = #tpu.pipeline_mode<synchronous>, transform_indices = @transform_5, window_bounds = array<i64: 1, 128>}, {transform_indices = @transform_6, window_bounds = array<i64: 2000, 128>}, {pipeline_mode = #tpu.pipeline_mode<synchronous>, transform_indices = @transform_7, window_bounds = array<i64: 2, 128>}]} {
    %get3A = arith.constant 0 : index
    %get3A_0 = arith.constant 0 : index
    %get3A_1 = vector.load %arg1[%get3A, %get3A_0] : memref<2000x32xf32, #tpu.memory_space<vmem>>, vector<2000x32xf32>
    %get3A_2 = arith.constant 0 : index
    %get3A_3 = arith.constant 0 : index
    %get3A_4 = vector.load %arg2[%get3A_2, %get3A_3] : memref<2x32xf32, #tpu.memory_space<vmem>>, vector<2x32xf32>
    %get3A_5 = arith.constant 0 : index
    %get3A_6 = arith.constant 0 : index
    %get3A_7 = vector.load %arg3[%get3A_5, %get3A_6] : memref<1x32xf32, #tpu.memory_space<vmem>>, vector<1x32xf32>
    %get3A_8 = arith.constant 0 : index
    %get3A_9 = arith.constant 0 : index
    %get3A_10 = vector.load %arg4[%get3A_8, %get3A_9] : memref<1x32xf32, #tpu.memory_space<vmem>>, vector<1x32xf32>
    %slice3A = vector.extract_strided_slice %get3A_4 {offsets = [0, 0], sizes = [1, 32], strides = [1, 1]} : vector<2x32xf32> to vector<1x32xf32>
    %div3A = arith.constant 1.000000e+04 : f32
    %div3A_11 = vector.broadcast %div3A : f32 to vector<1x32xf32>
    %div3A_12 = arith.divf %slice3A, %div3A_11 : vector<1x32xf32>
    %slice3A_13 = vector.extract_strided_slice %get3A_4 {offsets = [1, 0], sizes = [1, 32], strides = [1, 1]} : vector<2x32xf32> to vector<1x32xf32>
    %div3A_14 = arith.constant 1.000000e+04 : f32
    %div3A_15 = vector.broadcast %div3A_14 : f32 to vector<1x32xf32>
    %div3A_16 = arith.divf %slice3A_13, %div3A_15 : vector<1x32xf32>
    %mul3A = arith.mulf %div3A_12, %div3A_12 : vector<1x32xf32>
    %sub3A = arith.subf %div3A_16, %mul3A : vector<1x32xf32>
    %sub3A_17 = vector.broadcast %div3A_12 : vector<1x32xf32> to vector<2000x32xf32>
    %sub3A_18 = arith.subf %get3A_1, %sub3A_17 : vector<2000x32xf32>
    %add3A = arith.constant 9.99999974E-6 : f32
    %add3A_19 = vector.broadcast %add3A : f32 to vector<1x32xf32>
    %add3A_20 = arith.addf %sub3A, %add3A_19 : vector<1x32xf32>
    %sqrt3A = math.sqrt %add3A_20 : vector<1x32xf32>
    %div3A_21 = vector.broadcast %sqrt3A : vector<1x32xf32> to vector<2000x32xf32>
    %div3A_22 = arith.divf %sub3A_18, %div3A_21 : vector<2000x32xf32>
    %mul3A_23 = vector.broadcast %get3A_7 : vector<1x32xf32> to vector<2000x32xf32>
    %mul3A_24 = arith.mulf %div3A_22, %mul3A_23 : vector<2000x32xf32>
    %add3A_25 = vector.broadcast %get3A_10 : vector<1x32xf32> to vector<2000x32xf32>
    %add3A_26 = arith.addf %mul3A_24, %add3A_25 : vector<2000x32xf32>
    %logistic3A = arith.negf %add3A_26 : vector<2000x32xf32>
    %logistic3A_27 = math.exp %logistic3A : vector<2000x32xf32>
    %logistic3A_28 = arith.constant 1.000000e+00 : f32
    %logistic3A_29 = vector.broadcast %logistic3A_28 : f32 to vector<2000x32xf32>
    %logistic3A_30 = arith.addf %logistic3A_29, %logistic3A_27 : vector<2000x32xf32>
    %logistic3A_31 = arith.divf %logistic3A_29, %logistic3A_30 : vector<2000x32xf32>
    %mul3A_32 = arith.mulf %add3A_26, %logistic3A_31 : vector<2000x32xf32>
    %get3A_33 = arith.constant 0 : index
    %get3A_34 = arith.constant 0 : index
    %get3A_35 = vector.load %arg5[%get3A_33, %get3A_34] : memref<32x128xf32, #tpu.memory_space<vmem>>, vector<32x128xf32>
    %dot_general3A = arith.constant dense<0.000000e+00> : vector<2000x128xf32>
    %dot_general3A_36 = tpu.matmul %mul3A_32, %get3A_35, %dot_general3A {dimension_numbers = #tpu.dot_dimension_numbers<[1], [0], [0], [1], [0, 0, 1, 1], [], []>, transpose_lhs_hint = false} : vector<2000x32xf32>, vector<32x128xf32>, vector<2000x128xf32> -> vector<2000x128xf32>
    %get3A_37 = arith.constant 0 : index
    %get3A_38 = arith.constant 0 : index
    %get3A_39 = vector.load %arg6[%get3A_37, %get3A_38] : memref<1x128xf32, #tpu.memory_space<vmem>>, vector<1x128xf32>
    %add3A_40 = vector.broadcast %get3A_39 : vector<1x128xf32> to vector<2000x128xf32>
    %add3A_41 = arith.addf %dot_general3A_36, %add3A_40 : vector<2000x128xf32>
    %swap3A = arith.constant 0 : index
    %swap3A_42 = arith.constant 0 : index
    %swap3A_43 = vector.load %arg7[%swap3A, %swap3A_42] : memref<2000x128xf32, #tpu.memory_space<vmem>>, vector<2000x128xf32>
    tpu.vector_store %arg7[%swap3A, %swap3A_42], %add3A_41 {strides = array<i32>} : memref<2000x128xf32, #tpu.memory_space<vmem>>, vector<2000x128xf32>,
    %eq3A = arith.constant 0 : i32
    %eq3A_44 = arith.cmpi eq, %arg0, %eq3A : i32
    %convert_element_type3A = arith.extui %eq3A_44 : i1 to i32
    %cond3A = arith.constant 0 : i32
    %cond3A_45 = arith.cmpi ne, %convert_element_type3A, %cond3A : i32
    scf.if %cond3A_45 {
      %broadcast_in_dim3A_58 = arith.constant 0.000000e+00 : f32
      %broadcast_in_dim3A_59 = vector.broadcast %broadcast_in_dim3A_58 : f32 to vector<2x128xf32>
      %swap3A_60 = arith.constant 0 : index
      %swap3A_61 = arith.constant 0 : index
      %swap3A_62 = vector.load %arg8[%swap3A_60, %swap3A_61] : memref<2x128xf32, #tpu.memory_space<vmem>>, vector<2x128xf32>
      tpu.vector_store %arg8[%swap3A_60, %swap3A_61], %broadcast_in_dim3A_59 {strides = array<i32>} : memref<2x128xf32, #tpu.memory_space<vmem>>, vector<2x128xf32>,
    } else {
    }
    %get3A_46 = arith.constant 0 : index
    %get3A_47 = arith.constant 0 : index
    %get3A_48 = vector.load %arg8[%get3A_46, %get3A_47] : memref<2x128xf32, #tpu.memory_space<vmem>>, vector<2x128xf32>
    %reduce_sum3A = arith.constant dense<0.000000e+00> : vector<128xf32>
    %reduce_sum3A_49 = vector.multi_reduction <add>, %add3A_41, %reduce_sum3A [0] : vector<2000x128xf32> to vector<128xf32>
    %broadcast_in_dim3A = vector.shape_cast %reduce_sum3A_49 : vector<128xf32> to vector<1x128xf32>
    %mul3A_50 = arith.mulf %add3A_41, %add3A_41 : vector<2000x128xf32>
    %reduce_sum3A_51 = arith.constant dense<0.000000e+00> : vector<128xf32>
    %reduce_sum3A_52 = vector.multi_reduction <add>, %mul3A_50, %reduce_sum3A_51 [0] : vector<2000x128xf32> to vector<128xf32>
    %broadcast_in_dim3A_53 = vector.shape_cast %reduce_sum3A_52 : vector<128xf32> to vector<1x128xf32>
    %concatenate3A = tpu.concatenate %broadcast_in_dim3A, %broadcast_in_dim3A_53 in 0 : vector<1x128xf32>, vector<1x128xf32> -> vector<2x128xf32>
    %add3A_54 = arith.addf %get3A_48, %concatenate3A : vector<2x128xf32>
    %swap3A_55 = arith.constant 0 : index
    %swap3A_56 = arith.constant 0 : index
    %swap3A_57 = vector.load %arg8[%swap3A_55, %swap3A_56] : memref<2x128xf32, #tpu.memory_space<vmem>>, vector<2x128xf32>
    tpu.vector_store %arg8[%swap3A_55, %swap3A_56], %add3A_54 {strides = array<i32>} : memref<2x128xf32, #tpu.memory_space<vmem>>, vector<2x128xf32>,
    return
  }
  func.func @transform_0(%arg0: i32) -> (i32, i32) {
    %c0_i32 = arith.constant 0 : i32
    %c0_i32_0 = arith.constant 0 : i32
    return %arg0, %c0_i32 : i32, i32
  }
  func.func @transform_1(%arg0: i32) -> (i32, i32) {
    %c0_i32 = arith.constant 0 : i32
    %c0_i32_0 = arith.constant 0 : i32
    %c0_i32_1 = arith.constant 0 : i32
    return %c0_i32, %c0_i32_0 : i32, i32
  }
  func.func @transform_2(%arg0: i32) -> (i32, i32) {
    %c0_i32 = arith.constant 0 : i32
    %c0_i32_0 = arith.constant 0 : i32
    %c0_i32_1 = arith.constant 0 : i32
    return %c0_i32, %c0_i32_0 : i32, i32
  }
  func.func @transform_3(%arg0: i32) -> (i32, i32) {
    %c0_i32 = arith.constant 0 : i32
    %c0_i32_0 = arith.constant 0 : i32
    %c0_i32_1 = arith.constant 0 : i32
    return %c0_i32, %c0_i32_0 : i32, i32
  }
  func.func @transform_4(%arg0: i32) -> (i32, i32) {
    %c0_i32 = arith.constant 0 : i32
    %c0_i32_0 = arith.constant 0 : i32
    %c0_i32_1 = arith.constant 0 : i32
    return %c0_i32, %c0_i32_0 : i32, i32
  }
  func.func @transform_5(%arg0: i32) -> (i32, i32) {
    %c0_i32 = arith.constant 0 : i32
    %c0_i32_0 = arith.constant 0 : i32
    %c0_i32_1 = arith.constant 0 : i32
    return %c0_i32, %c0_i32_0 : i32, i32
  }
  func.func @transform_6(%arg0: i32) -> (i32, i32) {
    %c0_i32 = arith.constant 0 : i32
    %c0_i32_0 = arith.constant 0 : i32
    return %arg0, %c0_i32 : i32, i32
  }
  func.func @transform_7(%arg0: i32) -> (i32, i32) {
    %c0_i32 = arith.constant 0 : i32
    %c0_i32_0 = arith.constant 0 : i32
    %c0_i32_1 = arith.constant 0 : i32
    return %c0_i32, %c0_i32_0 : i32, i32
  }
}

module attributes {stable_mosaic.version = 14 : i64} {
  func.func @kern(%arg0: i32, %arg1: memref<2000x128xf32, #tpu.memory_space<vmem>>, %arg2: memref<2x128xf32, #tpu.memory_space<vmem>>, %arg3: memref<1x128xf32, #tpu.memory_space<vmem>>, %arg4: memref<1x128xf32, #tpu.memory_space<vmem>>, %arg5: memref<2000x128xf32, #tpu.memory_space<vmem>>, %arg6: memref<2000x128xf32, #tpu.memory_space<vmem>>) attributes {dimension_semantics = [#tpu.dimension_semantics<arbitrary>], iteration_bounds = array<i64: 5>, scalar_prefetch = 0 : i64, scratch_operands = 0 : i64, tpu.core_type = #tpu.core_type<tc>, window_params = [{transform_indices = @transform_0, window_bounds = array<i64: 2000, 128>}, {pipeline_mode = #tpu.pipeline_mode<synchronous>, transform_indices = @transform_1, window_bounds = array<i64: 2, 128>}, {pipeline_mode = #tpu.pipeline_mode<synchronous>, transform_indices = @transform_2, window_bounds = array<i64: 1, 128>}, {pipeline_mode = #tpu.pipeline_mode<synchronous>, transform_indices = @transform_3, window_bounds = array<i64: 1, 128>}, {transform_indices = @transform_4, window_bounds = array<i64: 2000, 128>}, {transform_indices = @transform_5, window_bounds = array<i64: 2000, 128>}]} {
    %get3A = arith.constant 0 : index
    %get3A_0 = arith.constant 0 : index
    %get3A_1 = vector.load %arg1[%get3A, %get3A_0] : memref<2000x128xf32, #tpu.memory_space<vmem>>, vector<2000x128xf32>
    %get3A_2 = arith.constant 0 : index
    %get3A_3 = arith.constant 0 : index
    %get3A_4 = vector.load %arg2[%get3A_2, %get3A_3] : memref<2x128xf32, #tpu.memory_space<vmem>>, vector<2x128xf32>
    %get3A_5 = arith.constant 0 : index
    %get3A_6 = arith.constant 0 : index
    %get3A_7 = vector.load %arg3[%get3A_5, %get3A_6] : memref<1x128xf32, #tpu.memory_space<vmem>>, vector<1x128xf32>
    %get3A_8 = arith.constant 0 : index
    %get3A_9 = arith.constant 0 : index
    %get3A_10 = vector.load %arg4[%get3A_8, %get3A_9] : memref<1x128xf32, #tpu.memory_space<vmem>>, vector<1x128xf32>
    %slice3A = vector.extract_strided_slice %get3A_4 {offsets = [0, 0], sizes = [1, 128], strides = [1, 1]} : vector<2x128xf32> to vector<1x128xf32>
    %div3A = arith.constant 1.000000e+04 : f32
    %div3A_11 = vector.broadcast %div3A : f32 to vector<1x128xf32>
    %div3A_12 = arith.divf %slice3A, %div3A_11 : vector<1x128xf32>
    %slice3A_13 = vector.extract_strided_slice %get3A_4 {offsets = [1, 0], sizes = [1, 128], strides = [1, 1]} : vector<2x128xf32> to vector<1x128xf32>
    %div3A_14 = arith.constant 1.000000e+04 : f32
    %div3A_15 = vector.broadcast %div3A_14 : f32 to vector<1x128xf32>
    %div3A_16 = arith.divf %slice3A_13, %div3A_15 : vector<1x128xf32>
    %mul3A = arith.mulf %div3A_12, %div3A_12 : vector<1x128xf32>
    %sub3A = arith.subf %div3A_16, %mul3A : vector<1x128xf32>
    %sub3A_17 = vector.broadcast %div3A_12 : vector<1x128xf32> to vector<2000x128xf32>
    %sub3A_18 = arith.subf %get3A_1, %sub3A_17 : vector<2000x128xf32>
    %add3A = arith.constant 9.99999974E-6 : f32
    %add3A_19 = vector.broadcast %add3A : f32 to vector<1x128xf32>
    %add3A_20 = arith.addf %sub3A, %add3A_19 : vector<1x128xf32>
    %sqrt3A = math.sqrt %add3A_20 : vector<1x128xf32>
    %div3A_21 = vector.broadcast %sqrt3A : vector<1x128xf32> to vector<2000x128xf32>
    %div3A_22 = arith.divf %sub3A_18, %div3A_21 : vector<2000x128xf32>
    %mul3A_23 = vector.broadcast %get3A_7 : vector<1x128xf32> to vector<2000x128xf32>
    %mul3A_24 = arith.mulf %div3A_22, %mul3A_23 : vector<2000x128xf32>
    %add3A_25 = vector.broadcast %get3A_10 : vector<1x128xf32> to vector<2000x128xf32>
    %add3A_26 = arith.addf %mul3A_24, %add3A_25 : vector<2000x128xf32>
    %logistic3A = arith.negf %add3A_26 : vector<2000x128xf32>
    %logistic3A_27 = math.exp %logistic3A : vector<2000x128xf32>
    %logistic3A_28 = arith.constant 1.000000e+00 : f32
    %logistic3A_29 = vector.broadcast %logistic3A_28 : f32 to vector<2000x128xf32>
    %logistic3A_30 = arith.addf %logistic3A_29, %logistic3A_27 : vector<2000x128xf32>
    %logistic3A_31 = arith.divf %logistic3A_29, %logistic3A_30 : vector<2000x128xf32>
    %mul3A_32 = arith.mulf %add3A_26, %logistic3A_31 : vector<2000x128xf32>
    %get3A_33 = arith.constant 0 : index
    %get3A_34 = arith.constant 0 : index
    %get3A_35 = vector.load %arg5[%get3A_33, %get3A_34] : memref<2000x128xf32, #tpu.memory_space<vmem>>, vector<2000x128xf32>
    %add3A_36 = arith.addf %mul3A_32, %get3A_35 : vector<2000x128xf32>
    %swap3A = arith.constant 0 : index
    %swap3A_37 = arith.constant 0 : index
    %swap3A_38 = vector.load %arg6[%swap3A, %swap3A_37] : memref<2000x128xf32, #tpu.memory_space<vmem>>, vector<2000x128xf32>
    tpu.vector_store %arg6[%swap3A, %swap3A_37], %add3A_36 {strides = array<i32>} : memref<2000x128xf32, #tpu.memory_space<vmem>>, vector<2000x128xf32>,
    return
  }
  func.func @transform_0(%arg0: i32) -> (i32, i32) {
    %c0_i32 = arith.constant 0 : i32
    %c0_i32_0 = arith.constant 0 : i32
    return %arg0, %c0_i32 : i32, i32
  }
  func.func @transform_1(%arg0: i32) -> (i32, i32) {
    %c0_i32 = arith.constant 0 : i32
    %c0_i32_0 = arith.constant 0 : i32
    %c0_i32_1 = arith.constant 0 : i32
    return %c0_i32, %c0_i32_0 : i32, i32
  }
  func.func @transform_2(%arg0: i32) -> (i32, i32) {
    %c0_i32 = arith.constant 0 : i32
    %c0_i32_0 = arith.constant 0 : i32
    %c0_i32_1 = arith.constant 0 : i32
    return %c0_i32, %c0_i32_0 : i32, i32
  }
  func.func @transform_3(%arg0: i32) -> (i32, i32) {
    %c0_i32 = arith.constant 0 : i32
    %c0_i32_0 = arith.constant 0 : i32
    %c0_i32_1 = arith.constant 0 : i32
    return %c0_i32, %c0_i32_0 : i32, i32
  }
  func.func @transform_4(%arg0: i32) -> (i32, i32) {
    %c0_i32 = arith.constant 0 : i32
    %c0_i32_0 = arith.constant 0 : i32
    return %arg0, %c0_i32 : i32, i32
  }
  func.func @transform_5(%arg0: i32) -> (i32, i32) {
    %c0_i32 = arith.constant 0 : i32
    %c0_i32_0 = arith.constant 0 : i32
    return %arg0, %c0_i32 : i32, i32
  }
}

</mosaic_0001>

<sc_bundles>
// kernel: kernel.28.cloned.1.call-start
scs
__scs_entry_jumppad:
0x0: {  	(pc) =	sbr.rel $0x88, $3  }
0x1: {  	(tag) =	ssettag $0x0;
	lr =	simm.s32 $0x1  }
0x2: {  	[smem:$0x3F66] =	sst lr;
	_ =	strace $0xD0000000  }
0x3: {  	_ = 	snop  }
0x4: {  	_ = 	snop  }
0x5: {  	_ = 	snop  }
0x6: {  	_ = 	snop  }
0x7: {  	_ = 	snop  }
__scs_overlays_trampoline_lowered:
0x8: {  	[smem:$0x3F75] =	sst s0  }
0x9: {  	[smem:$0x3F76] =	sst s1  }
0xa: {  	[smem:$0x3F77] =	sst s2  }
0xb: {  	[smem:$0x3F78] =	sst s3  }
0xc: {  	[smem:$0x3F79] =	sst s4  }
0xd: {  	[smem:$0x3F7A] =	sst s5  }
0xe: {  	[smem:$0x3F7B] =	sst s6  }
0xf: {  	[smem:$0x3F7C] =	sst s7  }
0x10: {  	[smem:$0x3F7D] =	sst s8  }
0x11: {  	[smem:$0x3F7E] =	sst s9;
	s0 =	simm.s32 @!p0 $0x0  }
0x12: {  	s1 =	sld [smem:$0x3F64];
	s0 =	simm.s32 @p0 $0x1  }
0x13: {  	[smem:$0x3F7F] =	sst s0;
	s0 =	simm.s32 @!p1 $0x0  }
0x14: {  	s2 =	sld [smem:$0x3F63];
	s0 =	simm.s32 @p1 $0x1  }
0x15: {  	[smem:$0x3F80] =	sst s0;
	s0 =	simm.s32 @!p2 $0x0  }
0x16: {  	s3 =	sld [smem:$0x3FDB];
	s0 =	simm.s32 @p2 $0x1  }
0x17: {  	s4 =	simm.s32 $0x1BF5;
	[smem:$0x3F82] =	sst s0  }
0x18: {  	s0 =	sld [smem:$0x3F65];
	_ =	swait.ge [sflag:s4], $0x0  }
0x19: {  	s7 =	sld [smem:$0x3F66]  }
0x1a: {  	s8 =	sadd.s32 $0xFFFFE003, lr  }
0x1b: {  	s9 =	sadd.s32 $0xFFFFFEF7, lr;
	s5 =	simm.s32 $0xFFFFFFFF;
	p2 =	slt.u32 s8, $0xFFFFF086  }
0x1c: {  	p1 =	slt.u32 s9, $0xF7A;
	s5 =	simm.s32 @!p2 $0x0  }
0x1d: {  	s5 =	simm.s32 @p1 $0x1;
	p0 =	seq.s32 s7, s2  }
0x1e: {  	s7 =	smul.u32 @!p0 $0xF7A, s2;
	p2 =	seq.s32 @!p0 s5, $0x0  }
0x1f: {  	s9 =	smul.u32 $0xF7A, s1;
	s8 =	simm.s32 @!p0 $0x1BF5;
	p2 =	por !p2, p0  }
0x20: {  	[sflag:s8] =	ssyncset.s32 @!p0 $0xFFFFF086;
	s6 =	sadd.s32 @!p0 s3, s7;
	s7 =	simm.s32 @!p0 $0x108  }
0x21: {  	s3 =	sadd.s32 s3, s9;
	s6 =	sadd.s32 @!p0 $0x88, s6;
	s7 =	simm.s32 @p2 $0x1082  }
0x22: {  	[simem:s7], [sflag:s8] =	dma.local @!p0 [hbm:s6], $0xF7A  }
0x23: {  	s9 =	sor.u32 $0xD0000000, s2;
	s6 =	simm.s32 $0x108;
	_ =	swait.ge @!p0 [sflag:s8], $0x0  }
0x24: {  	s3 =	sadd.s32 $0x88, s3;
	s6 =	simm.s32 @!p1 $0x1082;
	[sflag:s4] =	ssyncset.s32 $0xFFFFF086  }
0x25: {  	[simem:s6], [sflag:s4] =	dma.local [hbm:s3], $0xF7A  }
0x26: {  	[smem:$0x3F66] =	sst s1;
	(tag) =	ssettag s2;
	_ =	strace s9  }
0x27: {  	s1 =	sld [smem:$0x3F76]  }
0x28: {  	s2 =	sld [smem:$0x3F77]  }
0x29: {  	s4 =	sld [smem:$0x3F79]  }
0x2a: {  	p0 =	seq.s32 s5, $0x0;
	s5 =	sld [smem:$0x3F7A]  }
0x2b: {  	s6 =	sld [smem:$0x3F7B]  }
0x2c: {  	s7 =	sld [smem:$0x3F7C]  }
0x2d: {  	s3 =	simm.s32 $0x108;
	s8 =	sld [smem:$0x3F7D]  }
0x2e: {  	s3 =	simm.s32 @!p0 $0x1082;
	s9 =	sld [smem:$0x3F7E]  }
0x2f: {  	lr =	sadd.s32 s0, s3;
	s0 =	sld [smem:$0x3F75]  }
0x30: {  	s3 =	sld [smem:$0x3F78]  }
0x31: {  	[smem:$0x3F81] =	sst s10  }
0x32: {  	s10 =	sld [smem:$0x3F7F];
	_ =	sdelay $0x3  }
0x33: {  	p0 =	seq.s32 s10, $0x1;
	s10 =	sld [smem:$0x3F81];
	_ =	sdelay $0x3  }
0x34: {  	[smem:$0x3F81] =	sst s10  }
0x35: {  	s10 =	sld [smem:$0x3F80];
	_ =	sdelay $0x3  }
0x36: {  	p1 =	seq.s32 s10, $0x1;
	s10 =	sld [smem:$0x3F81];
	_ =	sdelay $0x3  }
0x37: {  	[smem:$0x3F81] =	sst s10  }
0x38: {  	s10 =	sld [smem:$0x3F82]  }
0x39: {  	_ = 	snop;
	(pc) =	sbr.ind lr, $3  }
0x3a: {  	_ = 	snop  }
0x3b: {  	_ = 	snop  }
0x3c: {  	p2 =	seq.s32 s10, $0x1;
	s10 =	sld [smem:$0x3F81]  }
0x3d: {  	_ =	shalt  }
0x3e: {  	_ =	shalt  }
0x3f: {  	_ =	shalt  }
0x40: {  	_ =	shalt  }
0x41: {  	_ =	shalt  }
0x42: {  	_ =	shalt  }
0x43: {  	_ =	shalt  }
0x44: {  	_ =	shalt  }
0x45: {  	_ =	shalt  }
0x46: {  	_ =	shalt  }
0x47: {  	_ =	shalt  }
0x48: {  	_ =	shalt  }
0x49: {  	_ =	shalt  }
0x4a: {  	_ =	shalt  }
0x4b: {  	_ =	shalt  }
0x4c: {  	_ =	shalt  }
0x4d: {  	_ =	shalt  }
0x4e: {  	_ =	shalt  }
0x4f: {  	_ =	shalt  }
0x50: {  	_ =	shalt  }
0x51: {  	_ =	shalt  }
0x52: {  	_ =	shalt  }
0x53: {  	_ =	shalt  }
0x54: {  	_ =	shalt  }
0x55: {  	_ =	shalt  }
0x56: {  	_ =	shalt  }
0x57: {  	_ =	shalt  }
0x58: {  	_ =	shalt  }
0x59: {  	_ =	shalt  }
0x5a: {  	_ =	shalt  }
0x5b: {  	_ =	shalt  }
0x5c: {  	_ =	shalt  }
0x5d: {  	_ =	shalt  }
0x5e: {  	_ =	shalt  }
0x5f: {  	_ =	shalt  }
0x60: {  	_ =	shalt  }
0x61: {  	_ =	shalt  }
0x62: {  	_ =	shalt  }
0x63: {  	_ =	shalt  }
0x64: {  	_ =	shalt  }
0x65: {  	_ =	shalt  }
0x66: {  	_ =	shalt  }
0x67: {  	_ =	shalt  }
0x68: {  	_ =	shalt  }
0x69: {  	_ =	shalt  }
0x6a: {  	_ =	shalt  }
0x6b: {  	_ =	shalt  }
0x6c: {  	_ =	shalt  }
0x6d: {  	_ =	shalt  }
0x6e: {  	_ =	shalt  }
0x6f: {  	_ =	shalt  }
0x70: {  	_ =	shalt  }
0x71: {  	_ =	shalt  }
0x72: {  	_ =	shalt  }
0x73: {  	_ =	shalt  }
0x74: {  	_ =	shalt  }
0x75: {  	_ =	shalt  }
0x76: {  	_ =	shalt  }
0x77: {  	_ =	shalt  }
0x78: {  	_ =	shalt  }
0x79: {  	_ =	shalt  }
0x7a: {  	_ =	shalt  }
0x7b: {  	_ =	shalt  }
0x7c: {  	_ =	shalt  }
0x7d: {  	_ =	shalt  }
0x7e: {  	_ =	shalt  }
0x7f: {  	_ =	shalt  }
0x80: {  	_ =	shalt  }
0x81: {  	_ =	shalt  }
0x82: {  	_ =	shalt  }
0x83: {  	_ =	shalt  }
0x84: {  	_ =	shalt  }
0x85: {  	_ =	shalt  }
0x86: {  	_ =	shalt  }
0x87: {  	_ =	shalt  }
.Lfunc_end0:
.L_simem_size_0:
called_computation_lowered:
.L_overlay_start_0:
0x88: {  	s2 =	sld [smem:$0x3FD9]  }
0x89: {  	s3 =	sld [smem:$0x3FFE];
	_ =	sdelay $0x1  }
0x8a: {  	s1 =	srdreg.scid  }
0x8b: {  	s0 =	sand.u32 $0x1, s1  }
0x8c: {  	s15 =	sshll.u32 s0, $0xA;
	s2 =	sadd.s32 s3, s2  }
0x8d: {  	s2 =	sadd.s32 s2, s15  }
0x8e: {  	[smem:$0x3F8D] =	sst s2  }
0x8f: {  	_ = 	snop  }
0x90: {  	s2 =	sld [smem:$0x3FD0];
	_ =	sdelay $0x2  }
0x91: {  	s16 =	simm.s32 $0xD;
	s4 =	simm.s32 $0x10  }
0x92: {  	[smem:s4], [sflag:s16] =	dma.local [hbm:s2], $0x1  }
0x93: {  	_ =	swait.eq [sflag:s16], $0x1  }
0x94: {  	[sflag:s16] =	ssyncset.done $0x0  }
0x95: {  	[sflag:s16] =	ssyncadd.s32 $0xFFFFFFFF  }
0x96: {  	s17 =	sld [smem:$0x11];
	(tm) =	ssettm $0x1  }
0x97: {  	s18 =	sld [smem:$0x3FFB];
	_ =	sdelay $0x3  }
0x98: {  	_ =	strace s18  }
0x99: {  	s2 =	sld [smem:$0x3FFC];
	_ =	sdelay $0x3  }
0x9a: {  	_ =	strace s2  }
0x9b: {  	s2 =	sld [smem:$0x3FFD];
	_ =	sdelay $0x3  }
0x9c: {  	_ =	strace s2  }
0x9d: {  	_ =	strace $0x8FFFFFFF  }
0x9e: {  	s19 =	sld [smem:$0x3FDB];
	_ =	sdelay $0x1  }
0x9f: {  	s20 =	simm.s32 $_scs_section_size  }
0xa0: {  	s5 =	simm.s32 $_size__tile_overlayer_lowered;
	s6 =	simm.s32 $_tile_overlayer_lowered  }
0xa1: {  	s7 =	simm.s32 $0x1BFF;
	s21 =	sshll.u32 s6, $0x1;
	s4 =	sadd.s32 s20, s19  }
0xa2: {  	s22 =	simm.s32 $0x0;
	s5 =	sshll.u32 s5, $0x1;
	s6 =	sadd.s32 s21, s4  }
0xa3: {  	[timem:s22], [sflag:s7] =	dma.local [hbm:s6], s5  }
0xa4: {  	_ =	swait.ge [sflag:s7], s5  }
0xa5: {  	s5 =	ssub.s32 $0x0, s5;
	[sflag:s7] =	ssyncset.done $0x0  }
0xa6: {  	[sflag:s7] =	ssyncadd.s32 s5;
	_ =	sdelay $0x1  }
0xa7: {  	s23 =	simm.s32 $0x1B8B  }
0xa8: {  	_ =	swait.ge [sflag:s23], $0x1  }
0xa9: {  	[sflag:s23] =	ssyncset.done $0x0  }
0xaa: {  	[sflag:s23] =	ssyncadd.s32 $0xFFFFFFFF  }
0xab: {  	s5 =	sld [smem:$0x0]  }
0xac: {  	s6 =	sand.u32 $0xFFFFFFFE, s1  }
0xad: {  	p0 =	sne.s32 s1, s6  }
0xae: {  	s6 =	sshll.u32 @p0 s6, $0xE  }
0xaf: {  	s6 =	sadd.s32 @p0 $0x11B8D, s6;
	s7 =	sshll.u32 @p0 s5, $0x11  }
0xb0: {  	s6 =	sor.u32 @p0 s7, s6  }
0xb1: {  	[sflag:s6] =	ssyncadd.remote.s32 @p0 $0x1;
	_ =	sdelay $0x1  }
0xb2: {  	s6 =	simm.s32 @p0 $0x1B8D  }
0xb3: {  	_ =	swait.eq @p0 [sflag:s6], $0x1  }
0xb4: {  	[sflag:s6] =	ssyncadd.s32 @p0 $0xFFFFFFFF  }
0xb5: {  	s7 =	sshll.u32 @!p0 s1, $0xE  }
0xb6: {  	s7 =	sor.u32 @!p0 $0x4000, s7;
	s6 =	simm.s32 @!p0 $0x1B8D  }
0xb7: {  	s5 =	sshll.u32 @!p0 s5, $0x11;
	s7 =	sadd.s32 @!p0 $0x11B8D, s7;
	_ =	swait.eq @!p0 [sflag:s6], $0x1  }
0xb8: {  	s5 =	sor.u32 @!p0 s5, s7;
	[sflag:s6] =	ssyncadd.s32 @!p0 $0xFFFFFFFF  }
0xb9: {  	s25 =	simm.s32 $0x1B8E;
	s24 =	sld [smem:$0x3FFE];
	[sflag:s5] =	ssyncadd.remote.s32 @!p0 $0x1  }
0xba: {  	s26 =	simm.s32 $execute0_lowered;
	[smem:$0x3FD2] =	sst s25  }
0xbb: {  	s6 =	sshll.u32 s26, $0x1;
	_ =	strace $0x80000049;
	[dreg:$0x1] =	wrdreg $0xFFFFFFFF  }
0xbc: {  	s28 =	simm.s32 $_size_execute0_lowered;
	s4 =	sadd.s32 s4, s6;
	[dreg:$0x0] =	wrdreg $0x0  }
0xbd: {  	s6 =	sshll.u32 s28, $0x1;
	[dreg:$0x2] =	wrdreg s4  }
0xbe: {  	[dreg:$0x3] =	wrdreg s6  }
0xbf: {  	[dreg:$0x4] =	wrdreg $0xC0  }
0xc0: {  	_ =	task [dreg:s22], $0x5FFFF  }
0xc1: {  	[dreg:$0x1] =	wrdreg $0xFFFFFFFF  }
0xc2: {  	[dreg:$0x0] =	wrdreg $0x60  }
0xc3: {  	[dreg:$0x2] =	wrdreg s24  }
0xc4: {  	[dreg:$0x3] =	wrdreg s17  }
0xc5: {  	[dreg:$0x4] =	wrdreg $0xB  }
0xc6: {  	_ =	task.clear_ibuf [dreg:s22], $0x5FFFF;
	_ =	strace $0x90000049  }
0xc7: {  	s29 =	simm.s32 $0xB;
	_ =	strace $0x8000004B  }
0xc8: {  	_ =	swait.ge [sflag:s29], $0x1  }
0xc9: {  	[sflag:s29] =	ssyncadd.s32 $0xFFFFFFFF  }
0xca: {  	_ =	strace $0x9000004B  }
0xcb: {  	_ =	sfence  }
0xcc: {  	s30 =	sld [smem:$0x0];
	_ =	sdelay $0x2  }
0xcd: {  	s31 =	sshll.u32 s1, $0xD;
	s1 =	sshrl.u32 s1, $0x2  }
0xce: {  	s4 =	sand.u32 $0x4000, s31;
	s1 =	sadd.s32 s1, s30  }
0xcf: {  	s0 =	sor.u32 s4, s0;
	s1 =	sshll.u32 s1, $0x11  }
0xd0: {  	s0 =	sor.u32 s1, s0  }
0xd1: {  	s0 =	sadd.s32 $0x8F2B, s0  }
0xd2: {  	[sflag:s0] =	ssyncadd.remote.s32 $0x1  }
0xd3: {  	_ =	sfence.sel $0xFFFF  }
0xd4: {  	[dreg:$0x0] =	wrdreg $0xFFFFFFFF;
	(pc) =	sbr.abs _section_cstart, $3  }
0xd5: {  	[dreg:$0x1] =	wrdreg $0xFFFFFFFF  }
0xd6: {  	_ =	task.clear_ibuf [dreg:s22], $0x2FFFF;
	_ =	strace $0x9FFFFFFF  }
0xd7: {  	(tm) =	ssettm $0x7FFFFFFF  }
tec
execute0_lowered:
.L_overlay_start_1:
0x0: {  	(tag) =	ssettag $0x1  }
0x1: {  	s4 =	rddreg [dreg:$0x0]  }
0x2: {  	s5 =	rddreg [dreg:$0x1]  }
0x3: {  	s0 =	rddreg [dreg:$0x2];
	s1 =	stileid.u32  }
0x4: {  	s3 =	srdreg.scid;
	s2 =	simm.s32 $0x0;
	s7 =	smul.u32 $0x9C40, s1  }
0x5: {  	s6 =	sand.u32 $0x1, s3;
	[smem:$0x7FF] =	sst s2;
	s10 =	smul.u32 $0x4E200, s1  }
0x6: {  	s3 =	sadd.s32 $0xB07600, s4;
	s8 =	smul.u32 $0x4E20, s6;
	s9 =	ssub.s32 $0x2, s6  }
0x7: {  	_ =	strace $0x8000004A;
	s6 =	smul.u32 $0x27100, s6;
	s31 =	sshrl.u32 s9, $0x1  }
0x8: {  	s5 =	sadd.s32 s10, s5;
	s10 =	simm.s32 $0x0;
	s7 =	sadd.s32 s8, s7  }
0x9: {  	s8 =	ssub.s32 s9, s31;
	s5 =	sadd.s32 s6, s5;
	s7 =	sshrl.u32 s7, $0x3  }
0xa: {  	s9 =	simm.s32 $0x1;
	s7 =	sadd.s32 s7, s4;
	s4 =	smax.u32 s8, $0x1  }
0xb: {  	s8 =	simm.s32 $0x50;
	s6 =	sadd.s32 $0xAE00, s7;
	s7 =	simm.s32 $0x2  }
.LBB2_1:
0xc: {  	s11 =	sadd.s32 $0x0, s6  }
0xd: {  	[tilespmem:s2], [sflag:$0x2] =	stream.linear.gather [hbm4b:s11+s2], $0x50, $0x38;
	[tilespmem:$0x1450] =	vst v63  }
0xe: {  	_ =	swait.ge [sflag:s7], $0x50  }
0xf: {  	[sflag:s7] =	ssyncset.done $0x0  }
0x10: {  	[sflag:s7] =	ssyncadd.s32 $0xFFFFFFB0  }
0x11: {  	[tilespmem:s8], [sflag:$0x1] =	stream.indirect.gather [hbm4b:s3+s8], $0x40, s2, s8, $0xb8;
	[tilespmem:$0x1450] =	vst v63  }
0x12: {  	_ =	swait.ge [sflag:s9], $0x1400  }
0x13: {  	[sflag:s9] =	ssyncset.done $0x0  }
0x14: {  	[sflag:s9] =	ssyncadd.s32 $0xFFFFEC00  }
0x15: {  	[hbm4b:s5+s2] =	stream.linear.scatter [tilespmem:s8], [sflag:$0x2], $0x1400, $0x38;
	[tilespmem:$0x1450] =	vst v63  }
0x16: {  	s12 =	simm.s32 $0xA;
	_ =	swait.ge [sflag:s7], $0x1400  }
0x17: {  	s13 =	simm.s32 $0x14;
	s11 =	sadd.s32 $0x280, s5;
	[sflag:s7] =	ssyncset.done $0x0  }
.LBB2_2:
0x18: {  	s14 =	sadd.s32 s12, s6  }
0x19: {  	[sflag:s7] =	ssyncadd.s32 $0xFFFFEC00;
	s12 =	smov.u32 s13;
	s15 =	sadd.s32 $0xA, s13  }
0x1a: {  	[tilespmem:s2], [sflag:$0x2] =	stream.linear.gather [hbm4b:s14+s2], $0x50, $0x38;
	[tilespmem:$0x1450] =	vst v63  }
0x1b: {  	p0 =	sne.s32 s13, $0x9BA;
	_ =	swait.ge [sflag:s7], $0x50  }
0x1c: {  	[sflag:s7] =	ssyncset.done $0x0  }
0x1d: {  	[sflag:s7] =	ssyncadd.s32 $0xFFFFFFB0  }
0x1e: {  	[tilespmem:s8], [sflag:$0x1] =	stream.indirect.gather [hbm4b:s3+s8], $0x40, s2, s8, $0xb8;
	[tilespmem:$0x1450] =	vst v63  }
0x1f: {  	_ =	swait.ge [sflag:s9], $0x1400  }
.Ltmp0:
0x20: {  	[sflag:s9] =	ssyncset.done $0x0;
	(pc) =	sbr.rel @p0 .LBB2_2-.Ltmp0, $4  }
0x21: {  	[sflag:s9] =	ssyncadd.s32 $0xFFFFEC00  }
0x22: {  	[hbm4b:s11+s2] =	stream.linear.scatter [tilespmem:s8], [sflag:$0x2], $0x1400, $0x38;
	[tilespmem:$0x1450] =	vst v63  }
0x23: {  	_ =	swait.ge [sflag:s7], $0x1400  }
0x24: {  	s13 =	smov.u32 s15;
	s11 =	sadd.s32 $0x280, s11;
	[sflag:s7] =	ssyncset.done $0x0  }
0x25: {  	s12 =	sadd.s32 s12, s6;
	[sflag:s7] =	ssyncadd.s32 $0xFFFFEC00  }
0x26: {  	[tilespmem:s2], [sflag:$0x2] =	stream.linear.gather [hbm4b:s12+s2], $0x50, $0x38;
	[tilespmem:$0x1450] =	vst v63  }
0x27: {  	_ =	swait.ge [sflag:s7], $0x50  }
0x28: {  	[sflag:s7] =	ssyncset.done $0x0  }
0x29: {  	[sflag:s7] =	ssyncadd.s32 $0xFFFFFFB0  }
0x2a: {  	[tilespmem:s8], [sflag:$0x1] =	stream.indirect.gather [hbm4b:s3+s8], $0x40, s2, s8, $0xb8;
	[tilespmem:$0x1450] =	vst v63  }
0x2b: {  	s10 =	sadd.s32 $0x1, s10;
	_ =	swait.ge [sflag:s9], $0x1400  }
0x2c: {  	p0 =	sne.s32 s10, s4;
	[sflag:s9] =	ssyncset.done $0x0  }
.Ltmp1:
0x2d: {  	[sflag:s9] =	ssyncadd.s32 $0xFFFFEC00;
	(pc) =	sbr.rel @p0 .LBB2_1-.Ltmp1, $4  }
0x2e: {  	[hbm4b:s11+s2] =	stream.linear.scatter [tilespmem:s8], [sflag:$0x2], $0x1400, $0x38;
	[tilespmem:$0x1450] =	vst v63  }
0x2f: {  	_ =	swait.ge [sflag:s7], $0x1400  }
0x30: {  	[sflag:s7] =	ssyncset.done $0x0  }
0x31: {  	[sflag:s7] =	ssyncadd.s32 $0xFFFFEC00  }
0x32: {  	_ =	sfence.sel $0x180000  }
0x33: {  	[bflag:$0x0] =	sbarrier.arrive $0xFFFF  }
0x34: {  	p0 =	sne.s32 s1, $0x0;
	_ =	strace $0x9000004A  }
0x35: {  	s0 =	sadd.s32 @!p0 $0x100000, s0;
	[bflag:$0x2] =	sbarrier.arrive $0xFFFF  }
0x36: {  	[sflag:s0] =	ssyncadd.tile.s32 @!p0 $0x1;
	_ =	shalt  }
.Lfunc_end2:
_tile_overlayer_lowered:
.L_overlay_start_2:
0x37: {  	(tag) =	ssettag $0x2  }
0x38: {  	s0 =	rddreg [dreg:$0x0];
	s2 =	stileid.u32  }
0x39: {  	s1 =	rddreg [dreg:$0x1];
	p0 =	sne.s32 s2, $0x0  }
0x3a: {  	s3 =	rddreg [dreg:$0x2];
	[bflag:$0x3] =	sbarrier.arrive $0xFFFF;
	s2 =	simm.s32 @!p0 $0x1C02  }
0x3b: {  	[timem:s3], [sflag:s2] =	dma.local @!p0 [hbm:s0], s1  }
0x3c: {  	s0 =	simm.s32 @!p0 $0x2  }
0x3d: {  	_ =	swait.ge @!p0 [sflag:s0], s1  }
0x3e: {  	s1 =	ssub.s32 @!p0 $0x0, s1;
	[sflag:s0] =	ssyncset.done @!p0 $0x0  }
0x3f: {  	[sflag:s0] =	ssyncadd.s32 @!p0 s1  }
0x40: {  	[bflag:$0x3] =	sbarrier.arrive $0xFFFF  }
0x41: {  	_ =	shalt  }

// kernel: kernel.31.cloned.1.call-start
scs
__scs_entry_jumppad:
0x0: {  	(pc) =	sbr.rel $0x88, $3  }
0x1: {  	(tag) =	ssettag $0x0;
	lr =	simm.s32 $0x1  }
0x2: {  	[smem:$0x3F66] =	sst lr;
	_ =	strace $0xD0000000  }
0x3: {  	_ = 	snop  }
0x4: {  	_ = 	snop  }
0x5: {  	_ = 	snop  }
0x6: {  	_ = 	snop  }
0x7: {  	_ = 	snop  }
__scs_overlays_trampoline_lowered:
0x8: {  	[smem:$0x3F75] =	sst s0  }
0x9: {  	[smem:$0x3F76] =	sst s1  }
0xa: {  	[smem:$0x3F77] =	sst s2  }
0xb: {  	[smem:$0x3F78] =	sst s3  }
0xc: {  	[smem:$0x3F79] =	sst s4  }
0xd: {  	[smem:$0x3F7A] =	sst s5  }
0xe: {  	[smem:$0x3F7B] =	sst s6  }
0xf: {  	[smem:$0x3F7C] =	sst s7  }
0x10: {  	[smem:$0x3F7D] =	sst s8  }
0x11: {  	[smem:$0x3F7E] =	sst s9;
	s0 =	simm.s32 @!p0 $0x0  }
0x12: {  	s1 =	sld [smem:$0x3F64];
	s0 =	simm.s32 @p0 $0x1  }
0x13: {  	[smem:$0x3F7F] =	sst s0;
	s0 =	simm.s32 @!p1 $0x0  }
0x14: {  	s2 =	sld [smem:$0x3F63];
	s0 =	simm.s32 @p1 $0x1  }
0x15: {  	[smem:$0x3F80] =	sst s0;
	s0 =	simm.s32 @!p2 $0x0  }
0x16: {  	s3 =	sld [smem:$0x3FDB];
	s0 =	simm.s32 @p2 $0x1  }
0x17: {  	s4 =	simm.s32 $0x1BF5;
	[smem:$0x3F82] =	sst s0  }
0x18: {  	s0 =	sld [smem:$0x3F65];
	_ =	swait.ge [sflag:s4], $0x0  }
0x19: {  	s7 =	sld [smem:$0x3F66]  }
0x1a: {  	s8 =	sadd.s32 $0xFFFFE003, lr  }
0x1b: {  	s9 =	sadd.s32 $0xFFFFFEF7, lr;
	s5 =	simm.s32 $0xFFFFFFFF;
	p2 =	slt.u32 s8, $0xFFFFF086  }
0x1c: {  	p1 =	slt.u32 s9, $0xF7A;
	s5 =	simm.s32 @!p2 $0x0  }
0x1d: {  	s5 =	simm.s32 @p1 $0x1;
	p0 =	seq.s32 s7, s2  }
0x1e: {  	s7 =	smul.u32 @!p0 $0xF7A, s2;
	p2 =	seq.s32 @!p0 s5, $0x0  }
0x1f: {  	s9 =	smul.u32 $0xF7A, s1;
	s8 =	simm.s32 @!p0 $0x1BF5;
	p2 =	por !p2, p0  }
0x20: {  	[sflag:s8] =	ssyncset.s32 @!p0 $0xFFFFF086;
	s6 =	sadd.s32 @!p0 s3, s7;
	s7 =	simm.s32 @!p0 $0x108  }
0x21: {  	s3 =	sadd.s32 s3, s9;
	s6 =	sadd.s32 @!p0 $0x88, s6;
	s7 =	simm.s32 @p2 $0x1082  }
0x22: {  	[simem:s7], [sflag:s8] =	dma.local @!p0 [hbm:s6], $0xF7A  }
0x23: {  	s9 =	sor.u32 $0xD0000000, s2;
	s6 =	simm.s32 $0x108;
	_ =	swait.ge @!p0 [sflag:s8], $0x0  }
0x24: {  	s3 =	sadd.s32 $0x88, s3;
	s6 =	simm.s32 @!p1 $0x1082;
	[sflag:s4] =	ssyncset.s32 $0xFFFFF086  }
0x25: {  	[simem:s6], [sflag:s4] =	dma.local [hbm:s3], $0xF7A  }
0x26: {  	[smem:$0x3F66] =	sst s1;
	(tag) =	ssettag s2;
	_ =	strace s9  }
0x27: {  	s1 =	sld [smem:$0x3F76]  }
0x28: {  	s2 =	sld [smem:$0x3F77]  }
0x29: {  	s4 =	sld [smem:$0x3F79]  }
0x2a: {  	p0 =	seq.s32 s5, $0x0;
	s5 =	sld [smem:$0x3F7A]  }
0x2b: {  	s6 =	sld [smem:$0x3F7B]  }
0x2c: {  	s7 =	sld [smem:$0x3F7C]  }
0x2d: {  	s3 =	simm.s32 $0x108;
	s8 =	sld [smem:$0x3F7D]  }
0x2e: {  	s3 =	simm.s32 @!p0 $0x1082;
	s9 =	sld [smem:$0x3F7E]  }
0x2f: {  	lr =	sadd.s32 s0, s3;
	s0 =	sld [smem:$0x3F75]  }
0x30: {  	s3 =	sld [smem:$0x3F78]  }
0x31: {  	[smem:$0x3F81] =	sst s10  }
0x32: {  	s10 =	sld [smem:$0x3F7F];
	_ =	sdelay $0x3  }
0x33: {  	p0 =	seq.s32 s10, $0x1;
	s10 =	sld [smem:$0x3F81];
	_ =	sdelay $0x3  }
0x34: {  	[smem:$0x3F81] =	sst s10  }
0x35: {  	s10 =	sld [smem:$0x3F80];
	_ =	sdelay $0x3  }
0x36: {  	p1 =	seq.s32 s10, $0x1;
	s10 =	sld [smem:$0x3F81];
	_ =	sdelay $0x3  }
0x37: {  	[smem:$0x3F81] =	sst s10  }
0x38: {  	s10 =	sld [smem:$0x3F82]  }
0x39: {  	_ = 	snop;
	(pc) =	sbr.ind lr, $3  }
0x3a: {  	_ = 	snop  }
0x3b: {  	_ = 	snop  }
0x3c: {  	p2 =	seq.s32 s10, $0x1;
	s10 =	sld [smem:$0x3F81]  }
0x3d: {  	_ =	shalt  }
0x3e: {  	_ =	shalt  }
0x3f: {  	_ =	shalt  }
0x40: {  	_ =	shalt  }
0x41: {  	_ =	shalt  }
0x42: {  	_ =	shalt  }
0x43: {  	_ =	shalt  }
0x44: {  	_ =	shalt  }
0x45: {  	_ =	shalt  }
0x46: {  	_ =	shalt  }
0x47: {  	_ =	shalt  }
0x48: {  	_ =	shalt  }
0x49: {  	_ =	shalt  }
0x4a: {  	_ =	shalt  }
0x4b: {  	_ =	shalt  }
0x4c: {  	_ =	shalt  }
0x4d: {  	_ =	shalt  }
0x4e: {  	_ =	shalt  }
0x4f: {  	_ =	shalt  }
0x50: {  	_ =	shalt  }
0x51: {  	_ =	shalt  }
0x52: {  	_ =	shalt  }
0x53: {  	_ =	shalt  }
0x54: {  	_ =	shalt  }
0x55: {  	_ =	shalt  }
0x56: {  	_ =	shalt  }
0x57: {  	_ =	shalt  }
0x58: {  	_ =	shalt  }
0x59: {  	_ =	shalt  }
0x5a: {  	_ =	shalt  }
0x5b: {  	_ =	shalt  }
0x5c: {  	_ =	shalt  }
0x5d: {  	_ =	shalt  }
0x5e: {  	_ =	shalt  }
0x5f: {  	_ =	shalt  }
0x60: {  	_ =	shalt  }
0x61: {  	_ =	shalt  }
0x62: {  	_ =	shalt  }
0x63: {  	_ =	shalt  }
0x64: {  	_ =	shalt  }
0x65: {  	_ =	shalt  }
0x66: {  	_ =	shalt  }
0x67: {  	_ =	shalt  }
0x68: {  	_ =	shalt  }
0x69: {  	_ =	shalt  }
0x6a: {  	_ =	shalt  }
0x6b: {  	_ =	shalt  }
0x6c: {  	_ =	shalt  }
0x6d: {  	_ =	shalt  }
0x6e: {  	_ =	shalt  }
0x6f: {  	_ =	shalt  }
0x70: {  	_ =	shalt  }
0x71: {  	_ =	shalt  }
0x72: {  	_ =	shalt  }
0x73: {  	_ =	shalt  }
0x74: {  	_ =	shalt  }
0x75: {  	_ =	shalt  }
0x76: {  	_ =	shalt  }
0x77: {  	_ =	shalt  }
0x78: {  	_ =	shalt  }
0x79: {  	_ =	shalt  }
0x7a: {  	_ =	shalt  }
0x7b: {  	_ =	shalt  }
0x7c: {  	_ =	shalt  }
0x7d: {  	_ =	shalt  }
0x7e: {  	_ =	shalt  }
0x7f: {  	_ =	shalt  }
0x80: {  	_ =	shalt  }
0x81: {  	_ =	shalt  }
0x82: {  	_ =	shalt  }
0x83: {  	_ =	shalt  }
0x84: {  	_ =	shalt  }
0x85: {  	_ =	shalt  }
0x86: {  	_ =	shalt  }
0x87: {  	_ =	shalt  }
.Lfunc_end0:
.L_simem_size_0:
called_computation.1_lowered:
.L_overlay_start_0:
0x88: {  	s2 =	sld [smem:$0x3FD9]  }
0x89: {  	s3 =	sld [smem:$0x3FFE];
	_ =	sdelay $0x1  }
0x8a: {  	s1 =	srdreg.scid  }
0x8b: {  	s0 =	sand.u32 $0x1, s1  }
0x8c: {  	s16 =	sshll.u32 s0, $0xA;
	s2 =	sadd.s32 s3, s2  }
0x8d: {  	s2 =	sadd.s32 s2, s16  }
0x8e: {  	[smem:$0x3F8D] =	sst s2  }
0x8f: {  	_ = 	snop  }
0x90: {  	(tm) =	ssettm $0x1  }
0x91: {  	s17 =	sld [smem:$0x3FFB];
	_ =	sdelay $0x3  }
0x92: {  	_ =	strace s17  }
0x93: {  	s2 =	sld [smem:$0x3FFC];
	_ =	sdelay $0x3  }
0x94: {  	_ =	strace s2  }
0x95: {  	s2 =	sld [smem:$0x3FFD];
	_ =	sdelay $0x3  }
0x96: {  	_ =	strace s2  }
0x97: {  	_ =	strace $0x8FFFFFFF  }
0x98: {  	s18 =	sld [smem:$0x3FDB];
	_ =	sdelay $0x1  }
0x99: {  	s19 =	simm.s32 $_scs_section_size  }
0x9a: {  	s4 =	simm.s32 $_size__tile_overlayer_lowered;
	s5 =	simm.s32 $_tile_overlayer_lowered  }
0x9b: {  	s22 =	simm.s32 $0x1BFF;
	s21 =	sshll.u32 s5, $0x1;
	s2 =	sadd.s32 s19, s18  }
0x9c: {  	s6 =	simm.s32 $0x0;
	s20 =	sshll.u32 s4, $0x1;
	s4 =	sadd.s32 s21, s2  }
0x9d: {  	[timem:s6], [sflag:s22] =	dma.local [hbm:s4], s20  }
0x9e: {  	_ =	swait.ge [sflag:s22], s20  }
0x9f: {  	s3 =	ssub.s32 $0x0, s20;
	[sflag:s22] =	ssyncset.done $0x0  }
0xa0: {  	[sflag:s22] =	ssyncadd.s32 s3;
	_ =	sdelay $0x1  }
0xa1: {  	s23 =	simm.s32 $0x1B8B  }
0xa2: {  	_ =	swait.ge [sflag:s23], $0x1  }
0xa3: {  	[sflag:s23] =	ssyncset.done $0x0  }
0xa4: {  	s25 =	simm.s32 $0x1B8E;
	s24 =	sld [smem:$0x3FFE];
	[sflag:s23] =	ssyncadd.s32 $0xFFFFFFFF  }
0xa5: {  	s26 =	simm.s32 $execute0_lowered;
	[smem:$0x3FD2] =	sst s25  }
0xa6: {  	s4 =	sshll.u32 s26, $0x1;
	_ =	strace $0x80000046;
	[dreg:$0x1] =	wrdreg $0xFFFFFFFF  }
0xa7: {  	s28 =	simm.s32 $_size_execute0_lowered;
	s2 =	sadd.s32 s2, s4;
	[dreg:$0x0] =	wrdreg $0x0  }
0xa8: {  	s4 =	sshll.u32 s28, $0x1;
	[dreg:$0x2] =	wrdreg s2  }
0xa9: {  	[dreg:$0x3] =	wrdreg s4  }
0xaa: {  	[dreg:$0x4] =	wrdreg $0xC0  }
0xab: {  	_ =	task [dreg:s6], $0x5FFFF  }
0xac: {  	[dreg:$0x1] =	wrdreg $0xFFFFFFFF  }
0xad: {  	[dreg:$0x0] =	wrdreg $0x60  }
0xae: {  	[dreg:$0x2] =	wrdreg s24  }
0xaf: {  	[dreg:$0x3] =	wrdreg $0xC  }
0xb0: {  	_ =	task.clear_ibuf [dreg:s6], $0x4FFFF;
	_ =	strace $0x90000046  }
0xb1: {  	s29 =	simm.s32 $0xC;
	_ =	strace $0x80000048  }
0xb2: {  	_ =	swait.ge [sflag:s29], $0x1  }
0xb3: {  	[sflag:s29] =	ssyncadd.s32 $0xFFFFFFFF  }
0xb4: {  	_ =	strace $0x90000048  }
0xb5: {  	_ =	sfence  }
0xb6: {  	s30 =	sld [smem:$0x0];
	_ =	sdelay $0x2  }
0xb7: {  	s31 =	sshll.u32 s1, $0xD;
	s1 =	sshrl.u32 s1, $0x2  }
0xb8: {  	s3 =	sand.u32 $0x4000, s31;
	s1 =	sadd.s32 s1, s30  }
0xb9: {  	s0 =	sor.u32 s3, s0;
	s1 =	sshll.u32 s1, $0x11  }
0xba: {  	s0 =	sor.u32 s1, s0  }
0xbb: {  	s0 =	sadd.s32 $0x8F2B, s0  }
0xbc: {  	[sflag:s0] =	ssyncadd.remote.s32 $0x1  }
0xbd: {  	_ =	sfence.sel $0xFFFF  }
0xbe: {  	[dreg:$0x0] =	wrdreg $0xFFFFFFFF;
	(pc) =	sbr.abs _section_cstart, $3  }
0xbf: {  	[dreg:$0x1] =	wrdreg $0xFFFFFFFF  }
0xc0: {  	_ =	task.clear_ibuf [dreg:s6], $0x2FFFF;
	_ =	strace $0x9FFFFFFF  }
0xc1: {  	(tm) =	ssettm $0x7FFFFFFF  }
tec
execute0_lowered:
.L_overlay_start_1:
0x0: {  	(tag) =	ssettag $0x1  }
0x1: {  	s4 =	rddreg [dreg:$0x0]  }
0x2: {  	s0 =	rddreg [dreg:$0x1];
	s2 =	simm.s32 $0x0;
	s1 =	stileid.u32  }
0x3: {  	s3 =	srdreg.scid;
	s10 =	simm.s32 $0x0;
	s6 =	smul.u32 $0x9C40, s1  }
0x4: {  	[smem:$0x7FF] =	sst s2;
	s5 =	sand.u32 $0x1, s3;
	s8 =	smul.u32 $0x27100, s1  }
0x5: {  	s3 =	sadd.s32 $0x9CEE00, s4;
	s7 =	smul.u32 $0x4E20, s5;
	s9 =	ssub.s32 $0x2, s5  }
0x6: {  	_ =	strace $0x80000047;
	s5 =	smul.u32 $0x13880, s5;
	s31 =	sshrl.u32 s9, $0x1  }
0x7: {  	s8 =	sadd.s32 s8, s4;
	s6 =	sadd.s32 s7, s6;
	s7 =	ssub.s32 s9, s31  }
0x8: {  	s5 =	sadd.s32 s5, s8;
	s8 =	simm.s32 $0x50;
	s6 =	sshrl.u32 s6, $0x3  }
0x9: {  	s9 =	simm.s32 $0x1;
	s5 =	sadd.s32 $0x32200, s5;
	s6 =	sadd.s32 s6, s4  }
0xa: {  	s4 =	smax.u32 s7, $0x1;
	s7 =	simm.s32 $0x2;
	s6 =	sadd.s32 $0x1E800, s6  }
.LBB2_1:
0xb: {  	s11 =	sadd.s32 $0x0, s6  }
0xc: {  	[tilespmem:s2], [sflag:$0x2] =	stream.linear.gather [hbm4b:s11+s2], $0x50, $0x38;
	[tilespmem:$0xA50] =	vst v63  }
0xd: {  	_ =	swait.ge [sflag:s7], $0x50  }
0xe: {  	[sflag:s7] =	ssyncset.done $0x0  }
0xf: {  	[sflag:s7] =	ssyncadd.s32 $0xFFFFFFB0  }
0x10: {  	[tilespmem:s8], [sflag:$0x1] =	stream.indirect.gather [hbm4b:s3+s8], $0x20, s2, s8, $0xb8;
	[tilespmem:$0xA50] =	vst v63  }
0x11: {  	_ =	swait.ge [sflag:s9], $0xA00  }
0x12: {  	[sflag:s9] =	ssyncset.done $0x0  }
0x13: {  	[sflag:s9] =	ssyncadd.s32 $0xFFFFF600  }
0x14: {  	[hbm4b:s5+s2] =	stream.linear.scatter [tilespmem:s8], [sflag:$0x2], $0xA00, $0x38;
	[tilespmem:$0xA50] =	vst v63  }
0x15: {  	s12 =	simm.s32 $0xA;
	_ =	swait.ge [sflag:s7], $0xA00  }
0x16: {  	s13 =	simm.s32 $0x14;
	s11 =	sadd.s32 $0x140, s5;
	[sflag:s7] =	ssyncset.done $0x0  }
.LBB2_2:
0x17: {  	s14 =	sadd.s32 s12, s6  }
0x18: {  	[sflag:s7] =	ssyncadd.s32 $0xFFFFF600;
	s12 =	smov.u32 s13;
	s15 =	sadd.s32 $0xA, s13  }
0x19: {  	[tilespmem:s2], [sflag:$0x2] =	stream.linear.gather [hbm4b:s14+s2], $0x50, $0x38;
	[tilespmem:$0xA50] =	vst v63  }
0x1a: {  	p0 =	sne.s32 s13, $0x9BA;
	_ =	swait.ge [sflag:s7], $0x50  }
0x1b: {  	[sflag:s7] =	ssyncset.done $0x0  }
0x1c: {  	[sflag:s7] =	ssyncadd.s32 $0xFFFFFFB0  }
0x1d: {  	[tilespmem:s8], [sflag:$0x1] =	stream.indirect.gather [hbm4b:s3+s8], $0x20, s2, s8, $0xb8;
	[tilespmem:$0xA50] =	vst v63  }
0x1e: {  	_ =	swait.ge [sflag:s9], $0xA00  }
.Ltmp0:
0x1f: {  	[sflag:s9] =	ssyncset.done $0x0;
	(pc) =	sbr.rel @p0 .LBB2_2-.Ltmp0, $4  }
0x20: {  	[sflag:s9] =	ssyncadd.s32 $0xFFFFF600  }
0x21: {  	[hbm4b:s11+s2] =	stream.linear.scatter [tilespmem:s8], [sflag:$0x2], $0xA00, $0x38;
	[tilespmem:$0xA50] =	vst v63  }
0x22: {  	_ =	swait.ge [sflag:s7], $0xA00  }
0x23: {  	s13 =	smov.u32 s15;
	s11 =	sadd.s32 $0x140, s11;
	[sflag:s7] =	ssyncset.done $0x0  }
0x24: {  	s12 =	sadd.s32 s12, s6;
	[sflag:s7] =	ssyncadd.s32 $0xFFFFF600  }
0x25: {  	[tilespmem:s2], [sflag:$0x2] =	stream.linear.gather [hbm4b:s12+s2], $0x50, $0x38;
	[tilespmem:$0xA50] =	vst v63  }
0x26: {  	_ =	swait.ge [sflag:s7], $0x50  }
0x27: {  	[sflag:s7] =	ssyncset.done $0x0  }
0x28: {  	[sflag:s7] =	ssyncadd.s32 $0xFFFFFFB0  }
0x29: {  	[tilespmem:s8], [sflag:$0x1] =	stream.indirect.gather [hbm4b:s3+s8], $0x20, s2, s8, $0xb8;
	[tilespmem:$0xA50] =	vst v63  }
0x2a: {  	s10 =	sadd.s32 $0x1, s10;
	_ =	swait.ge [sflag:s9], $0xA00  }
0x2b: {  	p0 =	sne.s32 s10, s4;
	[sflag:s9] =	ssyncset.done $0x0  }
.Ltmp1:
0x2c: {  	[sflag:s9] =	ssyncadd.s32 $0xFFFFF600;
	(pc) =	sbr.rel @p0 .LBB2_1-.Ltmp1, $4  }
0x2d: {  	[hbm4b:s11+s2] =	stream.linear.scatter [tilespmem:s8], [sflag:$0x2], $0xA00, $0x38;
	[tilespmem:$0xA50] =	vst v63  }
0x2e: {  	_ =	swait.ge [sflag:s7], $0xA00  }
0x2f: {  	[sflag:s7] =	ssyncset.done $0x0  }
0x30: {  	[sflag:s7] =	ssyncadd.s32 $0xFFFFF600  }
0x31: {  	_ =	sfence.sel $0x180000  }
0x32: {  	[bflag:$0x0] =	sbarrier.arrive $0xFFFF  }
0x33: {  	p0 =	sne.s32 s1, $0x0;
	_ =	strace $0x90000047  }
0x34: {  	s0 =	sadd.s32 @!p0 $0x100000, s0;
	[bflag:$0x2] =	sbarrier.arrive $0xFFFF  }
0x35: {  	[sflag:s0] =	ssyncadd.tile.s32 @!p0 $0x1;
	_ =	shalt  }
.Lfunc_end2:
_tile_overlayer_lowered:
.L_overlay_start_2:
0x36: {  	(tag) =	ssettag $0x2  }
0x37: {  	s0 =	rddreg [dreg:$0x0];
	s2 =	stileid.u32  }
0x38: {  	s1 =	rddreg [dreg:$0x1];
	p0 =	sne.s32 s2, $0x0  }
0x39: {  	s3 =	rddreg [dreg:$0x2];
	[bflag:$0x3] =	sbarrier.arrive $0xFFFF;
	s2 =	simm.s32 @!p0 $0x1C02  }
0x3a: {  	[timem:s3], [sflag:s2] =	dma.local @!p0 [hbm:s0], s1  }
0x3b: {  	s0 =	simm.s32 @!p0 $0x2  }
0x3c: {  	_ =	swait.ge @!p0 [sflag:s0], s1  }
0x3d: {  	s1 =	ssub.s32 @!p0 $0x0, s1;
	[sflag:s0] =	ssyncset.done @!p0 $0x0  }
0x3e: {  	[sflag:s0] =	ssyncadd.s32 @!p0 s1  }
0x3f: {  	[bflag:$0x3] =	sbarrier.arrive $0xFFFF  }
0x40: {  	_ =	shalt  }

// kernel: kernel.34.cloned.1.call-start
scs
__scs_entry_jumppad:
0x0: {  	(pc) =	sbr.rel $0x88, $3  }
0x1: {  	(tag) =	ssettag $0x0;
	lr =	simm.s32 $0x1  }
0x2: {  	[smem:$0x3F66] =	sst lr;
	_ =	strace $0xD0000000  }
0x3: {  	_ = 	snop  }
0x4: {  	_ = 	snop  }
0x5: {  	_ = 	snop  }
0x6: {  	_ = 	snop  }
0x7: {  	_ = 	snop  }
__scs_overlays_trampoline_lowered:
0x8: {  	[smem:$0x3F75] =	sst s0  }
0x9: {  	[smem:$0x3F76] =	sst s1  }
0xa: {  	[smem:$0x3F77] =	sst s2  }
0xb: {  	[smem:$0x3F78] =	sst s3  }
0xc: {  	[smem:$0x3F79] =	sst s4  }
0xd: {  	[smem:$0x3F7A] =	sst s5  }
0xe: {  	[smem:$0x3F7B] =	sst s6  }
0xf: {  	[smem:$0x3F7C] =	sst s7  }
0x10: {  	[smem:$0x3F7D] =	sst s8  }
0x11: {  	[smem:$0x3F7E] =	sst s9;
	s0 =	simm.s32 @!p0 $0x0  }
0x12: {  	s1 =	sld [smem:$0x3F64];
	s0 =	simm.s32 @p0 $0x1  }
0x13: {  	[smem:$0x3F7F] =	sst s0;
	s0 =	simm.s32 @!p1 $0x0  }
0x14: {  	s2 =	sld [smem:$0x3F63];
	s0 =	simm.s32 @p1 $0x1  }
0x15: {  	[smem:$0x3F80] =	sst s0;
	s0 =	simm.s32 @!p2 $0x0  }
0x16: {  	s3 =	sld [smem:$0x3FDB];
	s0 =	simm.s32 @p2 $0x1  }
0x17: {  	s4 =	simm.s32 $0x1BF5;
	[smem:$0x3F82] =	sst s0  }
0x18: {  	s0 =	sld [smem:$0x3F65];
	_ =	swait.ge [sflag:s4], $0x0  }
0x19: {  	s7 =	sld [smem:$0x3F66]  }
0x1a: {  	s8 =	sadd.s32 $0xFFFFE003, lr  }
0x1b: {  	s9 =	sadd.s32 $0xFFFFFEF7, lr;
	s5 =	simm.s32 $0xFFFFFFFF;
	p2 =	slt.u32 s8, $0xFFFFF086  }
0x1c: {  	p1 =	slt.u32 s9, $0xF7A;
	s5 =	simm.s32 @!p2 $0x0  }
0x1d: {  	s5 =	simm.s32 @p1 $0x1;
	p0 =	seq.s32 s7, s2  }
0x1e: {  	s7 =	smul.u32 @!p0 $0xF7A, s2;
	p2 =	seq.s32 @!p0 s5, $0x0  }
0x1f: {  	s9 =	smul.u32 $0xF7A, s1;
	s8 =	simm.s32 @!p0 $0x1BF5;
	p2 =	por !p2, p0  }
0x20: {  	[sflag:s8] =	ssyncset.s32 @!p0 $0xFFFFF086;
	s6 =	sadd.s32 @!p0 s3, s7;
	s7 =	simm.s32 @!p0 $0x108  }
0x21: {  	s3 =	sadd.s32 s3, s9;
	s6 =	sadd.s32 @!p0 $0x88, s6;
	s7 =	simm.s32 @p2 $0x1082  }
0x22: {  	[simem:s7], [sflag:s8] =	dma.local @!p0 [hbm:s6], $0xF7A  }
0x23: {  	s9 =	sor.u32 $0xD0000000, s2;
	s6 =	simm.s32 $0x108;
	_ =	swait.ge @!p0 [sflag:s8], $0x0  }
0x24: {  	s3 =	sadd.s32 $0x88, s3;
	s6 =	simm.s32 @!p1 $0x1082;
	[sflag:s4] =	ssyncset.s32 $0xFFFFF086  }
0x25: {  	[simem:s6], [sflag:s4] =	dma.local [hbm:s3], $0xF7A  }
0x26: {  	[smem:$0x3F66] =	sst s1;
	(tag) =	ssettag s2;
	_ =	strace s9  }
0x27: {  	s1 =	sld [smem:$0x3F76]  }
0x28: {  	s2 =	sld [smem:$0x3F77]  }
0x29: {  	s4 =	sld [smem:$0x3F79]  }
0x2a: {  	p0 =	seq.s32 s5, $0x0;
	s5 =	sld [smem:$0x3F7A]  }
0x2b: {  	s6 =	sld [smem:$0x3F7B]  }
0x2c: {  	s7 =	sld [smem:$0x3F7C]  }
0x2d: {  	s3 =	simm.s32 $0x108;
	s8 =	sld [smem:$0x3F7D]  }
0x2e: {  	s3 =	simm.s32 @!p0 $0x1082;
	s9 =	sld [smem:$0x3F7E]  }
0x2f: {  	lr =	sadd.s32 s0, s3;
	s0 =	sld [smem:$0x3F75]  }
0x30: {  	s3 =	sld [smem:$0x3F78]  }
0x31: {  	[smem:$0x3F81] =	sst s10  }
0x32: {  	s10 =	sld [smem:$0x3F7F];
	_ =	sdelay $0x3  }
0x33: {  	p0 =	seq.s32 s10, $0x1;
	s10 =	sld [smem:$0x3F81];
	_ =	sdelay $0x3  }
0x34: {  	[smem:$0x3F81] =	sst s10  }
0x35: {  	s10 =	sld [smem:$0x3F80];
	_ =	sdelay $0x3  }
0x36: {  	p1 =	seq.s32 s10, $0x1;
	s10 =	sld [smem:$0x3F81];
	_ =	sdelay $0x3  }
0x37: {  	[smem:$0x3F81] =	sst s10  }
0x38: {  	s10 =	sld [smem:$0x3F82]  }
0x39: {  	_ = 	snop;
	(pc) =	sbr.ind lr, $3  }
0x3a: {  	_ = 	snop  }
0x3b: {  	_ = 	snop  }
0x3c: {  	p2 =	seq.s32 s10, $0x1;
	s10 =	sld [smem:$0x3F81]  }
0x3d: {  	_ =	shalt  }
0x3e: {  	_ =	shalt  }
0x3f: {  	_ =	shalt  }
0x40: {  	_ =	shalt  }
0x41: {  	_ =	shalt  }
0x42: {  	_ =	shalt  }
0x43: {  	_ =	shalt  }
0x44: {  	_ =	shalt  }
0x45: {  	_ =	shalt  }
0x46: {  	_ =	shalt  }
0x47: {  	_ =	shalt  }
0x48: {  	_ =	shalt  }
0x49: {  	_ =	shalt  }
0x4a: {  	_ =	shalt  }
0x4b: {  	_ =	shalt  }
0x4c: {  	_ =	shalt  }
0x4d: {  	_ =	shalt  }
0x4e: {  	_ =	shalt  }
0x4f: {  	_ =	shalt  }
0x50: {  	_ =	shalt  }
0x51: {  	_ =	shalt  }
0x52: {  	_ =	shalt  }
0x53: {  	_ =	shalt  }
0x54: {  	_ =	shalt  }
0x55: {  	_ =	shalt  }
0x56: {  	_ =	shalt  }
0x57: {  	_ =	shalt  }
0x58: {  	_ =	shalt  }
0x59: {  	_ =	shalt  }
0x5a: {  	_ =	shalt  }
0x5b: {  	_ =	shalt  }
0x5c: {  	_ =	shalt  }
0x5d: {  	_ =	shalt  }
0x5e: {  	_ =	shalt  }
0x5f: {  	_ =	shalt  }
0x60: {  	_ =	shalt  }
0x61: {  	_ =	shalt  }
0x62: {  	_ =	shalt  }
0x63: {  	_ =	shalt  }
0x64: {  	_ =	shalt  }
0x65: {  	_ =	shalt  }
0x66: {  	_ =	shalt  }
0x67: {  	_ =	shalt  }
0x68: {  	_ =	shalt  }
0x69: {  	_ =	shalt  }
0x6a: {  	_ =	shalt  }
0x6b: {  	_ =	shalt  }
0x6c: {  	_ =	shalt  }
0x6d: {  	_ =	shalt  }
0x6e: {  	_ =	shalt  }
0x6f: {  	_ =	shalt  }
0x70: {  	_ =	shalt  }
0x71: {  	_ =	shalt  }
0x72: {  	_ =	shalt  }
0x73: {  	_ =	shalt  }
0x74: {  	_ =	shalt  }
0x75: {  	_ =	shalt  }
0x76: {  	_ =	shalt  }
0x77: {  	_ =	shalt  }
0x78: {  	_ =	shalt  }
0x79: {  	_ =	shalt  }
0x7a: {  	_ =	shalt  }
0x7b: {  	_ =	shalt  }
0x7c: {  	_ =	shalt  }
0x7d: {  	_ =	shalt  }
0x7e: {  	_ =	shalt  }
0x7f: {  	_ =	shalt  }
0x80: {  	_ =	shalt  }
0x81: {  	_ =	shalt  }
0x82: {  	_ =	shalt  }
0x83: {  	_ =	shalt  }
0x84: {  	_ =	shalt  }
0x85: {  	_ =	shalt  }
0x86: {  	_ =	shalt  }
0x87: {  	_ =	shalt  }
.Lfunc_end0:
.L_simem_size_0:
called_computation.2_lowered:
.L_overlay_start_0:
0x88: {  	s2 =	sld [smem:$0x3FD9]  }
0x89: {  	s3 =	sld [smem:$0x3FFE];
	_ =	sdelay $0x1  }
0x8a: {  	s1 =	srdreg.scid  }
0x8b: {  	s0 =	sand.u32 $0x1, s1  }
0x8c: {  	s15 =	sshll.u32 s0, $0xA;
	s2 =	sadd.s32 s3, s2  }
0x8d: {  	s2 =	sadd.s32 s2, s15  }
0x8e: {  	[smem:$0x3F8D] =	sst s2  }
0x8f: {  	_ = 	snop  }
0x90: {  	s2 =	sld [smem:$0x3FD0];
	_ =	sdelay $0x2  }
0x91: {  	s16 =	simm.s32 $0xD;
	s4 =	simm.s32 $0x10  }
0x92: {  	[smem:s4], [sflag:s16] =	dma.local [hbm:s2], $0x1  }
0x93: {  	_ =	swait.eq [sflag:s16], $0x1  }
0x94: {  	[sflag:s16] =	ssyncset.done $0x0  }
0x95: {  	[sflag:s16] =	ssyncadd.s32 $0xFFFFFFFF  }
0x96: {  	s17 =	sld [smem:$0x12];
	(tm) =	ssettm $0x1  }
0x97: {  	s18 =	sld [smem:$0x3FFB];
	_ =	sdelay $0x3  }
0x98: {  	_ =	strace s18  }
0x99: {  	s2 =	sld [smem:$0x3FFC];
	_ =	sdelay $0x3  }
0x9a: {  	_ =	strace s2  }
0x9b: {  	s2 =	sld [smem:$0x3FFD];
	_ =	sdelay $0x3  }
0x9c: {  	_ =	strace s2  }
0x9d: {  	_ =	strace $0x8FFFFFFF  }
0x9e: {  	s19 =	sld [smem:$0x3FDB];
	_ =	sdelay $0x1  }
0x9f: {  	s20 =	simm.s32 $_scs_section_size  }
0xa0: {  	s5 =	simm.s32 $_size__tile_overlayer_lowered;
	s6 =	simm.s32 $_tile_overlayer_lowered  }
0xa1: {  	s7 =	simm.s32 $0x1BFF;
	s21 =	sshll.u32 s6, $0x1;
	s4 =	sadd.s32 s20, s19  }
0xa2: {  	s22 =	simm.s32 $0x0;
	s5 =	sshll.u32 s5, $0x1;
	s6 =	sadd.s32 s21, s4  }
0xa3: {  	[timem:s22], [sflag:s7] =	dma.local [hbm:s6], s5  }
0xa4: {  	_ =	swait.ge [sflag:s7], s5  }
0xa5: {  	s5 =	ssub.s32 $0x0, s5;
	[sflag:s7] =	ssyncset.done $0x0  }
0xa6: {  	[sflag:s7] =	ssyncadd.s32 s5;
	_ =	sdelay $0x1  }
0xa7: {  	s23 =	simm.s32 $0x1B8B  }
0xa8: {  	_ =	swait.ge [sflag:s23], $0x1  }
0xa9: {  	[sflag:s23] =	ssyncset.done $0x0  }
0xaa: {  	[sflag:s23] =	ssyncadd.s32 $0xFFFFFFFF  }
0xab: {  	s5 =	sld [smem:$0x0]  }
0xac: {  	s6 =	sand.u32 $0xFFFFFFFE, s1  }
0xad: {  	p0 =	sne.s32 s1, s6  }
0xae: {  	s6 =	sshll.u32 @p0 s6, $0xE  }
0xaf: {  	s6 =	sadd.s32 @p0 $0x11B8D, s6;
	s7 =	sshll.u32 @p0 s5, $0x11  }
0xb0: {  	s6 =	sor.u32 @p0 s7, s6  }
0xb1: {  	[sflag:s6] =	ssyncadd.remote.s32 @p0 $0x1;
	_ =	sdelay $0x1  }
0xb2: {  	s6 =	simm.s32 @p0 $0x1B8D  }
0xb3: {  	_ =	swait.eq @p0 [sflag:s6], $0x1  }
0xb4: {  	[sflag:s6] =	ssyncadd.s32 @p0 $0xFFFFFFFF  }
0xb5: {  	s7 =	sshll.u32 @!p0 s1, $0xE  }
0xb6: {  	s7 =	sor.u32 @!p0 $0x4000, s7;
	s6 =	simm.s32 @!p0 $0x1B8D  }
0xb7: {  	s5 =	sshll.u32 @!p0 s5, $0x11;
	s7 =	sadd.s32 @!p0 $0x11B8D, s7;
	_ =	swait.eq @!p0 [sflag:s6], $0x1  }
0xb8: {  	s5 =	sor.u32 @!p0 s5, s7;
	[sflag:s6] =	ssyncadd.s32 @!p0 $0xFFFFFFFF  }
0xb9: {  	s25 =	simm.s32 $0x1B8E;
	s24 =	sld [smem:$0x3FFE];
	[sflag:s5] =	ssyncadd.remote.s32 @!p0 $0x1  }
0xba: {  	s26 =	simm.s32 $execute0_lowered;
	[smem:$0x3FD2] =	sst s25  }
0xbb: {  	s6 =	sshll.u32 s26, $0x1;
	_ =	strace $0x80000052;
	[dreg:$0x1] =	wrdreg $0xFFFFFFFF  }
0xbc: {  	s28 =	simm.s32 $_size_execute0_lowered;
	s4 =	sadd.s32 s4, s6;
	[dreg:$0x0] =	wrdreg $0x0  }
0xbd: {  	s6 =	sshll.u32 s28, $0x1;
	[dreg:$0x2] =	wrdreg s4  }
0xbe: {  	[dreg:$0x3] =	wrdreg s6  }
0xbf: {  	[dreg:$0x4] =	wrdreg $0xC0  }
0xc0: {  	_ =	task [dreg:s22], $0x5FFFF  }
0xc1: {  	[dreg:$0x1] =	wrdreg $0xFFFFFFFF  }
0xc2: {  	[dreg:$0x0] =	wrdreg $0x60  }
0xc3: {  	[dreg:$0x2] =	wrdreg s24  }
0xc4: {  	[dreg:$0x3] =	wrdreg s17  }
0xc5: {  	[dreg:$0x4] =	wrdreg $0x14500  }
0xc6: {  	[dreg:$0x5] =	wrdreg $0xB  }
0xc7: {  	_ =	task.clear_ibuf [dreg:s22], $0x6FFFF;
	_ =	strace $0x90000052  }
0xc8: {  	s29 =	simm.s32 $0xB;
	_ =	strace $0x80000054  }
0xc9: {  	_ =	swait.ge [sflag:s29], $0x1  }
0xca: {  	[sflag:s29] =	ssyncadd.s32 $0xFFFFFFFF  }
0xcb: {  	_ =	strace $0x90000054  }
0xcc: {  	_ =	sfence  }
0xcd: {  	s30 =	sld [smem:$0x0];
	_ =	sdelay $0x2  }
0xce: {  	s31 =	sshll.u32 s1, $0xD;
	s1 =	sshrl.u32 s1, $0x2  }
0xcf: {  	s4 =	sand.u32 $0x4000, s31;
	s1 =	sadd.s32 s1, s30  }
0xd0: {  	s0 =	sor.u32 s4, s0;
	s1 =	sshll.u32 s1, $0x11  }
0xd1: {  	s0 =	sor.u32 s1, s0  }
0xd2: {  	s0 =	sadd.s32 $0x8F2B, s0  }
0xd3: {  	[sflag:s0] =	ssyncadd.remote.s32 $0x1  }
0xd4: {  	_ =	sfence.sel $0xFFFF  }
0xd5: {  	[dreg:$0x0] =	wrdreg $0xFFFFFFFF;
	(pc) =	sbr.abs _section_cstart, $3  }
0xd6: {  	[dreg:$0x1] =	wrdreg $0xFFFFFFFF  }
0xd7: {  	_ =	task.clear_ibuf [dreg:s22], $0x2FFFF;
	_ =	strace $0x9FFFFFFF  }
0xd8: {  	(tm) =	ssettm $0x7FFFFFFF  }
0xd9: {  	_ =	shalt  }
tec
execute0_lowered:
.L_overlay_start_1:
0x0: {  	(tag) =	ssettag $0x1  }
0x1: {  	s0 =	stileid.u32  }
0x2: {  	s5 =	rddreg [dreg:$0x0];
	s7 =	smul.u32 $0x9C40, s0  }
0x3: {  	s2 =	rddreg [dreg:$0x1];
	s9 =	smul.u32 $0x4E200, s0  }
0x4: {  	s1 =	srdreg.scid;
	s29 =	smul.u32 $0x7A200, s0  }
0x5: {  	s3 =	rddreg [dreg:$0x2];
	s4 =	simm.s32 $0x0;
	s12 =	smul.u32 $0x7A1, s0  }
0x6: {  	s6 =	sand.u32 $0x1, s1;
	s1 =	rddreg [dreg:$0x3];
	s14 =	smul.u32 $0x7A100, s0  }
0x7: {  	[smem:$0x7FF] =	sst s4;
	s8 =	smul.u32 $0x4E20, s6  }
0x8: {  	s15 =	sshll.u32 s0, $0x6;
	_ =	strace $0x80000053;
	s10 =	smul.u32 $0x53EB0, s6  }
0x9: {  	s30 =	ssub.s32 $0x2, s6;
	s16 =	smul.u32 $0x27100, s6;
	s6 =	sor.u32 $0x1C01, s15  }
0xa: {  	s15 =	simm.s32 $0x0;
	s9 =	sadd.s32 s9, s5;
	s13 =	sshrl.u32 s30, $0x1  }
0xb: {  	s31 =	sshrl.u32 s14, $0x2;
	s7 =	sadd.s32 s8, s7;
	s8 =	sshrl.u32 s29, $0x2  }
0xc: {  	s13 =	ssub.s32 s30, s13;
	s9 =	sadd.s32 s16, s9;
	s14 =	sadd.s32 s31, s3  }
0xd: {  	s7 =	sshrl.u32 s7, $0x3;
	s17 =	sadd.s32 s8, s3;
	s8 =	smax.u32 s13, $0x1  }
0xe: {  	s9 =	sadd.s32 $0xFE9600, s9;
	s13 =	simm.s32 $0x50;
	s14 =	sshrl.u32 s14, $0x3  }
0xf: {  	s11 =	sadd.s32 s7, s5;
	s5 =	sadd.s32 $0xB000, s5;
	s7 =	sadd.s32 s10, s12  }
0x10: {  	s12 =	simm.s32 $0x1;
	s10 =	sadd.s32 $0x1E800, s11;
	s11 =	sshrl.u32 s17, $0x3  }
.LBB2_1:
0x11: {  	s16 =	simm.s32 $0x0  }
.LBB2_2:
0x12: {  	[spmem:s11], [sflag:s6] =	dma.local [hbm:s5], $0x3D10  }
0x13: {  	_ =	swait.ge [sflag:s12], $0x3D10  }
0x14: {  	[sflag:s12] =	ssyncset.done $0x0  }
0x15: {  	[sflag:s12] =	ssyncadd.s32 $0xFFFFC2F0  }
0x16: {  	s17 =	sadd.s32 $0x0, s10;
	[bflag:$0x0] =	sbarrier.arrive $0xFFFF  }
0x17: {  	[tilespmem:s4], [sflag:$0x1] =	stream.linear.gather [hbm4b:s17+s4], $0x50, $0x38;
	[tilespmem:$0x1FCD0] =	vst v63  }
0x18: {  	_ =	swait.ge [sflag:s12], $0x50  }
0x19: {  	[sflag:s12] =	ssyncset.done $0x0  }
0x1a: {  	[sflag:s12] =	ssyncadd.s32 $0xFFFFFFB0  }
0x1b: {  	v1 =	vld [tilespmem:$0x40]  }
0x1c: {  	v2 =	vld [tilespmem:$0x30]  }
0x1d: {  	s17 =	smul.u32 $0x7A10, s16;
	v3 =	vld [tilespmem:$0x20]  }
0x1e: {  	v4 =	vld [tilespmem:$0x10]  }
0x1f: {  	v0 =	vmov s17;
	v5 =	vld [tilespmem:$0x0]  }
0x20: {  	v1 =	vsub.s32 v1, v0  }
0x21: {  	v2 =	vsub.s32 v2, v0;
	v1 =	vmin.u32 v1, $0x7A10  }
0x22: {  	v3 =	vsub.s32 v3, v0;
	v2 =	vmin.u32 v2, $0x7A10;
	[tilespmem:$0x40] =	vst v1  }
0x23: {  	v3 =	vmin.u32 v3, $0x7A10;
	v1 =	vsub.s32 v4, v0;
	[tilespmem:$0x30] =	vst v2  }
0x24: {  	v2 =	vsub.s32 v5, v0;
	[tilespmem:$0x20] =	vst v3;
	v1 =	vmin.u32 v1, $0x7A10  }
0x25: {  	v2 =	vmin.u32 v2, $0x7A10;
	[tilespmem:$0x10] =	vst v1  }
0x26: {  	[tilespmem:$0x0] =	vst v2  }
0x27: {  	[tilespmem:s13], [sflag:$0x1] =	stream.linear.gather [hbm4b:s9+s4], $0x1400, $0x38;
	[tilespmem:$0x1FCD0] =	vst v63  }
0x28: {  	_ =	swait.ge [sflag:s12], $0x1400  }
0x29: {  	s18 =	simm.s32 $0xA;
	s19 =	smov.u32 s9;
	[sflag:s12] =	ssyncset.done $0x0  }
.LBB2_3:
0x2a: {  	p0 =	sne.s32 s18, $0x9BA;
	[sflag:s12] =	ssyncadd.s32 $0xFFFFEC00;
	s19 =	sadd.s32 $0x280, s19  }
0x2b: {  	[spmem:s3] =	stream.indirect.scatter.add.f32 [tilespmem:s13], [sflag:$0x1], $0x40, s4, s13, $0xb8;
	[tilespmem:$0x1FCD0] =	vst v63  }
0x2c: {  	s20 =	smov.u32 s18;
	s18 =	sadd.s32 $0xA, s18;
	_ =	swait.ge [sflag:s12], $0x1400  }
0x2d: {  	[sflag:s12] =	ssyncset.done $0x0  }
0x2e: {  	s20 =	sadd.s32 s20, s10;
	[sflag:s12] =	ssyncadd.s32 $0xFFFFEC00  }
0x2f: {  	[tilespmem:s4], [sflag:$0x1] =	stream.linear.gather [hbm4b:s20+s4], $0x50, $0x38;
	[tilespmem:$0x1FCD0] =	vst v63  }
0x30: {  	_ =	swait.ge [sflag:s12], $0x50  }
0x31: {  	[sflag:s12] =	ssyncset.done $0x0  }
0x32: {  	[sflag:s12] =	ssyncadd.s32 $0xFFFFFFB0  }
0x33: {  	v1 =	vld [tilespmem:$0x40]  }
0x34: {  	v2 =	vld [tilespmem:$0x30]  }
0x35: {  	v3 =	vld [tilespmem:$0x20]  }
0x36: {  	v4 =	vld [tilespmem:$0x10]  }
0x37: {  	v5 =	vld [tilespmem:$0x0]  }
0x38: {  	v1 =	vsub.s32 v1, v0  }
0x39: {  	v2 =	vsub.s32 v2, v0;
	v1 =	vmin.u32 v1, $0x7A10  }
0x3a: {  	v3 =	vsub.s32 v3, v0;
	v2 =	vmin.u32 v2, $0x7A10;
	[tilespmem:$0x40] =	vst v1  }
0x3b: {  	v1 =	vsub.s32 v4, v0;
	v3 =	vmin.u32 v3, $0x7A10;
	[tilespmem:$0x30] =	vst v2  }
0x3c: {  	v2 =	vsub.s32 v5, v0;
	v1 =	vmin.u32 v1, $0x7A10;
	[tilespmem:$0x20] =	vst v3  }
.Ltmp0:
0x3d: {  	v2 =	vmin.u32 v2, $0x7A10;
	[tilespmem:$0x10] =	vst v1;
	(pc) =	sbr.rel @p0 .LBB2_3-.Ltmp0, $4  }
0x3e: {  	[tilespmem:$0x0] =	vst v2  }
0x3f: {  	[tilespmem:s13], [sflag:$0x1] =	stream.linear.gather [hbm4b:s19+s4], $0x1400, $0x38;
	[tilespmem:$0x1FCD0] =	vst v63  }
0x40: {  	_ =	swait.ge [sflag:s12], $0x1400  }
0x41: {  	[sflag:s12] =	ssyncset.done $0x0  }
0x42: {  	[sflag:s12] =	ssyncadd.s32 $0xFFFFEC00  }
0x43: {  	[spmem:s3] =	stream.indirect.scatter.add.f32 [tilespmem:s13], [sflag:$0x1], $0x40, s4, s13, $0xb8;
	[tilespmem:$0x1FCD0] =	vst v63  }
0x44: {  	_ =	swait.ge [sflag:s12], $0x1400  }
0x45: {  	s17 =	sadd.s32 s17, s7;
	[sflag:s12] =	ssyncset.done $0x0  }
0x46: {  	s16 =	sadd.s32 $0x1, s16;
	s17 =	sshll.u32 s17, $0x3;
	[sflag:s12] =	ssyncadd.s32 $0xFFFFEC00  }
0x47: {  	p0 =	sne.s32 s16, $0xB;
	s17 =	sadd.s32 s2, s17;
	[bflag:$0x0] =	sbarrier.arrive $0xFFFF  }
0x48: {  	[hbm:s17], [sflag:s6] =	dma.local [spmem:s14], $0x3D08  }
.Ltmp1:
0x49: {  	_ =	swait.ge [sflag:s12], $0x3D08;
	(pc) =	sbr.rel @p0 .LBB2_2-.Ltmp1, $3  }
0x4a: {  	[sflag:s12] =	ssyncset.done $0x0  }
0x4b: {  	[sflag:s12] =	ssyncadd.s32 $0xFFFFC2F8  }
0x4c: {  	[bflag:$0x0] =	sbarrier.arrive $0xFFFF;
	_ =	sdelay $0x1  }
0x4d: {  	s15 =	sadd.s32 $0x1, s15  }
0x4e: {  	p0 =	sne.s32 s15, s8  }
.Ltmp2:
0x4f: {  	_ = 	snop;
	(pc) =	sbr.rel @p0 .LBB2_1-.Ltmp2, $1  }
0x50: {  	_ =	sdelay $0x3  }
0x51: {  	_ =	sfence.sel $0x180000  }
0x52: {  	[bflag:$0x0] =	sbarrier.arrive $0xFFFF  }
0x53: {  	p0 =	sne.s32 s0, $0x0;
	_ =	strace $0x90000053  }
0x54: {  	s0 =	sadd.s32 @!p0 $0x100000, s1;
	[bflag:$0x2] =	sbarrier.arrive $0xFFFF  }
0x55: {  	[sflag:s0] =	ssyncadd.tile.s32 @!p0 $0x1;
	_ =	shalt  }
.Lfunc_end2:
_tile_overlayer_lowered:
.L_overlay_start_2:
0x56: {  	(tag) =	ssettag $0x2  }
0x57: {  	s0 =	rddreg [dreg:$0x0];
	s2 =	stileid.u32  }
0x58: {  	s1 =	rddreg [dreg:$0x1];
	p0 =	sne.s32 s2, $0x0  }
0x59: {  	s3 =	rddreg [dreg:$0x2];
	[bflag:$0x3] =	sbarrier.arrive $0xFFFF;
	s2 =	simm.s32 @!p0 $0x1C01  }
0x5a: {  	[timem:s3], [sflag:s2] =	dma.local @!p0 [hbm:s0], s1  }
0x5b: {  	s0 =	simm.s32 @!p0 $0x1  }
0x5c: {  	_ =	swait.ge @!p0 [sflag:s0], s1  }
0x5d: {  	s1 =	ssub.s32 @!p0 $0x0, s1;
	[sflag:s0] =	ssyncset.done @!p0 $0x0  }
0x5e: {  	[sflag:s0] =	ssyncadd.s32 @!p0 s1  }
0x5f: {  	[bflag:$0x3] =	sbarrier.arrive $0xFFFF  }
0x60: {  	_ =	shalt  }

// kernel: kernel.37.cloned.1.call-start
scs
__scs_entry_jumppad:
0x0: {  	(pc) =	sbr.rel $0x88, $3  }
0x1: {  	(tag) =	ssettag $0x0;
	lr =	simm.s32 $0x1  }
0x2: {  	[smem:$0x3F66] =	sst lr;
	_ =	strace $0xD0000000  }
0x3: {  	_ = 	snop  }
0x4: {  	_ = 	snop  }
0x5: {  	_ = 	snop  }
0x6: {  	_ = 	snop  }
0x7: {  	_ = 	snop  }
__scs_overlays_trampoline_lowered:
0x8: {  	[smem:$0x3F75] =	sst s0  }
0x9: {  	[smem:$0x3F76] =	sst s1  }
0xa: {  	[smem:$0x3F77] =	sst s2  }
0xb: {  	[smem:$0x3F78] =	sst s3  }
0xc: {  	[smem:$0x3F79] =	sst s4  }
0xd: {  	[smem:$0x3F7A] =	sst s5  }
0xe: {  	[smem:$0x3F7B] =	sst s6  }
0xf: {  	[smem:$0x3F7C] =	sst s7  }
0x10: {  	[smem:$0x3F7D] =	sst s8  }
0x11: {  	[smem:$0x3F7E] =	sst s9;
	s0 =	simm.s32 @!p0 $0x0  }
0x12: {  	s1 =	sld [smem:$0x3F64];
	s0 =	simm.s32 @p0 $0x1  }
0x13: {  	[smem:$0x3F7F] =	sst s0;
	s0 =	simm.s32 @!p1 $0x0  }
0x14: {  	s2 =	sld [smem:$0x3F63];
	s0 =	simm.s32 @p1 $0x1  }
0x15: {  	[smem:$0x3F80] =	sst s0;
	s0 =	simm.s32 @!p2 $0x0  }
0x16: {  	s3 =	sld [smem:$0x3FDB];
	s0 =	simm.s32 @p2 $0x1  }
0x17: {  	s4 =	simm.s32 $0x1BF5;
	[smem:$0x3F82] =	sst s0  }
0x18: {  	s0 =	sld [smem:$0x3F65];
	_ =	swait.ge [sflag:s4], $0x0  }
0x19: {  	s7 =	sld [smem:$0x3F66]  }
0x1a: {  	s8 =	sadd.s32 $0xFFFFE003, lr  }
0x1b: {  	s9 =	sadd.s32 $0xFFFFFEF7, lr;
	s5 =	simm.s32 $0xFFFFFFFF;
	p2 =	slt.u32 s8, $0xFFFFF086  }
0x1c: {  	p1 =	slt.u32 s9, $0xF7A;
	s5 =	simm.s32 @!p2 $0x0  }
0x1d: {  	s5 =	simm.s32 @p1 $0x1;
	p0 =	seq.s32 s7, s2  }
0x1e: {  	s7 =	smul.u32 @!p0 $0xF7A, s2;
	p2 =	seq.s32 @!p0 s5, $0x0  }
0x1f: {  	s9 =	smul.u32 $0xF7A, s1;
	s8 =	simm.s32 @!p0 $0x1BF5;
	p2 =	por !p2, p0  }
0x20: {  	[sflag:s8] =	ssyncset.s32 @!p0 $0xFFFFF086;
	s6 =	sadd.s32 @!p0 s3, s7;
	s7 =	simm.s32 @!p0 $0x108  }
0x21: {  	s3 =	sadd.s32 s3, s9;
	s6 =	sadd.s32 @!p0 $0x88, s6;
	s7 =	simm.s32 @p2 $0x1082  }
0x22: {  	[simem:s7], [sflag:s8] =	dma.local @!p0 [hbm:s6], $0xF7A  }
0x23: {  	s9 =	sor.u32 $0xD0000000, s2;
	s6 =	simm.s32 $0x108;
	_ =	swait.ge @!p0 [sflag:s8], $0x0  }
0x24: {  	s3 =	sadd.s32 $0x88, s3;
	s6 =	simm.s32 @!p1 $0x1082;
	[sflag:s4] =	ssyncset.s32 $0xFFFFF086  }
0x25: {  	[simem:s6], [sflag:s4] =	dma.local [hbm:s3], $0xF7A  }
0x26: {  	[smem:$0x3F66] =	sst s1;
	(tag) =	ssettag s2;
	_ =	strace s9  }
0x27: {  	s1 =	sld [smem:$0x3F76]  }
0x28: {  	s2 =	sld [smem:$0x3F77]  }
0x29: {  	s4 =	sld [smem:$0x3F79]  }
0x2a: {  	p0 =	seq.s32 s5, $0x0;
	s5 =	sld [smem:$0x3F7A]  }
0x2b: {  	s6 =	sld [smem:$0x3F7B]  }
0x2c: {  	s7 =	sld [smem:$0x3F7C]  }
0x2d: {  	s3 =	simm.s32 $0x108;
	s8 =	sld [smem:$0x3F7D]  }
0x2e: {  	s3 =	simm.s32 @!p0 $0x1082;
	s9 =	sld [smem:$0x3F7E]  }
0x2f: {  	lr =	sadd.s32 s0, s3;
	s0 =	sld [smem:$0x3F75]  }
0x30: {  	s3 =	sld [smem:$0x3F78]  }
0x31: {  	[smem:$0x3F81] =	sst s10  }
0x32: {  	s10 =	sld [smem:$0x3F7F];
	_ =	sdelay $0x3  }
0x33: {  	p0 =	seq.s32 s10, $0x1;
	s10 =	sld [smem:$0x3F81];
	_ =	sdelay $0x3  }
0x34: {  	[smem:$0x3F81] =	sst s10  }
0x35: {  	s10 =	sld [smem:$0x3F80];
	_ =	sdelay $0x3  }
0x36: {  	p1 =	seq.s32 s10, $0x1;
	s10 =	sld [smem:$0x3F81];
	_ =	sdelay $0x3  }
0x37: {  	[smem:$0x3F81] =	sst s10  }
0x38: {  	s10 =	sld [smem:$0x3F82]  }
0x39: {  	_ = 	snop;
	(pc) =	sbr.ind lr, $3  }
0x3a: {  	_ = 	snop  }
0x3b: {  	_ = 	snop  }
0x3c: {  	p2 =	seq.s32 s10, $0x1;
	s10 =	sld [smem:$0x3F81]  }
0x3d: {  	_ =	shalt  }
0x3e: {  	_ =	shalt  }
0x3f: {  	_ =	shalt  }
0x40: {  	_ =	shalt  }
0x41: {  	_ =	shalt  }
0x42: {  	_ =	shalt  }
0x43: {  	_ =	shalt  }
0x44: {  	_ =	shalt  }
0x45: {  	_ =	shalt  }
0x46: {  	_ =	shalt  }
0x47: {  	_ =	shalt  }
0x48: {  	_ =	shalt  }
0x49: {  	_ =	shalt  }
0x4a: {  	_ =	shalt  }
0x4b: {  	_ =	shalt  }
0x4c: {  	_ =	shalt  }
0x4d: {  	_ =	shalt  }
0x4e: {  	_ =	shalt  }
0x4f: {  	_ =	shalt  }
0x50: {  	_ =	shalt  }
0x51: {  	_ =	shalt  }
0x52: {  	_ =	shalt  }
0x53: {  	_ =	shalt  }
0x54: {  	_ =	shalt  }
0x55: {  	_ =	shalt  }
0x56: {  	_ =	shalt  }
0x57: {  	_ =	shalt  }
0x58: {  	_ =	shalt  }
0x59: {  	_ =	shalt  }
0x5a: {  	_ =	shalt  }
0x5b: {  	_ =	shalt  }
0x5c: {  	_ =	shalt  }
0x5d: {  	_ =	shalt  }
0x5e: {  	_ =	shalt  }
0x5f: {  	_ =	shalt  }
0x60: {  	_ =	shalt  }
0x61: {  	_ =	shalt  }
0x62: {  	_ =	shalt  }
0x63: {  	_ =	shalt  }
0x64: {  	_ =	shalt  }
0x65: {  	_ =	shalt  }
0x66: {  	_ =	shalt  }
0x67: {  	_ =	shalt  }
0x68: {  	_ =	shalt  }
0x69: {  	_ =	shalt  }
0x6a: {  	_ =	shalt  }
0x6b: {  	_ =	shalt  }
0x6c: {  	_ =	shalt  }
0x6d: {  	_ =	shalt  }
0x6e: {  	_ =	shalt  }
0x6f: {  	_ =	shalt  }
0x70: {  	_ =	shalt  }
0x71: {  	_ =	shalt  }
0x72: {  	_ =	shalt  }
0x73: {  	_ =	shalt  }
0x74: {  	_ =	shalt  }
0x75: {  	_ =	shalt  }
0x76: {  	_ =	shalt  }
0x77: {  	_ =	shalt  }
0x78: {  	_ =	shalt  }
0x79: {  	_ =	shalt  }
0x7a: {  	_ =	shalt  }
0x7b: {  	_ =	shalt  }
0x7c: {  	_ =	shalt  }
0x7d: {  	_ =	shalt  }
0x7e: {  	_ =	shalt  }
0x7f: {  	_ =	shalt  }
0x80: {  	_ =	shalt  }
0x81: {  	_ =	shalt  }
0x82: {  	_ =	shalt  }
0x83: {  	_ =	shalt  }
0x84: {  	_ =	shalt  }
0x85: {  	_ =	shalt  }
0x86: {  	_ =	shalt  }
0x87: {  	_ =	shalt  }
.Lfunc_end0:
.L_simem_size_0:
called_computation.3_lowered:
.L_overlay_start_0:
0x88: {  	s2 =	sld [smem:$0x3FD9]  }
0x89: {  	s3 =	sld [smem:$0x3FFE];
	_ =	sdelay $0x1  }
0x8a: {  	s1 =	srdreg.scid  }
0x8b: {  	s0 =	sand.u32 $0x1, s1  }
0x8c: {  	s17 =	sshll.u32 s0, $0xA;
	s2 =	sadd.s32 s3, s2  }
0x8d: {  	s2 =	sadd.s32 s2, s17  }
0x8e: {  	[smem:$0x3F8D] =	sst s2  }
0x8f: {  	_ = 	snop  }
0x90: {  	(tm) =	ssettm $0x1  }
0x91: {  	s18 =	sld [smem:$0x3FFB];
	_ =	sdelay $0x3  }
0x92: {  	_ =	strace s18  }
0x93: {  	s2 =	sld [smem:$0x3FFC];
	_ =	sdelay $0x3  }
0x94: {  	_ =	strace s2  }
0x95: {  	s2 =	sld [smem:$0x3FFD];
	_ =	sdelay $0x3  }
0x96: {  	_ =	strace s2  }
0x97: {  	_ =	strace $0x8FFFFFFF  }
0x98: {  	s19 =	sld [smem:$0x3FDB];
	_ =	sdelay $0x1  }
0x99: {  	s20 =	simm.s32 $_scs_section_size  }
0x9a: {  	s4 =	simm.s32 $_size__tile_overlayer_lowered;
	s5 =	simm.s32 $_tile_overlayer_lowered  }
0x9b: {  	s6 =	simm.s32 $0x1BFF;
	s21 =	sshll.u32 s5, $0x1;
	s3 =	sadd.s32 s20, s19  }
0x9c: {  	s22 =	simm.s32 $0x0;
	s4 =	sshll.u32 s4, $0x1;
	s5 =	sadd.s32 s21, s3  }
0x9d: {  	[timem:s22], [sflag:s6] =	dma.local [hbm:s5], s4  }
0x9e: {  	_ =	swait.ge [sflag:s6], s4  }
0x9f: {  	s4 =	ssub.s32 $0x0, s4;
	[sflag:s6] =	ssyncset.done $0x0  }
0xa0: {  	[sflag:s6] =	ssyncadd.s32 s4;
	_ =	sdelay $0x1  }
0xa1: {  	s23 =	simm.s32 $0x1B8B  }
0xa2: {  	_ =	swait.ge [sflag:s23], $0x1  }
0xa3: {  	[sflag:s23] =	ssyncset.done $0x0  }
0xa4: {  	[sflag:s23] =	ssyncadd.s32 $0xFFFFFFFF  }
0xa5: {  	s4 =	sld [smem:$0x0]  }
0xa6: {  	s5 =	sand.u32 $0xFFFFFFFE, s1  }
0xa7: {  	p0 =	sne.s32 s1, s5  }
0xa8: {  	s5 =	sshll.u32 @p0 s5, $0xE  }
0xa9: {  	s5 =	sadd.s32 @p0 $0x11B8D, s5;
	s6 =	sshll.u32 @p0 s4, $0x11  }
0xaa: {  	s5 =	sor.u32 @p0 s6, s5  }
0xab: {  	[sflag:s5] =	ssyncadd.remote.s32 @p0 $0x1;
	_ =	sdelay $0x1  }
0xac: {  	s5 =	simm.s32 @p0 $0x1B8D  }
0xad: {  	_ =	swait.eq @p0 [sflag:s5], $0x1  }
0xae: {  	[sflag:s5] =	ssyncadd.s32 @p0 $0xFFFFFFFF  }
0xaf: {  	s6 =	sshll.u32 @!p0 s1, $0xE  }
0xb0: {  	s6 =	sor.u32 @!p0 $0x4000, s6;
	s5 =	simm.s32 @!p0 $0x1B8D  }
0xb1: {  	s4 =	sshll.u32 @!p0 s4, $0x11;
	s6 =	sadd.s32 @!p0 $0x11B8D, s6;
	_ =	swait.eq @!p0 [sflag:s5], $0x1  }
0xb2: {  	s4 =	sor.u32 @!p0 s4, s6;
	[sflag:s5] =	ssyncadd.s32 @!p0 $0xFFFFFFFF  }
0xb3: {  	s25 =	simm.s32 $0x1B8E;
	s24 =	sld [smem:$0x3FFE];
	[sflag:s4] =	ssyncadd.remote.s32 @!p0 $0x1  }
0xb4: {  	s26 =	simm.s32 $execute0_lowered;
	[smem:$0x3FD2] =	sst s25  }
0xb5: {  	s5 =	sshll.u32 s26, $0x1;
	_ =	strace $0x8000004F;
	[dreg:$0x1] =	wrdreg $0xFFFFFFFF  }
0xb6: {  	s28 =	simm.s32 $_size_execute0_lowered;
	s3 =	sadd.s32 s3, s5;
	[dreg:$0x0] =	wrdreg $0x0  }
0xb7: {  	s5 =	sshll.u32 s28, $0x1;
	[dreg:$0x2] =	wrdreg s3  }
0xb8: {  	[dreg:$0x3] =	wrdreg s5  }
0xb9: {  	[dreg:$0x4] =	wrdreg $0xC0  }
0xba: {  	_ =	task [dreg:s22], $0x5FFFF  }
0xbb: {  	[dreg:$0x1] =	wrdreg $0xFFFFFFFF  }
0xbc: {  	[dreg:$0x0] =	wrdreg $0x60  }
0xbd: {  	[dreg:$0x2] =	wrdreg s24  }
0xbe: {  	[dreg:$0x3] =	wrdreg $0x9  }
0xbf: {  	_ =	task.clear_ibuf [dreg:s22], $0x4FFFF;
	_ =	strace $0x9000004F  }
0xc0: {  	s29 =	simm.s32 $0x9;
	_ =	strace $0x80000051  }
0xc1: {  	_ =	swait.ge [sflag:s29], $0x1  }
0xc2: {  	[sflag:s29] =	ssyncadd.s32 $0xFFFFFFFF  }
0xc3: {  	_ =	strace $0x90000051  }
0xc4: {  	_ =	sfence  }
0xc5: {  	s30 =	sld [smem:$0x0];
	_ =	sdelay $0x2  }
0xc6: {  	s31 =	sshll.u32 s1, $0xD;
	s1 =	sshrl.u32 s1, $0x2  }
0xc7: {  	s4 =	sand.u32 $0x4000, s31;
	s1 =	sadd.s32 s1, s30  }
0xc8: {  	s0 =	sor.u32 s4, s0;
	s1 =	sshll.u32 s1, $0x11  }
0xc9: {  	s0 =	sor.u32 s1, s0  }
0xca: {  	s0 =	sadd.s32 $0x8F2B, s0  }
0xcb: {  	[sflag:s0] =	ssyncadd.remote.s32 $0x1  }
0xcc: {  	_ =	sfence.sel $0xFFFF  }
0xcd: {  	[dreg:$0x0] =	wrdreg $0xFFFFFFFF;
	(pc) =	sbr.abs _section_cstart, $3  }
0xce: {  	[dreg:$0x1] =	wrdreg $0xFFFFFFFF  }
0xcf: {  	_ =	task.clear_ibuf [dreg:s22], $0x2FFFF;
	_ =	strace $0x9FFFFFFF  }
0xd0: {  	(tm) =	ssettm $0x7FFFFFFF  }
0xd1: {  	_ =	shalt  }
tec
execute0_lowered:
.L_overlay_start_1:
0x0: {  	(tag) =	ssettag $0x1  }
0x1: {  	s4 =	rddreg [dreg:$0x0]  }
0x2: {  	s0 =	rddreg [dreg:$0x1];
	s2 =	simm.s32 $0x0;
	s1 =	stileid.u32  }
0x3: {  	s3 =	srdreg.scid;
	s10 =	simm.s32 $0x0;
	s6 =	smul.u32 $0x4E20, s1  }
0x4: {  	[smem:$0x7FF] =	sst s2;
	s5 =	sand.u32 $0x1, s3;
	s8 =	smul.u32 $0x27100, s1  }
0x5: {  	s3 =	sadd.s32 $0x3F9400, s4;
	s7 =	smul.u32 $0x2710, s5;
	s9 =	ssub.s32 $0x2, s5  }
0x6: {  	_ =	strace $0x80000050;
	s5 =	smul.u32 $0x13880, s5;
	s31 =	sshrl.u32 s9, $0x1  }
0x7: {  	s8 =	sadd.s32 s8, s4;
	s6 =	sadd.s32 s7, s6;
	s7 =	ssub.s32 s9, s31  }
0x8: {  	s5 =	sadd.s32 s5, s8;
	s8 =	simm.s32 $0x50;
	s6 =	sshrl.u32 s6, $0x3  }
0x9: {  	s9 =	simm.s32 $0x1;
	s5 =	sadd.s32 $0xD78600, s5;
	s6 =	sadd.s32 s6, s4  }
0xa: {  	s4 =	smax.u32 s7, $0x1;
	s7 =	simm.s32 $0x2;
	s6 =	sadd.s32 $0x2AD000, s6  }
.LBB2_1:
0xb: {  	s11 =	sadd.s32 $0x0, s6  }
0xc: {  	[tilespmem:s2], [sflag:$0x2] =	stream.linear.gather [hbm4b:s11+s2], $0x50, $0x38;
	[tilespmem:$0x1450] =	vst v63  }
0xd: {  	_ =	swait.ge [sflag:s7], $0x50  }
0xe: {  	[sflag:s7] =	ssyncset.done $0x0  }
0xf: {  	[sflag:s7] =	ssyncadd.s32 $0xFFFFFFB0  }
0x10: {  	[tilespmem:s8], [sflag:$0x1] =	stream.indirect.gather [hbm4b:s3+s8], $0x40, s2, s8, $0xb8;
	[tilespmem:$0x1450] =	vst v63  }
0x11: {  	_ =	swait.ge [sflag:s9], $0x1400  }
0x12: {  	[sflag:s9] =	ssyncset.done $0x0  }
0x13: {  	[sflag:s9] =	ssyncadd.s32 $0xFFFFEC00  }
0x14: {  	[hbm4b:s5+s2] =	stream.linear.scatter [tilespmem:s8], [sflag:$0x2], $0x1400, $0x38;
	[tilespmem:$0x1450] =	vst v63  }
0x15: {  	s12 =	simm.s32 $0xA;
	_ =	swait.ge [sflag:s7], $0x1400  }
0x16: {  	s13 =	simm.s32 $0x14;
	s11 =	sadd.s32 $0x280, s5;
	[sflag:s7] =	ssyncset.done $0x0  }
.LBB2_2:
0x17: {  	s14 =	sadd.s32 s12, s6  }
0x18: {  	[sflag:s7] =	ssyncadd.s32 $0xFFFFEC00;
	s12 =	smov.u32 s13;
	s15 =	sadd.s32 $0xA, s13  }
0x19: {  	[tilespmem:s2], [sflag:$0x2] =	stream.linear.gather [hbm4b:s14+s2], $0x50, $0x38;
	[tilespmem:$0x1450] =	vst v63  }
0x1a: {  	p0 =	sne.s32 s13, $0x4D8;
	_ =	swait.ge [sflag:s7], $0x50  }
0x1b: {  	[sflag:s7] =	ssyncset.done $0x0  }
0x1c: {  	[sflag:s7] =	ssyncadd.s32 $0xFFFFFFB0  }
0x1d: {  	[tilespmem:s8], [sflag:$0x1] =	stream.indirect.gather [hbm4b:s3+s8], $0x40, s2, s8, $0xb8;
	[tilespmem:$0x1450] =	vst v63  }
0x1e: {  	_ =	swait.ge [sflag:s9], $0x1400  }
.Ltmp0:
0x1f: {  	[sflag:s9] =	ssyncset.done $0x0;
	(pc) =	sbr.rel @p0 .LBB2_2-.Ltmp0, $4  }
0x20: {  	[sflag:s9] =	ssyncadd.s32 $0xFFFFEC00  }
0x21: {  	[hbm4b:s11+s2] =	stream.linear.scatter [tilespmem:s8], [sflag:$0x2], $0x1400, $0x38;
	[tilespmem:$0x1450] =	vst v63  }
0x22: {  	_ =	swait.ge [sflag:s7], $0x1400  }
0x23: {  	s13 =	smov.u32 s15;
	s11 =	sadd.s32 $0x280, s11;
	[sflag:s7] =	ssyncset.done $0x0  }
0x24: {  	s12 =	sadd.s32 s12, s6;
	[sflag:s7] =	ssyncadd.s32 $0xFFFFEC00  }
0x25: {  	[tilespmem:s2], [sflag:$0x2] =	stream.linear.gather [hbm4b:s12+s2], $0x50, $0x38;
	[tilespmem:$0x1450] =	vst v63  }
0x26: {  	_ =	swait.ge [sflag:s7], $0x50  }
0x27: {  	[sflag:s7] =	ssyncset.done $0x0  }
0x28: {  	[sflag:s7] =	ssyncadd.s32 $0xFFFFFFB0  }
0x29: {  	[tilespmem:s8], [sflag:$0x1] =	stream.indirect.gather [hbm4b:s3+s8], $0x40, s2, s8, $0xb8;
	[tilespmem:$0x1450] =	vst v63  }
0x2a: {  	s10 =	sadd.s32 $0x1, s10;
	_ =	swait.ge [sflag:s9], $0x1400  }
0x2b: {  	p0 =	sne.s32 s10, s4;
	[sflag:s9] =	ssyncset.done $0x0  }
.Ltmp1:
0x2c: {  	[sflag:s9] =	ssyncadd.s32 $0xFFFFEC00;
	(pc) =	sbr.rel @p0 .LBB2_1-.Ltmp1, $4  }
0x2d: {  	[hbm4b:s11+s2] =	stream.linear.scatter [tilespmem:s8], [sflag:$0x2], $0x1400, $0x38;
	[tilespmem:$0x1450] =	vst v63  }
0x2e: {  	_ =	swait.ge [sflag:s7], $0x1400  }
0x2f: {  	[sflag:s7] =	ssyncset.done $0x0  }
0x30: {  	[sflag:s7] =	ssyncadd.s32 $0xFFFFEC00  }
0x31: {  	_ =	sfence.sel $0x180000  }
0x32: {  	[bflag:$0x0] =	sbarrier.arrive $0xFFFF  }
0x33: {  	p0 =	sne.s32 s1, $0x0;
	_ =	strace $0x90000050  }
0x34: {  	s0 =	sadd.s32 @!p0 $0x100000, s0;
	[bflag:$0x2] =	sbarrier.arrive $0xFFFF  }
0x35: {  	[sflag:s0] =	ssyncadd.tile.s32 @!p0 $0x1;
	_ =	shalt  }
.Lfunc_end2:
_tile_overlayer_lowered:
.L_overlay_start_2:
0x36: {  	(tag) =	ssettag $0x2  }
0x37: {  	s0 =	rddreg [dreg:$0x0];
	s2 =	stileid.u32  }
0x38: {  	s1 =	rddreg [dreg:$0x1];
	p0 =	sne.s32 s2, $0x0  }
0x39: {  	s3 =	rddreg [dreg:$0x2];
	[bflag:$0x3] =	sbarrier.arrive $0xFFFF;
	s2 =	simm.s32 @!p0 $0x1C02  }
0x3a: {  	[timem:s3], [sflag:s2] =	dma.local @!p0 [hbm:s0], s1  }
0x3b: {  	s0 =	simm.s32 @!p0 $0x2  }
0x3c: {  	_ =	swait.ge @!p0 [sflag:s0], s1  }
0x3d: {  	s1 =	ssub.s32 @!p0 $0x0, s1;
	[sflag:s0] =	ssyncset.done @!p0 $0x0  }
0x3e: {  	[sflag:s0] =	ssyncadd.s32 @!p0 s1  }
0x3f: {  	[bflag:$0x3] =	sbarrier.arrive $0xFFFF  }
0x40: {  	_ =	shalt  }

// kernel: kernel.40.cloned.1.call-start
scs
__scs_entry_jumppad:
0x0: {  	(pc) =	sbr.rel $0x88, $3  }
0x1: {  	(tag) =	ssettag $0x0;
	lr =	simm.s32 $0x1  }
0x2: {  	[smem:$0x3F66] =	sst lr;
	_ =	strace $0xD0000000  }
0x3: {  	_ = 	snop  }
0x4: {  	_ = 	snop  }
0x5: {  	_ = 	snop  }
0x6: {  	_ = 	snop  }
0x7: {  	_ = 	snop  }
__scs_overlays_trampoline_lowered:
0x8: {  	[smem:$0x3F75] =	sst s0  }
0x9: {  	[smem:$0x3F76] =	sst s1  }
0xa: {  	[smem:$0x3F77] =	sst s2  }
0xb: {  	[smem:$0x3F78] =	sst s3  }
0xc: {  	[smem:$0x3F79] =	sst s4  }
0xd: {  	[smem:$0x3F7A] =	sst s5  }
0xe: {  	[smem:$0x3F7B] =	sst s6  }
0xf: {  	[smem:$0x3F7C] =	sst s7  }
0x10: {  	[smem:$0x3F7D] =	sst s8  }
0x11: {  	[smem:$0x3F7E] =	sst s9;
	s0 =	simm.s32 @!p0 $0x0  }
0x12: {  	s1 =	sld [smem:$0x3F64];
	s0 =	simm.s32 @p0 $0x1  }
0x13: {  	[smem:$0x3F7F] =	sst s0;
	s0 =	simm.s32 @!p1 $0x0  }
0x14: {  	s2 =	sld [smem:$0x3F63];
	s0 =	simm.s32 @p1 $0x1  }
0x15: {  	[smem:$0x3F80] =	sst s0;
	s0 =	simm.s32 @!p2 $0x0  }
0x16: {  	s3 =	sld [smem:$0x3FDB];
	s0 =	simm.s32 @p2 $0x1  }
0x17: {  	s4 =	simm.s32 $0x1BF5;
	[smem:$0x3F82] =	sst s0  }
0x18: {  	s0 =	sld [smem:$0x3F65];
	_ =	swait.ge [sflag:s4], $0x0  }
0x19: {  	s7 =	sld [smem:$0x3F66]  }
0x1a: {  	s8 =	sadd.s32 $0xFFFFE003, lr  }
0x1b: {  	s9 =	sadd.s32 $0xFFFFFEF7, lr;
	s5 =	simm.s32 $0xFFFFFFFF;
	p2 =	slt.u32 s8, $0xFFFFF086  }
0x1c: {  	p1 =	slt.u32 s9, $0xF7A;
	s5 =	simm.s32 @!p2 $0x0  }
0x1d: {  	s5 =	simm.s32 @p1 $0x1;
	p0 =	seq.s32 s7, s2  }
0x1e: {  	s7 =	smul.u32 @!p0 $0xF7A, s2;
	p2 =	seq.s32 @!p0 s5, $0x0  }
0x1f: {  	s9 =	smul.u32 $0xF7A, s1;
	s8 =	simm.s32 @!p0 $0x1BF5;
	p2 =	por !p2, p0  }
0x20: {  	[sflag:s8] =	ssyncset.s32 @!p0 $0xFFFFF086;
	s6 =	sadd.s32 @!p0 s3, s7;
	s7 =	simm.s32 @!p0 $0x108  }
0x21: {  	s3 =	sadd.s32 s3, s9;
	s6 =	sadd.s32 @!p0 $0x88, s6;
	s7 =	simm.s32 @p2 $0x1082  }
0x22: {  	[simem:s7], [sflag:s8] =	dma.local @!p0 [hbm:s6], $0xF7A  }
0x23: {  	s9 =	sor.u32 $0xD0000000, s2;
	s6 =	simm.s32 $0x108;
	_ =	swait.ge @!p0 [sflag:s8], $0x0  }
0x24: {  	s3 =	sadd.s32 $0x88, s3;
	s6 =	simm.s32 @!p1 $0x1082;
	[sflag:s4] =	ssyncset.s32 $0xFFFFF086  }
0x25: {  	[simem:s6], [sflag:s4] =	dma.local [hbm:s3], $0xF7A  }
0x26: {  	[smem:$0x3F66] =	sst s1;
	(tag) =	ssettag s2;
	_ =	strace s9  }
0x27: {  	s1 =	sld [smem:$0x3F76]  }
0x28: {  	s2 =	sld [smem:$0x3F77]  }
0x29: {  	s4 =	sld [smem:$0x3F79]  }
0x2a: {  	p0 =	seq.s32 s5, $0x0;
	s5 =	sld [smem:$0x3F7A]  }
0x2b: {  	s6 =	sld [smem:$0x3F7B]  }
0x2c: {  	s7 =	sld [smem:$0x3F7C]  }
0x2d: {  	s3 =	simm.s32 $0x108;
	s8 =	sld [smem:$0x3F7D]  }
0x2e: {  	s3 =	simm.s32 @!p0 $0x1082;
	s9 =	sld [smem:$0x3F7E]  }
0x2f: {  	lr =	sadd.s32 s0, s3;
	s0 =	sld [smem:$0x3F75]  }
0x30: {  	s3 =	sld [smem:$0x3F78]  }
0x31: {  	[smem:$0x3F81] =	sst s10  }
0x32: {  	s10 =	sld [smem:$0x3F7F];
	_ =	sdelay $0x3  }
0x33: {  	p0 =	seq.s32 s10, $0x1;
	s10 =	sld [smem:$0x3F81];
	_ =	sdelay $0x3  }
0x34: {  	[smem:$0x3F81] =	sst s10  }
0x35: {  	s10 =	sld [smem:$0x3F80];
	_ =	sdelay $0x3  }
0x36: {  	p1 =	seq.s32 s10, $0x1;
	s10 =	sld [smem:$0x3F81];
	_ =	sdelay $0x3  }
0x37: {  	[smem:$0x3F81] =	sst s10  }
0x38: {  	s10 =	sld [smem:$0x3F82]  }
0x39: {  	_ = 	snop;
	(pc) =	sbr.ind lr, $3  }
0x3a: {  	_ = 	snop  }
0x3b: {  	_ = 	snop  }
0x3c: {  	p2 =	seq.s32 s10, $0x1;
	s10 =	sld [smem:$0x3F81]  }
0x3d: {  	_ =	shalt  }
0x3e: {  	_ =	shalt  }
0x3f: {  	_ =	shalt  }
0x40: {  	_ =	shalt  }
0x41: {  	_ =	shalt  }
0x42: {  	_ =	shalt  }
0x43: {  	_ =	shalt  }
0x44: {  	_ =	shalt  }
0x45: {  	_ =	shalt  }
0x46: {  	_ =	shalt  }
0x47: {  	_ =	shalt  }
0x48: {  	_ =	shalt  }
0x49: {  	_ =	shalt  }
0x4a: {  	_ =	shalt  }
0x4b: {  	_ =	shalt  }
0x4c: {  	_ =	shalt  }
0x4d: {  	_ =	shalt  }
0x4e: {  	_ =	shalt  }
0x4f: {  	_ =	shalt  }
0x50: {  	_ =	shalt  }
0x51: {  	_ =	shalt  }
0x52: {  	_ =	shalt  }
0x53: {  	_ =	shalt  }
0x54: {  	_ =	shalt  }
0x55: {  	_ =	shalt  }
0x56: {  	_ =	shalt  }
0x57: {  	_ =	shalt  }
0x58: {  	_ =	shalt  }
0x59: {  	_ =	shalt  }
0x5a: {  	_ =	shalt  }
0x5b: {  	_ =	shalt  }
0x5c: {  	_ =	shalt  }
0x5d: {  	_ =	shalt  }
0x5e: {  	_ =	shalt  }
0x5f: {  	_ =	shalt  }
0x60: {  	_ =	shalt  }
0x61: {  	_ =	shalt  }
0x62: {  	_ =	shalt  }
0x63: {  	_ =	shalt  }
0x64: {  	_ =	shalt  }
0x65: {  	_ =	shalt  }
0x66: {  	_ =	shalt  }
0x67: {  	_ =	shalt  }
0x68: {  	_ =	shalt  }
0x69: {  	_ =	shalt  }
0x6a: {  	_ =	shalt  }
0x6b: {  	_ =	shalt  }
0x6c: {  	_ =	shalt  }
0x6d: {  	_ =	shalt  }
0x6e: {  	_ =	shalt  }
0x6f: {  	_ =	shalt  }
0x70: {  	_ =	shalt  }
0x71: {  	_ =	shalt  }
0x72: {  	_ =	shalt  }
0x73: {  	_ =	shalt  }
0x74: {  	_ =	shalt  }
0x75: {  	_ =	shalt  }
0x76: {  	_ =	shalt  }
0x77: {  	_ =	shalt  }
0x78: {  	_ =	shalt  }
0x79: {  	_ =	shalt  }
0x7a: {  	_ =	shalt  }
0x7b: {  	_ =	shalt  }
0x7c: {  	_ =	shalt  }
0x7d: {  	_ =	shalt  }
0x7e: {  	_ =	shalt  }
0x7f: {  	_ =	shalt  }
0x80: {  	_ =	shalt  }
0x81: {  	_ =	shalt  }
0x82: {  	_ =	shalt  }
0x83: {  	_ =	shalt  }
0x84: {  	_ =	shalt  }
0x85: {  	_ =	shalt  }
0x86: {  	_ =	shalt  }
0x87: {  	_ =	shalt  }
.Lfunc_end0:
.L_simem_size_0:
called_computation.4_lowered:
.L_overlay_start_0:
0x88: {  	s2 =	sld [smem:$0x3FD9]  }
0x89: {  	s3 =	sld [smem:$0x3FFE];
	_ =	sdelay $0x1  }
0x8a: {  	s1 =	srdreg.scid  }
0x8b: {  	s0 =	sand.u32 $0x1, s1  }
0x8c: {  	s17 =	sshll.u32 s0, $0xA;
	s2 =	sadd.s32 s3, s2  }
0x8d: {  	s2 =	sadd.s32 s2, s17  }
0x8e: {  	[smem:$0x3F8D] =	sst s2  }
0x8f: {  	_ = 	snop  }
0x90: {  	(tm) =	ssettm $0x1  }
0x91: {  	s18 =	sld [smem:$0x3FFB];
	_ =	sdelay $0x3  }
0x92: {  	_ =	strace s18  }
0x93: {  	s2 =	sld [smem:$0x3FFC];
	_ =	sdelay $0x3  }
0x94: {  	_ =	strace s2  }
0x95: {  	s2 =	sld [smem:$0x3FFD];
	_ =	sdelay $0x3  }
0x96: {  	_ =	strace s2  }
0x97: {  	_ =	strace $0x8FFFFFFF  }
0x98: {  	s19 =	sld [smem:$0x3FDB];
	_ =	sdelay $0x1  }
0x99: {  	s20 =	simm.s32 $_scs_section_size  }
0x9a: {  	s4 =	simm.s32 $_size__tile_overlayer_lowered;
	s5 =	simm.s32 $_tile_overlayer_lowered  }
0x9b: {  	s6 =	simm.s32 $0x1BFF;
	s21 =	sshll.u32 s5, $0x1;
	s3 =	sadd.s32 s20, s19  }
0x9c: {  	s22 =	simm.s32 $0x0;
	s4 =	sshll.u32 s4, $0x1;
	s5 =	sadd.s32 s21, s3  }
0x9d: {  	[timem:s22], [sflag:s6] =	dma.local [hbm:s5], s4  }
0x9e: {  	_ =	swait.ge [sflag:s6], s4  }
0x9f: {  	s4 =	ssub.s32 $0x0, s4;
	[sflag:s6] =	ssyncset.done $0x0  }
0xa0: {  	[sflag:s6] =	ssyncadd.s32 s4;
	_ =	sdelay $0x1  }
0xa1: {  	s23 =	simm.s32 $0x1B8B  }
0xa2: {  	_ =	swait.ge [sflag:s23], $0x1  }
0xa3: {  	[sflag:s23] =	ssyncset.done $0x0  }
0xa4: {  	[sflag:s23] =	ssyncadd.s32 $0xFFFFFFFF  }
0xa5: {  	s4 =	sld [smem:$0x0]  }
0xa6: {  	s5 =	sand.u32 $0xFFFFFFFE, s1  }
0xa7: {  	p0 =	sne.s32 s1, s5  }
0xa8: {  	s5 =	sshll.u32 @p0 s5, $0xE  }
0xa9: {  	s5 =	sadd.s32 @p0 $0x11B8D, s5;
	s6 =	sshll.u32 @p0 s4, $0x11  }
0xaa: {  	s5 =	sor.u32 @p0 s6, s5  }
0xab: {  	[sflag:s5] =	ssyncadd.remote.s32 @p0 $0x1;
	_ =	sdelay $0x1  }
0xac: {  	s5 =	simm.s32 @p0 $0x1B8D  }
0xad: {  	_ =	swait.eq @p0 [sflag:s5], $0x1  }
0xae: {  	[sflag:s5] =	ssyncadd.s32 @p0 $0xFFFFFFFF  }
0xaf: {  	s6 =	sshll.u32 @!p0 s1, $0xE  }
0xb0: {  	s6 =	sor.u32 @!p0 $0x4000, s6;
	s5 =	simm.s32 @!p0 $0x1B8D  }
0xb1: {  	s4 =	sshll.u32 @!p0 s4, $0x11;
	s6 =	sadd.s32 @!p0 $0x11B8D, s6;
	_ =	swait.eq @!p0 [sflag:s5], $0x1  }
0xb2: {  	s4 =	sor.u32 @!p0 s4, s6;
	[sflag:s5] =	ssyncadd.s32 @!p0 $0xFFFFFFFF  }
0xb3: {  	s25 =	simm.s32 $0x1B8E;
	s24 =	sld [smem:$0x3FFE];
	[sflag:s4] =	ssyncadd.remote.s32 @!p0 $0x1  }
0xb4: {  	s26 =	simm.s32 $execute0_lowered;
	[smem:$0x3FD2] =	sst s25  }
0xb5: {  	s5 =	sshll.u32 s26, $0x1;
	_ =	strace $0x8000004C;
	[dreg:$0x1] =	wrdreg $0xFFFFFFFF  }
0xb6: {  	s28 =	simm.s32 $_size_execute0_lowered;
	s3 =	sadd.s32 s3, s5;
	[dreg:$0x0] =	wrdreg $0x0  }
0xb7: {  	s5 =	sshll.u32 s28, $0x1;
	[dreg:$0x2] =	wrdreg s3  }
0xb8: {  	[dreg:$0x3] =	wrdreg s5  }
0xb9: {  	[dreg:$0x4] =	wrdreg $0xC0  }
0xba: {  	_ =	task [dreg:s22], $0x5FFFF  }
0xbb: {  	[dreg:$0x1] =	wrdreg $0xFFFFFFFF  }
0xbc: {  	[dreg:$0x0] =	wrdreg $0x60  }
0xbd: {  	[dreg:$0x2] =	wrdreg s24  }
0xbe: {  	[dreg:$0x3] =	wrdreg $0xA  }
0xbf: {  	_ =	task.clear_ibuf [dreg:s22], $0x4FFFF;
	_ =	strace $0x9000004C  }
0xc0: {  	s29 =	simm.s32 $0xA;
	_ =	strace $0x8000004E  }
0xc1: {  	_ =	swait.ge [sflag:s29], $0x1  }
0xc2: {  	[sflag:s29] =	ssyncadd.s32 $0xFFFFFFFF  }
0xc3: {  	_ =	strace $0x9000004E  }
0xc4: {  	_ =	sfence  }
0xc5: {  	s30 =	sld [smem:$0x0];
	_ =	sdelay $0x2  }
0xc6: {  	s31 =	sshll.u32 s1, $0xD;
	s1 =	sshrl.u32 s1, $0x2  }
0xc7: {  	s4 =	sand.u32 $0x4000, s31;
	s1 =	sadd.s32 s1, s30  }
0xc8: {  	s0 =	sor.u32 s4, s0;
	s1 =	sshll.u32 s1, $0x11  }
0xc9: {  	s0 =	sor.u32 s1, s0  }
0xca: {  	s0 =	sadd.s32 $0x8F2B, s0  }
0xcb: {  	[sflag:s0] =	ssyncadd.remote.s32 $0x1  }
0xcc: {  	_ =	sfence.sel $0xFFFF  }
0xcd: {  	[dreg:$0x0] =	wrdreg $0xFFFFFFFF;
	(pc) =	sbr.abs _section_cstart, $3  }
0xce: {  	[dreg:$0x1] =	wrdreg $0xFFFFFFFF  }
0xcf: {  	_ =	task.clear_ibuf [dreg:s22], $0x2FFFF;
	_ =	strace $0x9FFFFFFF  }
0xd0: {  	(tm) =	ssettm $0x7FFFFFFF  }
0xd1: {  	_ =	shalt  }
tec
execute0_lowered:
.L_overlay_start_1:
0x0: {  	(tag) =	ssettag $0x1  }
0x1: {  	s4 =	rddreg [dreg:$0x0]  }
0x2: {  	s0 =	rddreg [dreg:$0x1];
	s2 =	simm.s32 $0x0;
	s1 =	stileid.u32  }
0x3: {  	s3 =	srdreg.scid;
	s10 =	simm.s32 $0x0;
	s6 =	smul.u32 $0x4E20, s1  }
0x4: {  	[smem:$0x7FF] =	sst s2;
	s5 =	sand.u32 $0x1, s3;
	s8 =	smul.u32 $0x13880, s1  }
0x5: {  	s3 =	sadd.s32 $0x2A3200, s4;
	s7 =	smul.u32 $0x2710, s5;
	s9 =	ssub.s32 $0x2, s5  }
0x6: {  	_ =	strace $0x8000004D;
	s5 =	smul.u32 $0x9C40, s5;
	s31 =	sshrl.u32 s9, $0x1  }
0x7: {  	s8 =	sadd.s32 s8, s4;
	s6 =	sadd.s32 s7, s6;
	s7 =	ssub.s32 s9, s31  }
0x8: {  	s5 =	sadd.s32 s5, s8;
	s8 =	simm.s32 $0x50;
	s6 =	sshrl.u32 s6, $0x3  }
0x9: {  	s9 =	simm.s32 $0x1;
	s5 =	sadd.s32 $0x2C0C00, s5;
	s6 =	sadd.s32 s6, s4  }
0xa: {  	s4 =	smax.u32 s7, $0x1;
	s7 =	simm.s32 $0x2;
	s6 =	sadd.s32 $0x2B6E00, s6  }
.LBB2_1:
0xb: {  	s11 =	sadd.s32 $0x0, s6  }
0xc: {  	[tilespmem:s2], [sflag:$0x2] =	stream.linear.gather [hbm4b:s11+s2], $0x50, $0x38;
	[tilespmem:$0xA50] =	vst v63  }
0xd: {  	_ =	swait.ge [sflag:s7], $0x50  }
0xe: {  	[sflag:s7] =	ssyncset.done $0x0  }
0xf: {  	[sflag:s7] =	ssyncadd.s32 $0xFFFFFFB0  }
0x10: {  	[tilespmem:s8], [sflag:$0x1] =	stream.indirect.gather [hbm4b:s3+s8], $0x20, s2, s8, $0xb8;
	[tilespmem:$0xA50] =	vst v63  }
0x11: {  	_ =	swait.ge [sflag:s9], $0xA00  }
0x12: {  	[sflag:s9] =	ssyncset.done $0x0  }
0x13: {  	[sflag:s9] =	ssyncadd.s32 $0xFFFFF600  }
0x14: {  	[hbm4b:s5+s2] =	stream.linear.scatter [tilespmem:s8], [sflag:$0x2], $0xA00, $0x38;
	[tilespmem:$0xA50] =	vst v63  }
0x15: {  	s12 =	simm.s32 $0xA;
	_ =	swait.ge [sflag:s7], $0xA00  }
0x16: {  	s13 =	simm.s32 $0x14;
	s11 =	sadd.s32 $0x140, s5;
	[sflag:s7] =	ssyncset.done $0x0  }
.LBB2_2:
0x17: {  	s14 =	sadd.s32 s12, s6  }
0x18: {  	[sflag:s7] =	ssyncadd.s32 $0xFFFFF600;
	s12 =	smov.u32 s13;
	s15 =	sadd.s32 $0xA, s13  }
0x19: {  	[tilespmem:s2], [sflag:$0x2] =	stream.linear.gather [hbm4b:s14+s2], $0x50, $0x38;
	[tilespmem:$0xA50] =	vst v63  }
0x1a: {  	p0 =	sne.s32 s13, $0x4D8;
	_ =	swait.ge [sflag:s7], $0x50  }
0x1b: {  	[sflag:s7] =	ssyncset.done $0x0  }
0x1c: {  	[sflag:s7] =	ssyncadd.s32 $0xFFFFFFB0  }
0x1d: {  	[tilespmem:s8], [sflag:$0x1] =	stream.indirect.gather [hbm4b:s3+s8], $0x20, s2, s8, $0xb8;
	[tilespmem:$0xA50] =	vst v63  }
0x1e: {  	_ =	swait.ge [sflag:s9], $0xA00  }
.Ltmp0:
0x1f: {  	[sflag:s9] =	ssyncset.done $0x0;
	(pc) =	sbr.rel @p0 .LBB2_2-.Ltmp0, $4  }
0x20: {  	[sflag:s9] =	ssyncadd.s32 $0xFFFFF600  }
0x21: {  	[hbm4b:s11+s2] =	stream.linear.scatter [tilespmem:s8], [sflag:$0x2], $0xA00, $0x38;
	[tilespmem:$0xA50] =	vst v63  }
0x22: {  	_ =	swait.ge [sflag:s7], $0xA00  }
0x23: {  	s13 =	smov.u32 s15;
	s11 =	sadd.s32 $0x140, s11;
	[sflag:s7] =	ssyncset.done $0x0  }
0x24: {  	s12 =	sadd.s32 s12, s6;
	[sflag:s7] =	ssyncadd.s32 $0xFFFFF600  }
0x25: {  	[tilespmem:s2], [sflag:$0x2] =	stream.linear.gather [hbm4b:s12+s2], $0x50, $0x38;
	[tilespmem:$0xA50] =	vst v63  }
0x26: {  	_ =	swait.ge [sflag:s7], $0x50  }
0x27: {  	[sflag:s7] =	ssyncset.done $0x0  }
0x28: {  	[sflag:s7] =	ssyncadd.s32 $0xFFFFFFB0  }
0x29: {  	[tilespmem:s8], [sflag:$0x1] =	stream.indirect.gather [hbm4b:s3+s8], $0x20, s2, s8, $0xb8;
	[tilespmem:$0xA50] =	vst v63  }
0x2a: {  	s10 =	sadd.s32 $0x1, s10;
	_ =	swait.ge [sflag:s9], $0xA00  }
0x2b: {  	p0 =	sne.s32 s10, s4;
	[sflag:s9] =	ssyncset.done $0x0  }
.Ltmp1:
0x2c: {  	[sflag:s9] =	ssyncadd.s32 $0xFFFFF600;
	(pc) =	sbr.rel @p0 .LBB2_1-.Ltmp1, $4  }
0x2d: {  	[hbm4b:s11+s2] =	stream.linear.scatter [tilespmem:s8], [sflag:$0x2], $0xA00, $0x38;
	[tilespmem:$0xA50] =	vst v63  }
0x2e: {  	_ =	swait.ge [sflag:s7], $0xA00  }
0x2f: {  	[sflag:s7] =	ssyncset.done $0x0  }
0x30: {  	[sflag:s7] =	ssyncadd.s32 $0xFFFFF600  }
0x31: {  	_ =	sfence.sel $0x180000  }
0x32: {  	[bflag:$0x0] =	sbarrier.arrive $0xFFFF  }
0x33: {  	p0 =	sne.s32 s1, $0x0;
	_ =	strace $0x9000004D  }
0x34: {  	s0 =	sadd.s32 @!p0 $0x100000, s0;
	[bflag:$0x2] =	sbarrier.arrive $0xFFFF  }
0x35: {  	[sflag:s0] =	ssyncadd.tile.s32 @!p0 $0x1;
	_ =	shalt  }
.Lfunc_end2:
_tile_overlayer_lowered:
.L_overlay_start_2:
0x36: {  	(tag) =	ssettag $0x2  }
0x37: {  	s0 =	rddreg [dreg:$0x0];
	s2 =	stileid.u32  }
0x38: {  	s1 =	rddreg [dreg:$0x1];
	p0 =	sne.s32 s2, $0x0  }
0x39: {  	s3 =	rddreg [dreg:$0x2];
	[bflag:$0x3] =	sbarrier.arrive $0xFFFF;
	s2 =	simm.s32 @!p0 $0x1C02  }
0x3a: {  	[timem:s3], [sflag:s2] =	dma.local @!p0 [hbm:s0], s1  }
0x3b: {  	s0 =	simm.s32 @!p0 $0x2  }
0x3c: {  	_ =	swait.ge @!p0 [sflag:s0], s1  }
0x3d: {  	s1 =	ssub.s32 @!p0 $0x0, s1;
	[sflag:s0] =	ssyncset.done @!p0 $0x0  }
0x3e: {  	[sflag:s0] =	ssyncadd.s32 @!p0 s1  }
0x3f: {  	[bflag:$0x3] =	sbarrier.arrive $0xFFFF  }
0x40: {  	_ =	shalt  }

// kernel: kernel.43.cloned.1.call-start
scs
__scs_entry_jumppad:
0x0: {  	(pc) =	sbr.rel $0x88, $3  }
0x1: {  	(tag) =	ssettag $0x0;
	lr =	simm.s32 $0x1  }
0x2: {  	[smem:$0x3F66] =	sst lr;
	_ =	strace $0xD0000000  }
0x3: {  	_ = 	snop  }
0x4: {  	_ = 	snop  }
0x5: {  	_ = 	snop  }
0x6: {  	_ = 	snop  }
0x7: {  	_ = 	snop  }
__scs_overlays_trampoline_lowered:
0x8: {  	[smem:$0x3F75] =	sst s0  }
0x9: {  	[smem:$0x3F76] =	sst s1  }
0xa: {  	[smem:$0x3F77] =	sst s2  }
0xb: {  	[smem:$0x3F78] =	sst s3  }
0xc: {  	[smem:$0x3F79] =	sst s4  }
0xd: {  	[smem:$0x3F7A] =	sst s5  }
0xe: {  	[smem:$0x3F7B] =	sst s6  }
0xf: {  	[smem:$0x3F7C] =	sst s7  }
0x10: {  	[smem:$0x3F7D] =	sst s8  }
0x11: {  	[smem:$0x3F7E] =	sst s9;
	s0 =	simm.s32 @!p0 $0x0  }
0x12: {  	s1 =	sld [smem:$0x3F64];
	s0 =	simm.s32 @p0 $0x1  }
0x13: {  	[smem:$0x3F7F] =	sst s0;
	s0 =	simm.s32 @!p1 $0x0  }
0x14: {  	s2 =	sld [smem:$0x3F63];
	s0 =	simm.s32 @p1 $0x1  }
0x15: {  	[smem:$0x3F80] =	sst s0;
	s0 =	simm.s32 @!p2 $0x0  }
0x16: {  	s3 =	sld [smem:$0x3FDB];
	s0 =	simm.s32 @p2 $0x1  }
0x17: {  	s4 =	simm.s32 $0x1BF5;
	[smem:$0x3F82] =	sst s0  }
0x18: {  	s0 =	sld [smem:$0x3F65];
	_ =	swait.ge [sflag:s4], $0x0  }
0x19: {  	s7 =	sld [smem:$0x3F66]  }
0x1a: {  	s8 =	sadd.s32 $0xFFFFE003, lr  }
0x1b: {  	s9 =	sadd.s32 $0xFFFFFEF7, lr;
	s5 =	simm.s32 $0xFFFFFFFF;
	p2 =	slt.u32 s8, $0xFFFFF086  }
0x1c: {  	p1 =	slt.u32 s9, $0xF7A;
	s5 =	simm.s32 @!p2 $0x0  }
0x1d: {  	s5 =	simm.s32 @p1 $0x1;
	p0 =	seq.s32 s7, s2  }
0x1e: {  	s7 =	smul.u32 @!p0 $0xF7A, s2;
	p2 =	seq.s32 @!p0 s5, $0x0  }
0x1f: {  	s9 =	smul.u32 $0xF7A, s1;
	s8 =	simm.s32 @!p0 $0x1BF5;
	p2 =	por !p2, p0  }
0x20: {  	[sflag:s8] =	ssyncset.s32 @!p0 $0xFFFFF086;
	s6 =	sadd.s32 @!p0 s3, s7;
	s7 =	simm.s32 @!p0 $0x108  }
0x21: {  	s3 =	sadd.s32 s3, s9;
	s6 =	sadd.s32 @!p0 $0x88, s6;
	s7 =	simm.s32 @p2 $0x1082  }
0x22: {  	[simem:s7], [sflag:s8] =	dma.local @!p0 [hbm:s6], $0xF7A  }
0x23: {  	s9 =	sor.u32 $0xD0000000, s2;
	s6 =	simm.s32 $0x108;
	_ =	swait.ge @!p0 [sflag:s8], $0x0  }
0x24: {  	s3 =	sadd.s32 $0x88, s3;
	s6 =	simm.s32 @!p1 $0x1082;
	[sflag:s4] =	ssyncset.s32 $0xFFFFF086  }
0x25: {  	[simem:s6], [sflag:s4] =	dma.local [hbm:s3], $0xF7A  }
0x26: {  	[smem:$0x3F66] =	sst s1;
	(tag) =	ssettag s2;
	_ =	strace s9  }
0x27: {  	s1 =	sld [smem:$0x3F76]  }
0x28: {  	s2 =	sld [smem:$0x3F77]  }
0x29: {  	s4 =	sld [smem:$0x3F79]  }
0x2a: {  	p0 =	seq.s32 s5, $0x0;
	s5 =	sld [smem:$0x3F7A]  }
0x2b: {  	s6 =	sld [smem:$0x3F7B]  }
0x2c: {  	s7 =	sld [smem:$0x3F7C]  }
0x2d: {  	s3 =	simm.s32 $0x108;
	s8 =	sld [smem:$0x3F7D]  }
0x2e: {  	s3 =	simm.s32 @!p0 $0x1082;
	s9 =	sld [smem:$0x3F7E]  }
0x2f: {  	lr =	sadd.s32 s0, s3;
	s0 =	sld [smem:$0x3F75]  }
0x30: {  	s3 =	sld [smem:$0x3F78]  }
0x31: {  	[smem:$0x3F81] =	sst s10  }
0x32: {  	s10 =	sld [smem:$0x3F7F];
	_ =	sdelay $0x3  }
0x33: {  	p0 =	seq.s32 s10, $0x1;
	s10 =	sld [smem:$0x3F81];
	_ =	sdelay $0x3  }
0x34: {  	[smem:$0x3F81] =	sst s10  }
0x35: {  	s10 =	sld [smem:$0x3F80];
	_ =	sdelay $0x3  }
0x36: {  	p1 =	seq.s32 s10, $0x1;
	s10 =	sld [smem:$0x3F81];
	_ =	sdelay $0x3  }
0x37: {  	[smem:$0x3F81] =	sst s10  }
0x38: {  	s10 =	sld [smem:$0x3F82]  }
0x39: {  	_ = 	snop;
	(pc) =	sbr.ind lr, $3  }
0x3a: {  	_ = 	snop  }
0x3b: {  	_ = 	snop  }
0x3c: {  	p2 =	seq.s32 s10, $0x1;
	s10 =	sld [smem:$0x3F81]  }
0x3d: {  	_ =	shalt  }
0x3e: {  	_ =	shalt  }
0x3f: {  	_ =	shalt  }
0x40: {  	_ =	shalt  }
0x41: {  	_ =	shalt  }
0x42: {  	_ =	shalt  }
0x43: {  	_ =	shalt  }
0x44: {  	_ =	shalt  }
0x45: {  	_ =	shalt  }
0x46: {  	_ =	shalt  }
0x47: {  	_ =	shalt  }
0x48: {  	_ =	shalt  }
0x49: {  	_ =	shalt  }
0x4a: {  	_ =	shalt  }
0x4b: {  	_ =	shalt  }
0x4c: {  	_ =	shalt  }
0x4d: {  	_ =	shalt  }
0x4e: {  	_ =	shalt  }
0x4f: {  	_ =	shalt  }
0x50: {  	_ =	shalt  }
0x51: {  	_ =	shalt  }
0x52: {  	_ =	shalt  }
0x53: {  	_ =	shalt  }
0x54: {  	_ =	shalt  }
0x55: {  	_ =	shalt  }
0x56: {  	_ =	shalt  }
0x57: {  	_ =	shalt  }
0x58: {  	_ =	shalt  }
0x59: {  	_ =	shalt  }
0x5a: {  	_ =	shalt  }
0x5b: {  	_ =	shalt  }
0x5c: {  	_ =	shalt  }
0x5d: {  	_ =	shalt  }
0x5e: {  	_ =	shalt  }
0x5f: {  	_ =	shalt  }
0x60: {  	_ =	shalt  }
0x61: {  	_ =	shalt  }
0x62: {  	_ =	shalt  }
0x63: {  	_ =	shalt  }
0x64: {  	_ =	shalt  }
0x65: {  	_ =	shalt  }
0x66: {  	_ =	shalt  }
0x67: {  	_ =	shalt  }
0x68: {  	_ =	shalt  }
0x69: {  	_ =	shalt  }
0x6a: {  	_ =	shalt  }
0x6b: {  	_ =	shalt  }
0x6c: {  	_ =	shalt  }
0x6d: {  	_ =	shalt  }
0x6e: {  	_ =	shalt  }
0x6f: {  	_ =	shalt  }
0x70: {  	_ =	shalt  }
0x71: {  	_ =	shalt  }
0x72: {  	_ =	shalt  }
0x73: {  	_ =	shalt  }
0x74: {  	_ =	shalt  }
0x75: {  	_ =	shalt  }
0x76: {  	_ =	shalt  }
0x77: {  	_ =	shalt  }
0x78: {  	_ =	shalt  }
0x79: {  	_ =	shalt  }
0x7a: {  	_ =	shalt  }
0x7b: {  	_ =	shalt  }
0x7c: {  	_ =	shalt  }
0x7d: {  	_ =	shalt  }
0x7e: {  	_ =	shalt  }
0x7f: {  	_ =	shalt  }
0x80: {  	_ =	shalt  }
0x81: {  	_ =	shalt  }
0x82: {  	_ =	shalt  }
0x83: {  	_ =	shalt  }
0x84: {  	_ =	shalt  }
0x85: {  	_ =	shalt  }
0x86: {  	_ =	shalt  }
0x87: {  	_ =	shalt  }
.Lfunc_end0:
.L_simem_size_0:
called_computation.5_lowered:
.L_overlay_start_0:
0x88: {  	s2 =	sld [smem:$0x3FD9]  }
0x89: {  	s3 =	sld [smem:$0x3FFE];
	_ =	sdelay $0x1  }
0x8a: {  	s1 =	srdreg.scid  }
0x8b: {  	s0 =	sand.u32 $0x1, s1  }
0x8c: {  	s16 =	sshll.u32 s0, $0xA;
	s2 =	sadd.s32 s3, s2  }
0x8d: {  	s2 =	sadd.s32 s2, s16  }
0x8e: {  	[smem:$0x3F8D] =	sst s2  }
0x8f: {  	_ = 	snop  }
0x90: {  	(tm) =	ssettm $0x1  }
0x91: {  	s17 =	sld [smem:$0x3FFB];
	_ =	sdelay $0x3  }
0x92: {  	_ =	strace s17  }
0x93: {  	s2 =	sld [smem:$0x3FFC];
	_ =	sdelay $0x3  }
0x94: {  	_ =	strace s2  }
0x95: {  	s2 =	sld [smem:$0x3FFD];
	_ =	sdelay $0x3  }
0x96: {  	_ =	strace s2  }
0x97: {  	_ =	strace $0x8FFFFFFF  }
0x98: {  	s18 =	sld [smem:$0x3FDB];
	_ =	sdelay $0x1  }
0x99: {  	s19 =	simm.s32 $_scs_section_size  }
0x9a: {  	s4 =	simm.s32 $_size__tile_overlayer_lowered;
	s5 =	simm.s32 $_tile_overlayer_lowered  }
0x9b: {  	s22 =	simm.s32 $0x1BFF;
	s21 =	sshll.u32 s5, $0x1;
	s2 =	sadd.s32 s19, s18  }
0x9c: {  	s6 =	simm.s32 $0x0;
	s20 =	sshll.u32 s4, $0x1;
	s4 =	sadd.s32 s21, s2  }
0x9d: {  	[timem:s6], [sflag:s22] =	dma.local [hbm:s4], s20  }
0x9e: {  	_ =	swait.ge [sflag:s22], s20  }
0x9f: {  	s3 =	ssub.s32 $0x0, s20;
	[sflag:s22] =	ssyncset.done $0x0  }
0xa0: {  	[sflag:s22] =	ssyncadd.s32 s3;
	_ =	sdelay $0x1  }
0xa1: {  	s23 =	simm.s32 $0x1B8B  }
0xa2: {  	_ =	swait.ge [sflag:s23], $0x1  }
0xa3: {  	[sflag:s23] =	ssyncset.done $0x0  }
0xa4: {  	s25 =	simm.s32 $0x1B8E;
	s24 =	sld [smem:$0x3FFE];
	[sflag:s23] =	ssyncadd.s32 $0xFFFFFFFF  }
0xa5: {  	s26 =	simm.s32 $execute0_lowered;
	[smem:$0x3FD2] =	sst s25  }
0xa6: {  	s4 =	sshll.u32 s26, $0x1;
	_ =	strace $0x80000055;
	[dreg:$0x1] =	wrdreg $0xFFFFFFFF  }
0xa7: {  	s28 =	simm.s32 $_size_execute0_lowered;
	s2 =	sadd.s32 s2, s4;
	[dreg:$0x0] =	wrdreg $0x0  }
0xa8: {  	s4 =	sshll.u32 s28, $0x1;
	[dreg:$0x2] =	wrdreg s2  }
0xa9: {  	[dreg:$0x3] =	wrdreg s4  }
0xaa: {  	[dreg:$0x4] =	wrdreg $0xC0  }
0xab: {  	_ =	task [dreg:s6], $0x5FFFF  }
0xac: {  	[dreg:$0x1] =	wrdreg $0xFFFFFFFF  }
0xad: {  	[dreg:$0x0] =	wrdreg $0x60  }
0xae: {  	[dreg:$0x2] =	wrdreg s24  }
0xaf: {  	[dreg:$0x3] =	wrdreg $0x14500  }
0xb0: {  	[dreg:$0x4] =	wrdreg $0x9  }
0xb1: {  	_ =	task.clear_ibuf [dreg:s6], $0x5FFFF;
	_ =	strace $0x90000055  }
0xb2: {  	s29 =	simm.s32 $0x9;
	_ =	strace $0x80000057  }
0xb3: {  	_ =	swait.ge [sflag:s29], $0x1  }
0xb4: {  	[sflag:s29] =	ssyncadd.s32 $0xFFFFFFFF  }
0xb5: {  	_ =	strace $0x90000057  }
0xb6: {  	_ =	sfence  }
0xb7: {  	s30 =	sld [smem:$0x0];
	_ =	sdelay $0x2  }
0xb8: {  	s31 =	sshll.u32 s1, $0xD;
	s1 =	sshrl.u32 s1, $0x2  }
0xb9: {  	s3 =	sand.u32 $0x4000, s31;
	s1 =	sadd.s32 s1, s30  }
0xba: {  	s0 =	sor.u32 s3, s0;
	s1 =	sshll.u32 s1, $0x11  }
0xbb: {  	s0 =	sor.u32 s1, s0  }
0xbc: {  	s0 =	sadd.s32 $0x8F2B, s0  }
0xbd: {  	[sflag:s0] =	ssyncadd.remote.s32 $0x1  }
0xbe: {  	_ =	sfence.sel $0xFFFF  }
0xbf: {  	[dreg:$0x0] =	wrdreg $0xFFFFFFFF;
	(pc) =	sbr.abs _section_cstart, $3  }
0xc0: {  	[dreg:$0x1] =	wrdreg $0xFFFFFFFF  }
0xc1: {  	_ =	task.clear_ibuf [dreg:s6], $0x2FFFF;
	_ =	strace $0x9FFFFFFF  }
0xc2: {  	(tm) =	ssettm $0x7FFFFFFF  }
0xc3: {  	_ =	shalt  }
tec
execute0_lowered:
.L_overlay_start_1:
0x0: {  	(tag) =	ssettag $0x1  }
0x1: {  	s0 =	stileid.u32  }
0x2: {  	s1 =	srdreg.scid;
	s7 =	smul.u32 $0x27100, s0  }
0x3: {  	s5 =	rddreg [dreg:$0x0];
	s4 =	smul.u32 $0x4E20, s0  }
0x4: {  	s2 =	rddreg [dreg:$0x1];
	s3 =	simm.s32 $0x0;
	s28 =	smul.u32 $0x1388, s0  }
0x5: {  	s6 =	sand.u32 $0x1, s1;
	s1 =	rddreg [dreg:$0x2];
	s12 =	smul.u32 $0x27200, s0  }
0x6: {  	[smem:$0x7FF] =	sst s3;
	s13 =	sshll.u32 s0, $0x6;
	s8 =	smul.u32 $0x2710, s6  }
0x7: {  	s9 =	smul.u32 $0x13880, s6;
	_ =	strace $0x80000056;
	s29 =	ssub.s32 $0x2, s6  }
0x8: {  	s10 =	sadd.s32 s7, s5;
	s6 =	sshrl.u32 s29, $0x1;
	s12 =	sshrl.u32 s12, $0x2  }
0x9: {  	s7 =	sshrl.u32 s7, $0x2;
	s4 =	sadd.s32 s8, s4;
	s8 =	sadd.s32 s28, s9  }
0xa: {  	s14 =	ssub.s32 s29, s6;
	s12 =	sadd.s32 s12, s2;
	s30 =	sadd.s32 s9, s10  }
0xb: {  	s31 =	sadd.s32 s7, s2;
	s4 =	sshrl.u32 s4, $0x3;
	s8 =	sadd.s32 s8, s5  }
0xc: {  	s7 =	smax.u32 s14, $0x1;
	s10 =	sshrl.u32 s12, $0x3;
	s12 =	simm.s32 $0x50  }
0xd: {  	s14 =	simm.s32 $0x0;
	s11 =	sadd.s32 s4, s5;
	s4 =	sadd.s32 $0x27C000, s5  }
0xe: {  	s5 =	sor.u32 $0x1C01, s13;
	s6 =	sadd.s32 $0x27D400, s8;
	s8 =	sadd.s32 $0xB000, s30  }
0xf: {  	s13 =	sshrl.u32 s31, $0x3;
	s9 =	sadd.s32 $0x2B6E00, s11;
	s11 =	simm.s32 $0x1  }
.LBB2_1:
0x10: {  	[spmem:s10], [sflag:s5] =	dma.local [hbm:s4], $0x1390  }
0x11: {  	_ =	swait.ge [sflag:s11], $0x1390  }
0x12: {  	[sflag:s11] =	ssyncset.done $0x0  }
0x13: {  	[sflag:s11] =	ssyncadd.s32 $0xFFFFEC70  }
0x14: {  	s15 =	sadd.s32 $0x0, s9;
	[bflag:$0x0] =	sbarrier.arrive $0xFFFF  }
0x15: {  	[tilespmem:s3], [sflag:$0x1] =	stream.linear.gather [hbm4b:s15+s3], $0x50, $0x38;
	[tilespmem:$0xB0D0] =	vst v63  }
0x16: {  	_ =	swait.ge [sflag:s11], $0x50  }
0x17: {  	[sflag:s11] =	ssyncset.done $0x0  }
0x18: {  	[sflag:s11] =	ssyncadd.s32 $0xFFFFFFB0  }
0x19: {  	v0 =	vld [tilespmem:$0x40]  }
0x1a: {  	v1 =	vld [tilespmem:$0x20]  }
0x1b: {  	v2 =	vld [tilespmem:$0x30]  }
0x1c: {  	v3 =	vld [tilespmem:$0x0]  }
0x1d: {  	v4 =	vld [tilespmem:$0x10]  }
0x1e: {  	v0 =	vmin.u32 v0, $0x2710  }
0x1f: {  	v1 =	vmin.u32 v1, $0x2710;
	[tilespmem:$0x40] =	vst v0  }
0x20: {  	v61 =	vmin.u32 v2, $0x2710;
	[tilespmem:$0x20] =	vst v1  }
0x21: {  	v62 =	vmin.u32 v3, $0x2710;
	[tilespmem:$0x30] =	vst v61  }
0x22: {  	v63 =	vmin.u32 v4, $0x2710;
	[tilespmem:$0x0] =	vst v62  }
0x23: {  	[tilespmem:$0x10] =	vst v63  }
0x24: {  	[tilespmem:s12], [sflag:$0x1] =	stream.linear.gather [hbm4b:s8+s3], $0x1400, $0x38;
	[tilespmem:$0xB0D0] =	vst v63  }
0x25: {  	_ =	swait.ge [sflag:s11], $0x1400  }
0x26: {  	s16 =	smov.u32 s8;
	s15 =	simm.s32 $0xA;
	[sflag:s11] =	ssyncset.done $0x0  }
.LBB2_2:
0x27: {  	p0 =	sne.s32 s15, $0x4D8;
	[sflag:s11] =	ssyncadd.s32 $0xFFFFEC00;
	s16 =	sadd.s32 $0x280, s16  }
0x28: {  	[spmem:s2] =	stream.indirect.scatter.add.f32 [tilespmem:s12], [sflag:$0x1], $0x40, s3, s12, $0xb8;
	[tilespmem:$0xB0D0] =	vst v63  }
0x29: {  	s17 =	smov.u32 s15;
	s15 =	sadd.s32 $0xA, s15;
	_ =	swait.ge [sflag:s11], $0x1400  }
0x2a: {  	[sflag:s11] =	ssyncset.done $0x0  }
0x2b: {  	s17 =	sadd.s32 s17, s9;
	[sflag:s11] =	ssyncadd.s32 $0xFFFFEC00  }
0x2c: {  	[tilespmem:s3], [sflag:$0x1] =	stream.linear.gather [hbm4b:s17+s3], $0x50, $0x38;
	[tilespmem:$0xB0D0] =	vst v63  }
0x2d: {  	_ =	swait.ge [sflag:s11], $0x50  }
0x2e: {  	[sflag:s11] =	ssyncset.done $0x0  }
0x2f: {  	[sflag:s11] =	ssyncadd.s32 $0xFFFFFFB0  }
0x30: {  	v0 =	vld [tilespmem:$0x40]  }
0x31: {  	v1 =	vld [tilespmem:$0x20]  }
0x32: {  	v2 =	vld [tilespmem:$0x30]  }
0x33: {  	v3 =	vld [tilespmem:$0x0]  }
0x34: {  	v4 =	vld [tilespmem:$0x10]  }
0x35: {  	v0 =	vmin.u32 v0, $0x2710  }
0x36: {  	v1 =	vmin.u32 v1, $0x2710;
	[tilespmem:$0x40] =	vst v0  }
0x37: {  	[tilespmem:$0x20] =	vst v1;
	v0 =	vmin.u32 v2, $0x2710  }
0x38: {  	v1 =	vmin.u32 v3, $0x2710;
	[tilespmem:$0x30] =	vst v0  }
.Ltmp0:
0x39: {  	[tilespmem:$0x0] =	vst v1;
	v0 =	vmin.u32 v4, $0x2710;
	(pc) =	sbr.rel @p0 .LBB2_2-.Ltmp0, $4  }
0x3a: {  	[tilespmem:$0x10] =	vst v0  }
0x3b: {  	[tilespmem:s12], [sflag:$0x1] =	stream.linear.gather [hbm4b:s16+s3], $0x1400, $0x38;
	[tilespmem:$0xB0D0] =	vst v63  }
0x3c: {  	_ =	swait.ge [sflag:s11], $0x1400  }
0x3d: {  	[sflag:s11] =	ssyncset.done $0x0  }
0x3e: {  	[sflag:s11] =	ssyncadd.s32 $0xFFFFEC00  }
0x3f: {  	[spmem:s2] =	stream.indirect.scatter.add.f32 [tilespmem:s12], [sflag:$0x1], $0x40, s3, s12, $0xb8;
	[tilespmem:$0xB0D0] =	vst v63  }
0x40: {  	_ =	swait.ge [sflag:s11], $0x1400  }
0x41: {  	[sflag:s11] =	ssyncset.done $0x0  }
0x42: {  	s14 =	sadd.s32 $0x1, s14;
	[sflag:s11] =	ssyncadd.s32 $0xFFFFEC00  }
0x43: {  	p0 =	sne.s32 s14, s7;
	[bflag:$0x0] =	sbarrier.arrive $0xFFFF  }
0x44: {  	[hbm:s6], [sflag:s5] =	dma.local [spmem:s13], $0x1388  }
.Ltmp1:
0x45: {  	_ =	swait.ge [sflag:s11], $0x1388;
	(pc) =	sbr.rel @p0 .LBB2_1-.Ltmp1, $3  }
0x46: {  	[sflag:s11] =	ssyncset.done $0x0  }
0x47: {  	[sflag:s11] =	ssyncadd.s32 $0xFFFFEC78  }
0x48: {  	[bflag:$0x0] =	sbarrier.arrive $0xFFFF;
	_ =	sdelay $0x1  }
0x49: {  	_ =	sfence.sel $0x180000  }
0x4a: {  	[bflag:$0x0] =	sbarrier.arrive $0xFFFF  }
0x4b: {  	p0 =	sne.s32 s0, $0x0;
	_ =	strace $0x90000056  }
0x4c: {  	s0 =	sadd.s32 @!p0 $0x100000, s1;
	[bflag:$0x2] =	sbarrier.arrive $0xFFFF  }
0x4d: {  	[sflag:s0] =	ssyncadd.tile.s32 @!p0 $0x1;
	_ =	shalt  }
.Lfunc_end2:
_tile_overlayer_lowered:
.L_overlay_start_2:
0x4e: {  	(tag) =	ssettag $0x2  }
0x4f: {  	s0 =	rddreg [dreg:$0x0];
	s2 =	stileid.u32  }
0x50: {  	s1 =	rddreg [dreg:$0x1];
	p0 =	sne.s32 s2, $0x0  }
0x51: {  	s3 =	rddreg [dreg:$0x2];
	[bflag:$0x3] =	sbarrier.arrive $0xFFFF;
	s2 =	simm.s32 @!p0 $0x1C01  }
0x52: {  	[timem:s3], [sflag:s2] =	dma.local @!p0 [hbm:s0], s1  }
0x53: {  	s0 =	simm.s32 @!p0 $0x1  }
0x54: {  	_ =	swait.ge @!p0 [sflag:s0], s1  }
0x55: {  	s1 =	ssub.s32 @!p0 $0x0, s1;
	[sflag:s0] =	ssyncset.done @!p0 $0x0  }
0x56: {  	[sflag:s0] =	ssyncadd.s32 @!p0 s1  }
0x57: {  	[bflag:$0x3] =	sbarrier.arrive $0xFFFF  }
0x58: {  	_ =	shalt  }

</sc_bundles>
